<compile_context>
chip_gen: v7x
topology: tpu7x:2x2x1
jax: 0.10.2.dev20260603
libtpu: 0.0.44.dev20260713+nightly
codegen_flags: <defaults>
</compile_context>

<pallas_src>
import functools

import jax
import jax.numpy as jnp
from jax import lax
from jax.experimental import pallas as pl
from jax.experimental.pallas import tpu as pltpu
from jax.experimental.pallas import tpu_sc as plsc

N = 10000
E = 160000
D = 256
DH = D // 2
DE = 16

NC = 2
NS = 16
LANES = 16

HALF = N // NC
NTRASH = 8
P = 5120
ZR = P // NS
EPT = E // NS
B = 128
NGRP = EPT // LANES
NB = -(-EPT // B)
NB3 = NB + (-NB) % 3
MAXE = (NB3 + 2) * B
TAIL = EPT - (NB - 1) * B
MAXF = EPT + 4 * B
FBUF = MAXF + LANES
NGI = MAXF // LANES


def _sc_body(h2_hbm, src_hbm, dst_hbm, ef_hbm, zh_hbm,
             hagg0_hbm, hagg1_hbm, efdg_hbm,
             srcflat, locu, srcb0, srcb1, srcb2,
             locb0, locb1, locb2,
             hrows0, hrows1, hrows2, efrows, acc,
             semg0, semg1, semg2, sems0, sems1, sems2):
  cid = lax.axis_index("c")
  sid = lax.axis_index("s")
  base = sid * EPT
  zr0 = sid * ZR

  pltpu.sync_copy(zh_hbm.at[pl.ds(zr0, ZR)], acc.at[pl.ds(zr0, ZR)])

  pltpu.sync_copy(src_hbm.at[pl.ds(base, EPT)], srcflat.at[pl.ds(0, EPT)])
  pltpu.sync_copy(dst_hbm.at[pl.ds(base, EPT)], locu.at[pl.ds(0, EPT)])

  iota = lax.iota(jnp.int32, LANES)

  for g in range(EPT // LANES, MAXE // LANES):
    srcflat[pl.ds(g * LANES, LANES)] = 2 * (((g - EPT // LANES) * LANES) + iota)
    locu[pl.ds(g * LANES, LANES)] = HALF + (((g * LANES) + iota) & 63)

  lo = cid * HALF
  def prep(g, c):
    vsrc = srcflat[pl.ds(g * LANES, LANES)]
    d = locu[pl.ds(g * LANES, LANES)]
    local = d - lo
    ok = (local >= 0) & (local < HALF)
    srcflat[pl.ds(g * LANES, LANES)] = vsrc * 2
    locu[pl.ds(g * LANES, LANES)] = jnp.where(ok, local, HALF + (d & 63))
    return c
  lax.fori_loop(0, EPT // LANES, prep, 0)

  plsc.subcore_barrier()

  def vcopy(src_ref, off, dst_ref, delta):
    for k in range(B // LANES):
      dst_ref[pl.ds(k * LANES, LANES)] = (
          src_ref[pl.ds(off + k * LANES, LANES)] + delta)

  srcbs = (srcb0, srcb1, srcb2)
  locbs = (locb0, locb1, locb2)
  hrowss = (hrows0, hrows1, hrows2)
  semgs = (semg0, semg1, semg2)
  semss = (sems0, sems1, sems2)
  PADOFF = MAXE - B

  def h_pass(delta):
    vcopy(locu, PADOFF, locbs[2], 0)
    pltpu.async_copy(hrowss[2], acc.at[locbs[2]], semss[2], add=True)
    for p in (0, 1):
      vcopy(srcflat, p * B, srcbs[p], delta)
      vcopy(locu, p * B, locbs[p], 0)
      pltpu.async_copy(h2_hbm.at[srcbs[p]], hrowss[p], semgs[p])
    def outer(g, c):
      for p in range(3):
        idx = g * 3 + p
        q = (p + 2) % 3
        pltpu.make_async_copy(h2_hbm.at[srcbs[p]], hrowss[p],
                              semgs[p]).wait()
        pltpu.async_copy(hrowss[p], acc.at[locbs[p]], semss[p], add=True)
        pltpu.make_async_copy(hrowss[q], acc.at[locbs[q]], semss[q]).wait()
        off = (idx + 2) * B
        vcopy(srcflat, off, srcbs[q], delta)
        vcopy(locu, off, locbs[q], 0)
        pltpu.async_copy(h2_hbm.at[srcbs[q]], hrowss[q], semgs[q])
      return c
    lax.fori_loop(0, NB3 // 3, outer, 0)
    pltpu.make_async_copy(hrowss[2], acc.at[locbs[2]], semss[2]).wait()
    for p in (0, 1):
      pltpu.make_async_copy(h2_hbm.at[srcbs[p]], hrowss[p], semgs[p]).wait()

  s0 = jnp.where(sid == NS - 1, HALF - ZR, zr0)
  out0 = cid * HALF + s0

  h_pass(0)
  plsc.subcore_barrier()
  pltpu.sync_copy(acc.at[pl.ds(s0, ZR)], hagg0_hbm.at[pl.ds(out0, ZR)])
  plsc.subcore_barrier()
  pltpu.sync_copy(zh_hbm.at[pl.ds(zr0, ZR)], acc.at[pl.ds(zr0, ZR)])
  plsc.subcore_barrier()

  h_pass(1)
  plsc.subcore_barrier()
  pltpu.sync_copy(acc.at[pl.ds(s0, ZR)], hagg1_hbm.at[pl.ds(out0, ZR)])
  plsc.subcore_barrier()
  pltpu.sync_copy(zh_hbm.at[pl.ds(zr0, ZR)], acc.at[pl.ds(zr0, ZR)])
  plsc.subcore_barrier()

  efwides = (hrows0, hrows1)
  zeros16 = jnp.zeros((LANES,), jnp.float32)
  onehot = jnp.where(iota == 0, 1.0, 0.0).astype(jnp.float32)
  def initw(e, c):
    for p in range(2):
      efwides[p][e, pl.ds(DE, LANES)] = onehot
      for k in range(2, DH // LANES):
        efwides[p][e, pl.ds(k * LANES, LANES)] = zeros16
    return c
  lax.fori_loop(0, B, initw, 0)

  for p in range(2):
    vcopy(locu, PADOFF, locbs[p], 0)
    pltpu.async_copy(efwides[p], acc.at[locbs[p]], semss[p], add=True)

  def ring2(g, c):
    for p in range(2):
      b = g * 2 + p
      pltpu.sync_copy(ef_hbm.at[pl.ds(base + b * B, B)], efrows)
      pltpu.make_async_copy(efwides[p], acc.at[locbs[p]], semss[p]).wait()
      vcopy(locu, b * B, locbs[p], 0)
      def fill(e, c2):
        efwides[p][2 * e, pl.ds(0, DE)] = efrows[2 * e, :]
        efwides[p][2 * e + 1, pl.ds(0, DE)] = efrows[2 * e + 1, :]
        return c2
      lax.fori_loop(0, B // 2, fill, 0)
      pltpu.async_copy(efwides[p], acc.at[locbs[p]], semss[p], add=True)
    return c
  lax.fori_loop(0, (NB - 1) // 2, ring2, 0)
  pltpu.sync_copy(ef_hbm.at[pl.ds(base + (NB - 1) * B, TAIL)],
                  efrows.at[pl.ds(0, TAIL)])
  tp = (NB - 1) % 2
  pltpu.make_async_copy(efwides[tp], acc.at[locbs[tp]], semss[tp]).wait()
  vcopy(locu, (NB - 1) * B, locbs[tp], 0)
  def fill_t(e, c2):
    efwides[tp][2 * e, pl.ds(0, DE)] = efrows[2 * e, :]
    efwides[tp][2 * e + 1, pl.ds(0, DE)] = efrows[2 * e + 1, :]
    return c2
  lax.fori_loop(0, B // 2, fill_t, 0)
  pltpu.async_copy(efwides[tp], acc.at[locbs[tp]], semss[tp], add=True)
  for p in range(2):
    pltpu.make_async_copy(efwides[p], acc.at[locbs[p]], semss[p]).wait()

  plsc.subcore_barrier()
  pltpu.sync_copy(acc.at[pl.ds(s0, ZR)], efdg_hbm.at[pl.ds(out0, ZR)])


_sc_aggregate = functools.partial(
    pl.kernel,
    out_type=(
        jax.ShapeDtypeStruct((N, DH), jnp.float32),
        jax.ShapeDtypeStruct((N, DH), jnp.float32),
        jax.ShapeDtypeStruct((N, DH), jnp.float32),
    ),
    mesh=plsc.VectorSubcoreMesh(
        core_axis_name="c", subcore_axis_name="s",
        num_cores=NC, num_subcores=NS),
    scratch_types=(
        pltpu.VMEM((MAXE,), jnp.int32),
        pltpu.VMEM((MAXE,), jnp.int32),
        pltpu.VMEM((B,), jnp.int32),
        pltpu.VMEM((B,), jnp.int32),
        pltpu.VMEM((B,), jnp.int32),
        pltpu.VMEM((B,), jnp.int32),
        pltpu.VMEM((B,), jnp.int32),
        pltpu.VMEM((B,), jnp.int32),
        pltpu.VMEM((B, DH), jnp.float32),
        pltpu.VMEM((B, DH), jnp.float32),
        pltpu.VMEM((B, DH), jnp.float32),
        pltpu.VMEM((B, DE), jnp.float32),
        pltpu.VMEM_SHARED((P, DH), jnp.float32),
        pltpu.SemaphoreType.DMA,
        pltpu.SemaphoreType.DMA,
        pltpu.SemaphoreType.DMA,
        pltpu.SemaphoreType.DMA,
        pltpu.SemaphoreType.DMA,
        pltpu.SemaphoreType.DMA,
    ),
)(_sc_body)


def _tc_body(hagg0_ref, hagg1_ref, efdg_ref, w_ref, we_ref, b_ref, out_ref):
  efdg = efdg_ref[...]
  eh = jnp.dot(efdg[:, :DE], we_ref[...], preferred_element_type=jnp.float32)
  deg = efdg[:, DE:DE + 1]
  norm = lax.rsqrt(jnp.maximum(deg, 1.0))
  s0 = (hagg0_ref[...] + eh[:, :DH]) * norm
  s1 = (hagg1_ref[...] + eh[:, DH:]) * norm
  out = jnp.dot(s0, w_ref[:DH, :], preferred_element_type=jnp.float32)
  out = out + jnp.dot(s1, w_ref[DH:, :], preferred_element_type=jnp.float32)
  out_ref[...] = jnp.maximum(out + b_ref[...], 0.0)


RB = 2000


def _tc_dense(hagg0, hagg1, efdg, W, W_edge, b2):
  return pl.pallas_call(
      _tc_body,
      grid=(N // RB,),
      in_specs=[
          pl.BlockSpec((RB, DH), lambda i: (i, 0)),
          pl.BlockSpec((RB, DH), lambda i: (i, 0)),
          pl.BlockSpec((RB, DH), lambda i: (i, 0)),
          pl.BlockSpec((D, D), lambda i: (0, 0)),
          pl.BlockSpec((DE, D), lambda i: (0, 0)),
          pl.BlockSpec((1, D), lambda i: (0, 0)),
      ],
      out_specs=pl.BlockSpec((RB, D), lambda i: (i, 0)),
      out_shape=jax.ShapeDtypeStruct((N, D), jnp.float32),
  )(hagg0, hagg1, efdg, W, W_edge, b2)


def kernel(h, edge_index, edge_feat, W, W_edge, b):
  src = edge_index[0].astype(jnp.int32)
  dst = edge_index[1].astype(jnp.int32)
  h2 = h.reshape(2 * N, DH)
  zeros_h = jnp.zeros((P, DH), jnp.float32)
  hagg0, hagg1, efdg = _sc_aggregate(h2, src, dst, edge_feat, zeros_h)
  return _tc_dense(hagg0, hagg1, efdg, W, W_edge, b.reshape(1, D))

# --- scband reference (transcript-rebuilt; emitter-appended) ---
"""Pipeline reference for scband-gcnlayer-76536317214932 (READ-ONLY COPY).

The authoritative reference and input builder live on the scoring server;
editing this copy changes nothing except your own understanding.
"""

import jax, jax.numpy as jnp
import numpy as np

N_NODES = 10000
N_EDGES = 160000
D_FEAT = 256
D_EDGE = 16

def setup_inputs(seed: int = 0) -> dict:
    key = jax.random.key(seed)
    k1, k2, k3, k4, k5, k6 = jax.random.split(key, 6)
    h = jax.random.normal(k1, (N_NODES, D_FEAT), dtype=jnp.float32)
    edge_index = jax.random.randint(k2, (2, N_EDGES), 0, N_NODES, dtype=jnp.int64)
    edge_feat = jax.random.normal(k3, (N_EDGES, D_EDGE), dtype=jnp.float32)
    stdv = 1.0 / np.sqrt(D_FEAT)  # 1/sqrt(out_feats) == 1/sqrt(weight.size(1))
    W = jax.random.uniform(k4, (D_FEAT, D_FEAT), minval=-stdv, maxval=stdv, dtype=jnp.float32)
    stdv_edge = 1.0 / np.sqrt(D_FEAT)  # 1/sqrt(in_feats) == 1/sqrt(weight_edge.size(1))
    W_edge = jax.random.uniform(k5, (D_EDGE, D_FEAT), minval=-stdv_edge, maxval=stdv_edge, dtype=jnp.float32)
    b = jax.random.uniform(k6, (D_FEAT,), minval=-stdv, maxval=stdv, dtype=jnp.float32)
    return {"h": h, "edge_index": edge_index, "edge_feat": edge_feat, "W": W, "W_edge": W_edge, "b": b}

def reference(h, edge_index, edge_feat, W, W_edge, b):
    # dropout p=0.0 -> identity (self.dropout is False in torch module)
    src = edge_index[0]
    dst = edge_index[1]
    n = h.shape[0]
    # eh = edge_feat @ weight_edge  (per-edge hidden -> in_feats)
    eh = edge_feat @ W_edge
    # message: m = eh + h[src]; reduce: sum over destination nodes
    m = eh + jnp.take(h, src, axis=0)
    agg = jax.ops.segment_sum(m, dst, num_segments=n)
    # norm == 'both': degs^{-0.5} with in-degree clamped at 1
    degs = jax.ops.segment_sum(jnp.ones((dst.shape[0],), dtype=jnp.float32), dst, num_segments=n)
    degs = jnp.clip(degs, 1.0, None)
    norm = jnp.power(degs, -0.5)
    hn = agg * norm[:, None]
    out = hn @ W + b
    return jax.nn.relu(out)

if __name__ == "__main__":
    import jax
    _d = setup_inputs()
    print(jax.jit(kernel)(*tuple(_d.values())))

</pallas_src>

<mosaic_0001>
#map = affine_map<(d0, d1) -> (0, 0)>
#map1 = affine_map<(d0, d1) -> (0)>
module attributes {stable_mosaic.version = 14 : i64} {
  func.func @_sc_body(%arg0: i32, %arg1: i32, %arg2: memref<20000x128xf32, #tpu.memory_space<hbm>>, %arg3: memref<160000xi32, #tpu.memory_space<hbm>>, %arg4: memref<160000xi32, #tpu.memory_space<hbm>>, %arg5: memref<160000x16xf32, #tpu.memory_space<hbm>>, %arg6: memref<5120x128xf32, #tpu.memory_space<hbm>>, %arg7: memref<10000x128xf32, #tpu.memory_space<hbm>>, %arg8: memref<10000x128xf32, #tpu.memory_space<hbm>>, %arg9: memref<10000x128xf32, #tpu.memory_space<hbm>>, %arg10: memref<10624xi32, #tpu.memory_space<vmem>>, %arg11: memref<10624xi32, #tpu.memory_space<vmem>>, %arg12: memref<128xi32, #tpu.memory_space<vmem>>, %arg13: memref<128xi32, #tpu.memory_space<vmem>>, %arg14: memref<128xi32, #tpu.memory_space<vmem>>, %arg15: memref<128xi32, #tpu.memory_space<vmem>>, %arg16: memref<128xi32, #tpu.memory_space<vmem>>, %arg17: memref<128xi32, #tpu.memory_space<vmem>>, %arg18: memref<128x128xf32, #tpu.memory_space<vmem>>, %arg19: memref<128x128xf32, #tpu.memory_space<vmem>>, %arg20: memref<128x128xf32, #tpu.memory_space<vmem>>, %arg21: memref<128x16xf32, #tpu.memory_space<vmem>>, %arg22: memref<5120x128xf32, #tpu.memory_space<vmem_shared>>, %arg23: memref<!tpu.dma_semaphore, #tpu.memory_space<semaphore_mem>>, %arg24: memref<!tpu.dma_semaphore, #tpu.memory_space<semaphore_mem>>, %arg25: memref<!tpu.dma_semaphore, #tpu.memory_space<semaphore_mem>>, %arg26: memref<!tpu.dma_semaphore, #tpu.memory_space<semaphore_mem>>, %arg27: memref<!tpu.dma_semaphore, #tpu.memory_space<semaphore_mem>>, %arg28: memref<!tpu.dma_semaphore, #tpu.memory_space<semaphore_mem>>) attributes {dimension_semantics = [#tpu.dimension_semantics<core_parallel>, #tpu.dimension_semantics<subcore_parallel>], iteration_bounds = array<i64: 2, 16>, scalar_prefetch = 0 : i64, scratch_operands = 19 : i64, tpu.core_type = #tpu.core_type<sc_vector_subcore>, window_params = [{transform_indices = #map}, {transform_indices = #map1}, {transform_indices = #map1}, {transform_indices = #map}, {transform_indices = #map}, {transform_indices = #map}, {transform_indices = #map}, {transform_indices = #map}]} {
    %mul3A = arith.constant 10000 : i32
    %mul3A_0 = arith.muli %arg1, %mul3A : i32
    %mul3A_1 = arith.constant 320 : i32
    %mul3A_2 = arith.muli %arg1, %mul3A_1 : i32
    "tpu.region"() ({
      %run_scoped3A = tpu.sem_alloc : memref<!tpu.dma_semaphore, #tpu.memory_space<semaphore_mem>>
      %dma_start3A_2047 = arith.constant 0 : i32
      %dma_start3A_2048 = tpu.memref_slice %arg22[%mul3A_2, %dma_start3A_2047] : memref<5120x128xf32, #tpu.memory_space<vmem_shared>> -> memref<320x128xf32, #tpu.memory_space<vmem_shared>>
      %dma_start3A_2049 = arith.constant 0 : i32
      %dma_start3A_2050 = tpu.memref_slice %arg6[%mul3A_2, %dma_start3A_2049] : memref<5120x128xf32, #tpu.memory_space<hbm>> -> memref<320x128xf32, #tpu.memory_space<hbm>>
      tpu.enqueue_dma source(%dma_start3A_2050 : memref<320x128xf32, #tpu.memory_space<hbm>>) target(%dma_start3A_2048 : memref<320x128xf32, #tpu.memory_space<vmem_shared>>) target_semaphore(%run_scoped3A : memref<!tpu.dma_semaphore, #tpu.memory_space<semaphore_mem>>)
      %dma_wait3A_2051 = arith.constant 0 : i32
      %dma_wait3A_2052 = tpu.memref_slice %arg22[%mul3A_2, %dma_wait3A_2051] : memref<5120x128xf32, #tpu.memory_space<vmem_shared>> -> memref<320x128xf32, #tpu.memory_space<vmem_shared>>
      %dma_wait3A_2053 = arith.constant 0 : i32
      %dma_wait3A_2054 = tpu.memref_slice %arg6[%mul3A_2, %dma_wait3A_2053] : memref<5120x128xf32, #tpu.memory_space<hbm>> -> memref<320x128xf32, #tpu.memory_space<hbm>>
      tpu.wait_dma2 semaphore(%run_scoped3A : memref<!tpu.dma_semaphore, #tpu.memory_space<semaphore_mem>>) src(%dma_wait3A_2054 : memref<320x128xf32, #tpu.memory_space<hbm>>) dst(%dma_wait3A_2052 : memref<320x128xf32, #tpu.memory_space<vmem_shared>>)
      tpu.yield
    }) : () -> ()
    "tpu.region"() ({
      %run_scoped3A = tpu.sem_alloc : memref<!tpu.dma_semaphore, #tpu.memory_space<semaphore_mem>>
      %dma_start3A_2047 = arith.constant 0 : i32
      %dma_start3A_2048 = tpu.memref_slice %arg10[%dma_start3A_2047] : memref<10624xi32, #tpu.memory_space<vmem>> -> memref<10000xi32, #tpu.memory_space<vmem>>
      %dma_start3A_2049 = tpu.memref_slice %arg3[%mul3A_0] : memref<160000xi32, #tpu.memory_space<hbm>> -> memref<10000xi32, #tpu.memory_space<hbm>>
      %dma_start3A_2050 = arith.constant 0 : i32
      %dma_start3A_2051 = tpu.memref_slice %arg10[%dma_start3A_2050] : memref<10624xi32, #tpu.memory_space<vmem>> -> memref<10000xi32, #tpu.memory_space<vmem>>
      %dma_start3A_2052 = tpu.memref_slice %arg3[%mul3A_0] : memref<160000xi32, #tpu.memory_space<hbm>> -> memref<10000xi32, #tpu.memory_space<hbm>>
      tpu.enqueue_dma source(%dma_start3A_2052 : memref<10000xi32, #tpu.memory_space<hbm>>) target(%dma_start3A_2051 : memref<10000xi32, #tpu.memory_space<vmem>>) target_semaphore(%run_scoped3A : memref<!tpu.dma_semaphore, #tpu.memory_space<semaphore_mem>>)
      %dma_wait3A_2053 = arith.constant 0 : i32
      %dma_wait3A_2054 = tpu.memref_slice %arg10[%dma_wait3A_2053] : memref<10624xi32, #tpu.memory_space<vmem>> -> memref<10000xi32, #tpu.memory_space<vmem>>
      %dma_wait3A_2055 = tpu.memref_slice %arg3[%mul3A_0] : memref<160000xi32, #tpu.memory_space<hbm>> -> memref<10000xi32, #tpu.memory_space<hbm>>
      %dma_wait3A_2056 = arith.constant 0 : i32
      %dma_wait3A_2057 = tpu.memref_slice %arg10[%dma_wait3A_2056] : memref<10624xi32, #tpu.memory_space<vmem>> -> memref<10000xi32, #tpu.memory_space<vmem>>
      %dma_wait3A_2058 = tpu.memref_slice %arg3[%mul3A_0] : memref<160000xi32, #tpu.memory_space<hbm>> -> memref<10000xi32, #tpu.memory_space<hbm>>
      tpu.wait_dma2 semaphore(%run_scoped3A : memref<!tpu.dma_semaphore, #tpu.memory_space<semaphore_mem>>) src(%dma_wait3A_2058 : memref<10000xi32, #tpu.memory_space<hbm>>) dst(%dma_wait3A_2057 : memref<10000xi32, #tpu.memory_space<vmem>>)
      tpu.yield
    }) : () -> ()
    "tpu.region"() ({
      %run_scoped3A = tpu.sem_alloc : memref<!tpu.dma_semaphore, #tpu.memory_space<semaphore_mem>>
      %dma_start3A_2047 = arith.constant 0 : i32
      %dma_start3A_2048 = tpu.memref_slice %arg11[%dma_start3A_2047] : memref<10624xi32, #tpu.memory_space<vmem>> -> memref<10000xi32, #tpu.memory_space<vmem>>
      %dma_start3A_2049 = tpu.memref_slice %arg4[%mul3A_0] : memref<160000xi32, #tpu.memory_space<hbm>> -> memref<10000xi32, #tpu.memory_space<hbm>>
      %dma_start3A_2050 = arith.constant 0 : i32
      %dma_start3A_2051 = tpu.memref_slice %arg11[%dma_start3A_2050] : memref<10624xi32, #tpu.memory_space<vmem>> -> memref<10000xi32, #tpu.memory_space<vmem>>
      %dma_start3A_2052 = tpu.memref_slice %arg4[%mul3A_0] : memref<160000xi32, #tpu.memory_space<hbm>> -> memref<10000xi32, #tpu.memory_space<hbm>>
      tpu.enqueue_dma source(%dma_start3A_2052 : memref<10000xi32, #tpu.memory_space<hbm>>) target(%dma_start3A_2051 : memref<10000xi32, #tpu.memory_space<vmem>>) target_semaphore(%run_scoped3A : memref<!tpu.dma_semaphore, #tpu.memory_space<semaphore_mem>>)
      %dma_wait3A_2053 = arith.constant 0 : i32
      %dma_wait3A_2054 = tpu.memref_slice %arg11[%dma_wait3A_2053] : memref<10624xi32, #tpu.memory_space<vmem>> -> memref<10000xi32, #tpu.memory_space<vmem>>
      %dma_wait3A_2055 = tpu.memref_slice %arg4[%mul3A_0] : memref<160000xi32, #tpu.memory_space<hbm>> -> memref<10000xi32, #tpu.memory_space<hbm>>
      %dma_wait3A_2056 = arith.constant 0 : i32
      %dma_wait3A_2057 = tpu.memref_slice %arg11[%dma_wait3A_2056] : memref<10624xi32, #tpu.memory_space<vmem>> -> memref<10000xi32, #tpu.memory_space<vmem>>
      %dma_wait3A_2058 = tpu.memref_slice %arg4[%mul3A_0] : memref<160000xi32, #tpu.memory_space<hbm>> -> memref<10000xi32, #tpu.memory_space<hbm>>
      tpu.wait_dma2 semaphore(%run_scoped3A : memref<!tpu.dma_semaphore, #tpu.memory_space<semaphore_mem>>) src(%dma_wait3A_2058 : memref<10000xi32, #tpu.memory_space<hbm>>) dst(%dma_wait3A_2057 : memref<10000xi32, #tpu.memory_space<vmem>>)
      tpu.yield
    }) : () -> ()
    %iota3A = tpu.iota {dimensions = array<i32: 0>} : vector<16xi32>
    %add3A = arith.constant 0 : i32
    %add3A_3 = vector.broadcast %add3A : i32 to vector<16xi32>
    %add3A_4 = arith.addi %add3A_3, %iota3A : vector<16xi32>
    %mul3A_5 = arith.constant 2 : i32
    %mul3A_6 = vector.broadcast %mul3A_5 : i32 to vector<16xi32>
    %mul3A_7 = arith.muli %mul3A_6, %add3A_4 : vector<16xi32>
    %swap3A = arith.constant 10000 : index
    %swap3A_8 = tpu.vector_load %arg10[%swap3A] {strides = array<i32>} : memref<10624xi32, #tpu.memory_space<vmem>>, vector<16xi32>,
    %swap3A_9 = vector.shape_cast %swap3A_8 : vector<16xi32> to vector<16xi32>
    %swap3A_10 = vector.shape_cast %mul3A_7 : vector<16xi32> to vector<16xi32>
    tpu.vector_store %arg10[%swap3A], %swap3A_10 {strides = array<i32>} : memref<10624xi32, #tpu.memory_space<vmem>>, vector<16xi32>,
    %add3A_11 = arith.constant 10000 : i32
    %add3A_12 = vector.broadcast %add3A_11 : i32 to vector<16xi32>
    %add3A_13 = arith.addi %add3A_12, %iota3A : vector<16xi32>
    %and3A = arith.constant 63 : i32
    %and3A_14 = vector.broadcast %and3A : i32 to vector<16xi32>
    %and3A_15 = arith.andi %add3A_13, %and3A_14 : vector<16xi32>
    %add3A_16 = arith.constant 5000 : i32
    %add3A_17 = vector.broadcast %add3A_16 : i32 to vector<16xi32>
    %add3A_18 = arith.addi %add3A_17, %and3A_15 : vector<16xi32>
    %swap3A_19 = arith.constant 10000 : index
    %swap3A_20 = tpu.vector_load %arg11[%swap3A_19] {strides = array<i32>} : memref<10624xi32, #tpu.memory_space<vmem>>, vector<16xi32>,
    %swap3A_21 = vector.shape_cast %swap3A_20 : vector<16xi32> to vector<16xi32>
    %swap3A_22 = vector.shape_cast %add3A_18 : vector<16xi32> to vector<16xi32>
    tpu.vector_store %arg11[%swap3A_19], %swap3A_22 {strides = array<i32>} : memref<10624xi32, #tpu.memory_space<vmem>>, vector<16xi32>,
    %add3A_23 = arith.constant 16 : i32
    %add3A_24 = vector.broadcast %add3A_23 : i32 to vector<16xi32>
    %add3A_25 = arith.addi %add3A_24, %iota3A : vector<16xi32>
    %mul3A_26 = arith.constant 2 : i32
    %mul3A_27 = vector.broadcast %mul3A_26 : i32 to vector<16xi32>
    %mul3A_28 = arith.muli %mul3A_27, %add3A_25 : vector<16xi32>
    %swap3A_29 = arith.constant 10016 : index
    %swap3A_30 = tpu.vector_load %arg10[%swap3A_29] {strides = array<i32>} : memref<10624xi32, #tpu.memory_space<vmem>>, vector<16xi32>,
    %swap3A_31 = vector.shape_cast %swap3A_30 : vector<16xi32> to vector<16xi32>
    %swap3A_32 = vector.shape_cast %mul3A_28 : vector<16xi32> to vector<16xi32>
    tpu.vector_store %arg10[%swap3A_29], %swap3A_32 {strides = array<i32>} : memref<10624xi32, #tpu.memory_space<vmem>>, vector<16xi32>,
    %add3A_33 = arith.constant 10016 : i32
    %add3A_34 = vector.broadcast %add3A_33 : i32 to vector<16xi32>
    %add3A_35 = arith.addi %add3A_34, %iota3A : vector<16xi32>
    %and3A_36 = arith.constant 63 : i32
    %and3A_37 = vector.broadcast %and3A_36 : i32 to vector<16xi32>
    %and3A_38 = arith.andi %add3A_35, %and3A_37 : vector<16xi32>
    %add3A_39 = arith.constant 5000 : i32
    %add3A_40 = vector.broadcast %add3A_39 : i32 to vector<16xi32>
    %add3A_41 = arith.addi %add3A_40, %and3A_38 : vector<16xi32>
    %swap3A_42 = arith.constant 10016 : index
    %swap3A_43 = tpu.vector_load %arg11[%swap3A_42] {strides = array<i32>} : memref<10624xi32, #tpu.memory_space<vmem>>, vector<16xi32>,
    %swap3A_44 = vector.shape_cast %swap3A_43 : vector<16xi32> to vector<16xi32>
    %swap3A_45 = vector.shape_cast %add3A_41 : vector<16xi32> to vector<16xi32>
    tpu.vector_store %arg11[%swap3A_42], %swap3A_45 {strides = array<i32>} : memref<10624xi32, #tpu.memory_space<vmem>>, vector<16xi32>,
    %add3A_46 = arith.constant 32 : i32
    %add3A_47 = vector.broadcast %add3A_46 : i32 to vector<16xi32>
    %add3A_48 = arith.addi %add3A_47, %iota3A : vector<16xi32>
    %mul3A_49 = arith.constant 2 : i32
    %mul3A_50 = vector.broadcast %mul3A_49 : i32 to vector<16xi32>
    %mul3A_51 = arith.muli %mul3A_50, %add3A_48 : vector<16xi32>
    %swap3A_52 = arith.constant 10032 : index
    %swap3A_53 = tpu.vector_load %arg10[%swap3A_52] {strides = array<i32>} : memref<10624xi32, #tpu.memory_space<vmem>>, vector<16xi32>,
    %swap3A_54 = vector.shape_cast %swap3A_53 : vector<16xi32> to vector<16xi32>
    %swap3A_55 = vector.shape_cast %mul3A_51 : vector<16xi32> to vector<16xi32>
    tpu.vector_store %arg10[%swap3A_52], %swap3A_55 {strides = array<i32>} : memref<10624xi32, #tpu.memory_space<vmem>>, vector<16xi32>,
    %add3A_56 = arith.constant 10032 : i32
    %add3A_57 = vector.broadcast %add3A_56 : i32 to vector<16xi32>
    %add3A_58 = arith.addi %add3A_57, %iota3A : vector<16xi32>
    %and3A_59 = arith.constant 63 : i32
    %and3A_60 = vector.broadcast %and3A_59 : i32 to vector<16xi32>
    %and3A_61 = arith.andi %add3A_58, %and3A_60 : vector<16xi32>
    %add3A_62 = arith.constant 5000 : i32
    %add3A_63 = vector.broadcast %add3A_62 : i32 to vector<16xi32>
    %add3A_64 = arith.addi %add3A_63, %and3A_61 : vector<16xi32>
    %swap3A_65 = arith.constant 10032 : index
    %swap3A_66 = tpu.vector_load %arg11[%swap3A_65] {strides = array<i32>} : memref<10624xi32, #tpu.memory_space<vmem>>, vector<16xi32>,
    %swap3A_67 = vector.shape_cast %swap3A_66 : vector<16xi32> to vector<16xi32>
    %swap3A_68 = vector.shape_cast %add3A_64 : vector<16xi32> to vector<16xi32>
    tpu.vector_store %arg11[%swap3A_65], %swap3A_68 {strides = array<i32>} : memref<10624xi32, #tpu.memory_space<vmem>>, vector<16xi32>,
    %add3A_69 = arith.constant 48 : i32
    %add3A_70 = vector.broadcast %add3A_69 : i32 to vector<16xi32>
    %add3A_71 = arith.addi %add3A_70, %iota3A : vector<16xi32>
    %mul3A_72 = arith.constant 2 : i32
    %mul3A_73 = vector.broadcast %mul3A_72 : i32 to vector<16xi32>
    %mul3A_74 = arith.muli %mul3A_73, %add3A_71 : vector<16xi32>
    %swap3A_75 = arith.constant 10048 : index
    %swap3A_76 = tpu.vector_load %arg10[%swap3A_75] {strides = array<i32>} : memref<10624xi32, #tpu.memory_space<vmem>>, vector<16xi32>,
    %swap3A_77 = vector.shape_cast %swap3A_76 : vector<16xi32> to vector<16xi32>
    %swap3A_78 = vector.shape_cast %mul3A_74 : vector<16xi32> to vector<16xi32>
    tpu.vector_store %arg10[%swap3A_75], %swap3A_78 {strides = array<i32>} : memref<10624xi32, #tpu.memory_space<vmem>>, vector<16xi32>,
    %add3A_79 = arith.constant 10048 : i32
    %add3A_80 = vector.broadcast %add3A_79 : i32 to vector<16xi32>
    %add3A_81 = arith.addi %add3A_80, %iota3A : vector<16xi32>
    %and3A_82 = arith.constant 63 : i32
    %and3A_83 = vector.broadcast %and3A_82 : i32 to vector<16xi32>
    %and3A_84 = arith.andi %add3A_81, %and3A_83 : vector<16xi32>
    %add3A_85 = arith.constant 5000 : i32
    %add3A_86 = vector.broadcast %add3A_85 : i32 to vector<16xi32>
    %add3A_87 = arith.addi %add3A_86, %and3A_84 : vector<16xi32>
    %swap3A_88 = arith.constant 10048 : index
    %swap3A_89 = tpu.vector_load %arg11[%swap3A_88] {strides = array<i32>} : memref<10624xi32, #tpu.memory_space<vmem>>, vector<16xi32>,
    %swap3A_90 = vector.shape_cast %swap3A_89 : vector<16xi32> to vector<16xi32>
    %swap3A_91 = vector.shape_cast %add3A_87 : vector<16xi32> to vector<16xi32>
    tpu.vector_store %arg11[%swap3A_88], %swap3A_91 {strides = array<i32>} : memref<10624xi32, #tpu.memory_space<vmem>>, vector<16xi32>,
    %add3A_92 = arith.constant 64 : i32
    %add3A_93 = vector.broadcast %add3A_92 : i32 to vector<16xi32>
    %add3A_94 = arith.addi %add3A_93, %iota3A : vector<16xi32>
    %mul3A_95 = arith.constant 2 : i32
    %mul3A_96 = vector.broadcast %mul3A_95 : i32 to vector<16xi32>
    %mul3A_97 = arith.muli %mul3A_96, %add3A_94 : vector<16xi32>
    %swap3A_98 = arith.constant 10064 : index
    %swap3A_99 = tpu.vector_load %arg10[%swap3A_98] {strides = array<i32>} : memref<10624xi32, #tpu.memory_space<vmem>>, vector<16xi32>,
    %swap3A_100 = vector.shape_cast %swap3A_99 : vector<16xi32> to vector<16xi32>
    %swap3A_101 = vector.shape_cast %mul3A_97 : vector<16xi32> to vector<16xi32>
    tpu.vector_store %arg10[%swap3A_98], %swap3A_101 {strides = array<i32>} : memref<10624xi32, #tpu.memory_space<vmem>>, vector<16xi32>,
    %add3A_102 = arith.constant 10064 : i32
    %add3A_103 = vector.broadcast %add3A_102 : i32 to vector<16xi32>
    %add3A_104 = arith.addi %add3A_103, %iota3A : vector<16xi32>
    %and3A_105 = arith.constant 63 : i32
    %and3A_106 = vector.broadcast %and3A_105 : i32 to vector<16xi32>
    %and3A_107 = arith.andi %add3A_104, %and3A_106 : vector<16xi32>
    %add3A_108 = arith.constant 5000 : i32
    %add3A_109 = vector.broadcast %add3A_108 : i32 to vector<16xi32>
    %add3A_110 = arith.addi %add3A_109, %and3A_107 : vector<16xi32>
    %swap3A_111 = arith.constant 10064 : index
    %swap3A_112 = tpu.vector_load %arg11[%swap3A_111] {strides = array<i32>} : memref<10624xi32, #tpu.memory_space<vmem>>, vector<16xi32>,
    %swap3A_113 = vector.shape_cast %swap3A_112 : vector<16xi32> to vector<16xi32>
    %swap3A_114 = vector.shape_cast %add3A_110 : vector<16xi32> to vector<16xi32>
    tpu.vector_store %arg11[%swap3A_111], %swap3A_114 {strides = array<i32>} : memref<10624xi32, #tpu.memory_space<vmem>>, vector<16xi32>,
    %add3A_115 = arith.constant 80 : i32
    %add3A_116 = vector.broadcast %add3A_115 : i32 to vector<16xi32>
    %add3A_117 = arith.addi %add3A_116, %iota3A : vector<16xi32>
    %mul3A_118 = arith.constant 2 : i32
    %mul3A_119 = vector.broadcast %mul3A_118 : i32 to vector<16xi32>
    %mul3A_120 = arith.muli %mul3A_119, %add3A_117 : vector<16xi32>
    %swap3A_121 = arith.constant 10080 : index
    %swap3A_122 = tpu.vector_load %arg10[%swap3A_121] {strides = array<i32>} : memref<10624xi32, #tpu.memory_space<vmem>>, vector<16xi32>,
    %swap3A_123 = vector.shape_cast %swap3A_122 : vector<16xi32> to vector<16xi32>
    %swap3A_124 = vector.shape_cast %mul3A_120 : vector<16xi32> to vector<16xi32>
    tpu.vector_store %arg10[%swap3A_121], %swap3A_124 {strides = array<i32>} : memref<10624xi32, #tpu.memory_space<vmem>>, vector<16xi32>,
    %add3A_125 = arith.constant 10080 : i32
    %add3A_126 = vector.broadcast %add3A_125 : i32 to vector<16xi32>
    %add3A_127 = arith.addi %add3A_126, %iota3A : vector<16xi32>
    %and3A_128 = arith.constant 63 : i32
    %and3A_129 = vector.broadcast %and3A_128 : i32 to vector<16xi32>
    %and3A_130 = arith.andi %add3A_127, %and3A_129 : vector<16xi32>
    %add3A_131 = arith.constant 5000 : i32
    %add3A_132 = vector.broadcast %add3A_131 : i32 to vector<16xi32>
    %add3A_133 = arith.addi %add3A_132, %and3A_130 : vector<16xi32>
    %swap3A_134 = arith.constant 10080 : index
    %swap3A_135 = tpu.vector_load %arg11[%swap3A_134] {strides = array<i32>} : memref<10624xi32, #tpu.memory_space<vmem>>, vector<16xi32>,
    %swap3A_136 = vector.shape_cast %swap3A_135 : vector<16xi32> to vector<16xi32>
    %swap3A_137 = vector.shape_cast %add3A_133 : vector<16xi32> to vector<16xi32>
    tpu.vector_store %arg11[%swap3A_134], %swap3A_137 {strides = array<i32>} : memref<10624xi32, #tpu.memory_space<vmem>>, vector<16xi32>,
    %add3A_138 = arith.constant 96 : i32
    %add3A_139 = vector.broadcast %add3A_138 : i32 to vector<16xi32>
    %add3A_140 = arith.addi %add3A_139, %iota3A : vector<16xi32>
    %mul3A_141 = arith.constant 2 : i32
    %mul3A_142 = vector.broadcast %mul3A_141 : i32 to vector<16xi32>
    %mul3A_143 = arith.muli %mul3A_142, %add3A_140 : vector<16xi32>
    %swap3A_144 = arith.constant 10096 : index
    %swap3A_145 = tpu.vector_load %arg10[%swap3A_144] {strides = array<i32>} : memref<10624xi32, #tpu.memory_space<vmem>>, vector<16xi32>,
    %swap3A_146 = vector.shape_cast %swap3A_145 : vector<16xi32> to vector<16xi32>
    %swap3A_147 = vector.shape_cast %mul3A_143 : vector<16xi32> to vector<16xi32>
    tpu.vector_store %arg10[%swap3A_144], %swap3A_147 {strides = array<i32>} : memref<10624xi32, #tpu.memory_space<vmem>>, vector<16xi32>,
    %add3A_148 = arith.constant 10096 : i32
    %add3A_149 = vector.broadcast %add3A_148 : i32 to vector<16xi32>
    %add3A_150 = arith.addi %add3A_149, %iota3A : vector<16xi32>
    %and3A_151 = arith.constant 63 : i32
    %and3A_152 = vector.broadcast %and3A_151 : i32 to vector<16xi32>
    %and3A_153 = arith.andi %add3A_150, %and3A_152 : vector<16xi32>
    %add3A_154 = arith.constant 5000 : i32
    %add3A_155 = vector.broadcast %add3A_154 : i32 to vector<16xi32>
    %add3A_156 = arith.addi %add3A_155, %and3A_153 : vector<16xi32>
    %swap3A_157 = arith.constant 10096 : index
    %swap3A_158 = tpu.vector_load %arg11[%swap3A_157] {strides = array<i32>} : memref<10624xi32, #tpu.memory_space<vmem>>, vector<16xi32>,
    %swap3A_159 = vector.shape_cast %swap3A_158 : vector<16xi32> to vector<16xi32>
    %swap3A_160 = vector.shape_cast %add3A_156 : vector<16xi32> to vector<16xi32>
    tpu.vector_store %arg11[%swap3A_157], %swap3A_160 {strides = array<i32>} : memref<10624xi32, #tpu.memory_space<vmem>>, vector<16xi32>,
    %add3A_161 = arith.constant 112 : i32
    %add3A_162 = vector.broadcast %add3A_161 : i32 to vector<16xi32>
    %add3A_163 = arith.addi %add3A_162, %iota3A : vector<16xi32>
    %mul3A_164 = arith.constant 2 : i32
    %mul3A_165 = vector.broadcast %mul3A_164 : i32 to vector<16xi32>
    %mul3A_166 = arith.muli %mul3A_165, %add3A_163 : vector<16xi32>
    %swap3A_167 = arith.constant 10112 : index
    %swap3A_168 = tpu.vector_load %arg10[%swap3A_167] {strides = array<i32>} : memref<10624xi32, #tpu.memory_space<vmem>>, vector<16xi32>,
    %swap3A_169 = vector.shape_cast %swap3A_168 : vector<16xi32> to vector<16xi32>
    %swap3A_170 = vector.shape_cast %mul3A_166 : vector<16xi32> to vector<16xi32>
    tpu.vector_store %arg10[%swap3A_167], %swap3A_170 {strides = array<i32>} : memref<10624xi32, #tpu.memory_space<vmem>>, vector<16xi32>,
    %add3A_171 = arith.constant 10112 : i32
    %add3A_172 = vector.broadcast %add3A_171 : i32 to vector<16xi32>
    %add3A_173 = arith.addi %add3A_172, %iota3A : vector<16xi32>
    %and3A_174 = arith.constant 63 : i32
    %and3A_175 = vector.broadcast %and3A_174 : i32 to vector<16xi32>
    %and3A_176 = arith.andi %add3A_173, %and3A_175 : vector<16xi32>
    %add3A_177 = arith.constant 5000 : i32
    %add3A_178 = vector.broadcast %add3A_177 : i32 to vector<16xi32>
    %add3A_179 = arith.addi %add3A_178, %and3A_176 : vector<16xi32>
    %swap3A_180 = arith.constant 10112 : index
    %swap3A_181 = tpu.vector_load %arg11[%swap3A_180] {strides = array<i32>} : memref<10624xi32, #tpu.memory_space<vmem>>, vector<16xi32>,
    %swap3A_182 = vector.shape_cast %swap3A_181 : vector<16xi32> to vector<16xi32>
    %swap3A_183 = vector.shape_cast %add3A_179 : vector<16xi32> to vector<16xi32>
    tpu.vector_store %arg11[%swap3A_180], %swap3A_183 {strides = array<i32>} : memref<10624xi32, #tpu.memory_space<vmem>>, vector<16xi32>,
    %add3A_184 = arith.constant 128 : i32
    %add3A_185 = vector.broadcast %add3A_184 : i32 to vector<16xi32>
    %add3A_186 = arith.addi %add3A_185, %iota3A : vector<16xi32>
    %mul3A_187 = arith.constant 2 : i32
    %mul3A_188 = vector.broadcast %mul3A_187 : i32 to vector<16xi32>
    %mul3A_189 = arith.muli %mul3A_188, %add3A_186 : vector<16xi32>
    %swap3A_190 = arith.constant 10128 : index
    %swap3A_191 = tpu.vector_load %arg10[%swap3A_190] {strides = array<i32>} : memref<10624xi32, #tpu.memory_space<vmem>>, vector<16xi32>,
    %swap3A_192 = vector.shape_cast %swap3A_191 : vector<16xi32> to vector<16xi32>
    %swap3A_193 = vector.shape_cast %mul3A_189 : vector<16xi32> to vector<16xi32>
    tpu.vector_store %arg10[%swap3A_190], %swap3A_193 {strides = array<i32>} : memref<10624xi32, #tpu.memory_space<vmem>>, vector<16xi32>,
    %add3A_194 = arith.constant 10128 : i32
    %add3A_195 = vector.broadcast %add3A_194 : i32 to vector<16xi32>
    %add3A_196 = arith.addi %add3A_195, %iota3A : vector<16xi32>
    %and3A_197 = arith.constant 63 : i32
    %and3A_198 = vector.broadcast %and3A_197 : i32 to vector<16xi32>
    %and3A_199 = arith.andi %add3A_196, %and3A_198 : vector<16xi32>
    %add3A_200 = arith.constant 5000 : i32
    %add3A_201 = vector.broadcast %add3A_200 : i32 to vector<16xi32>
    %add3A_202 = arith.addi %add3A_201, %and3A_199 : vector<16xi32>
    %swap3A_203 = arith.constant 10128 : index
    %swap3A_204 = tpu.vector_load %arg11[%swap3A_203] {strides = array<i32>} : memref<10624xi32, #tpu.memory_space<vmem>>, vector<16xi32>,
    %swap3A_205 = vector.shape_cast %swap3A_204 : vector<16xi32> to vector<16xi32>
    %swap3A_206 = vector.shape_cast %add3A_202 : vector<16xi32> to vector<16xi32>
    tpu.vector_store %arg11[%swap3A_203], %swap3A_206 {strides = array<i32>} : memref<10624xi32, #tpu.memory_space<vmem>>, vector<16xi32>,
    %add3A_207 = arith.constant 144 : i32
    %add3A_208 = vector.broadcast %add3A_207 : i32 to vector<16xi32>
    %add3A_209 = arith.addi %add3A_208, %iota3A : vector<16xi32>
    %mul3A_210 = arith.constant 2 : i32
    %mul3A_211 = vector.broadcast %mul3A_210 : i32 to vector<16xi32>
    %mul3A_212 = arith.muli %mul3A_211, %add3A_209 : vector<16xi32>
    %swap3A_213 = arith.constant 10144 : index
    %swap3A_214 = tpu.vector_load %arg10[%swap3A_213] {strides = array<i32>} : memref<10624xi32, #tpu.memory_space<vmem>>, vector<16xi32>,
    %swap3A_215 = vector.shape_cast %swap3A_214 : vector<16xi32> to vector<16xi32>
    %swap3A_216 = vector.shape_cast %mul3A_212 : vector<16xi32> to vector<16xi32>
    tpu.vector_store %arg10[%swap3A_213], %swap3A_216 {strides = array<i32>} : memref<10624xi32, #tpu.memory_space<vmem>>, vector<16xi32>,
    %add3A_217 = arith.constant 10144 : i32
    %add3A_218 = vector.broadcast %add3A_217 : i32 to vector<16xi32>
    %add3A_219 = arith.addi %add3A_218, %iota3A : vector<16xi32>
    %and3A_220 = arith.constant 63 : i32
    %and3A_221 = vector.broadcast %and3A_220 : i32 to vector<16xi32>
    %and3A_222 = arith.andi %add3A_219, %and3A_221 : vector<16xi32>
    %add3A_223 = arith.constant 5000 : i32
    %add3A_224 = vector.broadcast %add3A_223 : i32 to vector<16xi32>
    %add3A_225 = arith.addi %add3A_224, %and3A_222 : vector<16xi32>
    %swap3A_226 = arith.constant 10144 : index
    %swap3A_227 = tpu.vector_load %arg11[%swap3A_226] {strides = array<i32>} : memref<10624xi32, #tpu.memory_space<vmem>>, vector<16xi32>,
    %swap3A_228 = vector.shape_cast %swap3A_227 : vector<16xi32> to vector<16xi32>
    %swap3A_229 = vector.shape_cast %add3A_225 : vector<16xi32> to vector<16xi32>
    tpu.vector_store %arg11[%swap3A_226], %swap3A_229 {strides = array<i32>} : memref<10624xi32, #tpu.memory_space<vmem>>, vector<16xi32>,
    %add3A_230 = arith.constant 160 : i32
    %add3A_231 = vector.broadcast %add3A_230 : i32 to vector<16xi32>
    %add3A_232 = arith.addi %add3A_231, %iota3A : vector<16xi32>
    %mul3A_233 = arith.constant 2 : i32
    %mul3A_234 = vector.broadcast %mul3A_233 : i32 to vector<16xi32>
    %mul3A_235 = arith.muli %mul3A_234, %add3A_232 : vector<16xi32>
    %swap3A_236 = arith.constant 10160 : index
    %swap3A_237 = tpu.vector_load %arg10[%swap3A_236] {strides = array<i32>} : memref<10624xi32, #tpu.memory_space<vmem>>, vector<16xi32>,
    %swap3A_238 = vector.shape_cast %swap3A_237 : vector<16xi32> to vector<16xi32>
    %swap3A_239 = vector.shape_cast %mul3A_235 : vector<16xi32> to vector<16xi32>
    tpu.vector_store %arg10[%swap3A_236], %swap3A_239 {strides = array<i32>} : memref<10624xi32, #tpu.memory_space<vmem>>, vector<16xi32>,
    %add3A_240 = arith.constant 10160 : i32
    %add3A_241 = vector.broadcast %add3A_240 : i32 to vector<16xi32>
    %add3A_242 = arith.addi %add3A_241, %iota3A : vector<16xi32>
    %and3A_243 = arith.constant 63 : i32
    %and3A_244 = vector.broadcast %and3A_243 : i32 to vector<16xi32>
    %and3A_245 = arith.andi %add3A_242, %and3A_244 : vector<16xi32>
    %add3A_246 = arith.constant 5000 : i32
    %add3A_247 = vector.broadcast %add3A_246 : i32 to vector<16xi32>
    %add3A_248 = arith.addi %add3A_247, %and3A_245 : vector<16xi32>
    %swap3A_249 = arith.constant 10160 : index
    %swap3A_250 = tpu.vector_load %arg11[%swap3A_249] {strides = array<i32>} : memref<10624xi32, #tpu.memory_space<vmem>>, vector<16xi32>,
    %swap3A_251 = vector.shape_cast %swap3A_250 : vector<16xi32> to vector<16xi32>
    %swap3A_252 = vector.shape_cast %add3A_248 : vector<16xi32> to vector<16xi32>
    tpu.vector_store %arg11[%swap3A_249], %swap3A_252 {strides = array<i32>} : memref<10624xi32, #tpu.memory_space<vmem>>, vector<16xi32>,
    %add3A_253 = arith.constant 176 : i32
    %add3A_254 = vector.broadcast %add3A_253 : i32 to vector<16xi32>
    %add3A_255 = arith.addi %add3A_254, %iota3A : vector<16xi32>
    %mul3A_256 = arith.constant 2 : i32
    %mul3A_257 = vector.broadcast %mul3A_256 : i32 to vector<16xi32>
    %mul3A_258 = arith.muli %mul3A_257, %add3A_255 : vector<16xi32>
    %swap3A_259 = arith.constant 10176 : index
    %swap3A_260 = tpu.vector_load %arg10[%swap3A_259] {strides = array<i32>} : memref<10624xi32, #tpu.memory_space<vmem>>, vector<16xi32>,
    %swap3A_261 = vector.shape_cast %swap3A_260 : vector<16xi32> to vector<16xi32>
    %swap3A_262 = vector.shape_cast %mul3A_258 : vector<16xi32> to vector<16xi32>
    tpu.vector_store %arg10[%swap3A_259], %swap3A_262 {strides = array<i32>} : memref<10624xi32, #tpu.memory_space<vmem>>, vector<16xi32>,
    %add3A_263 = arith.constant 10176 : i32
    %add3A_264 = vector.broadcast %add3A_263 : i32 to vector<16xi32>
    %add3A_265 = arith.addi %add3A_264, %iota3A : vector<16xi32>
    %and3A_266 = arith.constant 63 : i32
    %and3A_267 = vector.broadcast %and3A_266 : i32 to vector<16xi32>
    %and3A_268 = arith.andi %add3A_265, %and3A_267 : vector<16xi32>
    %add3A_269 = arith.constant 5000 : i32
    %add3A_270 = vector.broadcast %add3A_269 : i32 to vector<16xi32>
    %add3A_271 = arith.addi %add3A_270, %and3A_268 : vector<16xi32>
    %swap3A_272 = arith.constant 10176 : index
    %swap3A_273 = tpu.vector_load %arg11[%swap3A_272] {strides = array<i32>} : memref<10624xi32, #tpu.memory_space<vmem>>, vector<16xi32>,
    %swap3A_274 = vector.shape_cast %swap3A_273 : vector<16xi32> to vector<16xi32>
    %swap3A_275 = vector.shape_cast %add3A_271 : vector<16xi32> to vector<16xi32>
    tpu.vector_store %arg11[%swap3A_272], %swap3A_275 {strides = array<i32>} : memref<10624xi32, #tpu.memory_space<vmem>>, vector<16xi32>,
    %add3A_276 = arith.constant 192 : i32
    %add3A_277 = vector.broadcast %add3A_276 : i32 to vector<16xi32>
    %add3A_278 = arith.addi %add3A_277, %iota3A : vector<16xi32>
    %mul3A_279 = arith.constant 2 : i32
    %mul3A_280 = vector.broadcast %mul3A_279 : i32 to vector<16xi32>
    %mul3A_281 = arith.muli %mul3A_280, %add3A_278 : vector<16xi32>
    %swap3A_282 = arith.constant 10192 : index
    %swap3A_283 = tpu.vector_load %arg10[%swap3A_282] {strides = array<i32>} : memref<10624xi32, #tpu.memory_space<vmem>>, vector<16xi32>,
    %swap3A_284 = vector.shape_cast %swap3A_283 : vector<16xi32> to vector<16xi32>
    %swap3A_285 = vector.shape_cast %mul3A_281 : vector<16xi32> to vector<16xi32>
    tpu.vector_store %arg10[%swap3A_282], %swap3A_285 {strides = array<i32>} : memref<10624xi32, #tpu.memory_space<vmem>>, vector<16xi32>,
    %add3A_286 = arith.constant 10192 : i32
    %add3A_287 = vector.broadcast %add3A_286 : i32 to vector<16xi32>
    %add3A_288 = arith.addi %add3A_287, %iota3A : vector<16xi32>
    %and3A_289 = arith.constant 63 : i32
    %and3A_290 = vector.broadcast %and3A_289 : i32 to vector<16xi32>
    %and3A_291 = arith.andi %add3A_288, %and3A_290 : vector<16xi32>
    %add3A_292 = arith.constant 5000 : i32
    %add3A_293 = vector.broadcast %add3A_292 : i32 to vector<16xi32>
    %add3A_294 = arith.addi %add3A_293, %and3A_291 : vector<16xi32>
    %swap3A_295 = arith.constant 10192 : index
    %swap3A_296 = tpu.vector_load %arg11[%swap3A_295] {strides = array<i32>} : memref<10624xi32, #tpu.memory_space<vmem>>, vector<16xi32>,
    %swap3A_297 = vector.shape_cast %swap3A_296 : vector<16xi32> to vector<16xi32>
    %swap3A_298 = vector.shape_cast %add3A_294 : vector<16xi32> to vector<16xi32>
    tpu.vector_store %arg11[%swap3A_295], %swap3A_298 {strides = array<i32>} : memref<10624xi32, #tpu.memory_space<vmem>>, vector<16xi32>,
    %add3A_299 = arith.constant 208 : i32
    %add3A_300 = vector.broadcast %add3A_299 : i32 to vector<16xi32>
    %add3A_301 = arith.addi %add3A_300, %iota3A : vector<16xi32>
    %mul3A_302 = arith.constant 2 : i32
    %mul3A_303 = vector.broadcast %mul3A_302 : i32 to vector<16xi32>
    %mul3A_304 = arith.muli %mul3A_303, %add3A_301 : vector<16xi32>
    %swap3A_305 = arith.constant 10208 : index
    %swap3A_306 = tpu.vector_load %arg10[%swap3A_305] {strides = array<i32>} : memref<10624xi32, #tpu.memory_space<vmem>>, vector<16xi32>,
    %swap3A_307 = vector.shape_cast %swap3A_306 : vector<16xi32> to vector<16xi32>
    %swap3A_308 = vector.shape_cast %mul3A_304 : vector<16xi32> to vector<16xi32>
    tpu.vector_store %arg10[%swap3A_305], %swap3A_308 {strides = array<i32>} : memref<10624xi32, #tpu.memory_space<vmem>>, vector<16xi32>,
    %add3A_309 = arith.constant 10208 : i32
    %add3A_310 = vector.broadcast %add3A_309 : i32 to vector<16xi32>
    %add3A_311 = arith.addi %add3A_310, %iota3A : vector<16xi32>
    %and3A_312 = arith.constant 63 : i32
    %and3A_313 = vector.broadcast %and3A_312 : i32 to vector<16xi32>
    %and3A_314 = arith.andi %add3A_311, %and3A_313 : vector<16xi32>
    %add3A_315 = arith.constant 5000 : i32
    %add3A_316 = vector.broadcast %add3A_315 : i32 to vector<16xi32>
    %add3A_317 = arith.addi %add3A_316, %and3A_314 : vector<16xi32>
    %swap3A_318 = arith.constant 10208 : index
    %swap3A_319 = tpu.vector_load %arg11[%swap3A_318] {strides = array<i32>} : memref<10624xi32, #tpu.memory_space<vmem>>, vector<16xi32>,
    %swap3A_320 = vector.shape_cast %swap3A_319 : vector<16xi32> to vector<16xi32>
    %swap3A_321 = vector.shape_cast %add3A_317 : vector<16xi32> to vector<16xi32>
    tpu.vector_store %arg11[%swap3A_318], %swap3A_321 {strides = array<i32>} : memref<10624xi32, #tpu.memory_space<vmem>>, vector<16xi32>,
    %add3A_322 = arith.constant 224 : i32
    %add3A_323 = vector.broadcast %add3A_322 : i32 to vector<16xi32>
    %add3A_324 = arith.addi %add3A_323, %iota3A : vector<16xi32>
    %mul3A_325 = arith.constant 2 : i32
    %mul3A_326 = vector.broadcast %mul3A_325 : i32 to vector<16xi32>
    %mul3A_327 = arith.muli %mul3A_326, %add3A_324 : vector<16xi32>
    %swap3A_328 = arith.constant 10224 : index
    %swap3A_329 = tpu.vector_load %arg10[%swap3A_328] {strides = array<i32>} : memref<10624xi32, #tpu.memory_space<vmem>>, vector<16xi32>,
    %swap3A_330 = vector.shape_cast %swap3A_329 : vector<16xi32> to vector<16xi32>
    %swap3A_331 = vector.shape_cast %mul3A_327 : vector<16xi32> to vector<16xi32>
    tpu.vector_store %arg10[%swap3A_328], %swap3A_331 {strides = array<i32>} : memref<10624xi32, #tpu.memory_space<vmem>>, vector<16xi32>,
    %add3A_332 = arith.constant 10224 : i32
    %add3A_333 = vector.broadcast %add3A_332 : i32 to vector<16xi32>
    %add3A_334 = arith.addi %add3A_333, %iota3A : vector<16xi32>
    %and3A_335 = arith.constant 63 : i32
    %and3A_336 = vector.broadcast %and3A_335 : i32 to vector<16xi32>
    %and3A_337 = arith.andi %add3A_334, %and3A_336 : vector<16xi32>
    %add3A_338 = arith.constant 5000 : i32
    %add3A_339 = vector.broadcast %add3A_338 : i32 to vector<16xi32>
    %add3A_340 = arith.addi %add3A_339, %and3A_337 : vector<16xi32>
    %swap3A_341 = arith.constant 10224 : index
    %swap3A_342 = tpu.vector_load %arg11[%swap3A_341] {strides = array<i32>} : memref<10624xi32, #tpu.memory_space<vmem>>, vector<16xi32>,
    %swap3A_343 = vector.shape_cast %swap3A_342 : vector<16xi32> to vector<16xi32>
    %swap3A_344 = vector.shape_cast %add3A_340 : vector<16xi32> to vector<16xi32>
    tpu.vector_store %arg11[%swap3A_341], %swap3A_344 {strides = array<i32>} : memref<10624xi32, #tpu.memory_space<vmem>>, vector<16xi32>,
    %add3A_345 = arith.constant 240 : i32
    %add3A_346 = vector.broadcast %add3A_345 : i32 to vector<16xi32>
    %add3A_347 = arith.addi %add3A_346, %iota3A : vector<16xi32>
    %mul3A_348 = arith.constant 2 : i32
    %mul3A_349 = vector.broadcast %mul3A_348 : i32 to vector<16xi32>
    %mul3A_350 = arith.muli %mul3A_349, %add3A_347 : vector<16xi32>
    %swap3A_351 = arith.constant 10240 : index
    %swap3A_352 = tpu.vector_load %arg10[%swap3A_351] {strides = array<i32>} : memref<10624xi32, #tpu.memory_space<vmem>>, vector<16xi32>,
    %swap3A_353 = vector.shape_cast %swap3A_352 : vector<16xi32> to vector<16xi32>
    %swap3A_354 = vector.shape_cast %mul3A_350 : vector<16xi32> to vector<16xi32>
    tpu.vector_store %arg10[%swap3A_351], %swap3A_354 {strides = array<i32>} : memref<10624xi32, #tpu.memory_space<vmem>>, vector<16xi32>,
    %add3A_355 = arith.constant 10240 : i32
    %add3A_356 = vector.broadcast %add3A_355 : i32 to vector<16xi32>
    %add3A_357 = arith.addi %add3A_356, %iota3A : vector<16xi32>
    %and3A_358 = arith.constant 63 : i32
    %and3A_359 = vector.broadcast %and3A_358 : i32 to vector<16xi32>
    %and3A_360 = arith.andi %add3A_357, %and3A_359 : vector<16xi32>
    %add3A_361 = arith.constant 5000 : i32
    %add3A_362 = vector.broadcast %add3A_361 : i32 to vector<16xi32>
    %add3A_363 = arith.addi %add3A_362, %and3A_360 : vector<16xi32>
    %swap3A_364 = arith.constant 10240 : index
    %swap3A_365 = tpu.vector_load %arg11[%swap3A_364] {strides = array<i32>} : memref<10624xi32, #tpu.memory_space<vmem>>, vector<16xi32>,
    %swap3A_366 = vector.shape_cast %swap3A_365 : vector<16xi32> to vector<16xi32>
    %swap3A_367 = vector.shape_cast %add3A_363 : vector<16xi32> to vector<16xi32>
    tpu.vector_store %arg11[%swap3A_364], %swap3A_367 {strides = array<i32>} : memref<10624xi32, #tpu.memory_space<vmem>>, vector<16xi32>,
    %add3A_368 = arith.constant 256 : i32
    %add3A_369 = vector.broadcast %add3A_368 : i32 to vector<16xi32>
    %add3A_370 = arith.addi %add3A_369, %iota3A : vector<16xi32>
    %mul3A_371 = arith.constant 2 : i32
    %mul3A_372 = vector.broadcast %mul3A_371 : i32 to vector<16xi32>
    %mul3A_373 = arith.muli %mul3A_372, %add3A_370 : vector<16xi32>
    %swap3A_374 = arith.constant 10256 : index
    %swap3A_375 = tpu.vector_load %arg10[%swap3A_374] {strides = array<i32>} : memref<10624xi32, #tpu.memory_space<vmem>>, vector<16xi32>,
    %swap3A_376 = vector.shape_cast %swap3A_375 : vector<16xi32> to vector<16xi32>
    %swap3A_377 = vector.shape_cast %mul3A_373 : vector<16xi32> to vector<16xi32>
    tpu.vector_store %arg10[%swap3A_374], %swap3A_377 {strides = array<i32>} : memref<10624xi32, #tpu.memory_space<vmem>>, vector<16xi32>,
    %add3A_378 = arith.constant 10256 : i32
    %add3A_379 = vector.broadcast %add3A_378 : i32 to vector<16xi32>
    %add3A_380 = arith.addi %add3A_379, %iota3A : vector<16xi32>
    %and3A_381 = arith.constant 63 : i32
    %and3A_382 = vector.broadcast %and3A_381 : i32 to vector<16xi32>
    %and3A_383 = arith.andi %add3A_380, %and3A_382 : vector<16xi32>
    %add3A_384 = arith.constant 5000 : i32
    %add3A_385 = vector.broadcast %add3A_384 : i32 to vector<16xi32>
    %add3A_386 = arith.addi %add3A_385, %and3A_383 : vector<16xi32>
    %swap3A_387 = arith.constant 10256 : index
    %swap3A_388 = tpu.vector_load %arg11[%swap3A_387] {strides = array<i32>} : memref<10624xi32, #tpu.memory_space<vmem>>, vector<16xi32>,
    %swap3A_389 = vector.shape_cast %swap3A_388 : vector<16xi32> to vector<16xi32>
    %swap3A_390 = vector.shape_cast %add3A_386 : vector<16xi32> to vector<16xi32>
    tpu.vector_store %arg11[%swap3A_387], %swap3A_390 {strides = array<i32>} : memref<10624xi32, #tpu.memory_space<vmem>>, vector<16xi32>,
    %add3A_391 = arith.constant 272 : i32
    %add3A_392 = vector.broadcast %add3A_391 : i32 to vector<16xi32>
    %add3A_393 = arith.addi %add3A_392, %iota3A : vector<16xi32>
    %mul3A_394 = arith.constant 2 : i32
    %mul3A_395 = vector.broadcast %mul3A_394 : i32 to vector<16xi32>
    %mul3A_396 = arith.muli %mul3A_395, %add3A_393 : vector<16xi32>
    %swap3A_397 = arith.constant 10272 : index
    %swap3A_398 = tpu.vector_load %arg10[%swap3A_397] {strides = array<i32>} : memref<10624xi32, #tpu.memory_space<vmem>>, vector<16xi32>,
    %swap3A_399 = vector.shape_cast %swap3A_398 : vector<16xi32> to vector<16xi32>
    %swap3A_400 = vector.shape_cast %mul3A_396 : vector<16xi32> to vector<16xi32>
    tpu.vector_store %arg10[%swap3A_397], %swap3A_400 {strides = array<i32>} : memref<10624xi32, #tpu.memory_space<vmem>>, vector<16xi32>,
    %add3A_401 = arith.constant 10272 : i32
    %add3A_402 = vector.broadcast %add3A_401 : i32 to vector<16xi32>
    %add3A_403 = arith.addi %add3A_402, %iota3A : vector<16xi32>
    %and3A_404 = arith.constant 63 : i32
    %and3A_405 = vector.broadcast %and3A_404 : i32 to vector<16xi32>
    %and3A_406 = arith.andi %add3A_403, %and3A_405 : vector<16xi32>
    %add3A_407 = arith.constant 5000 : i32
    %add3A_408 = vector.broadcast %add3A_407 : i32 to vector<16xi32>
    %add3A_409 = arith.addi %add3A_408, %and3A_406 : vector<16xi32>
    %swap3A_410 = arith.constant 10272 : index
    %swap3A_411 = tpu.vector_load %arg11[%swap3A_410] {strides = array<i32>} : memref<10624xi32, #tpu.memory_space<vmem>>, vector<16xi32>,
    %swap3A_412 = vector.shape_cast %swap3A_411 : vector<16xi32> to vector<16xi32>
    %swap3A_413 = vector.shape_cast %add3A_409 : vector<16xi32> to vector<16xi32>
    tpu.vector_store %arg11[%swap3A_410], %swap3A_413 {strides = array<i32>} : memref<10624xi32, #tpu.memory_space<vmem>>, vector<16xi32>,
    %add3A_414 = arith.constant 288 : i32
    %add3A_415 = vector.broadcast %add3A_414 : i32 to vector<16xi32>
    %add3A_416 = arith.addi %add3A_415, %iota3A : vector<16xi32>
    %mul3A_417 = arith.constant 2 : i32
    %mul3A_418 = vector.broadcast %mul3A_417 : i32 to vector<16xi32>
    %mul3A_419 = arith.muli %mul3A_418, %add3A_416 : vector<16xi32>
    %swap3A_420 = arith.constant 10288 : index
    %swap3A_421 = tpu.vector_load %arg10[%swap3A_420] {strides = array<i32>} : memref<10624xi32, #tpu.memory_space<vmem>>, vector<16xi32>,
    %swap3A_422 = vector.shape_cast %swap3A_421 : vector<16xi32> to vector<16xi32>
    %swap3A_423 = vector.shape_cast %mul3A_419 : vector<16xi32> to vector<16xi32>
    tpu.vector_store %arg10[%swap3A_420], %swap3A_423 {strides = array<i32>} : memref<10624xi32, #tpu.memory_space<vmem>>, vector<16xi32>,
    %add3A_424 = arith.constant 10288 : i32
    %add3A_425 = vector.broadcast %add3A_424 : i32 to vector<16xi32>
    %add3A_426 = arith.addi %add3A_425, %iota3A : vector<16xi32>
    %and3A_427 = arith.constant 63 : i32
    %and3A_428 = vector.broadcast %and3A_427 : i32 to vector<16xi32>
    %and3A_429 = arith.andi %add3A_426, %and3A_428 : vector<16xi32>
    %add3A_430 = arith.constant 5000 : i32
    %add3A_431 = vector.broadcast %add3A_430 : i32 to vector<16xi32>
    %add3A_432 = arith.addi %add3A_431, %and3A_429 : vector<16xi32>
    %swap3A_433 = arith.constant 10288 : index
    %swap3A_434 = tpu.vector_load %arg11[%swap3A_433] {strides = array<i32>} : memref<10624xi32, #tpu.memory_space<vmem>>, vector<16xi32>,
    %swap3A_435 = vector.shape_cast %swap3A_434 : vector<16xi32> to vector<16xi32>
    %swap3A_436 = vector.shape_cast %add3A_432 : vector<16xi32> to vector<16xi32>
    tpu.vector_store %arg11[%swap3A_433], %swap3A_436 {strides = array<i32>} : memref<10624xi32, #tpu.memory_space<vmem>>, vector<16xi32>,
    %add3A_437 = arith.constant 304 : i32
    %add3A_438 = vector.broadcast %add3A_437 : i32 to vector<16xi32>
    %add3A_439 = arith.addi %add3A_438, %iota3A : vector<16xi32>
    %mul3A_440 = arith.constant 2 : i32
    %mul3A_441 = vector.broadcast %mul3A_440 : i32 to vector<16xi32>
    %mul3A_442 = arith.muli %mul3A_441, %add3A_439 : vector<16xi32>
    %swap3A_443 = arith.constant 10304 : index
    %swap3A_444 = tpu.vector_load %arg10[%swap3A_443] {strides = array<i32>} : memref<10624xi32, #tpu.memory_space<vmem>>, vector<16xi32>,
    %swap3A_445 = vector.shape_cast %swap3A_444 : vector<16xi32> to vector<16xi32>
    %swap3A_446 = vector.shape_cast %mul3A_442 : vector<16xi32> to vector<16xi32>
    tpu.vector_store %arg10[%swap3A_443], %swap3A_446 {strides = array<i32>} : memref<10624xi32, #tpu.memory_space<vmem>>, vector<16xi32>,
    %add3A_447 = arith.constant 10304 : i32
    %add3A_448 = vector.broadcast %add3A_447 : i32 to vector<16xi32>
    %add3A_449 = arith.addi %add3A_448, %iota3A : vector<16xi32>
    %and3A_450 = arith.constant 63 : i32
    %and3A_451 = vector.broadcast %and3A_450 : i32 to vector<16xi32>
    %and3A_452 = arith.andi %add3A_449, %and3A_451 : vector<16xi32>
    %add3A_453 = arith.constant 5000 : i32
    %add3A_454 = vector.broadcast %add3A_453 : i32 to vector<16xi32>
    %add3A_455 = arith.addi %add3A_454, %and3A_452 : vector<16xi32>
    %swap3A_456 = arith.constant 10304 : index
    %swap3A_457 = tpu.vector_load %arg11[%swap3A_456] {strides = array<i32>} : memref<10624xi32, #tpu.memory_space<vmem>>, vector<16xi32>,
    %swap3A_458 = vector.shape_cast %swap3A_457 : vector<16xi32> to vector<16xi32>
    %swap3A_459 = vector.shape_cast %add3A_455 : vector<16xi32> to vector<16xi32>
    tpu.vector_store %arg11[%swap3A_456], %swap3A_459 {strides = array<i32>} : memref<10624xi32, #tpu.memory_space<vmem>>, vector<16xi32>,
    %add3A_460 = arith.constant 320 : i32
    %add3A_461 = vector.broadcast %add3A_460 : i32 to vector<16xi32>
    %add3A_462 = arith.addi %add3A_461, %iota3A : vector<16xi32>
    %mul3A_463 = arith.constant 2 : i32
    %mul3A_464 = vector.broadcast %mul3A_463 : i32 to vector<16xi32>
    %mul3A_465 = arith.muli %mul3A_464, %add3A_462 : vector<16xi32>
    %swap3A_466 = arith.constant 10320 : index
    %swap3A_467 = tpu.vector_load %arg10[%swap3A_466] {strides = array<i32>} : memref<10624xi32, #tpu.memory_space<vmem>>, vector<16xi32>,
    %swap3A_468 = vector.shape_cast %swap3A_467 : vector<16xi32> to vector<16xi32>
    %swap3A_469 = vector.shape_cast %mul3A_465 : vector<16xi32> to vector<16xi32>
    tpu.vector_store %arg10[%swap3A_466], %swap3A_469 {strides = array<i32>} : memref<10624xi32, #tpu.memory_space<vmem>>, vector<16xi32>,
    %add3A_470 = arith.constant 10320 : i32
    %add3A_471 = vector.broadcast %add3A_470 : i32 to vector<16xi32>
    %add3A_472 = arith.addi %add3A_471, %iota3A : vector<16xi32>
    %and3A_473 = arith.constant 63 : i32
    %and3A_474 = vector.broadcast %and3A_473 : i32 to vector<16xi32>
    %and3A_475 = arith.andi %add3A_472, %and3A_474 : vector<16xi32>
    %add3A_476 = arith.constant 5000 : i32
    %add3A_477 = vector.broadcast %add3A_476 : i32 to vector<16xi32>
    %add3A_478 = arith.addi %add3A_477, %and3A_475 : vector<16xi32>
    %swap3A_479 = arith.constant 10320 : index
    %swap3A_480 = tpu.vector_load %arg11[%swap3A_479] {strides = array<i32>} : memref<10624xi32, #tpu.memory_space<vmem>>, vector<16xi32>,
    %swap3A_481 = vector.shape_cast %swap3A_480 : vector<16xi32> to vector<16xi32>
    %swap3A_482 = vector.shape_cast %add3A_478 : vector<16xi32> to vector<16xi32>
    tpu.vector_store %arg11[%swap3A_479], %swap3A_482 {strides = array<i32>} : memref<10624xi32, #tpu.memory_space<vmem>>, vector<16xi32>,
    %add3A_483 = arith.constant 336 : i32
    %add3A_484 = vector.broadcast %add3A_483 : i32 to vector<16xi32>
    %add3A_485 = arith.addi %add3A_484, %iota3A : vector<16xi32>
    %mul3A_486 = arith.constant 2 : i32
    %mul3A_487 = vector.broadcast %mul3A_486 : i32 to vector<16xi32>
    %mul3A_488 = arith.muli %mul3A_487, %add3A_485 : vector<16xi32>
    %swap3A_489 = arith.constant 10336 : index
    %swap3A_490 = tpu.vector_load %arg10[%swap3A_489] {strides = array<i32>} : memref<10624xi32, #tpu.memory_space<vmem>>, vector<16xi32>,
    %swap3A_491 = vector.shape_cast %swap3A_490 : vector<16xi32> to vector<16xi32>
    %swap3A_492 = vector.shape_cast %mul3A_488 : vector<16xi32> to vector<16xi32>
    tpu.vector_store %arg10[%swap3A_489], %swap3A_492 {strides = array<i32>} : memref<10624xi32, #tpu.memory_space<vmem>>, vector<16xi32>,
    %add3A_493 = arith.constant 10336 : i32
    %add3A_494 = vector.broadcast %add3A_493 : i32 to vector<16xi32>
    %add3A_495 = arith.addi %add3A_494, %iota3A : vector<16xi32>
    %and3A_496 = arith.constant 63 : i32
    %and3A_497 = vector.broadcast %and3A_496 : i32 to vector<16xi32>
    %and3A_498 = arith.andi %add3A_495, %and3A_497 : vector<16xi32>
    %add3A_499 = arith.constant 5000 : i32
    %add3A_500 = vector.broadcast %add3A_499 : i32 to vector<16xi32>
    %add3A_501 = arith.addi %add3A_500, %and3A_498 : vector<16xi32>
    %swap3A_502 = arith.constant 10336 : index
    %swap3A_503 = tpu.vector_load %arg11[%swap3A_502] {strides = array<i32>} : memref<10624xi32, #tpu.memory_space<vmem>>, vector<16xi32>,
    %swap3A_504 = vector.shape_cast %swap3A_503 : vector<16xi32> to vector<16xi32>
    %swap3A_505 = vector.shape_cast %add3A_501 : vector<16xi32> to vector<16xi32>
    tpu.vector_store %arg11[%swap3A_502], %swap3A_505 {strides = array<i32>} : memref<10624xi32, #tpu.memory_space<vmem>>, vector<16xi32>,
    %add3A_506 = arith.constant 352 : i32
    %add3A_507 = vector.broadcast %add3A_506 : i32 to vector<16xi32>
    %add3A_508 = arith.addi %add3A_507, %iota3A : vector<16xi32>
    %mul3A_509 = arith.constant 2 : i32
    %mul3A_510 = vector.broadcast %mul3A_509 : i32 to vector<16xi32>
    %mul3A_511 = arith.muli %mul3A_510, %add3A_508 : vector<16xi32>
    %swap3A_512 = arith.constant 10352 : index
    %swap3A_513 = tpu.vector_load %arg10[%swap3A_512] {strides = array<i32>} : memref<10624xi32, #tpu.memory_space<vmem>>, vector<16xi32>,
    %swap3A_514 = vector.shape_cast %swap3A_513 : vector<16xi32> to vector<16xi32>
    %swap3A_515 = vector.shape_cast %mul3A_511 : vector<16xi32> to vector<16xi32>
    tpu.vector_store %arg10[%swap3A_512], %swap3A_515 {strides = array<i32>} : memref<10624xi32, #tpu.memory_space<vmem>>, vector<16xi32>,
    %add3A_516 = arith.constant 10352 : i32
    %add3A_517 = vector.broadcast %add3A_516 : i32 to vector<16xi32>
    %add3A_518 = arith.addi %add3A_517, %iota3A : vector<16xi32>
    %and3A_519 = arith.constant 63 : i32
    %and3A_520 = vector.broadcast %and3A_519 : i32 to vector<16xi32>
    %and3A_521 = arith.andi %add3A_518, %and3A_520 : vector<16xi32>
    %add3A_522 = arith.constant 5000 : i32
    %add3A_523 = vector.broadcast %add3A_522 : i32 to vector<16xi32>
    %add3A_524 = arith.addi %add3A_523, %and3A_521 : vector<16xi32>
    %swap3A_525 = arith.constant 10352 : index
    %swap3A_526 = tpu.vector_load %arg11[%swap3A_525] {strides = array<i32>} : memref<10624xi32, #tpu.memory_space<vmem>>, vector<16xi32>,
    %swap3A_527 = vector.shape_cast %swap3A_526 : vector<16xi32> to vector<16xi32>
    %swap3A_528 = vector.shape_cast %add3A_524 : vector<16xi32> to vector<16xi32>
    tpu.vector_store %arg11[%swap3A_525], %swap3A_528 {strides = array<i32>} : memref<10624xi32, #tpu.memory_space<vmem>>, vector<16xi32>,
    %add3A_529 = arith.constant 368 : i32
    %add3A_530 = vector.broadcast %add3A_529 : i32 to vector<16xi32>
    %add3A_531 = arith.addi %add3A_530, %iota3A : vector<16xi32>
    %mul3A_532 = arith.constant 2 : i32
    %mul3A_533 = vector.broadcast %mul3A_532 : i32 to vector<16xi32>
    %mul3A_534 = arith.muli %mul3A_533, %add3A_531 : vector<16xi32>
    %swap3A_535 = arith.constant 10368 : index
    %swap3A_536 = tpu.vector_load %arg10[%swap3A_535] {strides = array<i32>} : memref<10624xi32, #tpu.memory_space<vmem>>, vector<16xi32>,
    %swap3A_537 = vector.shape_cast %swap3A_536 : vector<16xi32> to vector<16xi32>
    %swap3A_538 = vector.shape_cast %mul3A_534 : vector<16xi32> to vector<16xi32>
    tpu.vector_store %arg10[%swap3A_535], %swap3A_538 {strides = array<i32>} : memref<10624xi32, #tpu.memory_space<vmem>>, vector<16xi32>,
    %add3A_539 = arith.constant 10368 : i32
    %add3A_540 = vector.broadcast %add3A_539 : i32 to vector<16xi32>
    %add3A_541 = arith.addi %add3A_540, %iota3A : vector<16xi32>
    %and3A_542 = arith.constant 63 : i32
    %and3A_543 = vector.broadcast %and3A_542 : i32 to vector<16xi32>
    %and3A_544 = arith.andi %add3A_541, %and3A_543 : vector<16xi32>
    %add3A_545 = arith.constant 5000 : i32
    %add3A_546 = vector.broadcast %add3A_545 : i32 to vector<16xi32>
    %add3A_547 = arith.addi %add3A_546, %and3A_544 : vector<16xi32>
    %swap3A_548 = arith.constant 10368 : index
    %swap3A_549 = tpu.vector_load %arg11[%swap3A_548] {strides = array<i32>} : memref<10624xi32, #tpu.memory_space<vmem>>, vector<16xi32>,
    %swap3A_550 = vector.shape_cast %swap3A_549 : vector<16xi32> to vector<16xi32>
    %swap3A_551 = vector.shape_cast %add3A_547 : vector<16xi32> to vector<16xi32>
    tpu.vector_store %arg11[%swap3A_548], %swap3A_551 {strides = array<i32>} : memref<10624xi32, #tpu.memory_space<vmem>>, vector<16xi32>,
    %add3A_552 = arith.constant 384 : i32
    %add3A_553 = vector.broadcast %add3A_552 : i32 to vector<16xi32>
    %add3A_554 = arith.addi %add3A_553, %iota3A : vector<16xi32>
    %mul3A_555 = arith.constant 2 : i32
    %mul3A_556 = vector.broadcast %mul3A_555 : i32 to vector<16xi32>
    %mul3A_557 = arith.muli %mul3A_556, %add3A_554 : vector<16xi32>
    %swap3A_558 = arith.constant 10384 : index
    %swap3A_559 = tpu.vector_load %arg10[%swap3A_558] {strides = array<i32>} : memref<10624xi32, #tpu.memory_space<vmem>>, vector<16xi32>,
    %swap3A_560 = vector.shape_cast %swap3A_559 : vector<16xi32> to vector<16xi32>
    %swap3A_561 = vector.shape_cast %mul3A_557 : vector<16xi32> to vector<16xi32>
    tpu.vector_store %arg10[%swap3A_558], %swap3A_561 {strides = array<i32>} : memref<10624xi32, #tpu.memory_space<vmem>>, vector<16xi32>,
    %add3A_562 = arith.constant 10384 : i32
    %add3A_563 = vector.broadcast %add3A_562 : i32 to vector<16xi32>
    %add3A_564 = arith.addi %add3A_563, %iota3A : vector<16xi32>
    %and3A_565 = arith.constant 63 : i32
    %and3A_566 = vector.broadcast %and3A_565 : i32 to vector<16xi32>
    %and3A_567 = arith.andi %add3A_564, %and3A_566 : vector<16xi32>
    %add3A_568 = arith.constant 5000 : i32
    %add3A_569 = vector.broadcast %add3A_568 : i32 to vector<16xi32>
    %add3A_570 = arith.addi %add3A_569, %and3A_567 : vector<16xi32>
    %swap3A_571 = arith.constant 10384 : index
    %swap3A_572 = tpu.vector_load %arg11[%swap3A_571] {strides = array<i32>} : memref<10624xi32, #tpu.memory_space<vmem>>, vector<16xi32>,
    %swap3A_573 = vector.shape_cast %swap3A_572 : vector<16xi32> to vector<16xi32>
    %swap3A_574 = vector.shape_cast %add3A_570 : vector<16xi32> to vector<16xi32>
    tpu.vector_store %arg11[%swap3A_571], %swap3A_574 {strides = array<i32>} : memref<10624xi32, #tpu.memory_space<vmem>>, vector<16xi32>,
    %add3A_575 = arith.constant 400 : i32
    %add3A_576 = vector.broadcast %add3A_575 : i32 to vector<16xi32>
    %add3A_577 = arith.addi %add3A_576, %iota3A : vector<16xi32>
    %mul3A_578 = arith.constant 2 : i32
    %mul3A_579 = vector.broadcast %mul3A_578 : i32 to vector<16xi32>
    %mul3A_580 = arith.muli %mul3A_579, %add3A_577 : vector<16xi32>
    %swap3A_581 = arith.constant 10400 : index
    %swap3A_582 = tpu.vector_load %arg10[%swap3A_581] {strides = array<i32>} : memref<10624xi32, #tpu.memory_space<vmem>>, vector<16xi32>,
    %swap3A_583 = vector.shape_cast %swap3A_582 : vector<16xi32> to vector<16xi32>
    %swap3A_584 = vector.shape_cast %mul3A_580 : vector<16xi32> to vector<16xi32>
    tpu.vector_store %arg10[%swap3A_581], %swap3A_584 {strides = array<i32>} : memref<10624xi32, #tpu.memory_space<vmem>>, vector<16xi32>,
    %add3A_585 = arith.constant 10400 : i32
    %add3A_586 = vector.broadcast %add3A_585 : i32 to vector<16xi32>
    %add3A_587 = arith.addi %add3A_586, %iota3A : vector<16xi32>
    %and3A_588 = arith.constant 63 : i32
    %and3A_589 = vector.broadcast %and3A_588 : i32 to vector<16xi32>
    %and3A_590 = arith.andi %add3A_587, %and3A_589 : vector<16xi32>
    %add3A_591 = arith.constant 5000 : i32
    %add3A_592 = vector.broadcast %add3A_591 : i32 to vector<16xi32>
    %add3A_593 = arith.addi %add3A_592, %and3A_590 : vector<16xi32>
    %swap3A_594 = arith.constant 10400 : index
    %swap3A_595 = tpu.vector_load %arg11[%swap3A_594] {strides = array<i32>} : memref<10624xi32, #tpu.memory_space<vmem>>, vector<16xi32>,
    %swap3A_596 = vector.shape_cast %swap3A_595 : vector<16xi32> to vector<16xi32>
    %swap3A_597 = vector.shape_cast %add3A_593 : vector<16xi32> to vector<16xi32>
    tpu.vector_store %arg11[%swap3A_594], %swap3A_597 {strides = array<i32>} : memref<10624xi32, #tpu.memory_space<vmem>>, vector<16xi32>,
    %add3A_598 = arith.constant 416 : i32
    %add3A_599 = vector.broadcast %add3A_598 : i32 to vector<16xi32>
    %add3A_600 = arith.addi %add3A_599, %iota3A : vector<16xi32>
    %mul3A_601 = arith.constant 2 : i32
    %mul3A_602 = vector.broadcast %mul3A_601 : i32 to vector<16xi32>
    %mul3A_603 = arith.muli %mul3A_602, %add3A_600 : vector<16xi32>
    %swap3A_604 = arith.constant 10416 : index
    %swap3A_605 = tpu.vector_load %arg10[%swap3A_604] {strides = array<i32>} : memref<10624xi32, #tpu.memory_space<vmem>>, vector<16xi32>,
    %swap3A_606 = vector.shape_cast %swap3A_605 : vector<16xi32> to vector<16xi32>
    %swap3A_607 = vector.shape_cast %mul3A_603 : vector<16xi32> to vector<16xi32>
    tpu.vector_store %arg10[%swap3A_604], %swap3A_607 {strides = array<i32>} : memref<10624xi32, #tpu.memory_space<vmem>>, vector<16xi32>,
    %add3A_608 = arith.constant 10416 : i32
    %add3A_609 = vector.broadcast %add3A_608 : i32 to vector<16xi32>
    %add3A_610 = arith.addi %add3A_609, %iota3A : vector<16xi32>
    %and3A_611 = arith.constant 63 : i32
    %and3A_612 = vector.broadcast %and3A_611 : i32 to vector<16xi32>
    %and3A_613 = arith.andi %add3A_610, %and3A_612 : vector<16xi32>
    %add3A_614 = arith.constant 5000 : i32
    %add3A_615 = vector.broadcast %add3A_614 : i32 to vector<16xi32>
    %add3A_616 = arith.addi %add3A_615, %and3A_613 : vector<16xi32>
    %swap3A_617 = arith.constant 10416 : index
    %swap3A_618 = tpu.vector_load %arg11[%swap3A_617] {strides = array<i32>} : memref<10624xi32, #tpu.memory_space<vmem>>, vector<16xi32>,
    %swap3A_619 = vector.shape_cast %swap3A_618 : vector<16xi32> to vector<16xi32>
    %swap3A_620 = vector.shape_cast %add3A_616 : vector<16xi32> to vector<16xi32>
    tpu.vector_store %arg11[%swap3A_617], %swap3A_620 {strides = array<i32>} : memref<10624xi32, #tpu.memory_space<vmem>>, vector<16xi32>,
    %add3A_621 = arith.constant 432 : i32
    %add3A_622 = vector.broadcast %add3A_621 : i32 to vector<16xi32>
    %add3A_623 = arith.addi %add3A_622, %iota3A : vector<16xi32>
    %mul3A_624 = arith.constant 2 : i32
    %mul3A_625 = vector.broadcast %mul3A_624 : i32 to vector<16xi32>
    %mul3A_626 = arith.muli %mul3A_625, %add3A_623 : vector<16xi32>
    %swap3A_627 = arith.constant 10432 : index
    %swap3A_628 = tpu.vector_load %arg10[%swap3A_627] {strides = array<i32>} : memref<10624xi32, #tpu.memory_space<vmem>>, vector<16xi32>,
    %swap3A_629 = vector.shape_cast %swap3A_628 : vector<16xi32> to vector<16xi32>
    %swap3A_630 = vector.shape_cast %mul3A_626 : vector<16xi32> to vector<16xi32>
    tpu.vector_store %arg10[%swap3A_627], %swap3A_630 {strides = array<i32>} : memref<10624xi32, #tpu.memory_space<vmem>>, vector<16xi32>,
    %add3A_631 = arith.constant 10432 : i32
    %add3A_632 = vector.broadcast %add3A_631 : i32 to vector<16xi32>
    %add3A_633 = arith.addi %add3A_632, %iota3A : vector<16xi32>
    %and3A_634 = arith.constant 63 : i32
    %and3A_635 = vector.broadcast %and3A_634 : i32 to vector<16xi32>
    %and3A_636 = arith.andi %add3A_633, %and3A_635 : vector<16xi32>
    %add3A_637 = arith.constant 5000 : i32
    %add3A_638 = vector.broadcast %add3A_637 : i32 to vector<16xi32>
    %add3A_639 = arith.addi %add3A_638, %and3A_636 : vector<16xi32>
    %swap3A_640 = arith.constant 10432 : index
    %swap3A_641 = tpu.vector_load %arg11[%swap3A_640] {strides = array<i32>} : memref<10624xi32, #tpu.memory_space<vmem>>, vector<16xi32>,
    %swap3A_642 = vector.shape_cast %swap3A_641 : vector<16xi32> to vector<16xi32>
    %swap3A_643 = vector.shape_cast %add3A_639 : vector<16xi32> to vector<16xi32>
    tpu.vector_store %arg11[%swap3A_640], %swap3A_643 {strides = array<i32>} : memref<10624xi32, #tpu.memory_space<vmem>>, vector<16xi32>,
    %add3A_644 = arith.constant 448 : i32
    %add3A_645 = vector.broadcast %add3A_644 : i32 to vector<16xi32>
    %add3A_646 = arith.addi %add3A_645, %iota3A : vector<16xi32>
    %mul3A_647 = arith.constant 2 : i32
    %mul3A_648 = vector.broadcast %mul3A_647 : i32 to vector<16xi32>
    %mul3A_649 = arith.muli %mul3A_648, %add3A_646 : vector<16xi32>
    %swap3A_650 = arith.constant 10448 : index
    %swap3A_651 = tpu.vector_load %arg10[%swap3A_650] {strides = array<i32>} : memref<10624xi32, #tpu.memory_space<vmem>>, vector<16xi32>,
    %swap3A_652 = vector.shape_cast %swap3A_651 : vector<16xi32> to vector<16xi32>
    %swap3A_653 = vector.shape_cast %mul3A_649 : vector<16xi32> to vector<16xi32>
    tpu.vector_store %arg10[%swap3A_650], %swap3A_653 {strides = array<i32>} : memref<10624xi32, #tpu.memory_space<vmem>>, vector<16xi32>,
    %add3A_654 = arith.constant 10448 : i32
    %add3A_655 = vector.broadcast %add3A_654 : i32 to vector<16xi32>
    %add3A_656 = arith.addi %add3A_655, %iota3A : vector<16xi32>
    %and3A_657 = arith.constant 63 : i32
    %and3A_658 = vector.broadcast %and3A_657 : i32 to vector<16xi32>
    %and3A_659 = arith.andi %add3A_656, %and3A_658 : vector<16xi32>
    %add3A_660 = arith.constant 5000 : i32
    %add3A_661 = vector.broadcast %add3A_660 : i32 to vector<16xi32>
    %add3A_662 = arith.addi %add3A_661, %and3A_659 : vector<16xi32>
    %swap3A_663 = arith.constant 10448 : index
    %swap3A_664 = tpu.vector_load %arg11[%swap3A_663] {strides = array<i32>} : memref<10624xi32, #tpu.memory_space<vmem>>, vector<16xi32>,
    %swap3A_665 = vector.shape_cast %swap3A_664 : vector<16xi32> to vector<16xi32>
    %swap3A_666 = vector.shape_cast %add3A_662 : vector<16xi32> to vector<16xi32>
    tpu.vector_store %arg11[%swap3A_663], %swap3A_666 {strides = array<i32>} : memref<10624xi32, #tpu.memory_space<vmem>>, vector<16xi32>,
    %add3A_667 = arith.constant 464 : i32
    %add3A_668 = vector.broadcast %add3A_667 : i32 to vector<16xi32>
    %add3A_669 = arith.addi %add3A_668, %iota3A : vector<16xi32>
    %mul3A_670 = arith.constant 2 : i32
    %mul3A_671 = vector.broadcast %mul3A_670 : i32 to vector<16xi32>
    %mul3A_672 = arith.muli %mul3A_671, %add3A_669 : vector<16xi32>
    %swap3A_673 = arith.constant 10464 : index
    %swap3A_674 = tpu.vector_load %arg10[%swap3A_673] {strides = array<i32>} : memref<10624xi32, #tpu.memory_space<vmem>>, vector<16xi32>,
    %swap3A_675 = vector.shape_cast %swap3A_674 : vector<16xi32> to vector<16xi32>
    %swap3A_676 = vector.shape_cast %mul3A_672 : vector<16xi32> to vector<16xi32>
    tpu.vector_store %arg10[%swap3A_673], %swap3A_676 {strides = array<i32>} : memref<10624xi32, #tpu.memory_space<vmem>>, vector<16xi32>,
    %add3A_677 = arith.constant 10464 : i32
    %add3A_678 = vector.broadcast %add3A_677 : i32 to vector<16xi32>
    %add3A_679 = arith.addi %add3A_678, %iota3A : vector<16xi32>
    %and3A_680 = arith.constant 63 : i32
    %and3A_681 = vector.broadcast %and3A_680 : i32 to vector<16xi32>
    %and3A_682 = arith.andi %add3A_679, %and3A_681 : vector<16xi32>
    %add3A_683 = arith.constant 5000 : i32
    %add3A_684 = vector.broadcast %add3A_683 : i32 to vector<16xi32>
    %add3A_685 = arith.addi %add3A_684, %and3A_682 : vector<16xi32>
    %swap3A_686 = arith.constant 10464 : index
    %swap3A_687 = tpu.vector_load %arg11[%swap3A_686] {strides = array<i32>} : memref<10624xi32, #tpu.memory_space<vmem>>, vector<16xi32>,
    %swap3A_688 = vector.shape_cast %swap3A_687 : vector<16xi32> to vector<16xi32>
    %swap3A_689 = vector.shape_cast %add3A_685 : vector<16xi32> to vector<16xi32>
    tpu.vector_store %arg11[%swap3A_686], %swap3A_689 {strides = array<i32>} : memref<10624xi32, #tpu.memory_space<vmem>>, vector<16xi32>,
    %add3A_690 = arith.constant 480 : i32
    %add3A_691 = vector.broadcast %add3A_690 : i32 to vector<16xi32>
    %add3A_692 = arith.addi %add3A_691, %iota3A : vector<16xi32>
    %mul3A_693 = arith.constant 2 : i32
    %mul3A_694 = vector.broadcast %mul3A_693 : i32 to vector<16xi32>
    %mul3A_695 = arith.muli %mul3A_694, %add3A_692 : vector<16xi32>
    %swap3A_696 = arith.constant 10480 : index
    %swap3A_697 = tpu.vector_load %arg10[%swap3A_696] {strides = array<i32>} : memref<10624xi32, #tpu.memory_space<vmem>>, vector<16xi32>,
    %swap3A_698 = vector.shape_cast %swap3A_697 : vector<16xi32> to vector<16xi32>
    %swap3A_699 = vector.shape_cast %mul3A_695 : vector<16xi32> to vector<16xi32>
    tpu.vector_store %arg10[%swap3A_696], %swap3A_699 {strides = array<i32>} : memref<10624xi32, #tpu.memory_space<vmem>>, vector<16xi32>,
    %add3A_700 = arith.constant 10480 : i32
    %add3A_701 = vector.broadcast %add3A_700 : i32 to vector<16xi32>
    %add3A_702 = arith.addi %add3A_701, %iota3A : vector<16xi32>
    %and3A_703 = arith.constant 63 : i32
    %and3A_704 = vector.broadcast %and3A_703 : i32 to vector<16xi32>
    %and3A_705 = arith.andi %add3A_702, %and3A_704 : vector<16xi32>
    %add3A_706 = arith.constant 5000 : i32
    %add3A_707 = vector.broadcast %add3A_706 : i32 to vector<16xi32>
    %add3A_708 = arith.addi %add3A_707, %and3A_705 : vector<16xi32>
    %swap3A_709 = arith.constant 10480 : index
    %swap3A_710 = tpu.vector_load %arg11[%swap3A_709] {strides = array<i32>} : memref<10624xi32, #tpu.memory_space<vmem>>, vector<16xi32>,
    %swap3A_711 = vector.shape_cast %swap3A_710 : vector<16xi32> to vector<16xi32>
    %swap3A_712 = vector.shape_cast %add3A_708 : vector<16xi32> to vector<16xi32>
    tpu.vector_store %arg11[%swap3A_709], %swap3A_712 {strides = array<i32>} : memref<10624xi32, #tpu.memory_space<vmem>>, vector<16xi32>,
    %add3A_713 = arith.constant 496 : i32
    %add3A_714 = vector.broadcast %add3A_713 : i32 to vector<16xi32>
    %add3A_715 = arith.addi %add3A_714, %iota3A : vector<16xi32>
    %mul3A_716 = arith.constant 2 : i32
    %mul3A_717 = vector.broadcast %mul3A_716 : i32 to vector<16xi32>
    %mul3A_718 = arith.muli %mul3A_717, %add3A_715 : vector<16xi32>
    %swap3A_719 = arith.constant 10496 : index
    %swap3A_720 = tpu.vector_load %arg10[%swap3A_719] {strides = array<i32>} : memref<10624xi32, #tpu.memory_space<vmem>>, vector<16xi32>,
    %swap3A_721 = vector.shape_cast %swap3A_720 : vector<16xi32> to vector<16xi32>
    %swap3A_722 = vector.shape_cast %mul3A_718 : vector<16xi32> to vector<16xi32>
    tpu.vector_store %arg10[%swap3A_719], %swap3A_722 {strides = array<i32>} : memref<10624xi32, #tpu.memory_space<vmem>>, vector<16xi32>,
    %add3A_723 = arith.constant 10496 : i32
    %add3A_724 = vector.broadcast %add3A_723 : i32 to vector<16xi32>
    %add3A_725 = arith.addi %add3A_724, %iota3A : vector<16xi32>
    %and3A_726 = arith.constant 63 : i32
    %and3A_727 = vector.broadcast %and3A_726 : i32 to vector<16xi32>
    %and3A_728 = arith.andi %add3A_725, %and3A_727 : vector<16xi32>
    %add3A_729 = arith.constant 5000 : i32
    %add3A_730 = vector.broadcast %add3A_729 : i32 to vector<16xi32>
    %add3A_731 = arith.addi %add3A_730, %and3A_728 : vector<16xi32>
    %swap3A_732 = arith.constant 10496 : index
    %swap3A_733 = tpu.vector_load %arg11[%swap3A_732] {strides = array<i32>} : memref<10624xi32, #tpu.memory_space<vmem>>, vector<16xi32>,
    %swap3A_734 = vector.shape_cast %swap3A_733 : vector<16xi32> to vector<16xi32>
    %swap3A_735 = vector.shape_cast %add3A_731 : vector<16xi32> to vector<16xi32>
    tpu.vector_store %arg11[%swap3A_732], %swap3A_735 {strides = array<i32>} : memref<10624xi32, #tpu.memory_space<vmem>>, vector<16xi32>,
    %add3A_736 = arith.constant 512 : i32
    %add3A_737 = vector.broadcast %add3A_736 : i32 to vector<16xi32>
    %add3A_738 = arith.addi %add3A_737, %iota3A : vector<16xi32>
    %mul3A_739 = arith.constant 2 : i32
    %mul3A_740 = vector.broadcast %mul3A_739 : i32 to vector<16xi32>
    %mul3A_741 = arith.muli %mul3A_740, %add3A_738 : vector<16xi32>
    %swap3A_742 = arith.constant 10512 : index
    %swap3A_743 = tpu.vector_load %arg10[%swap3A_742] {strides = array<i32>} : memref<10624xi32, #tpu.memory_space<vmem>>, vector<16xi32>,
    %swap3A_744 = vector.shape_cast %swap3A_743 : vector<16xi32> to vector<16xi32>
    %swap3A_745 = vector.shape_cast %mul3A_741 : vector<16xi32> to vector<16xi32>
    tpu.vector_store %arg10[%swap3A_742], %swap3A_745 {strides = array<i32>} : memref<10624xi32, #tpu.memory_space<vmem>>, vector<16xi32>,
    %add3A_746 = arith.constant 10512 : i32
    %add3A_747 = vector.broadcast %add3A_746 : i32 to vector<16xi32>
    %add3A_748 = arith.addi %add3A_747, %iota3A : vector<16xi32>
    %and3A_749 = arith.constant 63 : i32
    %and3A_750 = vector.broadcast %and3A_749 : i32 to vector<16xi32>
    %and3A_751 = arith.andi %add3A_748, %and3A_750 : vector<16xi32>
    %add3A_752 = arith.constant 5000 : i32
    %add3A_753 = vector.broadcast %add3A_752 : i32 to vector<16xi32>
    %add3A_754 = arith.addi %add3A_753, %and3A_751 : vector<16xi32>
    %swap3A_755 = arith.constant 10512 : index
    %swap3A_756 = tpu.vector_load %arg11[%swap3A_755] {strides = array<i32>} : memref<10624xi32, #tpu.memory_space<vmem>>, vector<16xi32>,
    %swap3A_757 = vector.shape_cast %swap3A_756 : vector<16xi32> to vector<16xi32>
    %swap3A_758 = vector.shape_cast %add3A_754 : vector<16xi32> to vector<16xi32>
    tpu.vector_store %arg11[%swap3A_755], %swap3A_758 {strides = array<i32>} : memref<10624xi32, #tpu.memory_space<vmem>>, vector<16xi32>,
    %add3A_759 = arith.constant 528 : i32
    %add3A_760 = vector.broadcast %add3A_759 : i32 to vector<16xi32>
    %add3A_761 = arith.addi %add3A_760, %iota3A : vector<16xi32>
    %mul3A_762 = arith.constant 2 : i32
    %mul3A_763 = vector.broadcast %mul3A_762 : i32 to vector<16xi32>
    %mul3A_764 = arith.muli %mul3A_763, %add3A_761 : vector<16xi32>
    %swap3A_765 = arith.constant 10528 : index
    %swap3A_766 = tpu.vector_load %arg10[%swap3A_765] {strides = array<i32>} : memref<10624xi32, #tpu.memory_space<vmem>>, vector<16xi32>,
    %swap3A_767 = vector.shape_cast %swap3A_766 : vector<16xi32> to vector<16xi32>
    %swap3A_768 = vector.shape_cast %mul3A_764 : vector<16xi32> to vector<16xi32>
    tpu.vector_store %arg10[%swap3A_765], %swap3A_768 {strides = array<i32>} : memref<10624xi32, #tpu.memory_space<vmem>>, vector<16xi32>,
    %add3A_769 = arith.constant 10528 : i32
    %add3A_770 = vector.broadcast %add3A_769 : i32 to vector<16xi32>
    %add3A_771 = arith.addi %add3A_770, %iota3A : vector<16xi32>
    %and3A_772 = arith.constant 63 : i32
    %and3A_773 = vector.broadcast %and3A_772 : i32 to vector<16xi32>
    %and3A_774 = arith.andi %add3A_771, %and3A_773 : vector<16xi32>
    %add3A_775 = arith.constant 5000 : i32
    %add3A_776 = vector.broadcast %add3A_775 : i32 to vector<16xi32>
    %add3A_777 = arith.addi %add3A_776, %and3A_774 : vector<16xi32>
    %swap3A_778 = arith.constant 10528 : index
    %swap3A_779 = tpu.vector_load %arg11[%swap3A_778] {strides = array<i32>} : memref<10624xi32, #tpu.memory_space<vmem>>, vector<16xi32>,
    %swap3A_780 = vector.shape_cast %swap3A_779 : vector<16xi32> to vector<16xi32>
    %swap3A_781 = vector.shape_cast %add3A_777 : vector<16xi32> to vector<16xi32>
    tpu.vector_store %arg11[%swap3A_778], %swap3A_781 {strides = array<i32>} : memref<10624xi32, #tpu.memory_space<vmem>>, vector<16xi32>,
    %add3A_782 = arith.constant 544 : i32
    %add3A_783 = vector.broadcast %add3A_782 : i32 to vector<16xi32>
    %add3A_784 = arith.addi %add3A_783, %iota3A : vector<16xi32>
    %mul3A_785 = arith.constant 2 : i32
    %mul3A_786 = vector.broadcast %mul3A_785 : i32 to vector<16xi32>
    %mul3A_787 = arith.muli %mul3A_786, %add3A_784 : vector<16xi32>
    %swap3A_788 = arith.constant 10544 : index
    %swap3A_789 = tpu.vector_load %arg10[%swap3A_788] {strides = array<i32>} : memref<10624xi32, #tpu.memory_space<vmem>>, vector<16xi32>,
    %swap3A_790 = vector.shape_cast %swap3A_789 : vector<16xi32> to vector<16xi32>
    %swap3A_791 = vector.shape_cast %mul3A_787 : vector<16xi32> to vector<16xi32>
    tpu.vector_store %arg10[%swap3A_788], %swap3A_791 {strides = array<i32>} : memref<10624xi32, #tpu.memory_space<vmem>>, vector<16xi32>,
    %add3A_792 = arith.constant 10544 : i32
    %add3A_793 = vector.broadcast %add3A_792 : i32 to vector<16xi32>
    %add3A_794 = arith.addi %add3A_793, %iota3A : vector<16xi32>
    %and3A_795 = arith.constant 63 : i32
    %and3A_796 = vector.broadcast %and3A_795 : i32 to vector<16xi32>
    %and3A_797 = arith.andi %add3A_794, %and3A_796 : vector<16xi32>
    %add3A_798 = arith.constant 5000 : i32
    %add3A_799 = vector.broadcast %add3A_798 : i32 to vector<16xi32>
    %add3A_800 = arith.addi %add3A_799, %and3A_797 : vector<16xi32>
    %swap3A_801 = arith.constant 10544 : index
    %swap3A_802 = tpu.vector_load %arg11[%swap3A_801] {strides = array<i32>} : memref<10624xi32, #tpu.memory_space<vmem>>, vector<16xi32>,
    %swap3A_803 = vector.shape_cast %swap3A_802 : vector<16xi32> to vector<16xi32>
    %swap3A_804 = vector.shape_cast %add3A_800 : vector<16xi32> to vector<16xi32>
    tpu.vector_store %arg11[%swap3A_801], %swap3A_804 {strides = array<i32>} : memref<10624xi32, #tpu.memory_space<vmem>>, vector<16xi32>,
    %add3A_805 = arith.constant 560 : i32
    %add3A_806 = vector.broadcast %add3A_805 : i32 to vector<16xi32>
    %add3A_807 = arith.addi %add3A_806, %iota3A : vector<16xi32>
    %mul3A_808 = arith.constant 2 : i32
    %mul3A_809 = vector.broadcast %mul3A_808 : i32 to vector<16xi32>
    %mul3A_810 = arith.muli %mul3A_809, %add3A_807 : vector<16xi32>
    %swap3A_811 = arith.constant 10560 : index
    %swap3A_812 = tpu.vector_load %arg10[%swap3A_811] {strides = array<i32>} : memref<10624xi32, #tpu.memory_space<vmem>>, vector<16xi32>,
    %swap3A_813 = vector.shape_cast %swap3A_812 : vector<16xi32> to vector<16xi32>
    %swap3A_814 = vector.shape_cast %mul3A_810 : vector<16xi32> to vector<16xi32>
    tpu.vector_store %arg10[%swap3A_811], %swap3A_814 {strides = array<i32>} : memref<10624xi32, #tpu.memory_space<vmem>>, vector<16xi32>,
    %add3A_815 = arith.constant 10560 : i32
    %add3A_816 = vector.broadcast %add3A_815 : i32 to vector<16xi32>
    %add3A_817 = arith.addi %add3A_816, %iota3A : vector<16xi32>
    %and3A_818 = arith.constant 63 : i32
    %and3A_819 = vector.broadcast %and3A_818 : i32 to vector<16xi32>
    %and3A_820 = arith.andi %add3A_817, %and3A_819 : vector<16xi32>
    %add3A_821 = arith.constant 5000 : i32
    %add3A_822 = vector.broadcast %add3A_821 : i32 to vector<16xi32>
    %add3A_823 = arith.addi %add3A_822, %and3A_820 : vector<16xi32>
    %swap3A_824 = arith.constant 10560 : index
    %swap3A_825 = tpu.vector_load %arg11[%swap3A_824] {strides = array<i32>} : memref<10624xi32, #tpu.memory_space<vmem>>, vector<16xi32>,
    %swap3A_826 = vector.shape_cast %swap3A_825 : vector<16xi32> to vector<16xi32>
    %swap3A_827 = vector.shape_cast %add3A_823 : vector<16xi32> to vector<16xi32>
    tpu.vector_store %arg11[%swap3A_824], %swap3A_827 {strides = array<i32>} : memref<10624xi32, #tpu.memory_space<vmem>>, vector<16xi32>,
    %add3A_828 = arith.constant 576 : i32
    %add3A_829 = vector.broadcast %add3A_828 : i32 to vector<16xi32>
    %add3A_830 = arith.addi %add3A_829, %iota3A : vector<16xi32>
    %mul3A_831 = arith.constant 2 : i32
    %mul3A_832 = vector.broadcast %mul3A_831 : i32 to vector<16xi32>
    %mul3A_833 = arith.muli %mul3A_832, %add3A_830 : vector<16xi32>
    %swap3A_834 = arith.constant 10576 : index
    %swap3A_835 = tpu.vector_load %arg10[%swap3A_834] {strides = array<i32>} : memref<10624xi32, #tpu.memory_space<vmem>>, vector<16xi32>,
    %swap3A_836 = vector.shape_cast %swap3A_835 : vector<16xi32> to vector<16xi32>
    %swap3A_837 = vector.shape_cast %mul3A_833 : vector<16xi32> to vector<16xi32>
    tpu.vector_store %arg10[%swap3A_834], %swap3A_837 {strides = array<i32>} : memref<10624xi32, #tpu.memory_space<vmem>>, vector<16xi32>,
    %add3A_838 = arith.constant 10576 : i32
    %add3A_839 = vector.broadcast %add3A_838 : i32 to vector<16xi32>
    %add3A_840 = arith.addi %add3A_839, %iota3A : vector<16xi32>
    %and3A_841 = arith.constant 63 : i32
    %and3A_842 = vector.broadcast %and3A_841 : i32 to vector<16xi32>
    %and3A_843 = arith.andi %add3A_840, %and3A_842 : vector<16xi32>
    %add3A_844 = arith.constant 5000 : i32
    %add3A_845 = vector.broadcast %add3A_844 : i32 to vector<16xi32>
    %add3A_846 = arith.addi %add3A_845, %and3A_843 : vector<16xi32>
    %swap3A_847 = arith.constant 10576 : index
    %swap3A_848 = tpu.vector_load %arg11[%swap3A_847] {strides = array<i32>} : memref<10624xi32, #tpu.memory_space<vmem>>, vector<16xi32>,
    %swap3A_849 = vector.shape_cast %swap3A_848 : vector<16xi32> to vector<16xi32>
    %swap3A_850 = vector.shape_cast %add3A_846 : vector<16xi32> to vector<16xi32>
    tpu.vector_store %arg11[%swap3A_847], %swap3A_850 {strides = array<i32>} : memref<10624xi32, #tpu.memory_space<vmem>>, vector<16xi32>,
    %add3A_851 = arith.constant 592 : i32
    %add3A_852 = vector.broadcast %add3A_851 : i32 to vector<16xi32>
    %add3A_853 = arith.addi %add3A_852, %iota3A : vector<16xi32>
    %mul3A_854 = arith.constant 2 : i32
    %mul3A_855 = vector.broadcast %mul3A_854 : i32 to vector<16xi32>
    %mul3A_856 = arith.muli %mul3A_855, %add3A_853 : vector<16xi32>
    %swap3A_857 = arith.constant 10592 : index
    %swap3A_858 = tpu.vector_load %arg10[%swap3A_857] {strides = array<i32>} : memref<10624xi32, #tpu.memory_space<vmem>>, vector<16xi32>,
    %swap3A_859 = vector.shape_cast %swap3A_858 : vector<16xi32> to vector<16xi32>
    %swap3A_860 = vector.shape_cast %mul3A_856 : vector<16xi32> to vector<16xi32>
    tpu.vector_store %arg10[%swap3A_857], %swap3A_860 {strides = array<i32>} : memref<10624xi32, #tpu.memory_space<vmem>>, vector<16xi32>,
    %add3A_861 = arith.constant 10592 : i32
    %add3A_862 = vector.broadcast %add3A_861 : i32 to vector<16xi32>
    %add3A_863 = arith.addi %add3A_862, %iota3A : vector<16xi32>
    %and3A_864 = arith.constant 63 : i32
    %and3A_865 = vector.broadcast %and3A_864 : i32 to vector<16xi32>
    %and3A_866 = arith.andi %add3A_863, %and3A_865 : vector<16xi32>
    %add3A_867 = arith.constant 5000 : i32
    %add3A_868 = vector.broadcast %add3A_867 : i32 to vector<16xi32>
    %add3A_869 = arith.addi %add3A_868, %and3A_866 : vector<16xi32>
    %swap3A_870 = arith.constant 10592 : index
    %swap3A_871 = tpu.vector_load %arg11[%swap3A_870] {strides = array<i32>} : memref<10624xi32, #tpu.memory_space<vmem>>, vector<16xi32>,
    %swap3A_872 = vector.shape_cast %swap3A_871 : vector<16xi32> to vector<16xi32>
    %swap3A_873 = vector.shape_cast %add3A_869 : vector<16xi32> to vector<16xi32>
    tpu.vector_store %arg11[%swap3A_870], %swap3A_873 {strides = array<i32>} : memref<10624xi32, #tpu.memory_space<vmem>>, vector<16xi32>,
    %add3A_874 = arith.constant 608 : i32
    %add3A_875 = vector.broadcast %add3A_874 : i32 to vector<16xi32>
    %add3A_876 = arith.addi %add3A_875, %iota3A : vector<16xi32>
    %mul3A_877 = arith.constant 2 : i32
    %mul3A_878 = vector.broadcast %mul3A_877 : i32 to vector<16xi32>
    %mul3A_879 = arith.muli %mul3A_878, %add3A_876 : vector<16xi32>
    %swap3A_880 = arith.constant 10608 : index
    %swap3A_881 = tpu.vector_load %arg10[%swap3A_880] {strides = array<i32>} : memref<10624xi32, #tpu.memory_space<vmem>>, vector<16xi32>,
    %swap3A_882 = vector.shape_cast %swap3A_881 : vector<16xi32> to vector<16xi32>
    %swap3A_883 = vector.shape_cast %mul3A_879 : vector<16xi32> to vector<16xi32>
    tpu.vector_store %arg10[%swap3A_880], %swap3A_883 {strides = array<i32>} : memref<10624xi32, #tpu.memory_space<vmem>>, vector<16xi32>,
    %add3A_884 = arith.constant 10608 : i32
    %add3A_885 = vector.broadcast %add3A_884 : i32 to vector<16xi32>
    %add3A_886 = arith.addi %add3A_885, %iota3A : vector<16xi32>
    %and3A_887 = arith.constant 63 : i32
    %and3A_888 = vector.broadcast %and3A_887 : i32 to vector<16xi32>
    %and3A_889 = arith.andi %add3A_886, %and3A_888 : vector<16xi32>
    %add3A_890 = arith.constant 5000 : i32
    %add3A_891 = vector.broadcast %add3A_890 : i32 to vector<16xi32>
    %add3A_892 = arith.addi %add3A_891, %and3A_889 : vector<16xi32>
    %swap3A_893 = arith.constant 10608 : index
    %swap3A_894 = tpu.vector_load %arg11[%swap3A_893] {strides = array<i32>} : memref<10624xi32, #tpu.memory_space<vmem>>, vector<16xi32>,
    %swap3A_895 = vector.shape_cast %swap3A_894 : vector<16xi32> to vector<16xi32>
    %swap3A_896 = vector.shape_cast %add3A_892 : vector<16xi32> to vector<16xi32>
    tpu.vector_store %arg11[%swap3A_893], %swap3A_896 {strides = array<i32>} : memref<10624xi32, #tpu.memory_space<vmem>>, vector<16xi32>,
    %mul3A_897 = arith.constant 5000 : i32
    %mul3A_898 = arith.muli %arg0, %mul3A_897 : i32
    %scan3A = arith.constant 0 : i32
    %scan3A_899 = arith.constant 0 : i32
    %scan3A_900 = arith.constant 625 : i32
    %scan3A_901 = arith.addi %scan3A_899, %scan3A_900 : i32
    %scan3A_902 = arith.constant 1 : i32
    scf.for %scan3A_2047 = %scan3A_899 to %scan3A_901 step %scan3A_902  : i32 {
      %mul3A_2048 = arith.constant 16 : i32
      %mul3A_2049 = arith.muli %scan3A_2047, %mul3A_2048 : i32
      %get3A_2050 = arith.index_cast %mul3A_2049 : i32 to index
      %get3A_2051 = tpu.vector_load %arg10[%get3A_2050] {strides = array<i32>} : memref<10624xi32, #tpu.memory_space<vmem>>, vector<16xi32>,
      %get3A_2052 = vector.shape_cast %get3A_2051 : vector<16xi32> to vector<16xi32>
      %mul3A_2053 = arith.constant 16 : i32
      %mul3A_2054 = arith.muli %scan3A_2047, %mul3A_2053 : i32
      %get3A_2055 = arith.index_cast %mul3A_2054 : i32 to index
      %get3A_2056 = tpu.vector_load %arg11[%get3A_2055] {strides = array<i32>} : memref<10624xi32, #tpu.memory_space<vmem>>, vector<16xi32>,
      %get3A_2057 = vector.shape_cast %get3A_2056 : vector<16xi32> to vector<16xi32>
      %sub3A = vector.broadcast %mul3A_898 : i32 to vector<16xi32>
      %sub3A_2058 = arith.subi %get3A_2057, %sub3A : vector<16xi32>
      %ge3A = arith.constant 0 : i32
      %ge3A_2059 = vector.broadcast %ge3A : i32 to vector<16xi32>
      %ge3A_2060 = arith.cmpi sge, %sub3A_2058, %ge3A_2059 : vector<16xi32>
      %lt3A = arith.constant 5000 : i32
      %lt3A_2061 = vector.broadcast %lt3A : i32 to vector<16xi32>
      %lt3A_2062 = arith.cmpi slt, %sub3A_2058, %lt3A_2061 : vector<16xi32>
      %and3A_2063 = arith.andi %ge3A_2060, %lt3A_2062 : vector<16xi1>
      %mul3A_2064 = arith.constant 2 : i32
      %mul3A_2065 = vector.broadcast %mul3A_2064 : i32 to vector<16xi32>
      %mul3A_2066 = arith.muli %get3A_2052, %mul3A_2065 : vector<16xi32>
      %mul3A_2067 = arith.constant 16 : i32
      %mul3A_2068 = arith.muli %scan3A_2047, %mul3A_2067 : i32
      %swap3A_2069 = arith.index_cast %mul3A_2068 : i32 to index
      %swap3A_2070 = tpu.vector_load %arg10[%swap3A_2069] {strides = array<i32>} : memref<10624xi32, #tpu.memory_space<vmem>>, vector<16xi32>,
      %swap3A_2071 = vector.shape_cast %swap3A_2070 : vector<16xi32> to vector<16xi32>
      %swap3A_2072 = vector.shape_cast %mul3A_2066 : vector<16xi32> to vector<16xi32>
      tpu.vector_store %arg10[%swap3A_2069], %swap3A_2072 {strides = array<i32>} : memref<10624xi32, #tpu.memory_space<vmem>>, vector<16xi32>,
      %and3A_2073 = arith.constant 63 : i32
      %and3A_2074 = vector.broadcast %and3A_2073 : i32 to vector<16xi32>
      %and3A_2075 = arith.andi %get3A_2057, %and3A_2074 : vector<16xi32>
      %add3A_2076 = arith.constant 5000 : i32
      %add3A_2077 = vector.broadcast %add3A_2076 : i32 to vector<16xi32>
      %add3A_2078 = arith.addi %add3A_2077, %and3A_2075 : vector<16xi32>
      %select_n3A_2079 = arith.select %and3A_2063, %sub3A_2058, %add3A_2078 : vector<16xi1>, vector<16xi32>
      %mul3A_2080 = arith.constant 16 : i32
      %mul3A_2081 = arith.muli %scan3A_2047, %mul3A_2080 : i32
      %swap3A_2082 = arith.index_cast %mul3A_2081 : i32 to index
      %swap3A_2083 = tpu.vector_load %arg11[%swap3A_2082] {strides = array<i32>} : memref<10624xi32, #tpu.memory_space<vmem>>, vector<16xi32>,
      %swap3A_2084 = vector.shape_cast %swap3A_2083 : vector<16xi32> to vector<16xi32>
      %swap3A_2085 = vector.shape_cast %select_n3A_2079 : vector<16xi32> to vector<16xi32>
      tpu.vector_store %arg11[%swap3A_2082], %swap3A_2085 {strides = array<i32>} : memref<10624xi32, #tpu.memory_space<vmem>>, vector<16xi32>,
    }
    %scan3A_903 = arith.constant 625 : i32
    %barrier3A = arith.constant 0 : index
    tpu.barrier barrier_id(%barrier3A)
    %eq3A = arith.constant 15 : i32
    %eq3A_904 = arith.cmpi eq, %arg1, %eq3A : i32
    %jit3A = arith.constant 4680 : i32
    %select_n3A = arith.select %eq3A_904, %jit3A, %mul3A_2 : i32
    %mul3A_905 = arith.constant 5000 : i32
    %mul3A_906 = arith.muli %arg0, %mul3A_905 : i32
    %add3A_907 = arith.addi %mul3A_906, %select_n3A : i32
    %get3A = arith.constant 10496 : index
    %get3A_908 = tpu.vector_load %arg11[%get3A] {strides = array<i32>} : memref<10624xi32, #tpu.memory_space<vmem>>, vector<16xi32>,
    %get3A_909 = vector.shape_cast %get3A_908 : vector<16xi32> to vector<16xi32>
    %add3A_910 = arith.constant 0 : i32
    %add3A_911 = vector.broadcast %add3A_910 : i32 to vector<16xi32>
    %add3A_912 = arith.addi %get3A_909, %add3A_911 : vector<16xi32>
    %swap3A_913 = arith.constant 0 : index
    %swap3A_914 = tpu.vector_load %arg17[%swap3A_913] {strides = array<i32>} : memref<128xi32, #tpu.memory_space<vmem>>, vector<16xi32>,
    %swap3A_915 = vector.shape_cast %swap3A_914 : vector<16xi32> to vector<16xi32>
    %swap3A_916 = vector.shape_cast %add3A_912 : vector<16xi32> to vector<16xi32>
    tpu.vector_store %arg17[%swap3A_913], %swap3A_916 {strides = array<i32>} : memref<128xi32, #tpu.memory_space<vmem>>, vector<16xi32>,
    %get3A_917 = arith.constant 10512 : index
    %get3A_918 = tpu.vector_load %arg11[%get3A_917] {strides = array<i32>} : memref<10624xi32, #tpu.memory_space<vmem>>, vector<16xi32>,
    %get3A_919 = vector.shape_cast %get3A_918 : vector<16xi32> to vector<16xi32>
    %add3A_920 = arith.constant 0 : i32
    %add3A_921 = vector.broadcast %add3A_920 : i32 to vector<16xi32>
    %add3A_922 = arith.addi %get3A_919, %add3A_921 : vector<16xi32>
    %swap3A_923 = arith.constant 16 : index
    %swap3A_924 = tpu.vector_load %arg17[%swap3A_923] {strides = array<i32>} : memref<128xi32, #tpu.memory_space<vmem>>, vector<16xi32>,
    %swap3A_925 = vector.shape_cast %swap3A_924 : vector<16xi32> to vector<16xi32>
    %swap3A_926 = vector.shape_cast %add3A_922 : vector<16xi32> to vector<16xi32>
    tpu.vector_store %arg17[%swap3A_923], %swap3A_926 {strides = array<i32>} : memref<128xi32, #tpu.memory_space<vmem>>, vector<16xi32>,
    %get3A_927 = arith.constant 10528 : index
    %get3A_928 = tpu.vector_load %arg11[%get3A_927] {strides = array<i32>} : memref<10624xi32, #tpu.memory_space<vmem>>, vector<16xi32>,
    %get3A_929 = vector.shape_cast %get3A_928 : vector<16xi32> to vector<16xi32>
    %add3A_930 = arith.constant 0 : i32
    %add3A_931 = vector.broadcast %add3A_930 : i32 to vector<16xi32>
    %add3A_932 = arith.addi %get3A_929, %add3A_931 : vector<16xi32>
    %swap3A_933 = arith.constant 32 : index
    %swap3A_934 = tpu.vector_load %arg17[%swap3A_933] {strides = array<i32>} : memref<128xi32, #tpu.memory_space<vmem>>, vector<16xi32>,
    %swap3A_935 = vector.shape_cast %swap3A_934 : vector<16xi32> to vector<16xi32>
    %swap3A_936 = vector.shape_cast %add3A_932 : vector<16xi32> to vector<16xi32>
    tpu.vector_store %arg17[%swap3A_933], %swap3A_936 {strides = array<i32>} : memref<128xi32, #tpu.memory_space<vmem>>, vector<16xi32>,
    %get3A_937 = arith.constant 10544 : index
    %get3A_938 = tpu.vector_load %arg11[%get3A_937] {strides = array<i32>} : memref<10624xi32, #tpu.memory_space<vmem>>, vector<16xi32>,
    %get3A_939 = vector.shape_cast %get3A_938 : vector<16xi32> to vector<16xi32>
    %add3A_940 = arith.constant 0 : i32
    %add3A_941 = vector.broadcast %add3A_940 : i32 to vector<16xi32>
    %add3A_942 = arith.addi %get3A_939, %add3A_941 : vector<16xi32>
    %swap3A_943 = arith.constant 48 : index
    %swap3A_944 = tpu.vector_load %arg17[%swap3A_943] {strides = array<i32>} : memref<128xi32, #tpu.memory_space<vmem>>, vector<16xi32>,
    %swap3A_945 = vector.shape_cast %swap3A_944 : vector<16xi32> to vector<16xi32>
    %swap3A_946 = vector.shape_cast %add3A_942 : vector<16xi32> to vector<16xi32>
    tpu.vector_store %arg17[%swap3A_943], %swap3A_946 {strides = array<i32>} : memref<128xi32, #tpu.memory_space<vmem>>, vector<16xi32>,
    %get3A_947 = arith.constant 10560 : index
    %get3A_948 = tpu.vector_load %arg11[%get3A_947] {strides = array<i32>} : memref<10624xi32, #tpu.memory_space<vmem>>, vector<16xi32>,
    %get3A_949 = vector.shape_cast %get3A_948 : vector<16xi32> to vector<16xi32>
    %add3A_950 = arith.constant 0 : i32
    %add3A_951 = vector.broadcast %add3A_950 : i32 to vector<16xi32>
    %add3A_952 = arith.addi %get3A_949, %add3A_951 : vector<16xi32>
    %swap3A_953 = arith.constant 64 : index
    %swap3A_954 = tpu.vector_load %arg17[%swap3A_953] {strides = array<i32>} : memref<128xi32, #tpu.memory_space<vmem>>, vector<16xi32>,
    %swap3A_955 = vector.shape_cast %swap3A_954 : vector<16xi32> to vector<16xi32>
    %swap3A_956 = vector.shape_cast %add3A_952 : vector<16xi32> to vector<16xi32>
    tpu.vector_store %arg17[%swap3A_953], %swap3A_956 {strides = array<i32>} : memref<128xi32, #tpu.memory_space<vmem>>, vector<16xi32>,
    %get3A_957 = arith.constant 10576 : index
    %get3A_958 = tpu.vector_load %arg11[%get3A_957] {strides = array<i32>} : memref<10624xi32, #tpu.memory_space<vmem>>, vector<16xi32>,
    %get3A_959 = vector.shape_cast %get3A_958 : vector<16xi32> to vector<16xi32>
    %add3A_960 = arith.constant 0 : i32
    %add3A_961 = vector.broadcast %add3A_960 : i32 to vector<16xi32>
    %add3A_962 = arith.addi %get3A_959, %add3A_961 : vector<16xi32>
    %swap3A_963 = arith.constant 80 : index
    %swap3A_964 = tpu.vector_load %arg17[%swap3A_963] {strides = array<i32>} : memref<128xi32, #tpu.memory_space<vmem>>, vector<16xi32>,
    %swap3A_965 = vector.shape_cast %swap3A_964 : vector<16xi32> to vector<16xi32>
    %swap3A_966 = vector.shape_cast %add3A_962 : vector<16xi32> to vector<16xi32>
    tpu.vector_store %arg17[%swap3A_963], %swap3A_966 {strides = array<i32>} : memref<128xi32, #tpu.memory_space<vmem>>, vector<16xi32>,
    %get3A_967 = arith.constant 10592 : index
    %get3A_968 = tpu.vector_load %arg11[%get3A_967] {strides = array<i32>} : memref<10624xi32, #tpu.memory_space<vmem>>, vector<16xi32>,
    %get3A_969 = vector.shape_cast %get3A_968 : vector<16xi32> to vector<16xi32>
    %add3A_970 = arith.constant 0 : i32
    %add3A_971 = vector.broadcast %add3A_970 : i32 to vector<16xi32>
    %add3A_972 = arith.addi %get3A_969, %add3A_971 : vector<16xi32>
    %swap3A_973 = arith.constant 96 : index
    %swap3A_974 = tpu.vector_load %arg17[%swap3A_973] {strides = array<i32>} : memref<128xi32, #tpu.memory_space<vmem>>, vector<16xi32>,
    %swap3A_975 = vector.shape_cast %swap3A_974 : vector<16xi32> to vector<16xi32>
    %swap3A_976 = vector.shape_cast %add3A_972 : vector<16xi32> to vector<16xi32>
    tpu.vector_store %arg17[%swap3A_973], %swap3A_976 {strides = array<i32>} : memref<128xi32, #tpu.memory_space<vmem>>, vector<16xi32>,
    %get3A_977 = arith.constant 10608 : index
    %get3A_978 = tpu.vector_load %arg11[%get3A_977] {strides = array<i32>} : memref<10624xi32, #tpu.memory_space<vmem>>, vector<16xi32>,
    %get3A_979 = vector.shape_cast %get3A_978 : vector<16xi32> to vector<16xi32>
    %add3A_980 = arith.constant 0 : i32
    %add3A_981 = vector.broadcast %add3A_980 : i32 to vector<16xi32>
    %add3A_982 = arith.addi %get3A_979, %add3A_981 : vector<16xi32>
    %swap3A_983 = arith.constant 112 : index
    %swap3A_984 = tpu.vector_load %arg17[%swap3A_983] {strides = array<i32>} : memref<128xi32, #tpu.memory_space<vmem>>, vector<16xi32>,
    %swap3A_985 = vector.shape_cast %swap3A_984 : vector<16xi32> to vector<16xi32>
    %swap3A_986 = vector.shape_cast %add3A_982 : vector<16xi32> to vector<16xi32>
    tpu.vector_store %arg17[%swap3A_983], %swap3A_986 {strides = array<i32>} : memref<128xi32, #tpu.memory_space<vmem>>, vector<16xi32>,
    %dma_start3A = arith.constant 0 : i32
    %dma_start3A_987 = arith.constant 0 : i32
    %dma_start3A_988 = tpu.memref_slice %arg22[%dma_start3A, %dma_start3A_987] : memref<5120x128xf32, #tpu.memory_space<vmem_shared>> -> memref<5120x128xf32, #tpu.memory_space<vmem_shared>>
    tpu.enqueue_indirect_dma source(%arg20 : memref<128x128xf32, #tpu.memory_space<vmem>>) target(%dma_start3A_988 : memref<5120x128xf32, #tpu.memory_space<vmem_shared>>) offsets(%arg17 : memref<128xi32, #tpu.memory_space<vmem>>) semaphore(%arg28 : memref<!tpu.dma_semaphore, #tpu.memory_space<semaphore_mem>>) {add = true}
    %get3A_989 = arith.constant 0 : index
    %get3A_990 = tpu.vector_load %arg10[%get3A_989] {strides = array<i32>} : memref<10624xi32, #tpu.memory_space<vmem>>, vector<16xi32>,
    %get3A_991 = vector.shape_cast %get3A_990 : vector<16xi32> to vector<16xi32>
    %add3A_992 = arith.constant 0 : i32
    %add3A_993 = vector.broadcast %add3A_992 : i32 to vector<16xi32>
    %add3A_994 = arith.addi %get3A_991, %add3A_993 : vector<16xi32>
    %swap3A_995 = arith.constant 0 : index
    %swap3A_996 = tpu.vector_load %arg12[%swap3A_995] {strides = array<i32>} : memref<128xi32, #tpu.memory_space<vmem>>, vector<16xi32>,
    %swap3A_997 = vector.shape_cast %swap3A_996 : vector<16xi32> to vector<16xi32>
    %swap3A_998 = vector.shape_cast %add3A_994 : vector<16xi32> to vector<16xi32>
    tpu.vector_store %arg12[%swap3A_995], %swap3A_998 {strides = array<i32>} : memref<128xi32, #tpu.memory_space<vmem>>, vector<16xi32>,
    %get3A_999 = arith.constant 16 : index
    %get3A_1000 = tpu.vector_load %arg10[%get3A_999] {strides = array<i32>} : memref<10624xi32, #tpu.memory_space<vmem>>, vector<16xi32>,
    %get3A_1001 = vector.shape_cast %get3A_1000 : vector<16xi32> to vector<16xi32>
    %add3A_1002 = arith.constant 0 : i32
    %add3A_1003 = vector.broadcast %add3A_1002 : i32 to vector<16xi32>
    %add3A_1004 = arith.addi %get3A_1001, %add3A_1003 : vector<16xi32>
    %swap3A_1005 = arith.constant 16 : index
    %swap3A_1006 = tpu.vector_load %arg12[%swap3A_1005] {strides = array<i32>} : memref<128xi32, #tpu.memory_space<vmem>>, vector<16xi32>,
    %swap3A_1007 = vector.shape_cast %swap3A_1006 : vector<16xi32> to vector<16xi32>
    %swap3A_1008 = vector.shape_cast %add3A_1004 : vector<16xi32> to vector<16xi32>
    tpu.vector_store %arg12[%swap3A_1005], %swap3A_1008 {strides = array<i32>} : memref<128xi32, #tpu.memory_space<vmem>>, vector<16xi32>,
    %get3A_1009 = arith.constant 32 : index
    %get3A_1010 = tpu.vector_load %arg10[%get3A_1009] {strides = array<i32>} : memref<10624xi32, #tpu.memory_space<vmem>>, vector<16xi32>,
    %get3A_1011 = vector.shape_cast %get3A_1010 : vector<16xi32> to vector<16xi32>
    %add3A_1012 = arith.constant 0 : i32
    %add3A_1013 = vector.broadcast %add3A_1012 : i32 to vector<16xi32>
    %add3A_1014 = arith.addi %get3A_1011, %add3A_1013 : vector<16xi32>
    %swap3A_1015 = arith.constant 32 : index
    %swap3A_1016 = tpu.vector_load %arg12[%swap3A_1015] {strides = array<i32>} : memref<128xi32, #tpu.memory_space<vmem>>, vector<16xi32>,
    %swap3A_1017 = vector.shape_cast %swap3A_1016 : vector<16xi32> to vector<16xi32>
    %swap3A_1018 = vector.shape_cast %add3A_1014 : vector<16xi32> to vector<16xi32>
    tpu.vector_store %arg12[%swap3A_1015], %swap3A_1018 {strides = array<i32>} : memref<128xi32, #tpu.memory_space<vmem>>, vector<16xi32>,
    %get3A_1019 = arith.constant 48 : index
    %get3A_1020 = tpu.vector_load %arg10[%get3A_1019] {strides = array<i32>} : memref<10624xi32, #tpu.memory_space<vmem>>, vector<16xi32>,
    %get3A_1021 = vector.shape_cast %get3A_1020 : vector<16xi32> to vector<16xi32>
    %add3A_1022 = arith.constant 0 : i32
    %add3A_1023 = vector.broadcast %add3A_1022 : i32 to vector<16xi32>
    %add3A_1024 = arith.addi %get3A_1021, %add3A_1023 : vector<16xi32>
    %swap3A_1025 = arith.constant 48 : index
    %swap3A_1026 = tpu.vector_load %arg12[%swap3A_1025] {strides = array<i32>} : memref<128xi32, #tpu.memory_space<vmem>>, vector<16xi32>,
    %swap3A_1027 = vector.shape_cast %swap3A_1026 : vector<16xi32> to vector<16xi32>
    %swap3A_1028 = vector.shape_cast %add3A_1024 : vector<16xi32> to vector<16xi32>
    tpu.vector_store %arg12[%swap3A_1025], %swap3A_1028 {strides = array<i32>} : memref<128xi32, #tpu.memory_space<vmem>>, vector<16xi32>,
    %get3A_1029 = arith.constant 64 : index
    %get3A_1030 = tpu.vector_load %arg10[%get3A_1029] {strides = array<i32>} : memref<10624xi32, #tpu.memory_space<vmem>>, vector<16xi32>,
    %get3A_1031 = vector.shape_cast %get3A_1030 : vector<16xi32> to vector<16xi32>
    %add3A_1032 = arith.constant 0 : i32
    %add3A_1033 = vector.broadcast %add3A_1032 : i32 to vector<16xi32>
    %add3A_1034 = arith.addi %get3A_1031, %add3A_1033 : vector<16xi32>
    %swap3A_1035 = arith.constant 64 : index
    %swap3A_1036 = tpu.vector_load %arg12[%swap3A_1035] {strides = array<i32>} : memref<128xi32, #tpu.memory_space<vmem>>, vector<16xi32>,
    %swap3A_1037 = vector.shape_cast %swap3A_1036 : vector<16xi32> to vector<16xi32>
    %swap3A_1038 = vector.shape_cast %add3A_1034 : vector<16xi32> to vector<16xi32>
    tpu.vector_store %arg12[%swap3A_1035], %swap3A_1038 {strides = array<i32>} : memref<128xi32, #tpu.memory_space<vmem>>, vector<16xi32>,
    %get3A_1039 = arith.constant 80 : index
    %get3A_1040 = tpu.vector_load %arg10[%get3A_1039] {strides = array<i32>} : memref<10624xi32, #tpu.memory_space<vmem>>, vector<16xi32>,
    %get3A_1041 = vector.shape_cast %get3A_1040 : vector<16xi32> to vector<16xi32>
    %add3A_1042 = arith.constant 0 : i32
    %add3A_1043 = vector.broadcast %add3A_1042 : i32 to vector<16xi32>
    %add3A_1044 = arith.addi %get3A_1041, %add3A_1043 : vector<16xi32>
    %swap3A_1045 = arith.constant 80 : index
    %swap3A_1046 = tpu.vector_load %arg12[%swap3A_1045] {strides = array<i32>} : memref<128xi32, #tpu.memory_space<vmem>>, vector<16xi32>,
    %swap3A_1047 = vector.shape_cast %swap3A_1046 : vector<16xi32> to vector<16xi32>
    %swap3A_1048 = vector.shape_cast %add3A_1044 : vector<16xi32> to vector<16xi32>
    tpu.vector_store %arg12[%swap3A_1045], %swap3A_1048 {strides = array<i32>} : memref<128xi32, #tpu.memory_space<vmem>>, vector<16xi32>,
    %get3A_1049 = arith.constant 96 : index
    %get3A_1050 = tpu.vector_load %arg10[%get3A_1049] {strides = array<i32>} : memref<10624xi32, #tpu.memory_space<vmem>>, vector<16xi32>,
    %get3A_1051 = vector.shape_cast %get3A_1050 : vector<16xi32> to vector<16xi32>
    %add3A_1052 = arith.constant 0 : i32
    %add3A_1053 = vector.broadcast %add3A_1052 : i32 to vector<16xi32>
    %add3A_1054 = arith.addi %get3A_1051, %add3A_1053 : vector<16xi32>
    %swap3A_1055 = arith.constant 96 : index
    %swap3A_1056 = tpu.vector_load %arg12[%swap3A_1055] {strides = array<i32>} : memref<128xi32, #tpu.memory_space<vmem>>, vector<16xi32>,
    %swap3A_1057 = vector.shape_cast %swap3A_1056 : vector<16xi32> to vector<16xi32>
    %swap3A_1058 = vector.shape_cast %add3A_1054 : vector<16xi32> to vector<16xi32>
    tpu.vector_store %arg12[%swap3A_1055], %swap3A_1058 {strides = array<i32>} : memref<128xi32, #tpu.memory_space<vmem>>, vector<16xi32>,
    %get3A_1059 = arith.constant 112 : index
    %get3A_1060 = tpu.vector_load %arg10[%get3A_1059] {strides = array<i32>} : memref<10624xi32, #tpu.memory_space<vmem>>, vector<16xi32>,
    %get3A_1061 = vector.shape_cast %get3A_1060 : vector<16xi32> to vector<16xi32>
    %add3A_1062 = arith.constant 0 : i32
    %add3A_1063 = vector.broadcast %add3A_1062 : i32 to vector<16xi32>
    %add3A_1064 = arith.addi %get3A_1061, %add3A_1063 : vector<16xi32>
    %swap3A_1065 = arith.constant 112 : index
    %swap3A_1066 = tpu.vector_load %arg12[%swap3A_1065] {strides = array<i32>} : memref<128xi32, #tpu.memory_space<vmem>>, vector<16xi32>,
    %swap3A_1067 = vector.shape_cast %swap3A_1066 : vector<16xi32> to vector<16xi32>
    %swap3A_1068 = vector.shape_cast %add3A_1064 : vector<16xi32> to vector<16xi32>
    tpu.vector_store %arg12[%swap3A_1065], %swap3A_1068 {strides = array<i32>} : memref<128xi32, #tpu.memory_space<vmem>>, vector<16xi32>,
    %get3A_1069 = arith.constant 0 : index
    %get3A_1070 = tpu.vector_load %arg11[%get3A_1069] {strides = array<i32>} : memref<10624xi32, #tpu.memory_space<vmem>>, vector<16xi32>,
    %get3A_1071 = vector.shape_cast %get3A_1070 : vector<16xi32> to vector<16xi32>
    %add3A_1072 = arith.constant 0 : i32
    %add3A_1073 = vector.broadcast %add3A_1072 : i32 to vector<16xi32>
    %add3A_1074 = arith.addi %get3A_1071, %add3A_1073 : vector<16xi32>
    %swap3A_1075 = arith.constant 0 : index
    %swap3A_1076 = tpu.vector_load %arg15[%swap3A_1075] {strides = array<i32>} : memref<128xi32, #tpu.memory_space<vmem>>, vector<16xi32>,
    %swap3A_1077 = vector.shape_cast %swap3A_1076 : vector<16xi32> to vector<16xi32>
    %swap3A_1078 = vector.shape_cast %add3A_1074 : vector<16xi32> to vector<16xi32>
    tpu.vector_store %arg15[%swap3A_1075], %swap3A_1078 {strides = array<i32>} : memref<128xi32, #tpu.memory_space<vmem>>, vector<16xi32>,
    %get3A_1079 = arith.constant 16 : index
    %get3A_1080 = tpu.vector_load %arg11[%get3A_1079] {strides = array<i32>} : memref<10624xi32, #tpu.memory_space<vmem>>, vector<16xi32>,
    %get3A_1081 = vector.shape_cast %get3A_1080 : vector<16xi32> to vector<16xi32>
    %add3A_1082 = arith.constant 0 : i32
    %add3A_1083 = vector.broadcast %add3A_1082 : i32 to vector<16xi32>
    %add3A_1084 = arith.addi %get3A_1081, %add3A_1083 : vector<16xi32>
    %swap3A_1085 = arith.constant 16 : index
    %swap3A_1086 = tpu.vector_load %arg15[%swap3A_1085] {strides = array<i32>} : memref<128xi32, #tpu.memory_space<vmem>>, vector<16xi32>,
    %swap3A_1087 = vector.shape_cast %swap3A_1086 : vector<16xi32> to vector<16xi32>
    %swap3A_1088 = vector.shape_cast %add3A_1084 : vector<16xi32> to vector<16xi32>
    tpu.vector_store %arg15[%swap3A_1085], %swap3A_1088 {strides = array<i32>} : memref<128xi32, #tpu.memory_space<vmem>>, vector<16xi32>,
    %get3A_1089 = arith.constant 32 : index
    %get3A_1090 = tpu.vector_load %arg11[%get3A_1089] {strides = array<i32>} : memref<10624xi32, #tpu.memory_space<vmem>>, vector<16xi32>,
    %get3A_1091 = vector.shape_cast %get3A_1090 : vector<16xi32> to vector<16xi32>
    %add3A_1092 = arith.constant 0 : i32
    %add3A_1093 = vector.broadcast %add3A_1092 : i32 to vector<16xi32>
    %add3A_1094 = arith.addi %get3A_1091, %add3A_1093 : vector<16xi32>
    %swap3A_1095 = arith.constant 32 : index
    %swap3A_1096 = tpu.vector_load %arg15[%swap3A_1095] {strides = array<i32>} : memref<128xi32, #tpu.memory_space<vmem>>, vector<16xi32>,
    %swap3A_1097 = vector.shape_cast %swap3A_1096 : vector<16xi32> to vector<16xi32>
    %swap3A_1098 = vector.shape_cast %add3A_1094 : vector<16xi32> to vector<16xi32>
    tpu.vector_store %arg15[%swap3A_1095], %swap3A_1098 {strides = array<i32>} : memref<128xi32, #tpu.memory_space<vmem>>, vector<16xi32>,
    %get3A_1099 = arith.constant 48 : index
    %get3A_1100 = tpu.vector_load %arg11[%get3A_1099] {strides = array<i32>} : memref<10624xi32, #tpu.memory_space<vmem>>, vector<16xi32>,
    %get3A_1101 = vector.shape_cast %get3A_1100 : vector<16xi32> to vector<16xi32>
    %add3A_1102 = arith.constant 0 : i32
    %add3A_1103 = vector.broadcast %add3A_1102 : i32 to vector<16xi32>
    %add3A_1104 = arith.addi %get3A_1101, %add3A_1103 : vector<16xi32>
    %swap3A_1105 = arith.constant 48 : index
    %swap3A_1106 = tpu.vector_load %arg15[%swap3A_1105] {strides = array<i32>} : memref<128xi32, #tpu.memory_space<vmem>>, vector<16xi32>,
    %swap3A_1107 = vector.shape_cast %swap3A_1106 : vector<16xi32> to vector<16xi32>
    %swap3A_1108 = vector.shape_cast %add3A_1104 : vector<16xi32> to vector<16xi32>
    tpu.vector_store %arg15[%swap3A_1105], %swap3A_1108 {strides = array<i32>} : memref<128xi32, #tpu.memory_space<vmem>>, vector<16xi32>,
    %get3A_1109 = arith.constant 64 : index
    %get3A_1110 = tpu.vector_load %arg11[%get3A_1109] {strides = array<i32>} : memref<10624xi32, #tpu.memory_space<vmem>>, vector<16xi32>,
    %get3A_1111 = vector.shape_cast %get3A_1110 : vector<16xi32> to vector<16xi32>
    %add3A_1112 = arith.constant 0 : i32
    %add3A_1113 = vector.broadcast %add3A_1112 : i32 to vector<16xi32>
    %add3A_1114 = arith.addi %get3A_1111, %add3A_1113 : vector<16xi32>
    %swap3A_1115 = arith.constant 64 : index
    %swap3A_1116 = tpu.vector_load %arg15[%swap3A_1115] {strides = array<i32>} : memref<128xi32, #tpu.memory_space<vmem>>, vector<16xi32>,
    %swap3A_1117 = vector.shape_cast %swap3A_1116 : vector<16xi32> to vector<16xi32>
    %swap3A_1118 = vector.shape_cast %add3A_1114 : vector<16xi32> to vector<16xi32>
    tpu.vector_store %arg15[%swap3A_1115], %swap3A_1118 {strides = array<i32>} : memref<128xi32, #tpu.memory_space<vmem>>, vector<16xi32>,
    %get3A_1119 = arith.constant 80 : index
    %get3A_1120 = tpu.vector_load %arg11[%get3A_1119] {strides = array<i32>} : memref<10624xi32, #tpu.memory_space<vmem>>, vector<16xi32>,
    %get3A_1121 = vector.shape_cast %get3A_1120 : vector<16xi32> to vector<16xi32>
    %add3A_1122 = arith.constant 0 : i32
    %add3A_1123 = vector.broadcast %add3A_1122 : i32 to vector<16xi32>
    %add3A_1124 = arith.addi %get3A_1121, %add3A_1123 : vector<16xi32>
    %swap3A_1125 = arith.constant 80 : index
    %swap3A_1126 = tpu.vector_load %arg15[%swap3A_1125] {strides = array<i32>} : memref<128xi32, #tpu.memory_space<vmem>>, vector<16xi32>,
    %swap3A_1127 = vector.shape_cast %swap3A_1126 : vector<16xi32> to vector<16xi32>
    %swap3A_1128 = vector.shape_cast %add3A_1124 : vector<16xi32> to vector<16xi32>
    tpu.vector_store %arg15[%swap3A_1125], %swap3A_1128 {strides = array<i32>} : memref<128xi32, #tpu.memory_space<vmem>>, vector<16xi32>,
    %get3A_1129 = arith.constant 96 : index
    %get3A_1130 = tpu.vector_load %arg11[%get3A_1129] {strides = array<i32>} : memref<10624xi32, #tpu.memory_space<vmem>>, vector<16xi32>,
    %get3A_1131 = vector.shape_cast %get3A_1130 : vector<16xi32> to vector<16xi32>
    %add3A_1132 = arith.constant 0 : i32
    %add3A_1133 = vector.broadcast %add3A_1132 : i32 to vector<16xi32>
    %add3A_1134 = arith.addi %get3A_1131, %add3A_1133 : vector<16xi32>
    %swap3A_1135 = arith.constant 96 : index
    %swap3A_1136 = tpu.vector_load %arg15[%swap3A_1135] {strides = array<i32>} : memref<128xi32, #tpu.memory_space<vmem>>, vector<16xi32>,
    %swap3A_1137 = vector.shape_cast %swap3A_1136 : vector<16xi32> to vector<16xi32>
    %swap3A_1138 = vector.shape_cast %add3A_1134 : vector<16xi32> to vector<16xi32>
    tpu.vector_store %arg15[%swap3A_1135], %swap3A_1138 {strides = array<i32>} : memref<128xi32, #tpu.memory_space<vmem>>, vector<16xi32>,
    %get3A_1139 = arith.constant 112 : index
    %get3A_1140 = tpu.vector_load %arg11[%get3A_1139] {strides = array<i32>} : memref<10624xi32, #tpu.memory_space<vmem>>, vector<16xi32>,
    %get3A_1141 = vector.shape_cast %get3A_1140 : vector<16xi32> to vector<16xi32>
    %add3A_1142 = arith.constant 0 : i32
    %add3A_1143 = vector.broadcast %add3A_1142 : i32 to vector<16xi32>
    %add3A_1144 = arith.addi %get3A_1141, %add3A_1143 : vector<16xi32>
    %swap3A_1145 = arith.constant 112 : index
    %swap3A_1146 = tpu.vector_load %arg15[%swap3A_1145] {strides = array<i32>} : memref<128xi32, #tpu.memory_space<vmem>>, vector<16xi32>,
    %swap3A_1147 = vector.shape_cast %swap3A_1146 : vector<16xi32> to vector<16xi32>
    %swap3A_1148 = vector.shape_cast %add3A_1144 : vector<16xi32> to vector<16xi32>
    tpu.vector_store %arg15[%swap3A_1145], %swap3A_1148 {strides = array<i32>} : memref<128xi32, #tpu.memory_space<vmem>>, vector<16xi32>,
    %dma_start3A_1149 = arith.constant 0 : i32
    %dma_start3A_1150 = arith.constant 0 : i32
    %dma_start3A_1151 = tpu.memref_slice %arg2[%dma_start3A_1149, %dma_start3A_1150] : memref<20000x128xf32, #tpu.memory_space<hbm>> -> memref<20000x128xf32, #tpu.memory_space<hbm>>
    tpu.enqueue_indirect_dma source(%dma_start3A_1151 : memref<20000x128xf32, #tpu.memory_space<hbm>>) target(%arg18 : memref<128x128xf32, #tpu.memory_space<vmem>>) offsets(%arg12 : memref<128xi32, #tpu.memory_space<vmem>>) semaphore(%arg23 : memref<!tpu.dma_semaphore, #tpu.memory_space<semaphore_mem>>)
    %get3A_1152 = arith.constant 128 : index
    %get3A_1153 = tpu.vector_load %arg10[%get3A_1152] {strides = array<i32>} : memref<10624xi32, #tpu.memory_space<vmem>>, vector<16xi32>,
    %get3A_1154 = vector.shape_cast %get3A_1153 : vector<16xi32> to vector<16xi32>
    %add3A_1155 = arith.constant 0 : i32
    %add3A_1156 = vector.broadcast %add3A_1155 : i32 to vector<16xi32>
    %add3A_1157 = arith.addi %get3A_1154, %add3A_1156 : vector<16xi32>
    %swap3A_1158 = arith.constant 0 : index
    %swap3A_1159 = tpu.vector_load %arg13[%swap3A_1158] {strides = array<i32>} : memref<128xi32, #tpu.memory_space<vmem>>, vector<16xi32>,
    %swap3A_1160 = vector.shape_cast %swap3A_1159 : vector<16xi32> to vector<16xi32>
    %swap3A_1161 = vector.shape_cast %add3A_1157 : vector<16xi32> to vector<16xi32>
    tpu.vector_store %arg13[%swap3A_1158], %swap3A_1161 {strides = array<i32>} : memref<128xi32, #tpu.memory_space<vmem>>, vector<16xi32>,
    %get3A_1162 = arith.constant 144 : index
    %get3A_1163 = tpu.vector_load %arg10[%get3A_1162] {strides = array<i32>} : memref<10624xi32, #tpu.memory_space<vmem>>, vector<16xi32>,
    %get3A_1164 = vector.shape_cast %get3A_1163 : vector<16xi32> to vector<16xi32>
    %add3A_1165 = arith.constant 0 : i32
    %add3A_1166 = vector.broadcast %add3A_1165 : i32 to vector<16xi32>
    %add3A_1167 = arith.addi %get3A_1164, %add3A_1166 : vector<16xi32>
    %swap3A_1168 = arith.constant 16 : index
    %swap3A_1169 = tpu.vector_load %arg13[%swap3A_1168] {strides = array<i32>} : memref<128xi32, #tpu.memory_space<vmem>>, vector<16xi32>,
    %swap3A_1170 = vector.shape_cast %swap3A_1169 : vector<16xi32> to vector<16xi32>
    %swap3A_1171 = vector.shape_cast %add3A_1167 : vector<16xi32> to vector<16xi32>
    tpu.vector_store %arg13[%swap3A_1168], %swap3A_1171 {strides = array<i32>} : memref<128xi32, #tpu.memory_space<vmem>>, vector<16xi32>,
    %get3A_1172 = arith.constant 160 : index
    %get3A_1173 = tpu.vector_load %arg10[%get3A_1172] {strides = array<i32>} : memref<10624xi32, #tpu.memory_space<vmem>>, vector<16xi32>,
    %get3A_1174 = vector.shape_cast %get3A_1173 : vector<16xi32> to vector<16xi32>
    %add3A_1175 = arith.constant 0 : i32
    %add3A_1176 = vector.broadcast %add3A_1175 : i32 to vector<16xi32>
    %add3A_1177 = arith.addi %get3A_1174, %add3A_1176 : vector<16xi32>
    %swap3A_1178 = arith.constant 32 : index
    %swap3A_1179 = tpu.vector_load %arg13[%swap3A_1178] {strides = array<i32>} : memref<128xi32, #tpu.memory_space<vmem>>, vector<16xi32>,
    %swap3A_1180 = vector.shape_cast %swap3A_1179 : vector<16xi32> to vector<16xi32>
    %swap3A_1181 = vector.shape_cast %add3A_1177 : vector<16xi32> to vector<16xi32>
    tpu.vector_store %arg13[%swap3A_1178], %swap3A_1181 {strides = array<i32>} : memref<128xi32, #tpu.memory_space<vmem>>, vector<16xi32>,
    %get3A_1182 = arith.constant 176 : index
    %get3A_1183 = tpu.vector_load %arg10[%get3A_1182] {strides = array<i32>} : memref<10624xi32, #tpu.memory_space<vmem>>, vector<16xi32>,
    %get3A_1184 = vector.shape_cast %get3A_1183 : vector<16xi32> to vector<16xi32>
    %add3A_1185 = arith.constant 0 : i32
    %add3A_1186 = vector.broadcast %add3A_1185 : i32 to vector<16xi32>
    %add3A_1187 = arith.addi %get3A_1184, %add3A_1186 : vector<16xi32>
    %swap3A_1188 = arith.constant 48 : index
    %swap3A_1189 = tpu.vector_load %arg13[%swap3A_1188] {strides = array<i32>} : memref<128xi32, #tpu.memory_space<vmem>>, vector<16xi32>,
    %swap3A_1190 = vector.shape_cast %swap3A_1189 : vector<16xi32> to vector<16xi32>
    %swap3A_1191 = vector.shape_cast %add3A_1187 : vector<16xi32> to vector<16xi32>
    tpu.vector_store %arg13[%swap3A_1188], %swap3A_1191 {strides = array<i32>} : memref<128xi32, #tpu.memory_space<vmem>>, vector<16xi32>,
    %get3A_1192 = arith.constant 192 : index
    %get3A_1193 = tpu.vector_load %arg10[%get3A_1192] {strides = array<i32>} : memref<10624xi32, #tpu.memory_space<vmem>>, vector<16xi32>,
    %get3A_1194 = vector.shape_cast %get3A_1193 : vector<16xi32> to vector<16xi32>
    %add3A_1195 = arith.constant 0 : i32
    %add3A_1196 = vector.broadcast %add3A_1195 : i32 to vector<16xi32>
    %add3A_1197 = arith.addi %get3A_1194, %add3A_1196 : vector<16xi32>
    %swap3A_1198 = arith.constant 64 : index
    %swap3A_1199 = tpu.vector_load %arg13[%swap3A_1198] {strides = array<i32>} : memref<128xi32, #tpu.memory_space<vmem>>, vector<16xi32>,
    %swap3A_1200 = vector.shape_cast %swap3A_1199 : vector<16xi32> to vector<16xi32>
    %swap3A_1201 = vector.shape_cast %add3A_1197 : vector<16xi32> to vector<16xi32>
    tpu.vector_store %arg13[%swap3A_1198], %swap3A_1201 {strides = array<i32>} : memref<128xi32, #tpu.memory_space<vmem>>, vector<16xi32>,
    %get3A_1202 = arith.constant 208 : index
    %get3A_1203 = tpu.vector_load %arg10[%get3A_1202] {strides = array<i32>} : memref<10624xi32, #tpu.memory_space<vmem>>, vector<16xi32>,
    %get3A_1204 = vector.shape_cast %get3A_1203 : vector<16xi32> to vector<16xi32>
    %add3A_1205 = arith.constant 0 : i32
    %add3A_1206 = vector.broadcast %add3A_1205 : i32 to vector<16xi32>
    %add3A_1207 = arith.addi %get3A_1204, %add3A_1206 : vector<16xi32>
    %swap3A_1208 = arith.constant 80 : index
    %swap3A_1209 = tpu.vector_load %arg13[%swap3A_1208] {strides = array<i32>} : memref<128xi32, #tpu.memory_space<vmem>>, vector<16xi32>,
    %swap3A_1210 = vector.shape_cast %swap3A_1209 : vector<16xi32> to vector<16xi32>
    %swap3A_1211 = vector.shape_cast %add3A_1207 : vector<16xi32> to vector<16xi32>
    tpu.vector_store %arg13[%swap3A_1208], %swap3A_1211 {strides = array<i32>} : memref<128xi32, #tpu.memory_space<vmem>>, vector<16xi32>,
    %get3A_1212 = arith.constant 224 : index
    %get3A_1213 = tpu.vector_load %arg10[%get3A_1212] {strides = array<i32>} : memref<10624xi32, #tpu.memory_space<vmem>>, vector<16xi32>,
    %get3A_1214 = vector.shape_cast %get3A_1213 : vector<16xi32> to vector<16xi32>
    %add3A_1215 = arith.constant 0 : i32
    %add3A_1216 = vector.broadcast %add3A_1215 : i32 to vector<16xi32>
    %add3A_1217 = arith.addi %get3A_1214, %add3A_1216 : vector<16xi32>
    %swap3A_1218 = arith.constant 96 : index
    %swap3A_1219 = tpu.vector_load %arg13[%swap3A_1218] {strides = array<i32>} : memref<128xi32, #tpu.memory_space<vmem>>, vector<16xi32>,
    %swap3A_1220 = vector.shape_cast %swap3A_1219 : vector<16xi32> to vector<16xi32>
    %swap3A_1221 = vector.shape_cast %add3A_1217 : vector<16xi32> to vector<16xi32>
    tpu.vector_store %arg13[%swap3A_1218], %swap3A_1221 {strides = array<i32>} : memref<128xi32, #tpu.memory_space<vmem>>, vector<16xi32>,
    %get3A_1222 = arith.constant 240 : index
    %get3A_1223 = tpu.vector_load %arg10[%get3A_1222] {strides = array<i32>} : memref<10624xi32, #tpu.memory_space<vmem>>, vector<16xi32>,
    %get3A_1224 = vector.shape_cast %get3A_1223 : vector<16xi32> to vector<16xi32>
    %add3A_1225 = arith.constant 0 : i32
    %add3A_1226 = vector.broadcast %add3A_1225 : i32 to vector<16xi32>
    %add3A_1227 = arith.addi %get3A_1224, %add3A_1226 : vector<16xi32>
    %swap3A_1228 = arith.constant 112 : index
    %swap3A_1229 = tpu.vector_load %arg13[%swap3A_1228] {strides = array<i32>} : memref<128xi32, #tpu.memory_space<vmem>>, vector<16xi32>,
    %swap3A_1230 = vector.shape_cast %swap3A_1229 : vector<16xi32> to vector<16xi32>
    %swap3A_1231 = vector.shape_cast %add3A_1227 : vector<16xi32> to vector<16xi32>
    tpu.vector_store %arg13[%swap3A_1228], %swap3A_1231 {strides = array<i32>} : memref<128xi32, #tpu.memory_space<vmem>>, vector<16xi32>,
    %get3A_1232 = arith.constant 128 : index
    %get3A_1233 = tpu.vector_load %arg11[%get3A_1232] {strides = array<i32>} : memref<10624xi32, #tpu.memory_space<vmem>>, vector<16xi32>,
    %get3A_1234 = vector.shape_cast %get3A_1233 : vector<16xi32> to vector<16xi32>
    %add3A_1235 = arith.constant 0 : i32
    %add3A_1236 = vector.broadcast %add3A_1235 : i32 to vector<16xi32>
    %add3A_1237 = arith.addi %get3A_1234, %add3A_1236 : vector<16xi32>
    %swap3A_1238 = arith.constant 0 : index
    %swap3A_1239 = tpu.vector_load %arg16[%swap3A_1238] {strides = array<i32>} : memref<128xi32, #tpu.memory_space<vmem>>, vector<16xi32>,
    %swap3A_1240 = vector.shape_cast %swap3A_1239 : vector<16xi32> to vector<16xi32>
    %swap3A_1241 = vector.shape_cast %add3A_1237 : vector<16xi32> to vector<16xi32>
    tpu.vector_store %arg16[%swap3A_1238], %swap3A_1241 {strides = array<i32>} : memref<128xi32, #tpu.memory_space<vmem>>, vector<16xi32>,
    %get3A_1242 = arith.constant 144 : index
    %get3A_1243 = tpu.vector_load %arg11[%get3A_1242] {strides = array<i32>} : memref<10624xi32, #tpu.memory_space<vmem>>, vector<16xi32>,
    %get3A_1244 = vector.shape_cast %get3A_1243 : vector<16xi32> to vector<16xi32>
    %add3A_1245 = arith.constant 0 : i32
    %add3A_1246 = vector.broadcast %add3A_1245 : i32 to vector<16xi32>
    %add3A_1247 = arith.addi %get3A_1244, %add3A_1246 : vector<16xi32>
    %swap3A_1248 = arith.constant 16 : index
    %swap3A_1249 = tpu.vector_load %arg16[%swap3A_1248] {strides = array<i32>} : memref<128xi32, #tpu.memory_space<vmem>>, vector<16xi32>,
    %swap3A_1250 = vector.shape_cast %swap3A_1249 : vector<16xi32> to vector<16xi32>
    %swap3A_1251 = vector.shape_cast %add3A_1247 : vector<16xi32> to vector<16xi32>
    tpu.vector_store %arg16[%swap3A_1248], %swap3A_1251 {strides = array<i32>} : memref<128xi32, #tpu.memory_space<vmem>>, vector<16xi32>,
    %get3A_1252 = arith.constant 160 : index
    %get3A_1253 = tpu.vector_load %arg11[%get3A_1252] {strides = array<i32>} : memref<10624xi32, #tpu.memory_space<vmem>>, vector<16xi32>,
    %get3A_1254 = vector.shape_cast %get3A_1253 : vector<16xi32> to vector<16xi32>
    %add3A_1255 = arith.constant 0 : i32
    %add3A_1256 = vector.broadcast %add3A_1255 : i32 to vector<16xi32>
    %add3A_1257 = arith.addi %get3A_1254, %add3A_1256 : vector<16xi32>
    %swap3A_1258 = arith.constant 32 : index
    %swap3A_1259 = tpu.vector_load %arg16[%swap3A_1258] {strides = array<i32>} : memref<128xi32, #tpu.memory_space<vmem>>, vector<16xi32>,
    %swap3A_1260 = vector.shape_cast %swap3A_1259 : vector<16xi32> to vector<16xi32>
    %swap3A_1261 = vector.shape_cast %add3A_1257 : vector<16xi32> to vector<16xi32>
    tpu.vector_store %arg16[%swap3A_1258], %swap3A_1261 {strides = array<i32>} : memref<128xi32, #tpu.memory_space<vmem>>, vector<16xi32>,
    %get3A_1262 = arith.constant 176 : index
    %get3A_1263 = tpu.vector_load %arg11[%get3A_1262] {strides = array<i32>} : memref<10624xi32, #tpu.memory_space<vmem>>, vector<16xi32>,
    %get3A_1264 = vector.shape_cast %get3A_1263 : vector<16xi32> to vector<16xi32>
    %add3A_1265 = arith.constant 0 : i32
    %add3A_1266 = vector.broadcast %add3A_1265 : i32 to vector<16xi32>
    %add3A_1267 = arith.addi %get3A_1264, %add3A_1266 : vector<16xi32>
    %swap3A_1268 = arith.constant 48 : index
    %swap3A_1269 = tpu.vector_load %arg16[%swap3A_1268] {strides = array<i32>} : memref<128xi32, #tpu.memory_space<vmem>>, vector<16xi32>,
    %swap3A_1270 = vector.shape_cast %swap3A_1269 : vector<16xi32> to vector<16xi32>
    %swap3A_1271 = vector.shape_cast %add3A_1267 : vector<16xi32> to vector<16xi32>
    tpu.vector_store %arg16[%swap3A_1268], %swap3A_1271 {strides = array<i32>} : memref<128xi32, #tpu.memory_space<vmem>>, vector<16xi32>,
    %get3A_1272 = arith.constant 192 : index
    %get3A_1273 = tpu.vector_load %arg11[%get3A_1272] {strides = array<i32>} : memref<10624xi32, #tpu.memory_space<vmem>>, vector<16xi32>,
    %get3A_1274 = vector.shape_cast %get3A_1273 : vector<16xi32> to vector<16xi32>
    %add3A_1275 = arith.constant 0 : i32
    %add3A_1276 = vector.broadcast %add3A_1275 : i32 to vector<16xi32>
    %add3A_1277 = arith.addi %get3A_1274, %add3A_1276 : vector<16xi32>
    %swap3A_1278 = arith.constant 64 : index
    %swap3A_1279 = tpu.vector_load %arg16[%swap3A_1278] {strides = array<i32>} : memref<128xi32, #tpu.memory_space<vmem>>, vector<16xi32>,
    %swap3A_1280 = vector.shape_cast %swap3A_1279 : vector<16xi32> to vector<16xi32>
    %swap3A_1281 = vector.shape_cast %add3A_1277 : vector<16xi32> to vector<16xi32>
    tpu.vector_store %arg16[%swap3A_1278], %swap3A_1281 {strides = array<i32>} : memref<128xi32, #tpu.memory_space<vmem>>, vector<16xi32>,
    %get3A_1282 = arith.constant 208 : index
    %get3A_1283 = tpu.vector_load %arg11[%get3A_1282] {strides = array<i32>} : memref<10624xi32, #tpu.memory_space<vmem>>, vector<16xi32>,
    %get3A_1284 = vector.shape_cast %get3A_1283 : vector<16xi32> to vector<16xi32>
    %add3A_1285 = arith.constant 0 : i32
    %add3A_1286 = vector.broadcast %add3A_1285 : i32 to vector<16xi32>
    %add3A_1287 = arith.addi %get3A_1284, %add3A_1286 : vector<16xi32>
    %swap3A_1288 = arith.constant 80 : index
    %swap3A_1289 = tpu.vector_load %arg16[%swap3A_1288] {strides = array<i32>} : memref<128xi32, #tpu.memory_space<vmem>>, vector<16xi32>,
    %swap3A_1290 = vector.shape_cast %swap3A_1289 : vector<16xi32> to vector<16xi32>
    %swap3A_1291 = vector.shape_cast %add3A_1287 : vector<16xi32> to vector<16xi32>
    tpu.vector_store %arg16[%swap3A_1288], %swap3A_1291 {strides = array<i32>} : memref<128xi32, #tpu.memory_space<vmem>>, vector<16xi32>,
    %get3A_1292 = arith.constant 224 : index
    %get3A_1293 = tpu.vector_load %arg11[%get3A_1292] {strides = array<i32>} : memref<10624xi32, #tpu.memory_space<vmem>>, vector<16xi32>,
    %get3A_1294 = vector.shape_cast %get3A_1293 : vector<16xi32> to vector<16xi32>
    %add3A_1295 = arith.constant 0 : i32
    %add3A_1296 = vector.broadcast %add3A_1295 : i32 to vector<16xi32>
    %add3A_1297 = arith.addi %get3A_1294, %add3A_1296 : vector<16xi32>
    %swap3A_1298 = arith.constant 96 : index
    %swap3A_1299 = tpu.vector_load %arg16[%swap3A_1298] {strides = array<i32>} : memref<128xi32, #tpu.memory_space<vmem>>, vector<16xi32>,
    %swap3A_1300 = vector.shape_cast %swap3A_1299 : vector<16xi32> to vector<16xi32>
    %swap3A_1301 = vector.shape_cast %add3A_1297 : vector<16xi32> to vector<16xi32>
    tpu.vector_store %arg16[%swap3A_1298], %swap3A_1301 {strides = array<i32>} : memref<128xi32, #tpu.memory_space<vmem>>, vector<16xi32>,
    %get3A_1302 = arith.constant 240 : index
    %get3A_1303 = tpu.vector_load %arg11[%get3A_1302] {strides = array<i32>} : memref<10624xi32, #tpu.memory_space<vmem>>, vector<16xi32>,
    %get3A_1304 = vector.shape_cast %get3A_1303 : vector<16xi32> to vector<16xi32>
    %add3A_1305 = arith.constant 0 : i32
    %add3A_1306 = vector.broadcast %add3A_1305 : i32 to vector<16xi32>
    %add3A_1307 = arith.addi %get3A_1304, %add3A_1306 : vector<16xi32>
    %swap3A_1308 = arith.constant 112 : index
    %swap3A_1309 = tpu.vector_load %arg16[%swap3A_1308] {strides = array<i32>} : memref<128xi32, #tpu.memory_space<vmem>>, vector<16xi32>,
    %swap3A_1310 = vector.shape_cast %swap3A_1309 : vector<16xi32> to vector<16xi32>
    %swap3A_1311 = vector.shape_cast %add3A_1307 : vector<16xi32> to vector<16xi32>
    tpu.vector_store %arg16[%swap3A_1308], %swap3A_1311 {strides = array<i32>} : memref<128xi32, #tpu.memory_space<vmem>>, vector<16xi32>,
    %dma_start3A_1312 = arith.constant 0 : i32
    %dma_start3A_1313 = arith.constant 0 : i32
    %dma_start3A_1314 = tpu.memref_slice %arg2[%dma_start3A_1312, %dma_start3A_1313] : memref<20000x128xf32, #tpu.memory_space<hbm>> -> memref<20000x128xf32, #tpu.memory_space<hbm>>
    tpu.enqueue_indirect_dma source(%dma_start3A_1314 : memref<20000x128xf32, #tpu.memory_space<hbm>>) target(%arg19 : memref<128x128xf32, #tpu.memory_space<vmem>>) offsets(%arg13 : memref<128xi32, #tpu.memory_space<vmem>>) semaphore(%arg24 : memref<!tpu.dma_semaphore, #tpu.memory_space<semaphore_mem>>)
    %scan3A_1315 = arith.constant 0 : i32
    %scan3A_1316 = arith.constant 0 : i32
    %scan3A_1317 = arith.constant 27 : i32
    %scan3A_1318 = arith.addi %scan3A_1316, %scan3A_1317 : i32
    %scan3A_1319 = arith.constant 1 : i32
    scf.for %scan3A_2047 = %scan3A_1316 to %scan3A_1318 step %scan3A_1319  : i32 {
      %mul3A_2048 = arith.constant 3 : i32
      %mul3A_2049 = arith.muli %scan3A_2047, %mul3A_2048 : i32
      %add3A_2050 = arith.constant 0 : i32
      %add3A_2051 = arith.addi %mul3A_2049, %add3A_2050 : i32
      %dma_wait3A_2052 = arith.constant 0 : i32
      %dma_wait3A_2053 = arith.constant 0 : i32
      %dma_wait3A_2054 = tpu.memref_slice %arg2[%dma_wait3A_2052, %dma_wait3A_2053] : memref<20000x128xf32, #tpu.memory_space<hbm>> -> memref<20000x128xf32, #tpu.memory_space<hbm>>
      tpu.wait_indirect_dma semaphore(%arg23 : memref<!tpu.dma_semaphore, #tpu.memory_space<semaphore_mem>>) src(%dma_wait3A_2054 : memref<20000x128xf32, #tpu.memory_space<hbm>>) dst(%arg18 : memref<128x128xf32, #tpu.memory_space<vmem>>)
      %dma_start3A_2055 = arith.constant 0 : i32
      %dma_start3A_2056 = arith.constant 0 : i32
      %dma_start3A_2057 = tpu.memref_slice %arg22[%dma_start3A_2055, %dma_start3A_2056] : memref<5120x128xf32, #tpu.memory_space<vmem_shared>> -> memref<5120x128xf32, #tpu.memory_space<vmem_shared>>
      tpu.enqueue_indirect_dma source(%arg18 : memref<128x128xf32, #tpu.memory_space<vmem>>) target(%dma_start3A_2057 : memref<5120x128xf32, #tpu.memory_space<vmem_shared>>) offsets(%arg15 : memref<128xi32, #tpu.memory_space<vmem>>) semaphore(%arg26 : memref<!tpu.dma_semaphore, #tpu.memory_space<semaphore_mem>>) {add = true}
      %dma_wait3A_2058 = arith.constant 0 : i32
      %dma_wait3A_2059 = arith.constant 0 : i32
      %dma_wait3A_2060 = tpu.memref_slice %arg22[%dma_wait3A_2058, %dma_wait3A_2059] : memref<5120x128xf32, #tpu.memory_space<vmem_shared>> -> memref<5120x128xf32, #tpu.memory_space<vmem_shared>>
      tpu.wait_indirect_dma semaphore(%arg28 : memref<!tpu.dma_semaphore, #tpu.memory_space<semaphore_mem>>) src(%arg20 : memref<128x128xf32, #tpu.memory_space<vmem>>) dst(%dma_wait3A_2060 : memref<5120x128xf32, #tpu.memory_space<vmem_shared>>)
      %add3A_2061 = arith.constant 2 : i32
      %add3A_2062 = arith.addi %add3A_2051, %add3A_2061 : i32
      %mul3A_2063 = arith.constant 128 : i32
      %mul3A_2064 = arith.muli %add3A_2062, %mul3A_2063 : i32
      %add3A_2065 = arith.constant 0 : i32
      %add3A_2066 = arith.addi %mul3A_2064, %add3A_2065 : i32
      %get3A_2067 = arith.index_cast %add3A_2066 : i32 to index
      %get3A_2068 = tpu.vector_load %arg10[%get3A_2067] {strides = array<i32>} : memref<10624xi32, #tpu.memory_space<vmem>>, vector<16xi32>,
      %get3A_2069 = vector.shape_cast %get3A_2068 : vector<16xi32> to vector<16xi32>
      %add3A_2070 = arith.constant 0 : i32
      %add3A_2071 = vector.broadcast %add3A_2070 : i32 to vector<16xi32>
      %add3A_2072 = arith.addi %get3A_2069, %add3A_2071 : vector<16xi32>
      %swap3A_2073 = arith.constant 0 : index
      %swap3A_2074 = tpu.vector_load %arg14[%swap3A_2073] {strides = array<i32>} : memref<128xi32, #tpu.memory_space<vmem>>, vector<16xi32>,
      %swap3A_2075 = vector.shape_cast %swap3A_2074 : vector<16xi32> to vector<16xi32>
      %swap3A_2076 = vector.shape_cast %add3A_2072 : vector<16xi32> to vector<16xi32>
      tpu.vector_store %arg14[%swap3A_2073], %swap3A_2076 {strides = array<i32>} : memref<128xi32, #tpu.memory_space<vmem>>, vector<16xi32>,
      %add3A_2077 = arith.constant 16 : i32
      %add3A_2078 = arith.addi %mul3A_2064, %add3A_2077 : i32
      %get3A_2079 = arith.index_cast %add3A_2078 : i32 to index
      %get3A_2080 = tpu.vector_load %arg10[%get3A_2079] {strides = array<i32>} : memref<10624xi32, #tpu.memory_space<vmem>>, vector<16xi32>,
      %get3A_2081 = vector.shape_cast %get3A_2080 : vector<16xi32> to vector<16xi32>
      %add3A_2082 = arith.constant 0 : i32
      %add3A_2083 = vector.broadcast %add3A_2082 : i32 to vector<16xi32>
      %add3A_2084 = arith.addi %get3A_2081, %add3A_2083 : vector<16xi32>
      %swap3A_2085 = arith.constant 16 : index
      %swap3A_2086 = tpu.vector_load %arg14[%swap3A_2085] {strides = array<i32>} : memref<128xi32, #tpu.memory_space<vmem>>, vector<16xi32>,
      %swap3A_2087 = vector.shape_cast %swap3A_2086 : vector<16xi32> to vector<16xi32>
      %swap3A_2088 = vector.shape_cast %add3A_2084 : vector<16xi32> to vector<16xi32>
      tpu.vector_store %arg14[%swap3A_2085], %swap3A_2088 {strides = array<i32>} : memref<128xi32, #tpu.memory_space<vmem>>, vector<16xi32>,
      %add3A_2089 = arith.constant 32 : i32
      %add3A_2090 = arith.addi %mul3A_2064, %add3A_2089 : i32
      %get3A_2091 = arith.index_cast %add3A_2090 : i32 to index
      %get3A_2092 = tpu.vector_load %arg10[%get3A_2091] {strides = array<i32>} : memref<10624xi32, #tpu.memory_space<vmem>>, vector<16xi32>,
      %get3A_2093 = vector.shape_cast %get3A_2092 : vector<16xi32> to vector<16xi32>
      %add3A_2094 = arith.constant 0 : i32
      %add3A_2095 = vector.broadcast %add3A_2094 : i32 to vector<16xi32>
      %add3A_2096 = arith.addi %get3A_2093, %add3A_2095 : vector<16xi32>
      %swap3A_2097 = arith.constant 32 : index
      %swap3A_2098 = tpu.vector_load %arg14[%swap3A_2097] {strides = array<i32>} : memref<128xi32, #tpu.memory_space<vmem>>, vector<16xi32>,
      %swap3A_2099 = vector.shape_cast %swap3A_2098 : vector<16xi32> to vector<16xi32>
      %swap3A_2100 = vector.shape_cast %add3A_2096 : vector<16xi32> to vector<16xi32>
      tpu.vector_store %arg14[%swap3A_2097], %swap3A_2100 {strides = array<i32>} : memref<128xi32, #tpu.memory_space<vmem>>, vector<16xi32>,
      %add3A_2101 = arith.constant 48 : i32
      %add3A_2102 = arith.addi %mul3A_2064, %add3A_2101 : i32
      %get3A_2103 = arith.index_cast %add3A_2102 : i32 to index
      %get3A_2104 = tpu.vector_load %arg10[%get3A_2103] {strides = array<i32>} : memref<10624xi32, #tpu.memory_space<vmem>>, vector<16xi32>,
      %get3A_2105 = vector.shape_cast %get3A_2104 : vector<16xi32> to vector<16xi32>
      %add3A_2106 = arith.constant 0 : i32
      %add3A_2107 = vector.broadcast %add3A_2106 : i32 to vector<16xi32>
      %add3A_2108 = arith.addi %get3A_2105, %add3A_2107 : vector<16xi32>
      %swap3A_2109 = arith.constant 48 : index
      %swap3A_2110 = tpu.vector_load %arg14[%swap3A_2109] {strides = array<i32>} : memref<128xi32, #tpu.memory_space<vmem>>, vector<16xi32>,
      %swap3A_2111 = vector.shape_cast %swap3A_2110 : vector<16xi32> to vector<16xi32>
      %swap3A_2112 = vector.shape_cast %add3A_2108 : vector<16xi32> to vector<16xi32>
      tpu.vector_store %arg14[%swap3A_2109], %swap3A_2112 {strides = array<i32>} : memref<128xi32, #tpu.memory_space<vmem>>, vector<16xi32>,
      %add3A_2113 = arith.constant 64 : i32
      %add3A_2114 = arith.addi %mul3A_2064, %add3A_2113 : i32
      %get3A_2115 = arith.index_cast %add3A_2114 : i32 to index
      %get3A_2116 = tpu.vector_load %arg10[%get3A_2115] {strides = array<i32>} : memref<10624xi32, #tpu.memory_space<vmem>>, vector<16xi32>,
      %get3A_2117 = vector.shape_cast %get3A_2116 : vector<16xi32> to vector<16xi32>
      %add3A_2118 = arith.constant 0 : i32
      %add3A_2119 = vector.broadcast %add3A_2118 : i32 to vector<16xi32>
      %add3A_2120 = arith.addi %get3A_2117, %add3A_2119 : vector<16xi32>
      %swap3A_2121 = arith.constant 64 : index
      %swap3A_2122 = tpu.vector_load %arg14[%swap3A_2121] {strides = array<i32>} : memref<128xi32, #tpu.memory_space<vmem>>, vector<16xi32>,
      %swap3A_2123 = vector.shape_cast %swap3A_2122 : vector<16xi32> to vector<16xi32>
      %swap3A_2124 = vector.shape_cast %add3A_2120 : vector<16xi32> to vector<16xi32>
      tpu.vector_store %arg14[%swap3A_2121], %swap3A_2124 {strides = array<i32>} : memref<128xi32, #tpu.memory_space<vmem>>, vector<16xi32>,
      %add3A_2125 = arith.constant 80 : i32
      %add3A_2126 = arith.addi %mul3A_2064, %add3A_2125 : i32
      %get3A_2127 = arith.index_cast %add3A_2126 : i32 to index
      %get3A_2128 = tpu.vector_load %arg10[%get3A_2127] {strides = array<i32>} : memref<10624xi32, #tpu.memory_space<vmem>>, vector<16xi32>,
      %get3A_2129 = vector.shape_cast %get3A_2128 : vector<16xi32> to vector<16xi32>
      %add3A_2130 = arith.constant 0 : i32
      %add3A_2131 = vector.broadcast %add3A_2130 : i32 to vector<16xi32>
      %add3A_2132 = arith.addi %get3A_2129, %add3A_2131 : vector<16xi32>
      %swap3A_2133 = arith.constant 80 : index
      %swap3A_2134 = tpu.vector_load %arg14[%swap3A_2133] {strides = array<i32>} : memref<128xi32, #tpu.memory_space<vmem>>, vector<16xi32>,
      %swap3A_2135 = vector.shape_cast %swap3A_2134 : vector<16xi32> to vector<16xi32>
      %swap3A_2136 = vector.shape_cast %add3A_2132 : vector<16xi32> to vector<16xi32>
      tpu.vector_store %arg14[%swap3A_2133], %swap3A_2136 {strides = array<i32>} : memref<128xi32, #tpu.memory_space<vmem>>, vector<16xi32>,
      %add3A_2137 = arith.constant 96 : i32
      %add3A_2138 = arith.addi %mul3A_2064, %add3A_2137 : i32
      %get3A_2139 = arith.index_cast %add3A_2138 : i32 to index
      %get3A_2140 = tpu.vector_load %arg10[%get3A_2139] {strides = array<i32>} : memref<10624xi32, #tpu.memory_space<vmem>>, vector<16xi32>,
      %get3A_2141 = vector.shape_cast %get3A_2140 : vector<16xi32> to vector<16xi32>
      %add3A_2142 = arith.constant 0 : i32
      %add3A_2143 = vector.broadcast %add3A_2142 : i32 to vector<16xi32>
      %add3A_2144 = arith.addi %get3A_2141, %add3A_2143 : vector<16xi32>
      %swap3A_2145 = arith.constant 96 : index
      %swap3A_2146 = tpu.vector_load %arg14[%swap3A_2145] {strides = array<i32>} : memref<128xi32, #tpu.memory_space<vmem>>, vector<16xi32>,
      %swap3A_2147 = vector.shape_cast %swap3A_2146 : vector<16xi32> to vector<16xi32>
      %swap3A_2148 = vector.shape_cast %add3A_2144 : vector<16xi32> to vector<16xi32>
      tpu.vector_store %arg14[%swap3A_2145], %swap3A_2148 {strides = array<i32>} : memref<128xi32, #tpu.memory_space<vmem>>, vector<16xi32>,
      %add3A_2149 = arith.constant 112 : i32
      %add3A_2150 = arith.addi %mul3A_2064, %add3A_2149 : i32
      %get3A_2151 = arith.index_cast %add3A_2150 : i32 to index
      %get3A_2152 = tpu.vector_load %arg10[%get3A_2151] {strides = array<i32>} : memref<10624xi32, #tpu.memory_space<vmem>>, vector<16xi32>,
      %get3A_2153 = vector.shape_cast %get3A_2152 : vector<16xi32> to vector<16xi32>
      %add3A_2154 = arith.constant 0 : i32
      %add3A_2155 = vector.broadcast %add3A_2154 : i32 to vector<16xi32>
      %add3A_2156 = arith.addi %get3A_2153, %add3A_2155 : vector<16xi32>
      %swap3A_2157 = arith.constant 112 : index
      %swap3A_2158 = tpu.vector_load %arg14[%swap3A_2157] {strides = array<i32>} : memref<128xi32, #tpu.memory_space<vmem>>, vector<16xi32>,
      %swap3A_2159 = vector.shape_cast %swap3A_2158 : vector<16xi32> to vector<16xi32>
      %swap3A_2160 = vector.shape_cast %add3A_2156 : vector<16xi32> to vector<16xi32>
      tpu.vector_store %arg14[%swap3A_2157], %swap3A_2160 {strides = array<i32>} : memref<128xi32, #tpu.memory_space<vmem>>, vector<16xi32>,
      %add3A_2161 = arith.constant 0 : i32
      %add3A_2162 = arith.addi %mul3A_2064, %add3A_2161 : i32
      %get3A_2163 = arith.index_cast %add3A_2162 : i32 to index
      %get3A_2164 = tpu.vector_load %arg11[%get3A_2163] {strides = array<i32>} : memref<10624xi32, #tpu.memory_space<vmem>>, vector<16xi32>,
      %get3A_2165 = vector.shape_cast %get3A_2164 : vector<16xi32> to vector<16xi32>
      %add3A_2166 = arith.constant 0 : i32
      %add3A_2167 = vector.broadcast %add3A_2166 : i32 to vector<16xi32>
      %add3A_2168 = arith.addi %get3A_2165, %add3A_2167 : vector<16xi32>
      %swap3A_2169 = arith.constant 0 : index
      %swap3A_2170 = tpu.vector_load %arg17[%swap3A_2169] {strides = array<i32>} : memref<128xi32, #tpu.memory_space<vmem>>, vector<16xi32>,
      %swap3A_2171 = vector.shape_cast %swap3A_2170 : vector<16xi32> to vector<16xi32>
      %swap3A_2172 = vector.shape_cast %add3A_2168 : vector<16xi32> to vector<16xi32>
      tpu.vector_store %arg17[%swap3A_2169], %swap3A_2172 {strides = array<i32>} : memref<128xi32, #tpu.memory_space<vmem>>, vector<16xi32>,
      %add3A_2173 = arith.constant 16 : i32
      %add3A_2174 = arith.addi %mul3A_2064, %add3A_2173 : i32
      %get3A_2175 = arith.index_cast %add3A_2174 : i32 to index
      %get3A_2176 = tpu.vector_load %arg11[%get3A_2175] {strides = array<i32>} : memref<10624xi32, #tpu.memory_space<vmem>>, vector<16xi32>,
      %get3A_2177 = vector.shape_cast %get3A_2176 : vector<16xi32> to vector<16xi32>
      %add3A_2178 = arith.constant 0 : i32
      %add3A_2179 = vector.broadcast %add3A_2178 : i32 to vector<16xi32>
      %add3A_2180 = arith.addi %get3A_2177, %add3A_2179 : vector<16xi32>
      %swap3A_2181 = arith.constant 16 : index
      %swap3A_2182 = tpu.vector_load %arg17[%swap3A_2181] {strides = array<i32>} : memref<128xi32, #tpu.memory_space<vmem>>, vector<16xi32>,
      %swap3A_2183 = vector.shape_cast %swap3A_2182 : vector<16xi32> to vector<16xi32>
      %swap3A_2184 = vector.shape_cast %add3A_2180 : vector<16xi32> to vector<16xi32>
      tpu.vector_store %arg17[%swap3A_2181], %swap3A_2184 {strides = array<i32>} : memref<128xi32, #tpu.memory_space<vmem>>, vector<16xi32>,
      %add3A_2185 = arith.constant 32 : i32
      %add3A_2186 = arith.addi %mul3A_2064, %add3A_2185 : i32
      %get3A_2187 = arith.index_cast %add3A_2186 : i32 to index
      %get3A_2188 = tpu.vector_load %arg11[%get3A_2187] {strides = array<i32>} : memref<10624xi32, #tpu.memory_space<vmem>>, vector<16xi32>,
      %get3A_2189 = vector.shape_cast %get3A_2188 : vector<16xi32> to vector<16xi32>
      %add3A_2190 = arith.constant 0 : i32
      %add3A_2191 = vector.broadcast %add3A_2190 : i32 to vector<16xi32>
      %add3A_2192 = arith.addi %get3A_2189, %add3A_2191 : vector<16xi32>
      %swap3A_2193 = arith.constant 32 : index
      %swap3A_2194 = tpu.vector_load %arg17[%swap3A_2193] {strides = array<i32>} : memref<128xi32, #tpu.memory_space<vmem>>, vector<16xi32>,
      %swap3A_2195 = vector.shape_cast %swap3A_2194 : vector<16xi32> to vector<16xi32>
      %swap3A_2196 = vector.shape_cast %add3A_2192 : vector<16xi32> to vector<16xi32>
      tpu.vector_store %arg17[%swap3A_2193], %swap3A_2196 {strides = array<i32>} : memref<128xi32, #tpu.memory_space<vmem>>, vector<16xi32>,
      %add3A_2197 = arith.constant 48 : i32
      %add3A_2198 = arith.addi %mul3A_2064, %add3A_2197 : i32
      %get3A_2199 = arith.index_cast %add3A_2198 : i32 to index
      %get3A_2200 = tpu.vector_load %arg11[%get3A_2199] {strides = array<i32>} : memref<10624xi32, #tpu.memory_space<vmem>>, vector<16xi32>,
      %get3A_2201 = vector.shape_cast %get3A_2200 : vector<16xi32> to vector<16xi32>
      %add3A_2202 = arith.constant 0 : i32
      %add3A_2203 = vector.broadcast %add3A_2202 : i32 to vector<16xi32>
      %add3A_2204 = arith.addi %get3A_2201, %add3A_2203 : vector<16xi32>
      %swap3A_2205 = arith.constant 48 : index
      %swap3A_2206 = tpu.vector_load %arg17[%swap3A_2205] {strides = array<i32>} : memref<128xi32, #tpu.memory_space<vmem>>, vector<16xi32>,
      %swap3A_2207 = vector.shape_cast %swap3A_2206 : vector<16xi32> to vector<16xi32>
      %swap3A_2208 = vector.shape_cast %add3A_2204 : vector<16xi32> to vector<16xi32>
      tpu.vector_store %arg17[%swap3A_2205], %swap3A_2208 {strides = array<i32>} : memref<128xi32, #tpu.memory_space<vmem>>, vector<16xi32>,
      %add3A_2209 = arith.constant 64 : i32
      %add3A_2210 = arith.addi %mul3A_2064, %add3A_2209 : i32
      %get3A_2211 = arith.index_cast %add3A_2210 : i32 to index
      %get3A_2212 = tpu.vector_load %arg11[%get3A_2211] {strides = array<i32>} : memref<10624xi32, #tpu.memory_space<vmem>>, vector<16xi32>,
      %get3A_2213 = vector.shape_cast %get3A_2212 : vector<16xi32> to vector<16xi32>
      %add3A_2214 = arith.constant 0 : i32
      %add3A_2215 = vector.broadcast %add3A_2214 : i32 to vector<16xi32>
      %add3A_2216 = arith.addi %get3A_2213, %add3A_2215 : vector<16xi32>
      %swap3A_2217 = arith.constant 64 : index
      %swap3A_2218 = tpu.vector_load %arg17[%swap3A_2217] {strides = array<i32>} : memref<128xi32, #tpu.memory_space<vmem>>, vector<16xi32>,
      %swap3A_2219 = vector.shape_cast %swap3A_2218 : vector<16xi32> to vector<16xi32>
      %swap3A_2220 = vector.shape_cast %add3A_2216 : vector<16xi32> to vector<16xi32>
      tpu.vector_store %arg17[%swap3A_2217], %swap3A_2220 {strides = array<i32>} : memref<128xi32, #tpu.memory_space<vmem>>, vector<16xi32>,
      %add3A_2221 = arith.constant 80 : i32
      %add3A_2222 = arith.addi %mul3A_2064, %add3A_2221 : i32
      %get3A_2223 = arith.index_cast %add3A_2222 : i32 to index
      %get3A_2224 = tpu.vector_load %arg11[%get3A_2223] {strides = array<i32>} : memref<10624xi32, #tpu.memory_space<vmem>>, vector<16xi32>,
      %get3A_2225 = vector.shape_cast %get3A_2224 : vector<16xi32> to vector<16xi32>
      %add3A_2226 = arith.constant 0 : i32
      %add3A_2227 = vector.broadcast %add3A_2226 : i32 to vector<16xi32>
      %add3A_2228 = arith.addi %get3A_2225, %add3A_2227 : vector<16xi32>
      %swap3A_2229 = arith.constant 80 : index
      %swap3A_2230 = tpu.vector_load %arg17[%swap3A_2229] {strides = array<i32>} : memref<128xi32, #tpu.memory_space<vmem>>, vector<16xi32>,
      %swap3A_2231 = vector.shape_cast %swap3A_2230 : vector<16xi32> to vector<16xi32>
      %swap3A_2232 = vector.shape_cast %add3A_2228 : vector<16xi32> to vector<16xi32>
      tpu.vector_store %arg17[%swap3A_2229], %swap3A_2232 {strides = array<i32>} : memref<128xi32, #tpu.memory_space<vmem>>, vector<16xi32>,
      %add3A_2233 = arith.constant 96 : i32
      %add3A_2234 = arith.addi %mul3A_2064, %add3A_2233 : i32
      %get3A_2235 = arith.index_cast %add3A_2234 : i32 to index
      %get3A_2236 = tpu.vector_load %arg11[%get3A_2235] {strides = array<i32>} : memref<10624xi32, #tpu.memory_space<vmem>>, vector<16xi32>,
      %get3A_2237 = vector.shape_cast %get3A_2236 : vector<16xi32> to vector<16xi32>
      %add3A_2238 = arith.constant 0 : i32
      %add3A_2239 = vector.broadcast %add3A_2238 : i32 to vector<16xi32>
      %add3A_2240 = arith.addi %get3A_2237, %add3A_2239 : vector<16xi32>
      %swap3A_2241 = arith.constant 96 : index
      %swap3A_2242 = tpu.vector_load %arg17[%swap3A_2241] {strides = array<i32>} : memref<128xi32, #tpu.memory_space<vmem>>, vector<16xi32>,
      %swap3A_2243 = vector.shape_cast %swap3A_2242 : vector<16xi32> to vector<16xi32>
      %swap3A_2244 = vector.shape_cast %add3A_2240 : vector<16xi32> to vector<16xi32>
      tpu.vector_store %arg17[%swap3A_2241], %swap3A_2244 {strides = array<i32>} : memref<128xi32, #tpu.memory_space<vmem>>, vector<16xi32>,
      %add3A_2245 = arith.constant 112 : i32
      %add3A_2246 = arith.addi %mul3A_2064, %add3A_2245 : i32
      %get3A_2247 = arith.index_cast %add3A_2246 : i32 to index
      %get3A_2248 = tpu.vector_load %arg11[%get3A_2247] {strides = array<i32>} : memref<10624xi32, #tpu.memory_space<vmem>>, vector<16xi32>,
      %get3A_2249 = vector.shape_cast %get3A_2248 : vector<16xi32> to vector<16xi32>
      %add3A_2250 = arith.constant 0 : i32
      %add3A_2251 = vector.broadcast %add3A_2250 : i32 to vector<16xi32>
      %add3A_2252 = arith.addi %get3A_2249, %add3A_2251 : vector<16xi32>
      %swap3A_2253 = arith.constant 112 : index
      %swap3A_2254 = tpu.vector_load %arg17[%swap3A_2253] {strides = array<i32>} : memref<128xi32, #tpu.memory_space<vmem>>, vector<16xi32>,
      %swap3A_2255 = vector.shape_cast %swap3A_2254 : vector<16xi32> to vector<16xi32>
      %swap3A_2256 = vector.shape_cast %add3A_2252 : vector<16xi32> to vector<16xi32>
      tpu.vector_store %arg17[%swap3A_2253], %swap3A_2256 {strides = array<i32>} : memref<128xi32, #tpu.memory_space<vmem>>, vector<16xi32>,
      %dma_start3A_2257 = arith.constant 0 : i32
      %dma_start3A_2258 = arith.constant 0 : i32
      %dma_start3A_2259 = tpu.memref_slice %arg2[%dma_start3A_2257, %dma_start3A_2258] : memref<20000x128xf32, #tpu.memory_space<hbm>> -> memref<20000x128xf32, #tpu.memory_space<hbm>>
      tpu.enqueue_indirect_dma source(%dma_start3A_2259 : memref<20000x128xf32, #tpu.memory_space<hbm>>) target(%arg20 : memref<128x128xf32, #tpu.memory_space<vmem>>) offsets(%arg14 : memref<128xi32, #tpu.memory_space<vmem>>) semaphore(%arg25 : memref<!tpu.dma_semaphore, #tpu.memory_space<semaphore_mem>>)
      %mul3A_2260 = arith.constant 3 : i32
      %mul3A_2261 = arith.muli %scan3A_2047, %mul3A_2260 : i32
      %add3A_2262 = arith.constant 1 : i32
      %add3A_2263 = arith.addi %mul3A_2261, %add3A_2262 : i32
      %dma_wait3A_2264 = arith.constant 0 : i32
      %dma_wait3A_2265 = arith.constant 0 : i32
      %dma_wait3A_2266 = tpu.memref_slice %arg2[%dma_wait3A_2264, %dma_wait3A_2265] : memref<20000x128xf32, #tpu.memory_space<hbm>> -> memref<20000x128xf32, #tpu.memory_space<hbm>>
      tpu.wait_indirect_dma semaphore(%arg24 : memref<!tpu.dma_semaphore, #tpu.memory_space<semaphore_mem>>) src(%dma_wait3A_2266 : memref<20000x128xf32, #tpu.memory_space<hbm>>) dst(%arg19 : memref<128x128xf32, #tpu.memory_space<vmem>>)
      %dma_start3A_2267 = arith.constant 0 : i32
      %dma_start3A_2268 = arith.constant 0 : i32
      %dma_start3A_2269 = tpu.memref_slice %arg22[%dma_start3A_2267, %dma_start3A_2268] : memref<5120x128xf32, #tpu.memory_space<vmem_shared>> -> memref<5120x128xf32, #tpu.memory_space<vmem_shared>>
      tpu.enqueue_indirect_dma source(%arg19 : memref<128x128xf32, #tpu.memory_space<vmem>>) target(%dma_start3A_2269 : memref<5120x128xf32, #tpu.memory_space<vmem_shared>>) offsets(%arg16 : memref<128xi32, #tpu.memory_space<vmem>>) semaphore(%arg27 : memref<!tpu.dma_semaphore, #tpu.memory_space<semaphore_mem>>) {add = true}
      %dma_wait3A_2270 = arith.constant 0 : i32
      %dma_wait3A_2271 = arith.constant 0 : i32
      %dma_wait3A_2272 = tpu.memref_slice %arg22[%dma_wait3A_2270, %dma_wait3A_2271] : memref<5120x128xf32, #tpu.memory_space<vmem_shared>> -> memref<5120x128xf32, #tpu.memory_space<vmem_shared>>
      tpu.wait_indirect_dma semaphore(%arg26 : memref<!tpu.dma_semaphore, #tpu.memory_space<semaphore_mem>>) src(%arg18 : memref<128x128xf32, #tpu.memory_space<vmem>>) dst(%dma_wait3A_2272 : memref<5120x128xf32, #tpu.memory_space<vmem_shared>>)
      %add3A_2273 = arith.constant 2 : i32
      %add3A_2274 = arith.addi %add3A_2263, %add3A_2273 : i32
      %mul3A_2275 = arith.constant 128 : i32
      %mul3A_2276 = arith.muli %add3A_2274, %mul3A_2275 : i32
      %add3A_2277 = arith.constant 0 : i32
      %add3A_2278 = arith.addi %mul3A_2276, %add3A_2277 : i32
      %get3A_2279 = arith.index_cast %add3A_2278 : i32 to index
      %get3A_2280 = tpu.vector_load %arg10[%get3A_2279] {strides = array<i32>} : memref<10624xi32, #tpu.memory_space<vmem>>, vector<16xi32>,
      %get3A_2281 = vector.shape_cast %get3A_2280 : vector<16xi32> to vector<16xi32>
      %add3A_2282 = arith.constant 0 : i32
      %add3A_2283 = vector.broadcast %add3A_2282 : i32 to vector<16xi32>
      %add3A_2284 = arith.addi %get3A_2281, %add3A_2283 : vector<16xi32>
      %swap3A_2285 = arith.constant 0 : index
      %swap3A_2286 = tpu.vector_load %arg12[%swap3A_2285] {strides = array<i32>} : memref<128xi32, #tpu.memory_space<vmem>>, vector<16xi32>,
      %swap3A_2287 = vector.shape_cast %swap3A_2286 : vector<16xi32> to vector<16xi32>
      %swap3A_2288 = vector.shape_cast %add3A_2284 : vector<16xi32> to vector<16xi32>
      tpu.vector_store %arg12[%swap3A_2285], %swap3A_2288 {strides = array<i32>} : memref<128xi32, #tpu.memory_space<vmem>>, vector<16xi32>,
      %add3A_2289 = arith.constant 16 : i32
      %add3A_2290 = arith.addi %mul3A_2276, %add3A_2289 : i32
      %get3A_2291 = arith.index_cast %add3A_2290 : i32 to index
      %get3A_2292 = tpu.vector_load %arg10[%get3A_2291] {strides = array<i32>} : memref<10624xi32, #tpu.memory_space<vmem>>, vector<16xi32>,
      %get3A_2293 = vector.shape_cast %get3A_2292 : vector<16xi32> to vector<16xi32>
      %add3A_2294 = arith.constant 0 : i32
      %add3A_2295 = vector.broadcast %add3A_2294 : i32 to vector<16xi32>
      %add3A_2296 = arith.addi %get3A_2293, %add3A_2295 : vector<16xi32>
      %swap3A_2297 = arith.constant 16 : index
      %swap3A_2298 = tpu.vector_load %arg12[%swap3A_2297] {strides = array<i32>} : memref<128xi32, #tpu.memory_space<vmem>>, vector<16xi32>,
      %swap3A_2299 = vector.shape_cast %swap3A_2298 : vector<16xi32> to vector<16xi32>
      %swap3A_2300 = vector.shape_cast %add3A_2296 : vector<16xi32> to vector<16xi32>
      tpu.vector_store %arg12[%swap3A_2297], %swap3A_2300 {strides = array<i32>} : memref<128xi32, #tpu.memory_space<vmem>>, vector<16xi32>,
      %add3A_2301 = arith.constant 32 : i32
      %add3A_2302 = arith.addi %mul3A_2276, %add3A_2301 : i32
      %get3A_2303 = arith.index_cast %add3A_2302 : i32 to index
      %get3A_2304 = tpu.vector_load %arg10[%get3A_2303] {strides = array<i32>} : memref<10624xi32, #tpu.memory_space<vmem>>, vector<16xi32>,
      %get3A_2305 = vector.shape_cast %get3A_2304 : vector<16xi32> to vector<16xi32>
      %add3A_2306 = arith.constant 0 : i32
      %add3A_2307 = vector.broadcast %add3A_2306 : i32 to vector<16xi32>
      %add3A_2308 = arith.addi %get3A_2305, %add3A_2307 : vector<16xi32>
      %swap3A_2309 = arith.constant 32 : index
      %swap3A_2310 = tpu.vector_load %arg12[%swap3A_2309] {strides = array<i32>} : memref<128xi32, #tpu.memory_space<vmem>>, vector<16xi32>,
      %swap3A_2311 = vector.shape_cast %swap3A_2310 : vector<16xi32> to vector<16xi32>
      %swap3A_2312 = vector.shape_cast %add3A_2308 : vector<16xi32> to vector<16xi32>
      tpu.vector_store %arg12[%swap3A_2309], %swap3A_2312 {strides = array<i32>} : memref<128xi32, #tpu.memory_space<vmem>>, vector<16xi32>,
      %add3A_2313 = arith.constant 48 : i32
      %add3A_2314 = arith.addi %mul3A_2276, %add3A_2313 : i32
      %get3A_2315 = arith.index_cast %add3A_2314 : i32 to index
      %get3A_2316 = tpu.vector_load %arg10[%get3A_2315] {strides = array<i32>} : memref<10624xi32, #tpu.memory_space<vmem>>, vector<16xi32>,
      %get3A_2317 = vector.shape_cast %get3A_2316 : vector<16xi32> to vector<16xi32>
      %add3A_2318 = arith.constant 0 : i32
      %add3A_2319 = vector.broadcast %add3A_2318 : i32 to vector<16xi32>
      %add3A_2320 = arith.addi %get3A_2317, %add3A_2319 : vector<16xi32>
      %swap3A_2321 = arith.constant 48 : index
      %swap3A_2322 = tpu.vector_load %arg12[%swap3A_2321] {strides = array<i32>} : memref<128xi32, #tpu.memory_space<vmem>>, vector<16xi32>,
      %swap3A_2323 = vector.shape_cast %swap3A_2322 : vector<16xi32> to vector<16xi32>
      %swap3A_2324 = vector.shape_cast %add3A_2320 : vector<16xi32> to vector<16xi32>
      tpu.vector_store %arg12[%swap3A_2321], %swap3A_2324 {strides = array<i32>} : memref<128xi32, #tpu.memory_space<vmem>>, vector<16xi32>,
      %add3A_2325 = arith.constant 64 : i32
      %add3A_2326 = arith.addi %mul3A_2276, %add3A_2325 : i32
      %get3A_2327 = arith.index_cast %add3A_2326 : i32 to index
      %get3A_2328 = tpu.vector_load %arg10[%get3A_2327] {strides = array<i32>} : memref<10624xi32, #tpu.memory_space<vmem>>, vector<16xi32>,
      %get3A_2329 = vector.shape_cast %get3A_2328 : vector<16xi32> to vector<16xi32>
      %add3A_2330 = arith.constant 0 : i32
      %add3A_2331 = vector.broadcast %add3A_2330 : i32 to vector<16xi32>
      %add3A_2332 = arith.addi %get3A_2329, %add3A_2331 : vector<16xi32>
      %swap3A_2333 = arith.constant 64 : index
      %swap3A_2334 = tpu.vector_load %arg12[%swap3A_2333] {strides = array<i32>} : memref<128xi32, #tpu.memory_space<vmem>>, vector<16xi32>,
      %swap3A_2335 = vector.shape_cast %swap3A_2334 : vector<16xi32> to vector<16xi32>
      %swap3A_2336 = vector.shape_cast %add3A_2332 : vector<16xi32> to vector<16xi32>
      tpu.vector_store %arg12[%swap3A_2333], %swap3A_2336 {strides = array<i32>} : memref<128xi32, #tpu.memory_space<vmem>>, vector<16xi32>,
      %add3A_2337 = arith.constant 80 : i32
      %add3A_2338 = arith.addi %mul3A_2276, %add3A_2337 : i32
      %get3A_2339 = arith.index_cast %add3A_2338 : i32 to index
      %get3A_2340 = tpu.vector_load %arg10[%get3A_2339] {strides = array<i32>} : memref<10624xi32, #tpu.memory_space<vmem>>, vector<16xi32>,
      %get3A_2341 = vector.shape_cast %get3A_2340 : vector<16xi32> to vector<16xi32>
      %add3A_2342 = arith.constant 0 : i32
      %add3A_2343 = vector.broadcast %add3A_2342 : i32 to vector<16xi32>
      %add3A_2344 = arith.addi %get3A_2341, %add3A_2343 : vector<16xi32>
      %swap3A_2345 = arith.constant 80 : index
      %swap3A_2346 = tpu.vector_load %arg12[%swap3A_2345] {strides = array<i32>} : memref<128xi32, #tpu.memory_space<vmem>>, vector<16xi32>,
      %swap3A_2347 = vector.shape_cast %swap3A_2346 : vector<16xi32> to vector<16xi32>
      %swap3A_2348 = vector.shape_cast %add3A_2344 : vector<16xi32> to vector<16xi32>
      tpu.vector_store %arg12[%swap3A_2345], %swap3A_2348 {strides = array<i32>} : memref<128xi32, #tpu.memory_space<vmem>>, vector<16xi32>,
      %add3A_2349 = arith.constant 96 : i32
      %add3A_2350 = arith.addi %mul3A_2276, %add3A_2349 : i32
      %get3A_2351 = arith.index_cast %add3A_2350 : i32 to index
      %get3A_2352 = tpu.vector_load %arg10[%get3A_2351] {strides = array<i32>} : memref<10624xi32, #tpu.memory_space<vmem>>, vector<16xi32>,
      %get3A_2353 = vector.shape_cast %get3A_2352 : vector<16xi32> to vector<16xi32>
      %add3A_2354 = arith.constant 0 : i32
      %add3A_2355 = vector.broadcast %add3A_2354 : i32 to vector<16xi32>
      %add3A_2356 = arith.addi %get3A_2353, %add3A_2355 : vector<16xi32>
      %swap3A_2357 = arith.constant 96 : index
      %swap3A_2358 = tpu.vector_load %arg12[%swap3A_2357] {strides = array<i32>} : memref<128xi32, #tpu.memory_space<vmem>>, vector<16xi32>,
      %swap3A_2359 = vector.shape_cast %swap3A_2358 : vector<16xi32> to vector<16xi32>
      %swap3A_2360 = vector.shape_cast %add3A_2356 : vector<16xi32> to vector<16xi32>
      tpu.vector_store %arg12[%swap3A_2357], %swap3A_2360 {strides = array<i32>} : memref<128xi32, #tpu.memory_space<vmem>>, vector<16xi32>,
      %add3A_2361 = arith.constant 112 : i32
      %add3A_2362 = arith.addi %mul3A_2276, %add3A_2361 : i32
      %get3A_2363 = arith.index_cast %add3A_2362 : i32 to index
      %get3A_2364 = tpu.vector_load %arg10[%get3A_2363] {strides = array<i32>} : memref<10624xi32, #tpu.memory_space<vmem>>, vector<16xi32>,
      %get3A_2365 = vector.shape_cast %get3A_2364 : vector<16xi32> to vector<16xi32>
      %add3A_2366 = arith.constant 0 : i32
      %add3A_2367 = vector.broadcast %add3A_2366 : i32 to vector<16xi32>
      %add3A_2368 = arith.addi %get3A_2365, %add3A_2367 : vector<16xi32>
      %swap3A_2369 = arith.constant 112 : index
      %swap3A_2370 = tpu.vector_load %arg12[%swap3A_2369] {strides = array<i32>} : memref<128xi32, #tpu.memory_space<vmem>>, vector<16xi32>,
      %swap3A_2371 = vector.shape_cast %swap3A_2370 : vector<16xi32> to vector<16xi32>
      %swap3A_2372 = vector.shape_cast %add3A_2368 : vector<16xi32> to vector<16xi32>
      tpu.vector_store %arg12[%swap3A_2369], %swap3A_2372 {strides = array<i32>} : memref<128xi32, #tpu.memory_space<vmem>>, vector<16xi32>,
      %add3A_2373 = arith.constant 0 : i32
      %add3A_2374 = arith.addi %mul3A_2276, %add3A_2373 : i32
      %get3A_2375 = arith.index_cast %add3A_2374 : i32 to index
      %get3A_2376 = tpu.vector_load %arg11[%get3A_2375] {strides = array<i32>} : memref<10624xi32, #tpu.memory_space<vmem>>, vector<16xi32>,
      %get3A_2377 = vector.shape_cast %get3A_2376 : vector<16xi32> to vector<16xi32>
      %add3A_2378 = arith.constant 0 : i32
      %add3A_2379 = vector.broadcast %add3A_2378 : i32 to vector<16xi32>
      %add3A_2380 = arith.addi %get3A_2377, %add3A_2379 : vector<16xi32>
      %swap3A_2381 = arith.constant 0 : index
      %swap3A_2382 = tpu.vector_load %arg15[%swap3A_2381] {strides = array<i32>} : memref<128xi32, #tpu.memory_space<vmem>>, vector<16xi32>,
      %swap3A_2383 = vector.shape_cast %swap3A_2382 : vector<16xi32> to vector<16xi32>
      %swap3A_2384 = vector.shape_cast %add3A_2380 : vector<16xi32> to vector<16xi32>
      tpu.vector_store %arg15[%swap3A_2381], %swap3A_2384 {strides = array<i32>} : memref<128xi32, #tpu.memory_space<vmem>>, vector<16xi32>,
      %add3A_2385 = arith.constant 16 : i32
      %add3A_2386 = arith.addi %mul3A_2276, %add3A_2385 : i32
      %get3A_2387 = arith.index_cast %add3A_2386 : i32 to index
      %get3A_2388 = tpu.vector_load %arg11[%get3A_2387] {strides = array<i32>} : memref<10624xi32, #tpu.memory_space<vmem>>, vector<16xi32>,
      %get3A_2389 = vector.shape_cast %get3A_2388 : vector<16xi32> to vector<16xi32>
      %add3A_2390 = arith.constant 0 : i32
      %add3A_2391 = vector.broadcast %add3A_2390 : i32 to vector<16xi32>
      %add3A_2392 = arith.addi %get3A_2389, %add3A_2391 : vector<16xi32>
      %swap3A_2393 = arith.constant 16 : index
      %swap3A_2394 = tpu.vector_load %arg15[%swap3A_2393] {strides = array<i32>} : memref<128xi32, #tpu.memory_space<vmem>>, vector<16xi32>,
      %swap3A_2395 = vector.shape_cast %swap3A_2394 : vector<16xi32> to vector<16xi32>
      %swap3A_2396 = vector.shape_cast %add3A_2392 : vector<16xi32> to vector<16xi32>
      tpu.vector_store %arg15[%swap3A_2393], %swap3A_2396 {strides = array<i32>} : memref<128xi32, #tpu.memory_space<vmem>>, vector<16xi32>,
      %add3A_2397 = arith.constant 32 : i32
      %add3A_2398 = arith.addi %mul3A_2276, %add3A_2397 : i32
      %get3A_2399 = arith.index_cast %add3A_2398 : i32 to index
      %get3A_2400 = tpu.vector_load %arg11[%get3A_2399] {strides = array<i32>} : memref<10624xi32, #tpu.memory_space<vmem>>, vector<16xi32>,
      %get3A_2401 = vector.shape_cast %get3A_2400 : vector<16xi32> to vector<16xi32>
      %add3A_2402 = arith.constant 0 : i32
      %add3A_2403 = vector.broadcast %add3A_2402 : i32 to vector<16xi32>
      %add3A_2404 = arith.addi %get3A_2401, %add3A_2403 : vector<16xi32>
      %swap3A_2405 = arith.constant 32 : index
      %swap3A_2406 = tpu.vector_load %arg15[%swap3A_2405] {strides = array<i32>} : memref<128xi32, #tpu.memory_space<vmem>>, vector<16xi32>,
      %swap3A_2407 = vector.shape_cast %swap3A_2406 : vector<16xi32> to vector<16xi32>
      %swap3A_2408 = vector.shape_cast %add3A_2404 : vector<16xi32> to vector<16xi32>
      tpu.vector_store %arg15[%swap3A_2405], %swap3A_2408 {strides = array<i32>} : memref<128xi32, #tpu.memory_space<vmem>>, vector<16xi32>,
      %add3A_2409 = arith.constant 48 : i32
      %add3A_2410 = arith.addi %mul3A_2276, %add3A_2409 : i32
      %get3A_2411 = arith.index_cast %add3A_2410 : i32 to index
      %get3A_2412 = tpu.vector_load %arg11[%get3A_2411] {strides = array<i32>} : memref<10624xi32, #tpu.memory_space<vmem>>, vector<16xi32>,
      %get3A_2413 = vector.shape_cast %get3A_2412 : vector<16xi32> to vector<16xi32>
      %add3A_2414 = arith.constant 0 : i32
      %add3A_2415 = vector.broadcast %add3A_2414 : i32 to vector<16xi32>
      %add3A_2416 = arith.addi %get3A_2413, %add3A_2415 : vector<16xi32>
      %swap3A_2417 = arith.constant 48 : index
      %swap3A_2418 = tpu.vector_load %arg15[%swap3A_2417] {strides = array<i32>} : memref<128xi32, #tpu.memory_space<vmem>>, vector<16xi32>,
      %swap3A_2419 = vector.shape_cast %swap3A_2418 : vector<16xi32> to vector<16xi32>
      %swap3A_2420 = vector.shape_cast %add3A_2416 : vector<16xi32> to vector<16xi32>
      tpu.vector_store %arg15[%swap3A_2417], %swap3A_2420 {strides = array<i32>} : memref<128xi32, #tpu.memory_space<vmem>>, vector<16xi32>,
      %add3A_2421 = arith.constant 64 : i32
      %add3A_2422 = arith.addi %mul3A_2276, %add3A_2421 : i32
      %get3A_2423 = arith.index_cast %add3A_2422 : i32 to index
      %get3A_2424 = tpu.vector_load %arg11[%get3A_2423] {strides = array<i32>} : memref<10624xi32, #tpu.memory_space<vmem>>, vector<16xi32>,
      %get3A_2425 = vector.shape_cast %get3A_2424 : vector<16xi32> to vector<16xi32>
      %add3A_2426 = arith.constant 0 : i32
      %add3A_2427 = vector.broadcast %add3A_2426 : i32 to vector<16xi32>
      %add3A_2428 = arith.addi %get3A_2425, %add3A_2427 : vector<16xi32>
      %swap3A_2429 = arith.constant 64 : index
      %swap3A_2430 = tpu.vector_load %arg15[%swap3A_2429] {strides = array<i32>} : memref<128xi32, #tpu.memory_space<vmem>>, vector<16xi32>,
      %swap3A_2431 = vector.shape_cast %swap3A_2430 : vector<16xi32> to vector<16xi32>
      %swap3A_2432 = vector.shape_cast %add3A_2428 : vector<16xi32> to vector<16xi32>
      tpu.vector_store %arg15[%swap3A_2429], %swap3A_2432 {strides = array<i32>} : memref<128xi32, #tpu.memory_space<vmem>>, vector<16xi32>,
      %add3A_2433 = arith.constant 80 : i32
      %add3A_2434 = arith.addi %mul3A_2276, %add3A_2433 : i32
      %get3A_2435 = arith.index_cast %add3A_2434 : i32 to index
      %get3A_2436 = tpu.vector_load %arg11[%get3A_2435] {strides = array<i32>} : memref<10624xi32, #tpu.memory_space<vmem>>, vector<16xi32>,
      %get3A_2437 = vector.shape_cast %get3A_2436 : vector<16xi32> to vector<16xi32>
      %add3A_2438 = arith.constant 0 : i32
      %add3A_2439 = vector.broadcast %add3A_2438 : i32 to vector<16xi32>
      %add3A_2440 = arith.addi %get3A_2437, %add3A_2439 : vector<16xi32>
      %swap3A_2441 = arith.constant 80 : index
      %swap3A_2442 = tpu.vector_load %arg15[%swap3A_2441] {strides = array<i32>} : memref<128xi32, #tpu.memory_space<vmem>>, vector<16xi32>,
      %swap3A_2443 = vector.shape_cast %swap3A_2442 : vector<16xi32> to vector<16xi32>
      %swap3A_2444 = vector.shape_cast %add3A_2440 : vector<16xi32> to vector<16xi32>
      tpu.vector_store %arg15[%swap3A_2441], %swap3A_2444 {strides = array<i32>} : memref<128xi32, #tpu.memory_space<vmem>>, vector<16xi32>,
      %add3A_2445 = arith.constant 96 : i32
      %add3A_2446 = arith.addi %mul3A_2276, %add3A_2445 : i32
      %get3A_2447 = arith.index_cast %add3A_2446 : i32 to index
      %get3A_2448 = tpu.vector_load %arg11[%get3A_2447] {strides = array<i32>} : memref<10624xi32, #tpu.memory_space<vmem>>, vector<16xi32>,
      %get3A_2449 = vector.shape_cast %get3A_2448 : vector<16xi32> to vector<16xi32>
      %add3A_2450 = arith.constant 0 : i32
      %add3A_2451 = vector.broadcast %add3A_2450 : i32 to vector<16xi32>
      %add3A_2452 = arith.addi %get3A_2449, %add3A_2451 : vector<16xi32>
      %swap3A_2453 = arith.constant 96 : index
      %swap3A_2454 = tpu.vector_load %arg15[%swap3A_2453] {strides = array<i32>} : memref<128xi32, #tpu.memory_space<vmem>>, vector<16xi32>,
      %swap3A_2455 = vector.shape_cast %swap3A_2454 : vector<16xi32> to vector<16xi32>
      %swap3A_2456 = vector.shape_cast %add3A_2452 : vector<16xi32> to vector<16xi32>
      tpu.vector_store %arg15[%swap3A_2453], %swap3A_2456 {strides = array<i32>} : memref<128xi32, #tpu.memory_space<vmem>>, vector<16xi32>,
      %add3A_2457 = arith.constant 112 : i32
      %add3A_2458 = arith.addi %mul3A_2276, %add3A_2457 : i32
      %get3A_2459 = arith.index_cast %add3A_2458 : i32 to index
      %get3A_2460 = tpu.vector_load %arg11[%get3A_2459] {strides = array<i32>} : memref<10624xi32, #tpu.memory_space<vmem>>, vector<16xi32>,
      %get3A_2461 = vector.shape_cast %get3A_2460 : vector<16xi32> to vector<16xi32>
      %add3A_2462 = arith.constant 0 : i32
      %add3A_2463 = vector.broadcast %add3A_2462 : i32 to vector<16xi32>
      %add3A_2464 = arith.addi %get3A_2461, %add3A_2463 : vector<16xi32>
      %swap3A_2465 = arith.constant 112 : index
      %swap3A_2466 = tpu.vector_load %arg15[%swap3A_2465] {strides = array<i32>} : memref<128xi32, #tpu.memory_space<vmem>>, vector<16xi32>,
      %swap3A_2467 = vector.shape_cast %swap3A_2466 : vector<16xi32> to vector<16xi32>
      %swap3A_2468 = vector.shape_cast %add3A_2464 : vector<16xi32> to vector<16xi32>
      tpu.vector_store %arg15[%swap3A_2465], %swap3A_2468 {strides = array<i32>} : memref<128xi32, #tpu.memory_space<vmem>>, vector<16xi32>,
      %dma_start3A_2469 = arith.constant 0 : i32
      %dma_start3A_2470 = arith.constant 0 : i32
      %dma_start3A_2471 = tpu.memref_slice %arg2[%dma_start3A_2469, %dma_start3A_2470] : memref<20000x128xf32, #tpu.memory_space<hbm>> -> memref<20000x128xf32, #tpu.memory_space<hbm>>
      tpu.enqueue_indirect_dma source(%dma_start3A_2471 : memref<20000x128xf32, #tpu.memory_space<hbm>>) target(%arg18 : memref<128x128xf32, #tpu.memory_space<vmem>>) offsets(%arg12 : memref<128xi32, #tpu.memory_space<vmem>>) semaphore(%arg23 : memref<!tpu.dma_semaphore, #tpu.memory_space<semaphore_mem>>)
      %mul3A_2472 = arith.constant 3 : i32
      %mul3A_2473 = arith.muli %scan3A_2047, %mul3A_2472 : i32
      %add3A_2474 = arith.constant 2 : i32
      %add3A_2475 = arith.addi %mul3A_2473, %add3A_2474 : i32
      %dma_wait3A_2476 = arith.constant 0 : i32
      %dma_wait3A_2477 = arith.constant 0 : i32
      %dma_wait3A_2478 = tpu.memref_slice %arg2[%dma_wait3A_2476, %dma_wait3A_2477] : memref<20000x128xf32, #tpu.memory_space<hbm>> -> memref<20000x128xf32, #tpu.memory_space<hbm>>
      tpu.wait_indirect_dma semaphore(%arg25 : memref<!tpu.dma_semaphore, #tpu.memory_space<semaphore_mem>>) src(%dma_wait3A_2478 : memref<20000x128xf32, #tpu.memory_space<hbm>>) dst(%arg20 : memref<128x128xf32, #tpu.memory_space<vmem>>)
      %dma_start3A_2479 = arith.constant 0 : i32
      %dma_start3A_2480 = arith.constant 0 : i32
      %dma_start3A_2481 = tpu.memref_slice %arg22[%dma_start3A_2479, %dma_start3A_2480] : memref<5120x128xf32, #tpu.memory_space<vmem_shared>> -> memref<5120x128xf32, #tpu.memory_space<vmem_shared>>
      tpu.enqueue_indirect_dma source(%arg20 : memref<128x128xf32, #tpu.memory_space<vmem>>) target(%dma_start3A_2481 : memref<5120x128xf32, #tpu.memory_space<vmem_shared>>) offsets(%arg17 : memref<128xi32, #tpu.memory_space<vmem>>) semaphore(%arg28 : memref<!tpu.dma_semaphore, #tpu.memory_space<semaphore_mem>>) {add = true}
      %dma_wait3A_2482 = arith.constant 0 : i32
      %dma_wait3A_2483 = arith.constant 0 : i32
      %dma_wait3A_2484 = tpu.memref_slice %arg22[%dma_wait3A_2482, %dma_wait3A_2483] : memref<5120x128xf32, #tpu.memory_space<vmem_shared>> -> memref<5120x128xf32, #tpu.memory_space<vmem_shared>>
      tpu.wait_indirect_dma semaphore(%arg27 : memref<!tpu.dma_semaphore, #tpu.memory_space<semaphore_mem>>) src(%arg19 : memref<128x128xf32, #tpu.memory_space<vmem>>) dst(%dma_wait3A_2484 : memref<5120x128xf32, #tpu.memory_space<vmem_shared>>)
      %add3A_2485 = arith.constant 2 : i32
      %add3A_2486 = arith.addi %add3A_2475, %add3A_2485 : i32
      %mul3A_2487 = arith.constant 128 : i32
      %mul3A_2488 = arith.muli %add3A_2486, %mul3A_2487 : i32
      %add3A_2489 = arith.constant 0 : i32
      %add3A_2490 = arith.addi %mul3A_2488, %add3A_2489 : i32
      %get3A_2491 = arith.index_cast %add3A_2490 : i32 to index
      %get3A_2492 = tpu.vector_load %arg10[%get3A_2491] {strides = array<i32>} : memref<10624xi32, #tpu.memory_space<vmem>>, vector<16xi32>,
      %get3A_2493 = vector.shape_cast %get3A_2492 : vector<16xi32> to vector<16xi32>
      %add3A_2494 = arith.constant 0 : i32
      %add3A_2495 = vector.broadcast %add3A_2494 : i32 to vector<16xi32>
      %add3A_2496 = arith.addi %get3A_2493, %add3A_2495 : vector<16xi32>
      %swap3A_2497 = arith.constant 0 : index
      %swap3A_2498 = tpu.vector_load %arg13[%swap3A_2497] {strides = array<i32>} : memref<128xi32, #tpu.memory_space<vmem>>, vector<16xi32>,
      %swap3A_2499 = vector.shape_cast %swap3A_2498 : vector<16xi32> to vector<16xi32>
      %swap3A_2500 = vector.shape_cast %add3A_2496 : vector<16xi32> to vector<16xi32>
      tpu.vector_store %arg13[%swap3A_2497], %swap3A_2500 {strides = array<i32>} : memref<128xi32, #tpu.memory_space<vmem>>, vector<16xi32>,
      %add3A_2501 = arith.constant 16 : i32
      %add3A_2502 = arith.addi %mul3A_2488, %add3A_2501 : i32
      %get3A_2503 = arith.index_cast %add3A_2502 : i32 to index
      %get3A_2504 = tpu.vector_load %arg10[%get3A_2503] {strides = array<i32>} : memref<10624xi32, #tpu.memory_space<vmem>>, vector<16xi32>,
      %get3A_2505 = vector.shape_cast %get3A_2504 : vector<16xi32> to vector<16xi32>
      %add3A_2506 = arith.constant 0 : i32
      %add3A_2507 = vector.broadcast %add3A_2506 : i32 to vector<16xi32>
      %add3A_2508 = arith.addi %get3A_2505, %add3A_2507 : vector<16xi32>
      %swap3A_2509 = arith.constant 16 : index
      %swap3A_2510 = tpu.vector_load %arg13[%swap3A_2509] {strides = array<i32>} : memref<128xi32, #tpu.memory_space<vmem>>, vector<16xi32>,
      %swap3A_2511 = vector.shape_cast %swap3A_2510 : vector<16xi32> to vector<16xi32>
      %swap3A_2512 = vector.shape_cast %add3A_2508 : vector<16xi32> to vector<16xi32>
      tpu.vector_store %arg13[%swap3A_2509], %swap3A_2512 {strides = array<i32>} : memref<128xi32, #tpu.memory_space<vmem>>, vector<16xi32>,
      %add3A_2513 = arith.constant 32 : i32
      %add3A_2514 = arith.addi %mul3A_2488, %add3A_2513 : i32
      %get3A_2515 = arith.index_cast %add3A_2514 : i32 to index
      %get3A_2516 = tpu.vector_load %arg10[%get3A_2515] {strides = array<i32>} : memref<10624xi32, #tpu.memory_space<vmem>>, vector<16xi32>,
      %get3A_2517 = vector.shape_cast %get3A_2516 : vector<16xi32> to vector<16xi32>
      %add3A_2518 = arith.constant 0 : i32
      %add3A_2519 = vector.broadcast %add3A_2518 : i32 to vector<16xi32>
      %add3A_2520 = arith.addi %get3A_2517, %add3A_2519 : vector<16xi32>
      %swap3A_2521 = arith.constant 32 : index
      %swap3A_2522 = tpu.vector_load %arg13[%swap3A_2521] {strides = array<i32>} : memref<128xi32, #tpu.memory_space<vmem>>, vector<16xi32>,
      %swap3A_2523 = vector.shape_cast %swap3A_2522 : vector<16xi32> to vector<16xi32>
      %swap3A_2524 = vector.shape_cast %add3A_2520 : vector<16xi32> to vector<16xi32>
      tpu.vector_store %arg13[%swap3A_2521], %swap3A_2524 {strides = array<i32>} : memref<128xi32, #tpu.memory_space<vmem>>, vector<16xi32>,
      %add3A_2525 = arith.constant 48 : i32
      %add3A_2526 = arith.addi %mul3A_2488, %add3A_2525 : i32
      %get3A_2527 = arith.index_cast %add3A_2526 : i32 to index
      %get3A_2528 = tpu.vector_load %arg10[%get3A_2527] {strides = array<i32>} : memref<10624xi32, #tpu.memory_space<vmem>>, vector<16xi32>,
      %get3A_2529 = vector.shape_cast %get3A_2528 : vector<16xi32> to vector<16xi32>
      %add3A_2530 = arith.constant 0 : i32
      %add3A_2531 = vector.broadcast %add3A_2530 : i32 to vector<16xi32>
      %add3A_2532 = arith.addi %get3A_2529, %add3A_2531 : vector<16xi32>
      %swap3A_2533 = arith.constant 48 : index
      %swap3A_2534 = tpu.vector_load %arg13[%swap3A_2533] {strides = array<i32>} : memref<128xi32, #tpu.memory_space<vmem>>, vector<16xi32>,
      %swap3A_2535 = vector.shape_cast %swap3A_2534 : vector<16xi32> to vector<16xi32>
      %swap3A_2536 = vector.shape_cast %add3A_2532 : vector<16xi32> to vector<16xi32>
      tpu.vector_store %arg13[%swap3A_2533], %swap3A_2536 {strides = array<i32>} : memref<128xi32, #tpu.memory_space<vmem>>, vector<16xi32>,
      %add3A_2537 = arith.constant 64 : i32
      %add3A_2538 = arith.addi %mul3A_2488, %add3A_2537 : i32
      %get3A_2539 = arith.index_cast %add3A_2538 : i32 to index
      %get3A_2540 = tpu.vector_load %arg10[%get3A_2539] {strides = array<i32>} : memref<10624xi32, #tpu.memory_space<vmem>>, vector<16xi32>,
      %get3A_2541 = vector.shape_cast %get3A_2540 : vector<16xi32> to vector<16xi32>
      %add3A_2542 = arith.constant 0 : i32
      %add3A_2543 = vector.broadcast %add3A_2542 : i32 to vector<16xi32>
      %add3A_2544 = arith.addi %get3A_2541, %add3A_2543 : vector<16xi32>
      %swap3A_2545 = arith.constant 64 : index
      %swap3A_2546 = tpu.vector_load %arg13[%swap3A_2545] {strides = array<i32>} : memref<128xi32, #tpu.memory_space<vmem>>, vector<16xi32>,
      %swap3A_2547 = vector.shape_cast %swap3A_2546 : vector<16xi32> to vector<16xi32>
      %swap3A_2548 = vector.shape_cast %add3A_2544 : vector<16xi32> to vector<16xi32>
      tpu.vector_store %arg13[%swap3A_2545], %swap3A_2548 {strides = array<i32>} : memref<128xi32, #tpu.memory_space<vmem>>, vector<16xi32>,
      %add3A_2549 = arith.constant 80 : i32
      %add3A_2550 = arith.addi %mul3A_2488, %add3A_2549 : i32
      %get3A_2551 = arith.index_cast %add3A_2550 : i32 to index
      %get3A_2552 = tpu.vector_load %arg10[%get3A_2551] {strides = array<i32>} : memref<10624xi32, #tpu.memory_space<vmem>>, vector<16xi32>,
      %get3A_2553 = vector.shape_cast %get3A_2552 : vector<16xi32> to vector<16xi32>
      %add3A_2554 = arith.constant 0 : i32
      %add3A_2555 = vector.broadcast %add3A_2554 : i32 to vector<16xi32>
      %add3A_2556 = arith.addi %get3A_2553, %add3A_2555 : vector<16xi32>
      %swap3A_2557 = arith.constant 80 : index
      %swap3A_2558 = tpu.vector_load %arg13[%swap3A_2557] {strides = array<i32>} : memref<128xi32, #tpu.memory_space<vmem>>, vector<16xi32>,
      %swap3A_2559 = vector.shape_cast %swap3A_2558 : vector<16xi32> to vector<16xi32>
      %swap3A_2560 = vector.shape_cast %add3A_2556 : vector<16xi32> to vector<16xi32>
      tpu.vector_store %arg13[%swap3A_2557], %swap3A_2560 {strides = array<i32>} : memref<128xi32, #tpu.memory_space<vmem>>, vector<16xi32>,
      %add3A_2561 = arith.constant 96 : i32
      %add3A_2562 = arith.addi %mul3A_2488, %add3A_2561 : i32
      %get3A_2563 = arith.index_cast %add3A_2562 : i32 to index
      %get3A_2564 = tpu.vector_load %arg10[%get3A_2563] {strides = array<i32>} : memref<10624xi32, #tpu.memory_space<vmem>>, vector<16xi32>,
      %get3A_2565 = vector.shape_cast %get3A_2564 : vector<16xi32> to vector<16xi32>
      %add3A_2566 = arith.constant 0 : i32
      %add3A_2567 = vector.broadcast %add3A_2566 : i32 to vector<16xi32>
      %add3A_2568 = arith.addi %get3A_2565, %add3A_2567 : vector<16xi32>
      %swap3A_2569 = arith.constant 96 : index
      %swap3A_2570 = tpu.vector_load %arg13[%swap3A_2569] {strides = array<i32>} : memref<128xi32, #tpu.memory_space<vmem>>, vector<16xi32>,
      %swap3A_2571 = vector.shape_cast %swap3A_2570 : vector<16xi32> to vector<16xi32>
      %swap3A_2572 = vector.shape_cast %add3A_2568 : vector<16xi32> to vector<16xi32>
      tpu.vector_store %arg13[%swap3A_2569], %swap3A_2572 {strides = array<i32>} : memref<128xi32, #tpu.memory_space<vmem>>, vector<16xi32>,
      %add3A_2573 = arith.constant 112 : i32
      %add3A_2574 = arith.addi %mul3A_2488, %add3A_2573 : i32
      %get3A_2575 = arith.index_cast %add3A_2574 : i32 to index
      %get3A_2576 = tpu.vector_load %arg10[%get3A_2575] {strides = array<i32>} : memref<10624xi32, #tpu.memory_space<vmem>>, vector<16xi32>,
      %get3A_2577 = vector.shape_cast %get3A_2576 : vector<16xi32> to vector<16xi32>
      %add3A_2578 = arith.constant 0 : i32
      %add3A_2579 = vector.broadcast %add3A_2578 : i32 to vector<16xi32>
      %add3A_2580 = arith.addi %get3A_2577, %add3A_2579 : vector<16xi32>
      %swap3A_2581 = arith.constant 112 : index
      %swap3A_2582 = tpu.vector_load %arg13[%swap3A_2581] {strides = array<i32>} : memref<128xi32, #tpu.memory_space<vmem>>, vector<16xi32>,
      %swap3A_2583 = vector.shape_cast %swap3A_2582 : vector<16xi32> to vector<16xi32>
      %swap3A_2584 = vector.shape_cast %add3A_2580 : vector<16xi32> to vector<16xi32>
      tpu.vector_store %arg13[%swap3A_2581], %swap3A_2584 {strides = array<i32>} : memref<128xi32, #tpu.memory_space<vmem>>, vector<16xi32>,
      %add3A_2585 = arith.constant 0 : i32
      %add3A_2586 = arith.addi %mul3A_2488, %add3A_2585 : i32
      %get3A_2587 = arith.index_cast %add3A_2586 : i32 to index
      %get3A_2588 = tpu.vector_load %arg11[%get3A_2587] {strides = array<i32>} : memref<10624xi32, #tpu.memory_space<vmem>>, vector<16xi32>,
      %get3A_2589 = vector.shape_cast %get3A_2588 : vector<16xi32> to vector<16xi32>
      %add3A_2590 = arith.constant 0 : i32
      %add3A_2591 = vector.broadcast %add3A_2590 : i32 to vector<16xi32>
      %add3A_2592 = arith.addi %get3A_2589, %add3A_2591 : vector<16xi32>
      %swap3A_2593 = arith.constant 0 : index
      %swap3A_2594 = tpu.vector_load %arg16[%swap3A_2593] {strides = array<i32>} : memref<128xi32, #tpu.memory_space<vmem>>, vector<16xi32>,
      %swap3A_2595 = vector.shape_cast %swap3A_2594 : vector<16xi32> to vector<16xi32>
      %swap3A_2596 = vector.shape_cast %add3A_2592 : vector<16xi32> to vector<16xi32>
      tpu.vector_store %arg16[%swap3A_2593], %swap3A_2596 {strides = array<i32>} : memref<128xi32, #tpu.memory_space<vmem>>, vector<16xi32>,
      %add3A_2597 = arith.constant 16 : i32
      %add3A_2598 = arith.addi %mul3A_2488, %add3A_2597 : i32
      %get3A_2599 = arith.index_cast %add3A_2598 : i32 to index
      %get3A_2600 = tpu.vector_load %arg11[%get3A_2599] {strides = array<i32>} : memref<10624xi32, #tpu.memory_space<vmem>>, vector<16xi32>,
      %get3A_2601 = vector.shape_cast %get3A_2600 : vector<16xi32> to vector<16xi32>
      %add3A_2602 = arith.constant 0 : i32
      %add3A_2603 = vector.broadcast %add3A_2602 : i32 to vector<16xi32>
      %add3A_2604 = arith.addi %get3A_2601, %add3A_2603 : vector<16xi32>
      %swap3A_2605 = arith.constant 16 : index
      %swap3A_2606 = tpu.vector_load %arg16[%swap3A_2605] {strides = array<i32>} : memref<128xi32, #tpu.memory_space<vmem>>, vector<16xi32>,
      %swap3A_2607 = vector.shape_cast %swap3A_2606 : vector<16xi32> to vector<16xi32>
      %swap3A_2608 = vector.shape_cast %add3A_2604 : vector<16xi32> to vector<16xi32>
      tpu.vector_store %arg16[%swap3A_2605], %swap3A_2608 {strides = array<i32>} : memref<128xi32, #tpu.memory_space<vmem>>, vector<16xi32>,
      %add3A_2609 = arith.constant 32 : i32
      %add3A_2610 = arith.addi %mul3A_2488, %add3A_2609 : i32
      %get3A_2611 = arith.index_cast %add3A_2610 : i32 to index
      %get3A_2612 = tpu.vector_load %arg11[%get3A_2611] {strides = array<i32>} : memref<10624xi32, #tpu.memory_space<vmem>>, vector<16xi32>,
      %get3A_2613 = vector.shape_cast %get3A_2612 : vector<16xi32> to vector<16xi32>
      %add3A_2614 = arith.constant 0 : i32
      %add3A_2615 = vector.broadcast %add3A_2614 : i32 to vector<16xi32>
      %add3A_2616 = arith.addi %get3A_2613, %add3A_2615 : vector<16xi32>
      %swap3A_2617 = arith.constant 32 : index
      %swap3A_2618 = tpu.vector_load %arg16[%swap3A_2617] {strides = array<i32>} : memref<128xi32, #tpu.memory_space<vmem>>, vector<16xi32>,
      %swap3A_2619 = vector.shape_cast %swap3A_2618 : vector<16xi32> to vector<16xi32>
      %swap3A_2620 = vector.shape_cast %add3A_2616 : vector<16xi32> to vector<16xi32>
      tpu.vector_store %arg16[%swap3A_2617], %swap3A_2620 {strides = array<i32>} : memref<128xi32, #tpu.memory_space<vmem>>, vector<16xi32>,
      %add3A_2621 = arith.constant 48 : i32
      %add3A_2622 = arith.addi %mul3A_2488, %add3A_2621 : i32
      %get3A_2623 = arith.index_cast %add3A_2622 : i32 to index
      %get3A_2624 = tpu.vector_load %arg11[%get3A_2623] {strides = array<i32>} : memref<10624xi32, #tpu.memory_space<vmem>>, vector<16xi32>,
      %get3A_2625 = vector.shape_cast %get3A_2624 : vector<16xi32> to vector<16xi32>
      %add3A_2626 = arith.constant 0 : i32
      %add3A_2627 = vector.broadcast %add3A_2626 : i32 to vector<16xi32>
      %add3A_2628 = arith.addi %get3A_2625, %add3A_2627 : vector<16xi32>
      %swap3A_2629 = arith.constant 48 : index
      %swap3A_2630 = tpu.vector_load %arg16[%swap3A_2629] {strides = array<i32>} : memref<128xi32, #tpu.memory_space<vmem>>, vector<16xi32>,
      %swap3A_2631 = vector.shape_cast %swap3A_2630 : vector<16xi32> to vector<16xi32>
      %swap3A_2632 = vector.shape_cast %add3A_2628 : vector<16xi32> to vector<16xi32>
      tpu.vector_store %arg16[%swap3A_2629], %swap3A_2632 {strides = array<i32>} : memref<128xi32, #tpu.memory_space<vmem>>, vector<16xi32>,
      %add3A_2633 = arith.constant 64 : i32
      %add3A_2634 = arith.addi %mul3A_2488, %add3A_2633 : i32
      %get3A_2635 = arith.index_cast %add3A_2634 : i32 to index
      %get3A_2636 = tpu.vector_load %arg11[%get3A_2635] {strides = array<i32>} : memref<10624xi32, #tpu.memory_space<vmem>>, vector<16xi32>,
      %get3A_2637 = vector.shape_cast %get3A_2636 : vector<16xi32> to vector<16xi32>
      %add3A_2638 = arith.constant 0 : i32
      %add3A_2639 = vector.broadcast %add3A_2638 : i32 to vector<16xi32>
      %add3A_2640 = arith.addi %get3A_2637, %add3A_2639 : vector<16xi32>
      %swap3A_2641 = arith.constant 64 : index
      %swap3A_2642 = tpu.vector_load %arg16[%swap3A_2641] {strides = array<i32>} : memref<128xi32, #tpu.memory_space<vmem>>, vector<16xi32>,
      %swap3A_2643 = vector.shape_cast %swap3A_2642 : vector<16xi32> to vector<16xi32>
      %swap3A_2644 = vector.shape_cast %add3A_2640 : vector<16xi32> to vector<16xi32>
      tpu.vector_store %arg16[%swap3A_2641], %swap3A_2644 {strides = array<i32>} : memref<128xi32, #tpu.memory_space<vmem>>, vector<16xi32>,
      %add3A_2645 = arith.constant 80 : i32
      %add3A_2646 = arith.addi %mul3A_2488, %add3A_2645 : i32
      %get3A_2647 = arith.index_cast %add3A_2646 : i32 to index
      %get3A_2648 = tpu.vector_load %arg11[%get3A_2647] {strides = array<i32>} : memref<10624xi32, #tpu.memory_space<vmem>>, vector<16xi32>,
      %get3A_2649 = vector.shape_cast %get3A_2648 : vector<16xi32> to vector<16xi32>
      %add3A_2650 = arith.constant 0 : i32
      %add3A_2651 = vector.broadcast %add3A_2650 : i32 to vector<16xi32>
      %add3A_2652 = arith.addi %get3A_2649, %add3A_2651 : vector<16xi32>
      %swap3A_2653 = arith.constant 80 : index
      %swap3A_2654 = tpu.vector_load %arg16[%swap3A_2653] {strides = array<i32>} : memref<128xi32, #tpu.memory_space<vmem>>, vector<16xi32>,
      %swap3A_2655 = vector.shape_cast %swap3A_2654 : vector<16xi32> to vector<16xi32>
      %swap3A_2656 = vector.shape_cast %add3A_2652 : vector<16xi32> to vector<16xi32>
      tpu.vector_store %arg16[%swap3A_2653], %swap3A_2656 {strides = array<i32>} : memref<128xi32, #tpu.memory_space<vmem>>, vector<16xi32>,
      %add3A_2657 = arith.constant 96 : i32
      %add3A_2658 = arith.addi %mul3A_2488, %add3A_2657 : i32
      %get3A_2659 = arith.index_cast %add3A_2658 : i32 to index
      %get3A_2660 = tpu.vector_load %arg11[%get3A_2659] {strides = array<i32>} : memref<10624xi32, #tpu.memory_space<vmem>>, vector<16xi32>,
      %get3A_2661 = vector.shape_cast %get3A_2660 : vector<16xi32> to vector<16xi32>
      %add3A_2662 = arith.constant 0 : i32
      %add3A_2663 = vector.broadcast %add3A_2662 : i32 to vector<16xi32>
      %add3A_2664 = arith.addi %get3A_2661, %add3A_2663 : vector<16xi32>
      %swap3A_2665 = arith.constant 96 : index
      %swap3A_2666 = tpu.vector_load %arg16[%swap3A_2665] {strides = array<i32>} : memref<128xi32, #tpu.memory_space<vmem>>, vector<16xi32>,
      %swap3A_2667 = vector.shape_cast %swap3A_2666 : vector<16xi32> to vector<16xi32>
      %swap3A_2668 = vector.shape_cast %add3A_2664 : vector<16xi32> to vector<16xi32>
      tpu.vector_store %arg16[%swap3A_2665], %swap3A_2668 {strides = array<i32>} : memref<128xi32, #tpu.memory_space<vmem>>, vector<16xi32>,
      %add3A_2669 = arith.constant 112 : i32
      %add3A_2670 = arith.addi %mul3A_2488, %add3A_2669 : i32
      %get3A_2671 = arith.index_cast %add3A_2670 : i32 to index
      %get3A_2672 = tpu.vector_load %arg11[%get3A_2671] {strides = array<i32>} : memref<10624xi32, #tpu.memory_space<vmem>>, vector<16xi32>,
      %get3A_2673 = vector.shape_cast %get3A_2672 : vector<16xi32> to vector<16xi32>
      %add3A_2674 = arith.constant 0 : i32
      %add3A_2675 = vector.broadcast %add3A_2674 : i32 to vector<16xi32>
      %add3A_2676 = arith.addi %get3A_2673, %add3A_2675 : vector<16xi32>
      %swap3A_2677 = arith.constant 112 : index
      %swap3A_2678 = tpu.vector_load %arg16[%swap3A_2677] {strides = array<i32>} : memref<128xi32, #tpu.memory_space<vmem>>, vector<16xi32>,
      %swap3A_2679 = vector.shape_cast %swap3A_2678 : vector<16xi32> to vector<16xi32>
      %swap3A_2680 = vector.shape_cast %add3A_2676 : vector<16xi32> to vector<16xi32>
      tpu.vector_store %arg16[%swap3A_2677], %swap3A_2680 {strides = array<i32>} : memref<128xi32, #tpu.memory_space<vmem>>, vector<16xi32>,
      %dma_start3A_2681 = arith.constant 0 : i32
      %dma_start3A_2682 = arith.constant 0 : i32
      %dma_start3A_2683 = tpu.memref_slice %arg2[%dma_start3A_2681, %dma_start3A_2682] : memref<20000x128xf32, #tpu.memory_space<hbm>> -> memref<20000x128xf32, #tpu.memory_space<hbm>>
      tpu.enqueue_indirect_dma source(%dma_start3A_2683 : memref<20000x128xf32, #tpu.memory_space<hbm>>) target(%arg19 : memref<128x128xf32, #tpu.memory_space<vmem>>) offsets(%arg13 : memref<128xi32, #tpu.memory_space<vmem>>) semaphore(%arg24 : memref<!tpu.dma_semaphore, #tpu.memory_space<semaphore_mem>>)
    }
    %scan3A_1320 = arith.constant 27 : i32
    %dma_wait3A = arith.constant 0 : i32
    %dma_wait3A_1321 = arith.constant 0 : i32
    %dma_wait3A_1322 = tpu.memref_slice %arg22[%dma_wait3A, %dma_wait3A_1321] : memref<5120x128xf32, #tpu.memory_space<vmem_shared>> -> memref<5120x128xf32, #tpu.memory_space<vmem_shared>>
    tpu.wait_indirect_dma semaphore(%arg28 : memref<!tpu.dma_semaphore, #tpu.memory_space<semaphore_mem>>) src(%arg20 : memref<128x128xf32, #tpu.memory_space<vmem>>) dst(%dma_wait3A_1322 : memref<5120x128xf32, #tpu.memory_space<vmem_shared>>)
    %dma_wait3A_1323 = arith.constant 0 : i32
    %dma_wait3A_1324 = arith.constant 0 : i32
    %dma_wait3A_1325 = tpu.memref_slice %arg2[%dma_wait3A_1323, %dma_wait3A_1324] : memref<20000x128xf32, #tpu.memory_space<hbm>> -> memref<20000x128xf32, #tpu.memory_space<hbm>>
    tpu.wait_indirect_dma semaphore(%arg23 : memref<!tpu.dma_semaphore, #tpu.memory_space<semaphore_mem>>) src(%dma_wait3A_1325 : memref<20000x128xf32, #tpu.memory_space<hbm>>) dst(%arg18 : memref<128x128xf32, #tpu.memory_space<vmem>>)
    %dma_wait3A_1326 = arith.constant 0 : i32
    %dma_wait3A_1327 = arith.constant 0 : i32
    %dma_wait3A_1328 = tpu.memref_slice %arg2[%dma_wait3A_1326, %dma_wait3A_1327] : memref<20000x128xf32, #tpu.memory_space<hbm>> -> memref<20000x128xf32, #tpu.memory_space<hbm>>
    tpu.wait_indirect_dma semaphore(%arg24 : memref<!tpu.dma_semaphore, #tpu.memory_space<semaphore_mem>>) src(%dma_wait3A_1328 : memref<20000x128xf32, #tpu.memory_space<hbm>>) dst(%arg19 : memref<128x128xf32, #tpu.memory_space<vmem>>)
    %barrier3A_1329 = arith.constant 0 : index
    tpu.barrier barrier_id(%barrier3A_1329)
    "tpu.region"() ({
      %run_scoped3A = tpu.sem_alloc : memref<!tpu.dma_semaphore, #tpu.memory_space<semaphore_mem>>
      %dma_start3A_2047 = arith.constant 0 : i32
      %dma_start3A_2048 = tpu.memref_slice %arg7[%add3A_907, %dma_start3A_2047] : memref<10000x128xf32, #tpu.memory_space<hbm>> -> memref<320x128xf32, #tpu.memory_space<hbm>>
      %dma_start3A_2049 = arith.constant 0 : i32
      %dma_start3A_2050 = tpu.memref_slice %arg22[%select_n3A, %dma_start3A_2049] : memref<5120x128xf32, #tpu.memory_space<vmem_shared>> -> memref<320x128xf32, #tpu.memory_space<vmem_shared>>
      tpu.enqueue_dma source(%dma_start3A_2050 : memref<320x128xf32, #tpu.memory_space<vmem_shared>>) target(%dma_start3A_2048 : memref<320x128xf32, #tpu.memory_space<hbm>>) target_semaphore(%run_scoped3A : memref<!tpu.dma_semaphore, #tpu.memory_space<semaphore_mem>>)
      %dma_wait3A_2051 = arith.constant 0 : i32
      %dma_wait3A_2052 = tpu.memref_slice %arg7[%add3A_907, %dma_wait3A_2051] : memref<10000x128xf32, #tpu.memory_space<hbm>> -> memref<320x128xf32, #tpu.memory_space<hbm>>
      %dma_wait3A_2053 = arith.constant 0 : i32
      %dma_wait3A_2054 = tpu.memref_slice %arg22[%select_n3A, %dma_wait3A_2053] : memref<5120x128xf32, #tpu.memory_space<vmem_shared>> -> memref<320x128xf32, #tpu.memory_space<vmem_shared>>
      tpu.wait_dma2 semaphore(%run_scoped3A : memref<!tpu.dma_semaphore, #tpu.memory_space<semaphore_mem>>) src(%dma_wait3A_2054 : memref<320x128xf32, #tpu.memory_space<vmem_shared>>) dst(%dma_wait3A_2052 : memref<320x128xf32, #tpu.memory_space<hbm>>)
      tpu.yield
    }) : () -> ()
    %barrier3A_1330 = arith.constant 0 : index
    tpu.barrier barrier_id(%barrier3A_1330)
    "tpu.region"() ({
      %run_scoped3A = tpu.sem_alloc : memref<!tpu.dma_semaphore, #tpu.memory_space<semaphore_mem>>
      %dma_start3A_2047 = arith.constant 0 : i32
      %dma_start3A_2048 = tpu.memref_slice %arg22[%mul3A_2, %dma_start3A_2047] : memref<5120x128xf32, #tpu.memory_space<vmem_shared>> -> memref<320x128xf32, #tpu.memory_space<vmem_shared>>
      %dma_start3A_2049 = arith.constant 0 : i32
      %dma_start3A_2050 = tpu.memref_slice %arg6[%mul3A_2, %dma_start3A_2049] : memref<5120x128xf32, #tpu.memory_space<hbm>> -> memref<320x128xf32, #tpu.memory_space<hbm>>
      tpu.enqueue_dma source(%dma_start3A_2050 : memref<320x128xf32, #tpu.memory_space<hbm>>) target(%dma_start3A_2048 : memref<320x128xf32, #tpu.memory_space<vmem_shared>>) target_semaphore(%run_scoped3A : memref<!tpu.dma_semaphore, #tpu.memory_space<semaphore_mem>>)
      %dma_wait3A_2051 = arith.constant 0 : i32
      %dma_wait3A_2052 = tpu.memref_slice %arg22[%mul3A_2, %dma_wait3A_2051] : memref<5120x128xf32, #tpu.memory_space<vmem_shared>> -> memref<320x128xf32, #tpu.memory_space<vmem_shared>>
      %dma_wait3A_2053 = arith.constant 0 : i32
      %dma_wait3A_2054 = tpu.memref_slice %arg6[%mul3A_2, %dma_wait3A_2053] : memref<5120x128xf32, #tpu.memory_space<hbm>> -> memref<320x128xf32, #tpu.memory_space<hbm>>
      tpu.wait_dma2 semaphore(%run_scoped3A : memref<!tpu.dma_semaphore, #tpu.memory_space<semaphore_mem>>) src(%dma_wait3A_2054 : memref<320x128xf32, #tpu.memory_space<hbm>>) dst(%dma_wait3A_2052 : memref<320x128xf32, #tpu.memory_space<vmem_shared>>)
      tpu.yield
    }) : () -> ()
    %barrier3A_1331 = arith.constant 0 : index
    tpu.barrier barrier_id(%barrier3A_1331)
    %get3A_1332 = arith.constant 10496 : index
    %get3A_1333 = tpu.vector_load %arg11[%get3A_1332] {strides = array<i32>} : memref<10624xi32, #tpu.memory_space<vmem>>, vector<16xi32>,
    %get3A_1334 = vector.shape_cast %get3A_1333 : vector<16xi32> to vector<16xi32>
    %add3A_1335 = arith.constant 0 : i32
    %add3A_1336 = vector.broadcast %add3A_1335 : i32 to vector<16xi32>
    %add3A_1337 = arith.addi %get3A_1334, %add3A_1336 : vector<16xi32>
    %swap3A_1338 = arith.constant 0 : index
    %swap3A_1339 = tpu.vector_load %arg17[%swap3A_1338] {strides = array<i32>} : memref<128xi32, #tpu.memory_space<vmem>>, vector<16xi32>,
    %swap3A_1340 = vector.shape_cast %swap3A_1339 : vector<16xi32> to vector<16xi32>
    %swap3A_1341 = vector.shape_cast %add3A_1337 : vector<16xi32> to vector<16xi32>
    tpu.vector_store %arg17[%swap3A_1338], %swap3A_1341 {strides = array<i32>} : memref<128xi32, #tpu.memory_space<vmem>>, vector<16xi32>,
    %get3A_1342 = arith.constant 10512 : index
    %get3A_1343 = tpu.vector_load %arg11[%get3A_1342] {strides = array<i32>} : memref<10624xi32, #tpu.memory_space<vmem>>, vector<16xi32>,
    %get3A_1344 = vector.shape_cast %get3A_1343 : vector<16xi32> to vector<16xi32>
    %add3A_1345 = arith.constant 0 : i32
    %add3A_1346 = vector.broadcast %add3A_1345 : i32 to vector<16xi32>
    %add3A_1347 = arith.addi %get3A_1344, %add3A_1346 : vector<16xi32>
    %swap3A_1348 = arith.constant 16 : index
    %swap3A_1349 = tpu.vector_load %arg17[%swap3A_1348] {strides = array<i32>} : memref<128xi32, #tpu.memory_space<vmem>>, vector<16xi32>,
    %swap3A_1350 = vector.shape_cast %swap3A_1349 : vector<16xi32> to vector<16xi32>
    %swap3A_1351 = vector.shape_cast %add3A_1347 : vector<16xi32> to vector<16xi32>
    tpu.vector_store %arg17[%swap3A_1348], %swap3A_1351 {strides = array<i32>} : memref<128xi32, #tpu.memory_space<vmem>>, vector<16xi32>,
    %get3A_1352 = arith.constant 10528 : index
    %get3A_1353 = tpu.vector_load %arg11[%get3A_1352] {strides = array<i32>} : memref<10624xi32, #tpu.memory_space<vmem>>, vector<16xi32>,
    %get3A_1354 = vector.shape_cast %get3A_1353 : vector<16xi32> to vector<16xi32>
    %add3A_1355 = arith.constant 0 : i32
    %add3A_1356 = vector.broadcast %add3A_1355 : i32 to vector<16xi32>
    %add3A_1357 = arith.addi %get3A_1354, %add3A_1356 : vector<16xi32>
    %swap3A_1358 = arith.constant 32 : index
    %swap3A_1359 = tpu.vector_load %arg17[%swap3A_1358] {strides = array<i32>} : memref<128xi32, #tpu.memory_space<vmem>>, vector<16xi32>,
    %swap3A_1360 = vector.shape_cast %swap3A_1359 : vector<16xi32> to vector<16xi32>
    %swap3A_1361 = vector.shape_cast %add3A_1357 : vector<16xi32> to vector<16xi32>
    tpu.vector_store %arg17[%swap3A_1358], %swap3A_1361 {strides = array<i32>} : memref<128xi32, #tpu.memory_space<vmem>>, vector<16xi32>,
    %get3A_1362 = arith.constant 10544 : index
    %get3A_1363 = tpu.vector_load %arg11[%get3A_1362] {strides = array<i32>} : memref<10624xi32, #tpu.memory_space<vmem>>, vector<16xi32>,
    %get3A_1364 = vector.shape_cast %get3A_1363 : vector<16xi32> to vector<16xi32>
    %add3A_1365 = arith.constant 0 : i32
    %add3A_1366 = vector.broadcast %add3A_1365 : i32 to vector<16xi32>
    %add3A_1367 = arith.addi %get3A_1364, %add3A_1366 : vector<16xi32>
    %swap3A_1368 = arith.constant 48 : index
    %swap3A_1369 = tpu.vector_load %arg17[%swap3A_1368] {strides = array<i32>} : memref<128xi32, #tpu.memory_space<vmem>>, vector<16xi32>,
    %swap3A_1370 = vector.shape_cast %swap3A_1369 : vector<16xi32> to vector<16xi32>
    %swap3A_1371 = vector.shape_cast %add3A_1367 : vector<16xi32> to vector<16xi32>
    tpu.vector_store %arg17[%swap3A_1368], %swap3A_1371 {strides = array<i32>} : memref<128xi32, #tpu.memory_space<vmem>>, vector<16xi32>,
    %get3A_1372 = arith.constant 10560 : index
    %get3A_1373 = tpu.vector_load %arg11[%get3A_1372] {strides = array<i32>} : memref<10624xi32, #tpu.memory_space<vmem>>, vector<16xi32>,
    %get3A_1374 = vector.shape_cast %get3A_1373 : vector<16xi32> to vector<16xi32>
    %add3A_1375 = arith.constant 0 : i32
    %add3A_1376 = vector.broadcast %add3A_1375 : i32 to vector<16xi32>
    %add3A_1377 = arith.addi %get3A_1374, %add3A_1376 : vector<16xi32>
    %swap3A_1378 = arith.constant 64 : index
    %swap3A_1379 = tpu.vector_load %arg17[%swap3A_1378] {strides = array<i32>} : memref<128xi32, #tpu.memory_space<vmem>>, vector<16xi32>,
    %swap3A_1380 = vector.shape_cast %swap3A_1379 : vector<16xi32> to vector<16xi32>
    %swap3A_1381 = vector.shape_cast %add3A_1377 : vector<16xi32> to vector<16xi32>
    tpu.vector_store %arg17[%swap3A_1378], %swap3A_1381 {strides = array<i32>} : memref<128xi32, #tpu.memory_space<vmem>>, vector<16xi32>,
    %get3A_1382 = arith.constant 10576 : index
    %get3A_1383 = tpu.vector_load %arg11[%get3A_1382] {strides = array<i32>} : memref<10624xi32, #tpu.memory_space<vmem>>, vector<16xi32>,
    %get3A_1384 = vector.shape_cast %get3A_1383 : vector<16xi32> to vector<16xi32>
    %add3A_1385 = arith.constant 0 : i32
    %add3A_1386 = vector.broadcast %add3A_1385 : i32 to vector<16xi32>
    %add3A_1387 = arith.addi %get3A_1384, %add3A_1386 : vector<16xi32>
    %swap3A_1388 = arith.constant 80 : index
    %swap3A_1389 = tpu.vector_load %arg17[%swap3A_1388] {strides = array<i32>} : memref<128xi32, #tpu.memory_space<vmem>>, vector<16xi32>,
    %swap3A_1390 = vector.shape_cast %swap3A_1389 : vector<16xi32> to vector<16xi32>
    %swap3A_1391 = vector.shape_cast %add3A_1387 : vector<16xi32> to vector<16xi32>
    tpu.vector_store %arg17[%swap3A_1388], %swap3A_1391 {strides = array<i32>} : memref<128xi32, #tpu.memory_space<vmem>>, vector<16xi32>,
    %get3A_1392 = arith.constant 10592 : index
    %get3A_1393 = tpu.vector_load %arg11[%get3A_1392] {strides = array<i32>} : memref<10624xi32, #tpu.memory_space<vmem>>, vector<16xi32>,
    %get3A_1394 = vector.shape_cast %get3A_1393 : vector<16xi32> to vector<16xi32>
    %add3A_1395 = arith.constant 0 : i32
    %add3A_1396 = vector.broadcast %add3A_1395 : i32 to vector<16xi32>
    %add3A_1397 = arith.addi %get3A_1394, %add3A_1396 : vector<16xi32>
    %swap3A_1398 = arith.constant 96 : index
    %swap3A_1399 = tpu.vector_load %arg17[%swap3A_1398] {strides = array<i32>} : memref<128xi32, #tpu.memory_space<vmem>>, vector<16xi32>,
    %swap3A_1400 = vector.shape_cast %swap3A_1399 : vector<16xi32> to vector<16xi32>
    %swap3A_1401 = vector.shape_cast %add3A_1397 : vector<16xi32> to vector<16xi32>
    tpu.vector_store %arg17[%swap3A_1398], %swap3A_1401 {strides = array<i32>} : memref<128xi32, #tpu.memory_space<vmem>>, vector<16xi32>,
    %get3A_1402 = arith.constant 10608 : index
    %get3A_1403 = tpu.vector_load %arg11[%get3A_1402] {strides = array<i32>} : memref<10624xi32, #tpu.memory_space<vmem>>, vector<16xi32>,
    %get3A_1404 = vector.shape_cast %get3A_1403 : vector<16xi32> to vector<16xi32>
    %add3A_1405 = arith.constant 0 : i32
    %add3A_1406 = vector.broadcast %add3A_1405 : i32 to vector<16xi32>
    %add3A_1407 = arith.addi %get3A_1404, %add3A_1406 : vector<16xi32>
    %swap3A_1408 = arith.constant 112 : index
    %swap3A_1409 = tpu.vector_load %arg17[%swap3A_1408] {strides = array<i32>} : memref<128xi32, #tpu.memory_space<vmem>>, vector<16xi32>,
    %swap3A_1410 = vector.shape_cast %swap3A_1409 : vector<16xi32> to vector<16xi32>
    %swap3A_1411 = vector.shape_cast %add3A_1407 : vector<16xi32> to vector<16xi32>
    tpu.vector_store %arg17[%swap3A_1408], %swap3A_1411 {strides = array<i32>} : memref<128xi32, #tpu.memory_space<vmem>>, vector<16xi32>,
    %dma_start3A_1412 = arith.constant 0 : i32
    %dma_start3A_1413 = arith.constant 0 : i32
    %dma_start3A_1414 = tpu.memref_slice %arg22[%dma_start3A_1412, %dma_start3A_1413] : memref<5120x128xf32, #tpu.memory_space<vmem_shared>> -> memref<5120x128xf32, #tpu.memory_space<vmem_shared>>
    tpu.enqueue_indirect_dma source(%arg20 : memref<128x128xf32, #tpu.memory_space<vmem>>) target(%dma_start3A_1414 : memref<5120x128xf32, #tpu.memory_space<vmem_shared>>) offsets(%arg17 : memref<128xi32, #tpu.memory_space<vmem>>) semaphore(%arg28 : memref<!tpu.dma_semaphore, #tpu.memory_space<semaphore_mem>>) {add = true}
    %get3A_1415 = arith.constant 0 : index
    %get3A_1416 = tpu.vector_load %arg10[%get3A_1415] {strides = array<i32>} : memref<10624xi32, #tpu.memory_space<vmem>>, vector<16xi32>,
    %get3A_1417 = vector.shape_cast %get3A_1416 : vector<16xi32> to vector<16xi32>
    %add3A_1418 = arith.constant 1 : i32
    %add3A_1419 = vector.broadcast %add3A_1418 : i32 to vector<16xi32>
    %add3A_1420 = arith.addi %get3A_1417, %add3A_1419 : vector<16xi32>
    %swap3A_1421 = arith.constant 0 : index
    %swap3A_1422 = tpu.vector_load %arg12[%swap3A_1421] {strides = array<i32>} : memref<128xi32, #tpu.memory_space<vmem>>, vector<16xi32>,
    %swap3A_1423 = vector.shape_cast %swap3A_1422 : vector<16xi32> to vector<16xi32>
    %swap3A_1424 = vector.shape_cast %add3A_1420 : vector<16xi32> to vector<16xi32>
    tpu.vector_store %arg12[%swap3A_1421], %swap3A_1424 {strides = array<i32>} : memref<128xi32, #tpu.memory_space<vmem>>, vector<16xi32>,
    %get3A_1425 = arith.constant 16 : index
    %get3A_1426 = tpu.vector_load %arg10[%get3A_1425] {strides = array<i32>} : memref<10624xi32, #tpu.memory_space<vmem>>, vector<16xi32>,
    %get3A_1427 = vector.shape_cast %get3A_1426 : vector<16xi32> to vector<16xi32>
    %add3A_1428 = arith.constant 1 : i32
    %add3A_1429 = vector.broadcast %add3A_1428 : i32 to vector<16xi32>
    %add3A_1430 = arith.addi %get3A_1427, %add3A_1429 : vector<16xi32>
    %swap3A_1431 = arith.constant 16 : index
    %swap3A_1432 = tpu.vector_load %arg12[%swap3A_1431] {strides = array<i32>} : memref<128xi32, #tpu.memory_space<vmem>>, vector<16xi32>,
    %swap3A_1433 = vector.shape_cast %swap3A_1432 : vector<16xi32> to vector<16xi32>
    %swap3A_1434 = vector.shape_cast %add3A_1430 : vector<16xi32> to vector<16xi32>
    tpu.vector_store %arg12[%swap3A_1431], %swap3A_1434 {strides = array<i32>} : memref<128xi32, #tpu.memory_space<vmem>>, vector<16xi32>,
    %get3A_1435 = arith.constant 32 : index
    %get3A_1436 = tpu.vector_load %arg10[%get3A_1435] {strides = array<i32>} : memref<10624xi32, #tpu.memory_space<vmem>>, vector<16xi32>,
    %get3A_1437 = vector.shape_cast %get3A_1436 : vector<16xi32> to vector<16xi32>
    %add3A_1438 = arith.constant 1 : i32
    %add3A_1439 = vector.broadcast %add3A_1438 : i32 to vector<16xi32>
    %add3A_1440 = arith.addi %get3A_1437, %add3A_1439 : vector<16xi32>
    %swap3A_1441 = arith.constant 32 : index
    %swap3A_1442 = tpu.vector_load %arg12[%swap3A_1441] {strides = array<i32>} : memref<128xi32, #tpu.memory_space<vmem>>, vector<16xi32>,
    %swap3A_1443 = vector.shape_cast %swap3A_1442 : vector<16xi32> to vector<16xi32>
    %swap3A_1444 = vector.shape_cast %add3A_1440 : vector<16xi32> to vector<16xi32>
    tpu.vector_store %arg12[%swap3A_1441], %swap3A_1444 {strides = array<i32>} : memref<128xi32, #tpu.memory_space<vmem>>, vector<16xi32>,
    %get3A_1445 = arith.constant 48 : index
    %get3A_1446 = tpu.vector_load %arg10[%get3A_1445] {strides = array<i32>} : memref<10624xi32, #tpu.memory_space<vmem>>, vector<16xi32>,
    %get3A_1447 = vector.shape_cast %get3A_1446 : vector<16xi32> to vector<16xi32>
    %add3A_1448 = arith.constant 1 : i32
    %add3A_1449 = vector.broadcast %add3A_1448 : i32 to vector<16xi32>
    %add3A_1450 = arith.addi %get3A_1447, %add3A_1449 : vector<16xi32>
    %swap3A_1451 = arith.constant 48 : index
    %swap3A_1452 = tpu.vector_load %arg12[%swap3A_1451] {strides = array<i32>} : memref<128xi32, #tpu.memory_space<vmem>>, vector<16xi32>,
    %swap3A_1453 = vector.shape_cast %swap3A_1452 : vector<16xi32> to vector<16xi32>
    %swap3A_1454 = vector.shape_cast %add3A_1450 : vector<16xi32> to vector<16xi32>
    tpu.vector_store %arg12[%swap3A_1451], %swap3A_1454 {strides = array<i32>} : memref<128xi32, #tpu.memory_space<vmem>>, vector<16xi32>,
    %get3A_1455 = arith.constant 64 : index
    %get3A_1456 = tpu.vector_load %arg10[%get3A_1455] {strides = array<i32>} : memref<10624xi32, #tpu.memory_space<vmem>>, vector<16xi32>,
    %get3A_1457 = vector.shape_cast %get3A_1456 : vector<16xi32> to vector<16xi32>
    %add3A_1458 = arith.constant 1 : i32
    %add3A_1459 = vector.broadcast %add3A_1458 : i32 to vector<16xi32>
    %add3A_1460 = arith.addi %get3A_1457, %add3A_1459 : vector<16xi32>
    %swap3A_1461 = arith.constant 64 : index
    %swap3A_1462 = tpu.vector_load %arg12[%swap3A_1461] {strides = array<i32>} : memref<128xi32, #tpu.memory_space<vmem>>, vector<16xi32>,
    %swap3A_1463 = vector.shape_cast %swap3A_1462 : vector<16xi32> to vector<16xi32>
    %swap3A_1464 = vector.shape_cast %add3A_1460 : vector<16xi32> to vector<16xi32>
    tpu.vector_store %arg12[%swap3A_1461], %swap3A_1464 {strides = array<i32>} : memref<128xi32, #tpu.memory_space<vmem>>, vector<16xi32>,
    %get3A_1465 = arith.constant 80 : index
    %get3A_1466 = tpu.vector_load %arg10[%get3A_1465] {strides = array<i32>} : memref<10624xi32, #tpu.memory_space<vmem>>, vector<16xi32>,
    %get3A_1467 = vector.shape_cast %get3A_1466 : vector<16xi32> to vector<16xi32>
    %add3A_1468 = arith.constant 1 : i32
    %add3A_1469 = vector.broadcast %add3A_1468 : i32 to vector<16xi32>
    %add3A_1470 = arith.addi %get3A_1467, %add3A_1469 : vector<16xi32>
    %swap3A_1471 = arith.constant 80 : index
    %swap3A_1472 = tpu.vector_load %arg12[%swap3A_1471] {strides = array<i32>} : memref<128xi32, #tpu.memory_space<vmem>>, vector<16xi32>,
    %swap3A_1473 = vector.shape_cast %swap3A_1472 : vector<16xi32> to vector<16xi32>
    %swap3A_1474 = vector.shape_cast %add3A_1470 : vector<16xi32> to vector<16xi32>
    tpu.vector_store %arg12[%swap3A_1471], %swap3A_1474 {strides = array<i32>} : memref<128xi32, #tpu.memory_space<vmem>>, vector<16xi32>,
    %get3A_1475 = arith.constant 96 : index
    %get3A_1476 = tpu.vector_load %arg10[%get3A_1475] {strides = array<i32>} : memref<10624xi32, #tpu.memory_space<vmem>>, vector<16xi32>,
    %get3A_1477 = vector.shape_cast %get3A_1476 : vector<16xi32> to vector<16xi32>
    %add3A_1478 = arith.constant 1 : i32
    %add3A_1479 = vector.broadcast %add3A_1478 : i32 to vector<16xi32>
    %add3A_1480 = arith.addi %get3A_1477, %add3A_1479 : vector<16xi32>
    %swap3A_1481 = arith.constant 96 : index
    %swap3A_1482 = tpu.vector_load %arg12[%swap3A_1481] {strides = array<i32>} : memref<128xi32, #tpu.memory_space<vmem>>, vector<16xi32>,
    %swap3A_1483 = vector.shape_cast %swap3A_1482 : vector<16xi32> to vector<16xi32>
    %swap3A_1484 = vector.shape_cast %add3A_1480 : vector<16xi32> to vector<16xi32>
    tpu.vector_store %arg12[%swap3A_1481], %swap3A_1484 {strides = array<i32>} : memref<128xi32, #tpu.memory_space<vmem>>, vector<16xi32>,
    %get3A_1485 = arith.constant 112 : index
    %get3A_1486 = tpu.vector_load %arg10[%get3A_1485] {strides = array<i32>} : memref<10624xi32, #tpu.memory_space<vmem>>, vector<16xi32>,
    %get3A_1487 = vector.shape_cast %get3A_1486 : vector<16xi32> to vector<16xi32>
    %add3A_1488 = arith.constant 1 : i32
    %add3A_1489 = vector.broadcast %add3A_1488 : i32 to vector<16xi32>
    %add3A_1490 = arith.addi %get3A_1487, %add3A_1489 : vector<16xi32>
    %swap3A_1491 = arith.constant 112 : index
    %swap3A_1492 = tpu.vector_load %arg12[%swap3A_1491] {strides = array<i32>} : memref<128xi32, #tpu.memory_space<vmem>>, vector<16xi32>,
    %swap3A_1493 = vector.shape_cast %swap3A_1492 : vector<16xi32> to vector<16xi32>
    %swap3A_1494 = vector.shape_cast %add3A_1490 : vector<16xi32> to vector<16xi32>
    tpu.vector_store %arg12[%swap3A_1491], %swap3A_1494 {strides = array<i32>} : memref<128xi32, #tpu.memory_space<vmem>>, vector<16xi32>,
    %get3A_1495 = arith.constant 0 : index
    %get3A_1496 = tpu.vector_load %arg11[%get3A_1495] {strides = array<i32>} : memref<10624xi32, #tpu.memory_space<vmem>>, vector<16xi32>,
    %get3A_1497 = vector.shape_cast %get3A_1496 : vector<16xi32> to vector<16xi32>
    %add3A_1498 = arith.constant 0 : i32
    %add3A_1499 = vector.broadcast %add3A_1498 : i32 to vector<16xi32>
    %add3A_1500 = arith.addi %get3A_1497, %add3A_1499 : vector<16xi32>
    %swap3A_1501 = arith.constant 0 : index
    %swap3A_1502 = tpu.vector_load %arg15[%swap3A_1501] {strides = array<i32>} : memref<128xi32, #tpu.memory_space<vmem>>, vector<16xi32>,
    %swap3A_1503 = vector.shape_cast %swap3A_1502 : vector<16xi32> to vector<16xi32>
    %swap3A_1504 = vector.shape_cast %add3A_1500 : vector<16xi32> to vector<16xi32>
    tpu.vector_store %arg15[%swap3A_1501], %swap3A_1504 {strides = array<i32>} : memref<128xi32, #tpu.memory_space<vmem>>, vector<16xi32>,
    %get3A_1505 = arith.constant 16 : index
    %get3A_1506 = tpu.vector_load %arg11[%get3A_1505] {strides = array<i32>} : memref<10624xi32, #tpu.memory_space<vmem>>, vector<16xi32>,
    %get3A_1507 = vector.shape_cast %get3A_1506 : vector<16xi32> to vector<16xi32>
    %add3A_1508 = arith.constant 0 : i32
    %add3A_1509 = vector.broadcast %add3A_1508 : i32 to vector<16xi32>
    %add3A_1510 = arith.addi %get3A_1507, %add3A_1509 : vector<16xi32>
    %swap3A_1511 = arith.constant 16 : index
    %swap3A_1512 = tpu.vector_load %arg15[%swap3A_1511] {strides = array<i32>} : memref<128xi32, #tpu.memory_space<vmem>>, vector<16xi32>,
    %swap3A_1513 = vector.shape_cast %swap3A_1512 : vector<16xi32> to vector<16xi32>
    %swap3A_1514 = vector.shape_cast %add3A_1510 : vector<16xi32> to vector<16xi32>
    tpu.vector_store %arg15[%swap3A_1511], %swap3A_1514 {strides = array<i32>} : memref<128xi32, #tpu.memory_space<vmem>>, vector<16xi32>,
    %get3A_1515 = arith.constant 32 : index
    %get3A_1516 = tpu.vector_load %arg11[%get3A_1515] {strides = array<i32>} : memref<10624xi32, #tpu.memory_space<vmem>>, vector<16xi32>,
    %get3A_1517 = vector.shape_cast %get3A_1516 : vector<16xi32> to vector<16xi32>
    %add3A_1518 = arith.constant 0 : i32
    %add3A_1519 = vector.broadcast %add3A_1518 : i32 to vector<16xi32>
    %add3A_1520 = arith.addi %get3A_1517, %add3A_1519 : vector<16xi32>
    %swap3A_1521 = arith.constant 32 : index
    %swap3A_1522 = tpu.vector_load %arg15[%swap3A_1521] {strides = array<i32>} : memref<128xi32, #tpu.memory_space<vmem>>, vector<16xi32>,
    %swap3A_1523 = vector.shape_cast %swap3A_1522 : vector<16xi32> to vector<16xi32>
    %swap3A_1524 = vector.shape_cast %add3A_1520 : vector<16xi32> to vector<16xi32>
    tpu.vector_store %arg15[%swap3A_1521], %swap3A_1524 {strides = array<i32>} : memref<128xi32, #tpu.memory_space<vmem>>, vector<16xi32>,
    %get3A_1525 = arith.constant 48 : index
    %get3A_1526 = tpu.vector_load %arg11[%get3A_1525] {strides = array<i32>} : memref<10624xi32, #tpu.memory_space<vmem>>, vector<16xi32>,
    %get3A_1527 = vector.shape_cast %get3A_1526 : vector<16xi32> to vector<16xi32>
    %add3A_1528 = arith.constant 0 : i32
    %add3A_1529 = vector.broadcast %add3A_1528 : i32 to vector<16xi32>
    %add3A_1530 = arith.addi %get3A_1527, %add3A_1529 : vector<16xi32>
    %swap3A_1531 = arith.constant 48 : index
    %swap3A_1532 = tpu.vector_load %arg15[%swap3A_1531] {strides = array<i32>} : memref<128xi32, #tpu.memory_space<vmem>>, vector<16xi32>,
    %swap3A_1533 = vector.shape_cast %swap3A_1532 : vector<16xi32> to vector<16xi32>
    %swap3A_1534 = vector.shape_cast %add3A_1530 : vector<16xi32> to vector<16xi32>
    tpu.vector_store %arg15[%swap3A_1531], %swap3A_1534 {strides = array<i32>} : memref<128xi32, #tpu.memory_space<vmem>>, vector<16xi32>,
    %get3A_1535 = arith.constant 64 : index
    %get3A_1536 = tpu.vector_load %arg11[%get3A_1535] {strides = array<i32>} : memref<10624xi32, #tpu.memory_space<vmem>>, vector<16xi32>,
    %get3A_1537 = vector.shape_cast %get3A_1536 : vector<16xi32> to vector<16xi32>
    %add3A_1538 = arith.constant 0 : i32
    %add3A_1539 = vector.broadcast %add3A_1538 : i32 to vector<16xi32>
    %add3A_1540 = arith.addi %get3A_1537, %add3A_1539 : vector<16xi32>
    %swap3A_1541 = arith.constant 64 : index
    %swap3A_1542 = tpu.vector_load %arg15[%swap3A_1541] {strides = array<i32>} : memref<128xi32, #tpu.memory_space<vmem>>, vector<16xi32>,
    %swap3A_1543 = vector.shape_cast %swap3A_1542 : vector<16xi32> to vector<16xi32>
    %swap3A_1544 = vector.shape_cast %add3A_1540 : vector<16xi32> to vector<16xi32>
    tpu.vector_store %arg15[%swap3A_1541], %swap3A_1544 {strides = array<i32>} : memref<128xi32, #tpu.memory_space<vmem>>, vector<16xi32>,
    %get3A_1545 = arith.constant 80 : index
    %get3A_1546 = tpu.vector_load %arg11[%get3A_1545] {strides = array<i32>} : memref<10624xi32, #tpu.memory_space<vmem>>, vector<16xi32>,
    %get3A_1547 = vector.shape_cast %get3A_1546 : vector<16xi32> to vector<16xi32>
    %add3A_1548 = arith.constant 0 : i32
    %add3A_1549 = vector.broadcast %add3A_1548 : i32 to vector<16xi32>
    %add3A_1550 = arith.addi %get3A_1547, %add3A_1549 : vector<16xi32>
    %swap3A_1551 = arith.constant 80 : index
    %swap3A_1552 = tpu.vector_load %arg15[%swap3A_1551] {strides = array<i32>} : memref<128xi32, #tpu.memory_space<vmem>>, vector<16xi32>,
    %swap3A_1553 = vector.shape_cast %swap3A_1552 : vector<16xi32> to vector<16xi32>
    %swap3A_1554 = vector.shape_cast %add3A_1550 : vector<16xi32> to vector<16xi32>
    tpu.vector_store %arg15[%swap3A_1551], %swap3A_1554 {strides = array<i32>} : memref<128xi32, #tpu.memory_space<vmem>>, vector<16xi32>,
    %get3A_1555 = arith.constant 96 : index
    %get3A_1556 = tpu.vector_load %arg11[%get3A_1555] {strides = array<i32>} : memref<10624xi32, #tpu.memory_space<vmem>>, vector<16xi32>,
    %get3A_1557 = vector.shape_cast %get3A_1556 : vector<16xi32> to vector<16xi32>
    %add3A_1558 = arith.constant 0 : i32
    %add3A_1559 = vector.broadcast %add3A_1558 : i32 to vector<16xi32>
    %add3A_1560 = arith.addi %get3A_1557, %add3A_1559 : vector<16xi32>
    %swap3A_1561 = arith.constant 96 : index
    %swap3A_1562 = tpu.vector_load %arg15[%swap3A_1561] {strides = array<i32>} : memref<128xi32, #tpu.memory_space<vmem>>, vector<16xi32>,
    %swap3A_1563 = vector.shape_cast %swap3A_1562 : vector<16xi32> to vector<16xi32>
    %swap3A_1564 = vector.shape_cast %add3A_1560 : vector<16xi32> to vector<16xi32>
    tpu.vector_store %arg15[%swap3A_1561], %swap3A_1564 {strides = array<i32>} : memref<128xi32, #tpu.memory_space<vmem>>, vector<16xi32>,
    %get3A_1565 = arith.constant 112 : index
    %get3A_1566 = tpu.vector_load %arg11[%get3A_1565] {strides = array<i32>} : memref<10624xi32, #tpu.memory_space<vmem>>, vector<16xi32>,
    %get3A_1567 = vector.shape_cast %get3A_1566 : vector<16xi32> to vector<16xi32>
    %add3A_1568 = arith.constant 0 : i32
    %add3A_1569 = vector.broadcast %add3A_1568 : i32 to vector<16xi32>
    %add3A_1570 = arith.addi %get3A_1567, %add3A_1569 : vector<16xi32>
    %swap3A_1571 = arith.constant 112 : index
    %swap3A_1572 = tpu.vector_load %arg15[%swap3A_1571] {strides = array<i32>} : memref<128xi32, #tpu.memory_space<vmem>>, vector<16xi32>,
    %swap3A_1573 = vector.shape_cast %swap3A_1572 : vector<16xi32> to vector<16xi32>
    %swap3A_1574 = vector.shape_cast %add3A_1570 : vector<16xi32> to vector<16xi32>
    tpu.vector_store %arg15[%swap3A_1571], %swap3A_1574 {strides = array<i32>} : memref<128xi32, #tpu.memory_space<vmem>>, vector<16xi32>,
    %dma_start3A_1575 = arith.constant 0 : i32
    %dma_start3A_1576 = arith.constant 0 : i32
    %dma_start3A_1577 = tpu.memref_slice %arg2[%dma_start3A_1575, %dma_start3A_1576] : memref<20000x128xf32, #tpu.memory_space<hbm>> -> memref<20000x128xf32, #tpu.memory_space<hbm>>
    tpu.enqueue_indirect_dma source(%dma_start3A_1577 : memref<20000x128xf32, #tpu.memory_space<hbm>>) target(%arg18 : memref<128x128xf32, #tpu.memory_space<vmem>>) offsets(%arg12 : memref<128xi32, #tpu.memory_space<vmem>>) semaphore(%arg23 : memref<!tpu.dma_semaphore, #tpu.memory_space<semaphore_mem>>)
    %get3A_1578 = arith.constant 128 : index
    %get3A_1579 = tpu.vector_load %arg10[%get3A_1578] {strides = array<i32>} : memref<10624xi32, #tpu.memory_space<vmem>>, vector<16xi32>,
    %get3A_1580 = vector.shape_cast %get3A_1579 : vector<16xi32> to vector<16xi32>
    %add3A_1581 = arith.constant 1 : i32
    %add3A_1582 = vector.broadcast %add3A_1581 : i32 to vector<16xi32>
    %add3A_1583 = arith.addi %get3A_1580, %add3A_1582 : vector<16xi32>
    %swap3A_1584 = arith.constant 0 : index
    %swap3A_1585 = tpu.vector_load %arg13[%swap3A_1584] {strides = array<i32>} : memref<128xi32, #tpu.memory_space<vmem>>, vector<16xi32>,
    %swap3A_1586 = vector.shape_cast %swap3A_1585 : vector<16xi32> to vector<16xi32>
    %swap3A_1587 = vector.shape_cast %add3A_1583 : vector<16xi32> to vector<16xi32>
    tpu.vector_store %arg13[%swap3A_1584], %swap3A_1587 {strides = array<i32>} : memref<128xi32, #tpu.memory_space<vmem>>, vector<16xi32>,
    %get3A_1588 = arith.constant 144 : index
    %get3A_1589 = tpu.vector_load %arg10[%get3A_1588] {strides = array<i32>} : memref<10624xi32, #tpu.memory_space<vmem>>, vector<16xi32>,
    %get3A_1590 = vector.shape_cast %get3A_1589 : vector<16xi32> to vector<16xi32>
    %add3A_1591 = arith.constant 1 : i32
    %add3A_1592 = vector.broadcast %add3A_1591 : i32 to vector<16xi32>
    %add3A_1593 = arith.addi %get3A_1590, %add3A_1592 : vector<16xi32>
    %swap3A_1594 = arith.constant 16 : index
    %swap3A_1595 = tpu.vector_load %arg13[%swap3A_1594] {strides = array<i32>} : memref<128xi32, #tpu.memory_space<vmem>>, vector<16xi32>,
    %swap3A_1596 = vector.shape_cast %swap3A_1595 : vector<16xi32> to vector<16xi32>
    %swap3A_1597 = vector.shape_cast %add3A_1593 : vector<16xi32> to vector<16xi32>
    tpu.vector_store %arg13[%swap3A_1594], %swap3A_1597 {strides = array<i32>} : memref<128xi32, #tpu.memory_space<vmem>>, vector<16xi32>,
    %get3A_1598 = arith.constant 160 : index
    %get3A_1599 = tpu.vector_load %arg10[%get3A_1598] {strides = array<i32>} : memref<10624xi32, #tpu.memory_space<vmem>>, vector<16xi32>,
    %get3A_1600 = vector.shape_cast %get3A_1599 : vector<16xi32> to vector<16xi32>
    %add3A_1601 = arith.constant 1 : i32
    %add3A_1602 = vector.broadcast %add3A_1601 : i32 to vector<16xi32>
    %add3A_1603 = arith.addi %get3A_1600, %add3A_1602 : vector<16xi32>
    %swap3A_1604 = arith.constant 32 : index
    %swap3A_1605 = tpu.vector_load %arg13[%swap3A_1604] {strides = array<i32>} : memref<128xi32, #tpu.memory_space<vmem>>, vector<16xi32>,
    %swap3A_1606 = vector.shape_cast %swap3A_1605 : vector<16xi32> to vector<16xi32>
    %swap3A_1607 = vector.shape_cast %add3A_1603 : vector<16xi32> to vector<16xi32>
    tpu.vector_store %arg13[%swap3A_1604], %swap3A_1607 {strides = array<i32>} : memref<128xi32, #tpu.memory_space<vmem>>, vector<16xi32>,
    %get3A_1608 = arith.constant 176 : index
    %get3A_1609 = tpu.vector_load %arg10[%get3A_1608] {strides = array<i32>} : memref<10624xi32, #tpu.memory_space<vmem>>, vector<16xi32>,
    %get3A_1610 = vector.shape_cast %get3A_1609 : vector<16xi32> to vector<16xi32>
    %add3A_1611 = arith.constant 1 : i32
    %add3A_1612 = vector.broadcast %add3A_1611 : i32 to vector<16xi32>
    %add3A_1613 = arith.addi %get3A_1610, %add3A_1612 : vector<16xi32>
    %swap3A_1614 = arith.constant 48 : index
    %swap3A_1615 = tpu.vector_load %arg13[%swap3A_1614] {strides = array<i32>} : memref<128xi32, #tpu.memory_space<vmem>>, vector<16xi32>,
    %swap3A_1616 = vector.shape_cast %swap3A_1615 : vector<16xi32> to vector<16xi32>
    %swap3A_1617 = vector.shape_cast %add3A_1613 : vector<16xi32> to vector<16xi32>
    tpu.vector_store %arg13[%swap3A_1614], %swap3A_1617 {strides = array<i32>} : memref<128xi32, #tpu.memory_space<vmem>>, vector<16xi32>,
    %get3A_1618 = arith.constant 192 : index
    %get3A_1619 = tpu.vector_load %arg10[%get3A_1618] {strides = array<i32>} : memref<10624xi32, #tpu.memory_space<vmem>>, vector<16xi32>,
    %get3A_1620 = vector.shape_cast %get3A_1619 : vector<16xi32> to vector<16xi32>
    %add3A_1621 = arith.constant 1 : i32
    %add3A_1622 = vector.broadcast %add3A_1621 : i32 to vector<16xi32>
    %add3A_1623 = arith.addi %get3A_1620, %add3A_1622 : vector<16xi32>
    %swap3A_1624 = arith.constant 64 : index
    %swap3A_1625 = tpu.vector_load %arg13[%swap3A_1624] {strides = array<i32>} : memref<128xi32, #tpu.memory_space<vmem>>, vector<16xi32>,
    %swap3A_1626 = vector.shape_cast %swap3A_1625 : vector<16xi32> to vector<16xi32>
    %swap3A_1627 = vector.shape_cast %add3A_1623 : vector<16xi32> to vector<16xi32>
    tpu.vector_store %arg13[%swap3A_1624], %swap3A_1627 {strides = array<i32>} : memref<128xi32, #tpu.memory_space<vmem>>, vector<16xi32>,
    %get3A_1628 = arith.constant 208 : index
    %get3A_1629 = tpu.vector_load %arg10[%get3A_1628] {strides = array<i32>} : memref<10624xi32, #tpu.memory_space<vmem>>, vector<16xi32>,
    %get3A_1630 = vector.shape_cast %get3A_1629 : vector<16xi32> to vector<16xi32>
    %add3A_1631 = arith.constant 1 : i32
    %add3A_1632 = vector.broadcast %add3A_1631 : i32 to vector<16xi32>
    %add3A_1633 = arith.addi %get3A_1630, %add3A_1632 : vector<16xi32>
    %swap3A_1634 = arith.constant 80 : index
    %swap3A_1635 = tpu.vector_load %arg13[%swap3A_1634] {strides = array<i32>} : memref<128xi32, #tpu.memory_space<vmem>>, vector<16xi32>,
    %swap3A_1636 = vector.shape_cast %swap3A_1635 : vector<16xi32> to vector<16xi32>
    %swap3A_1637 = vector.shape_cast %add3A_1633 : vector<16xi32> to vector<16xi32>
    tpu.vector_store %arg13[%swap3A_1634], %swap3A_1637 {strides = array<i32>} : memref<128xi32, #tpu.memory_space<vmem>>, vector<16xi32>,
    %get3A_1638 = arith.constant 224 : index
    %get3A_1639 = tpu.vector_load %arg10[%get3A_1638] {strides = array<i32>} : memref<10624xi32, #tpu.memory_space<vmem>>, vector<16xi32>,
    %get3A_1640 = vector.shape_cast %get3A_1639 : vector<16xi32> to vector<16xi32>
    %add3A_1641 = arith.constant 1 : i32
    %add3A_1642 = vector.broadcast %add3A_1641 : i32 to vector<16xi32>
    %add3A_1643 = arith.addi %get3A_1640, %add3A_1642 : vector<16xi32>
    %swap3A_1644 = arith.constant 96 : index
    %swap3A_1645 = tpu.vector_load %arg13[%swap3A_1644] {strides = array<i32>} : memref<128xi32, #tpu.memory_space<vmem>>, vector<16xi32>,
    %swap3A_1646 = vector.shape_cast %swap3A_1645 : vector<16xi32> to vector<16xi32>
    %swap3A_1647 = vector.shape_cast %add3A_1643 : vector<16xi32> to vector<16xi32>
    tpu.vector_store %arg13[%swap3A_1644], %swap3A_1647 {strides = array<i32>} : memref<128xi32, #tpu.memory_space<vmem>>, vector<16xi32>,
    %get3A_1648 = arith.constant 240 : index
    %get3A_1649 = tpu.vector_load %arg10[%get3A_1648] {strides = array<i32>} : memref<10624xi32, #tpu.memory_space<vmem>>, vector<16xi32>,
    %get3A_1650 = vector.shape_cast %get3A_1649 : vector<16xi32> to vector<16xi32>
    %add3A_1651 = arith.constant 1 : i32
    %add3A_1652 = vector.broadcast %add3A_1651 : i32 to vector<16xi32>
    %add3A_1653 = arith.addi %get3A_1650, %add3A_1652 : vector<16xi32>
    %swap3A_1654 = arith.constant 112 : index
    %swap3A_1655 = tpu.vector_load %arg13[%swap3A_1654] {strides = array<i32>} : memref<128xi32, #tpu.memory_space<vmem>>, vector<16xi32>,
    %swap3A_1656 = vector.shape_cast %swap3A_1655 : vector<16xi32> to vector<16xi32>
    %swap3A_1657 = vector.shape_cast %add3A_1653 : vector<16xi32> to vector<16xi32>
    tpu.vector_store %arg13[%swap3A_1654], %swap3A_1657 {strides = array<i32>} : memref<128xi32, #tpu.memory_space<vmem>>, vector<16xi32>,
    %get3A_1658 = arith.constant 128 : index
    %get3A_1659 = tpu.vector_load %arg11[%get3A_1658] {strides = array<i32>} : memref<10624xi32, #tpu.memory_space<vmem>>, vector<16xi32>,
    %get3A_1660 = vector.shape_cast %get3A_1659 : vector<16xi32> to vector<16xi32>
    %add3A_1661 = arith.constant 0 : i32
    %add3A_1662 = vector.broadcast %add3A_1661 : i32 to vector<16xi32>
    %add3A_1663 = arith.addi %get3A_1660, %add3A_1662 : vector<16xi32>
    %swap3A_1664 = arith.constant 0 : index
    %swap3A_1665 = tpu.vector_load %arg16[%swap3A_1664] {strides = array<i32>} : memref<128xi32, #tpu.memory_space<vmem>>, vector<16xi32>,
    %swap3A_1666 = vector.shape_cast %swap3A_1665 : vector<16xi32> to vector<16xi32>
    %swap3A_1667 = vector.shape_cast %add3A_1663 : vector<16xi32> to vector<16xi32>
    tpu.vector_store %arg16[%swap3A_1664], %swap3A_1667 {strides = array<i32>} : memref<128xi32, #tpu.memory_space<vmem>>, vector<16xi32>,
    %get3A_1668 = arith.constant 144 : index
    %get3A_1669 = tpu.vector_load %arg11[%get3A_1668] {strides = array<i32>} : memref<10624xi32, #tpu.memory_space<vmem>>, vector<16xi32>,
    %get3A_1670 = vector.shape_cast %get3A_1669 : vector<16xi32> to vector<16xi32>
    %add3A_1671 = arith.constant 0 : i32
    %add3A_1672 = vector.broadcast %add3A_1671 : i32 to vector<16xi32>
    %add3A_1673 = arith.addi %get3A_1670, %add3A_1672 : vector<16xi32>
    %swap3A_1674 = arith.constant 16 : index
    %swap3A_1675 = tpu.vector_load %arg16[%swap3A_1674] {strides = array<i32>} : memref<128xi32, #tpu.memory_space<vmem>>, vector<16xi32>,
    %swap3A_1676 = vector.shape_cast %swap3A_1675 : vector<16xi32> to vector<16xi32>
    %swap3A_1677 = vector.shape_cast %add3A_1673 : vector<16xi32> to vector<16xi32>
    tpu.vector_store %arg16[%swap3A_1674], %swap3A_1677 {strides = array<i32>} : memref<128xi32, #tpu.memory_space<vmem>>, vector<16xi32>,
    %get3A_1678 = arith.constant 160 : index
    %get3A_1679 = tpu.vector_load %arg11[%get3A_1678] {strides = array<i32>} : memref<10624xi32, #tpu.memory_space<vmem>>, vector<16xi32>,
    %get3A_1680 = vector.shape_cast %get3A_1679 : vector<16xi32> to vector<16xi32>
    %add3A_1681 = arith.constant 0 : i32
    %add3A_1682 = vector.broadcast %add3A_1681 : i32 to vector<16xi32>
    %add3A_1683 = arith.addi %get3A_1680, %add3A_1682 : vector<16xi32>
    %swap3A_1684 = arith.constant 32 : index
    %swap3A_1685 = tpu.vector_load %arg16[%swap3A_1684] {strides = array<i32>} : memref<128xi32, #tpu.memory_space<vmem>>, vector<16xi32>,
    %swap3A_1686 = vector.shape_cast %swap3A_1685 : vector<16xi32> to vector<16xi32>
    %swap3A_1687 = vector.shape_cast %add3A_1683 : vector<16xi32> to vector<16xi32>
    tpu.vector_store %arg16[%swap3A_1684], %swap3A_1687 {strides = array<i32>} : memref<128xi32, #tpu.memory_space<vmem>>, vector<16xi32>,
    %get3A_1688 = arith.constant 176 : index
    %get3A_1689 = tpu.vector_load %arg11[%get3A_1688] {strides = array<i32>} : memref<10624xi32, #tpu.memory_space<vmem>>, vector<16xi32>,
    %get3A_1690 = vector.shape_cast %get3A_1689 : vector<16xi32> to vector<16xi32>
    %add3A_1691 = arith.constant 0 : i32
    %add3A_1692 = vector.broadcast %add3A_1691 : i32 to vector<16xi32>
    %add3A_1693 = arith.addi %get3A_1690, %add3A_1692 : vector<16xi32>
    %swap3A_1694 = arith.constant 48 : index
    %swap3A_1695 = tpu.vector_load %arg16[%swap3A_1694] {strides = array<i32>} : memref<128xi32, #tpu.memory_space<vmem>>, vector<16xi32>,
    %swap3A_1696 = vector.shape_cast %swap3A_1695 : vector<16xi32> to vector<16xi32>
    %swap3A_1697 = vector.shape_cast %add3A_1693 : vector<16xi32> to vector<16xi32>
    tpu.vector_store %arg16[%swap3A_1694], %swap3A_1697 {strides = array<i32>} : memref<128xi32, #tpu.memory_space<vmem>>, vector<16xi32>,
    %get3A_1698 = arith.constant 192 : index
    %get3A_1699 = tpu.vector_load %arg11[%get3A_1698] {strides = array<i32>} : memref<10624xi32, #tpu.memory_space<vmem>>, vector<16xi32>,
    %get3A_1700 = vector.shape_cast %get3A_1699 : vector<16xi32> to vector<16xi32>
    %add3A_1701 = arith.constant 0 : i32
    %add3A_1702 = vector.broadcast %add3A_1701 : i32 to vector<16xi32>
    %add3A_1703 = arith.addi %get3A_1700, %add3A_1702 : vector<16xi32>
    %swap3A_1704 = arith.constant 64 : index
    %swap3A_1705 = tpu.vector_load %arg16[%swap3A_1704] {strides = array<i32>} : memref<128xi32, #tpu.memory_space<vmem>>, vector<16xi32>,
    %swap3A_1706 = vector.shape_cast %swap3A_1705 : vector<16xi32> to vector<16xi32>
    %swap3A_1707 = vector.shape_cast %add3A_1703 : vector<16xi32> to vector<16xi32>
    tpu.vector_store %arg16[%swap3A_1704], %swap3A_1707 {strides = array<i32>} : memref<128xi32, #tpu.memory_space<vmem>>, vector<16xi32>,
    %get3A_1708 = arith.constant 208 : index
    %get3A_1709 = tpu.vector_load %arg11[%get3A_1708] {strides = array<i32>} : memref<10624xi32, #tpu.memory_space<vmem>>, vector<16xi32>,
    %get3A_1710 = vector.shape_cast %get3A_1709 : vector<16xi32> to vector<16xi32>
    %add3A_1711 = arith.constant 0 : i32
    %add3A_1712 = vector.broadcast %add3A_1711 : i32 to vector<16xi32>
    %add3A_1713 = arith.addi %get3A_1710, %add3A_1712 : vector<16xi32>
    %swap3A_1714 = arith.constant 80 : index
    %swap3A_1715 = tpu.vector_load %arg16[%swap3A_1714] {strides = array<i32>} : memref<128xi32, #tpu.memory_space<vmem>>, vector<16xi32>,
    %swap3A_1716 = vector.shape_cast %swap3A_1715 : vector<16xi32> to vector<16xi32>
    %swap3A_1717 = vector.shape_cast %add3A_1713 : vector<16xi32> to vector<16xi32>
    tpu.vector_store %arg16[%swap3A_1714], %swap3A_1717 {strides = array<i32>} : memref<128xi32, #tpu.memory_space<vmem>>, vector<16xi32>,
    %get3A_1718 = arith.constant 224 : index
    %get3A_1719 = tpu.vector_load %arg11[%get3A_1718] {strides = array<i32>} : memref<10624xi32, #tpu.memory_space<vmem>>, vector<16xi32>,
    %get3A_1720 = vector.shape_cast %get3A_1719 : vector<16xi32> to vector<16xi32>
    %add3A_1721 = arith.constant 0 : i32
    %add3A_1722 = vector.broadcast %add3A_1721 : i32 to vector<16xi32>
    %add3A_1723 = arith.addi %get3A_1720, %add3A_1722 : vector<16xi32>
    %swap3A_1724 = arith.constant 96 : index
    %swap3A_1725 = tpu.vector_load %arg16[%swap3A_1724] {strides = array<i32>} : memref<128xi32, #tpu.memory_space<vmem>>, vector<16xi32>,
    %swap3A_1726 = vector.shape_cast %swap3A_1725 : vector<16xi32> to vector<16xi32>
    %swap3A_1727 = vector.shape_cast %add3A_1723 : vector<16xi32> to vector<16xi32>
    tpu.vector_store %arg16[%swap3A_1724], %swap3A_1727 {strides = array<i32>} : memref<128xi32, #tpu.memory_space<vmem>>, vector<16xi32>,
    %get3A_1728 = arith.constant 240 : index
    %get3A_1729 = tpu.vector_load %arg11[%get3A_1728] {strides = array<i32>} : memref<10624xi32, #tpu.memory_space<vmem>>, vector<16xi32>,
    %get3A_1730 = vector.shape_cast %get3A_1729 : vector<16xi32> to vector<16xi32>
    %add3A_1731 = arith.constant 0 : i32
    %add3A_1732 = vector.broadcast %add3A_1731 : i32 to vector<16xi32>
    %add3A_1733 = arith.addi %get3A_1730, %add3A_1732 : vector<16xi32>
    %swap3A_1734 = arith.constant 112 : index
    %swap3A_1735 = tpu.vector_load %arg16[%swap3A_1734] {strides = array<i32>} : memref<128xi32, #tpu.memory_space<vmem>>, vector<16xi32>,
    %swap3A_1736 = vector.shape_cast %swap3A_1735 : vector<16xi32> to vector<16xi32>
    %swap3A_1737 = vector.shape_cast %add3A_1733 : vector<16xi32> to vector<16xi32>
    tpu.vector_store %arg16[%swap3A_1734], %swap3A_1737 {strides = array<i32>} : memref<128xi32, #tpu.memory_space<vmem>>, vector<16xi32>,
    %dma_start3A_1738 = arith.constant 0 : i32
    %dma_start3A_1739 = arith.constant 0 : i32
    %dma_start3A_1740 = tpu.memref_slice %arg2[%dma_start3A_1738, %dma_start3A_1739] : memref<20000x128xf32, #tpu.memory_space<hbm>> -> memref<20000x128xf32, #tpu.memory_space<hbm>>
    tpu.enqueue_indirect_dma source(%dma_start3A_1740 : memref<20000x128xf32, #tpu.memory_space<hbm>>) target(%arg19 : memref<128x128xf32, #tpu.memory_space<vmem>>) offsets(%arg13 : memref<128xi32, #tpu.memory_space<vmem>>) semaphore(%arg24 : memref<!tpu.dma_semaphore, #tpu.memory_space<semaphore_mem>>)
    %scan3A_1741 = arith.constant 0 : i32
    %scan3A_1742 = arith.constant 0 : i32
    %scan3A_1743 = arith.constant 27 : i32
    %scan3A_1744 = arith.addi %scan3A_1742, %scan3A_1743 : i32
    %scan3A_1745 = arith.constant 1 : i32
    scf.for %scan3A_2047 = %scan3A_1742 to %scan3A_1744 step %scan3A_1745  : i32 {
      %mul3A_2048 = arith.constant 3 : i32
      %mul3A_2049 = arith.muli %scan3A_2047, %mul3A_2048 : i32
      %add3A_2050 = arith.constant 0 : i32
      %add3A_2051 = arith.addi %mul3A_2049, %add3A_2050 : i32
      %dma_wait3A_2052 = arith.constant 0 : i32
      %dma_wait3A_2053 = arith.constant 0 : i32
      %dma_wait3A_2054 = tpu.memref_slice %arg2[%dma_wait3A_2052, %dma_wait3A_2053] : memref<20000x128xf32, #tpu.memory_space<hbm>> -> memref<20000x128xf32, #tpu.memory_space<hbm>>
      tpu.wait_indirect_dma semaphore(%arg23 : memref<!tpu.dma_semaphore, #tpu.memory_space<semaphore_mem>>) src(%dma_wait3A_2054 : memref<20000x128xf32, #tpu.memory_space<hbm>>) dst(%arg18 : memref<128x128xf32, #tpu.memory_space<vmem>>)
      %dma_start3A_2055 = arith.constant 0 : i32
      %dma_start3A_2056 = arith.constant 0 : i32
      %dma_start3A_2057 = tpu.memref_slice %arg22[%dma_start3A_2055, %dma_start3A_2056] : memref<5120x128xf32, #tpu.memory_space<vmem_shared>> -> memref<5120x128xf32, #tpu.memory_space<vmem_shared>>
      tpu.enqueue_indirect_dma source(%arg18 : memref<128x128xf32, #tpu.memory_space<vmem>>) target(%dma_start3A_2057 : memref<5120x128xf32, #tpu.memory_space<vmem_shared>>) offsets(%arg15 : memref<128xi32, #tpu.memory_space<vmem>>) semaphore(%arg26 : memref<!tpu.dma_semaphore, #tpu.memory_space<semaphore_mem>>) {add = true}
      %dma_wait3A_2058 = arith.constant 0 : i32
      %dma_wait3A_2059 = arith.constant 0 : i32
      %dma_wait3A_2060 = tpu.memref_slice %arg22[%dma_wait3A_2058, %dma_wait3A_2059] : memref<5120x128xf32, #tpu.memory_space<vmem_shared>> -> memref<5120x128xf32, #tpu.memory_space<vmem_shared>>
      tpu.wait_indirect_dma semaphore(%arg28 : memref<!tpu.dma_semaphore, #tpu.memory_space<semaphore_mem>>) src(%arg20 : memref<128x128xf32, #tpu.memory_space<vmem>>) dst(%dma_wait3A_2060 : memref<5120x128xf32, #tpu.memory_space<vmem_shared>>)
      %add3A_2061 = arith.constant 2 : i32
      %add3A_2062 = arith.addi %add3A_2051, %add3A_2061 : i32
      %mul3A_2063 = arith.constant 128 : i32
      %mul3A_2064 = arith.muli %add3A_2062, %mul3A_2063 : i32
      %add3A_2065 = arith.constant 0 : i32
      %add3A_2066 = arith.addi %mul3A_2064, %add3A_2065 : i32
      %get3A_2067 = arith.index_cast %add3A_2066 : i32 to index
      %get3A_2068 = tpu.vector_load %arg10[%get3A_2067] {strides = array<i32>} : memref<10624xi32, #tpu.memory_space<vmem>>, vector<16xi32>,
      %get3A_2069 = vector.shape_cast %get3A_2068 : vector<16xi32> to vector<16xi32>
      %add3A_2070 = arith.constant 1 : i32
      %add3A_2071 = vector.broadcast %add3A_2070 : i32 to vector<16xi32>
      %add3A_2072 = arith.addi %get3A_2069, %add3A_2071 : vector<16xi32>
      %swap3A_2073 = arith.constant 0 : index
      %swap3A_2074 = tpu.vector_load %arg14[%swap3A_2073] {strides = array<i32>} : memref<128xi32, #tpu.memory_space<vmem>>, vector<16xi32>,
      %swap3A_2075 = vector.shape_cast %swap3A_2074 : vector<16xi32> to vector<16xi32>
      %swap3A_2076 = vector.shape_cast %add3A_2072 : vector<16xi32> to vector<16xi32>
      tpu.vector_store %arg14[%swap3A_2073], %swap3A_2076 {strides = array<i32>} : memref<128xi32, #tpu.memory_space<vmem>>, vector<16xi32>,
      %add3A_2077 = arith.constant 16 : i32
      %add3A_2078 = arith.addi %mul3A_2064, %add3A_2077 : i32
      %get3A_2079 = arith.index_cast %add3A_2078 : i32 to index
      %get3A_2080 = tpu.vector_load %arg10[%get3A_2079] {strides = array<i32>} : memref<10624xi32, #tpu.memory_space<vmem>>, vector<16xi32>,
      %get3A_2081 = vector.shape_cast %get3A_2080 : vector<16xi32> to vector<16xi32>
      %add3A_2082 = arith.constant 1 : i32
      %add3A_2083 = vector.broadcast %add3A_2082 : i32 to vector<16xi32>
      %add3A_2084 = arith.addi %get3A_2081, %add3A_2083 : vector<16xi32>
      %swap3A_2085 = arith.constant 16 : index
      %swap3A_2086 = tpu.vector_load %arg14[%swap3A_2085] {strides = array<i32>} : memref<128xi32, #tpu.memory_space<vmem>>, vector<16xi32>,
      %swap3A_2087 = vector.shape_cast %swap3A_2086 : vector<16xi32> to vector<16xi32>
      %swap3A_2088 = vector.shape_cast %add3A_2084 : vector<16xi32> to vector<16xi32>
      tpu.vector_store %arg14[%swap3A_2085], %swap3A_2088 {strides = array<i32>} : memref<128xi32, #tpu.memory_space<vmem>>, vector<16xi32>,
      %add3A_2089 = arith.constant 32 : i32
      %add3A_2090 = arith.addi %mul3A_2064, %add3A_2089 : i32
      %get3A_2091 = arith.index_cast %add3A_2090 : i32 to index
      %get3A_2092 = tpu.vector_load %arg10[%get3A_2091] {strides = array<i32>} : memref<10624xi32, #tpu.memory_space<vmem>>, vector<16xi32>,
      %get3A_2093 = vector.shape_cast %get3A_2092 : vector<16xi32> to vector<16xi32>
      %add3A_2094 = arith.constant 1 : i32
      %add3A_2095 = vector.broadcast %add3A_2094 : i32 to vector<16xi32>
      %add3A_2096 = arith.addi %get3A_2093, %add3A_2095 : vector<16xi32>
      %swap3A_2097 = arith.constant 32 : index
      %swap3A_2098 = tpu.vector_load %arg14[%swap3A_2097] {strides = array<i32>} : memref<128xi32, #tpu.memory_space<vmem>>, vector<16xi32>,
      %swap3A_2099 = vector.shape_cast %swap3A_2098 : vector<16xi32> to vector<16xi32>
      %swap3A_2100 = vector.shape_cast %add3A_2096 : vector<16xi32> to vector<16xi32>
      tpu.vector_store %arg14[%swap3A_2097], %swap3A_2100 {strides = array<i32>} : memref<128xi32, #tpu.memory_space<vmem>>, vector<16xi32>,
      %add3A_2101 = arith.constant 48 : i32
      %add3A_2102 = arith.addi %mul3A_2064, %add3A_2101 : i32
      %get3A_2103 = arith.index_cast %add3A_2102 : i32 to index
      %get3A_2104 = tpu.vector_load %arg10[%get3A_2103] {strides = array<i32>} : memref<10624xi32, #tpu.memory_space<vmem>>, vector<16xi32>,
      %get3A_2105 = vector.shape_cast %get3A_2104 : vector<16xi32> to vector<16xi32>
      %add3A_2106 = arith.constant 1 : i32
      %add3A_2107 = vector.broadcast %add3A_2106 : i32 to vector<16xi32>
      %add3A_2108 = arith.addi %get3A_2105, %add3A_2107 : vector<16xi32>
      %swap3A_2109 = arith.constant 48 : index
      %swap3A_2110 = tpu.vector_load %arg14[%swap3A_2109] {strides = array<i32>} : memref<128xi32, #tpu.memory_space<vmem>>, vector<16xi32>,
      %swap3A_2111 = vector.shape_cast %swap3A_2110 : vector<16xi32> to vector<16xi32>
      %swap3A_2112 = vector.shape_cast %add3A_2108 : vector<16xi32> to vector<16xi32>
      tpu.vector_store %arg14[%swap3A_2109], %swap3A_2112 {strides = array<i32>} : memref<128xi32, #tpu.memory_space<vmem>>, vector<16xi32>,
      %add3A_2113 = arith.constant 64 : i32
      %add3A_2114 = arith.addi %mul3A_2064, %add3A_2113 : i32
      %get3A_2115 = arith.index_cast %add3A_2114 : i32 to index
      %get3A_2116 = tpu.vector_load %arg10[%get3A_2115] {strides = array<i32>} : memref<10624xi32, #tpu.memory_space<vmem>>, vector<16xi32>,
      %get3A_2117 = vector.shape_cast %get3A_2116 : vector<16xi32> to vector<16xi32>
      %add3A_2118 = arith.constant 1 : i32
      %add3A_2119 = vector.broadcast %add3A_2118 : i32 to vector<16xi32>
      %add3A_2120 = arith.addi %get3A_2117, %add3A_2119 : vector<16xi32>
      %swap3A_2121 = arith.constant 64 : index
      %swap3A_2122 = tpu.vector_load %arg14[%swap3A_2121] {strides = array<i32>} : memref<128xi32, #tpu.memory_space<vmem>>, vector<16xi32>,
      %swap3A_2123 = vector.shape_cast %swap3A_2122 : vector<16xi32> to vector<16xi32>
      %swap3A_2124 = vector.shape_cast %add3A_2120 : vector<16xi32> to vector<16xi32>
      tpu.vector_store %arg14[%swap3A_2121], %swap3A_2124 {strides = array<i32>} : memref<128xi32, #tpu.memory_space<vmem>>, vector<16xi32>,
      %add3A_2125 = arith.constant 80 : i32
      %add3A_2126 = arith.addi %mul3A_2064, %add3A_2125 : i32
      %get3A_2127 = arith.index_cast %add3A_2126 : i32 to index
      %get3A_2128 = tpu.vector_load %arg10[%get3A_2127] {strides = array<i32>} : memref<10624xi32, #tpu.memory_space<vmem>>, vector<16xi32>,
      %get3A_2129 = vector.shape_cast %get3A_2128 : vector<16xi32> to vector<16xi32>
      %add3A_2130 = arith.constant 1 : i32
      %add3A_2131 = vector.broadcast %add3A_2130 : i32 to vector<16xi32>
      %add3A_2132 = arith.addi %get3A_2129, %add3A_2131 : vector<16xi32>
      %swap3A_2133 = arith.constant 80 : index
      %swap3A_2134 = tpu.vector_load %arg14[%swap3A_2133] {strides = array<i32>} : memref<128xi32, #tpu.memory_space<vmem>>, vector<16xi32>,
      %swap3A_2135 = vector.shape_cast %swap3A_2134 : vector<16xi32> to vector<16xi32>
      %swap3A_2136 = vector.shape_cast %add3A_2132 : vector<16xi32> to vector<16xi32>
      tpu.vector_store %arg14[%swap3A_2133], %swap3A_2136 {strides = array<i32>} : memref<128xi32, #tpu.memory_space<vmem>>, vector<16xi32>,
      %add3A_2137 = arith.constant 96 : i32
      %add3A_2138 = arith.addi %mul3A_2064, %add3A_2137 : i32
      %get3A_2139 = arith.index_cast %add3A_2138 : i32 to index
      %get3A_2140 = tpu.vector_load %arg10[%get3A_2139] {strides = array<i32>} : memref<10624xi32, #tpu.memory_space<vmem>>, vector<16xi32>,
      %get3A_2141 = vector.shape_cast %get3A_2140 : vector<16xi32> to vector<16xi32>
      %add3A_2142 = arith.constant 1 : i32
      %add3A_2143 = vector.broadcast %add3A_2142 : i32 to vector<16xi32>
      %add3A_2144 = arith.addi %get3A_2141, %add3A_2143 : vector<16xi32>
      %swap3A_2145 = arith.constant 96 : index
      %swap3A_2146 = tpu.vector_load %arg14[%swap3A_2145] {strides = array<i32>} : memref<128xi32, #tpu.memory_space<vmem>>, vector<16xi32>,
      %swap3A_2147 = vector.shape_cast %swap3A_2146 : vector<16xi32> to vector<16xi32>
      %swap3A_2148 = vector.shape_cast %add3A_2144 : vector<16xi32> to vector<16xi32>
      tpu.vector_store %arg14[%swap3A_2145], %swap3A_2148 {strides = array<i32>} : memref<128xi32, #tpu.memory_space<vmem>>, vector<16xi32>,
      %add3A_2149 = arith.constant 112 : i32
      %add3A_2150 = arith.addi %mul3A_2064, %add3A_2149 : i32
      %get3A_2151 = arith.index_cast %add3A_2150 : i32 to index
      %get3A_2152 = tpu.vector_load %arg10[%get3A_2151] {strides = array<i32>} : memref<10624xi32, #tpu.memory_space<vmem>>, vector<16xi32>,
      %get3A_2153 = vector.shape_cast %get3A_2152 : vector<16xi32> to vector<16xi32>
      %add3A_2154 = arith.constant 1 : i32
      %add3A_2155 = vector.broadcast %add3A_2154 : i32 to vector<16xi32>
      %add3A_2156 = arith.addi %get3A_2153, %add3A_2155 : vector<16xi32>
      %swap3A_2157 = arith.constant 112 : index
      %swap3A_2158 = tpu.vector_load %arg14[%swap3A_2157] {strides = array<i32>} : memref<128xi32, #tpu.memory_space<vmem>>, vector<16xi32>,
      %swap3A_2159 = vector.shape_cast %swap3A_2158 : vector<16xi32> to vector<16xi32>
      %swap3A_2160 = vector.shape_cast %add3A_2156 : vector<16xi32> to vector<16xi32>
      tpu.vector_store %arg14[%swap3A_2157], %swap3A_2160 {strides = array<i32>} : memref<128xi32, #tpu.memory_space<vmem>>, vector<16xi32>,
      %add3A_2161 = arith.constant 0 : i32
      %add3A_2162 = arith.addi %mul3A_2064, %add3A_2161 : i32
      %get3A_2163 = arith.index_cast %add3A_2162 : i32 to index
      %get3A_2164 = tpu.vector_load %arg11[%get3A_2163] {strides = array<i32>} : memref<10624xi32, #tpu.memory_space<vmem>>, vector<16xi32>,
      %get3A_2165 = vector.shape_cast %get3A_2164 : vector<16xi32> to vector<16xi32>
      %add3A_2166 = arith.constant 0 : i32
      %add3A_2167 = vector.broadcast %add3A_2166 : i32 to vector<16xi32>
      %add3A_2168 = arith.addi %get3A_2165, %add3A_2167 : vector<16xi32>
      %swap3A_2169 = arith.constant 0 : index
      %swap3A_2170 = tpu.vector_load %arg17[%swap3A_2169] {strides = array<i32>} : memref<128xi32, #tpu.memory_space<vmem>>, vector<16xi32>,
      %swap3A_2171 = vector.shape_cast %swap3A_2170 : vector<16xi32> to vector<16xi32>
      %swap3A_2172 = vector.shape_cast %add3A_2168 : vector<16xi32> to vector<16xi32>
      tpu.vector_store %arg17[%swap3A_2169], %swap3A_2172 {strides = array<i32>} : memref<128xi32, #tpu.memory_space<vmem>>, vector<16xi32>,
      %add3A_2173 = arith.constant 16 : i32
      %add3A_2174 = arith.addi %mul3A_2064, %add3A_2173 : i32
      %get3A_2175 = arith.index_cast %add3A_2174 : i32 to index
      %get3A_2176 = tpu.vector_load %arg11[%get3A_2175] {strides = array<i32>} : memref<10624xi32, #tpu.memory_space<vmem>>, vector<16xi32>,
      %get3A_2177 = vector.shape_cast %get3A_2176 : vector<16xi32> to vector<16xi32>
      %add3A_2178 = arith.constant 0 : i32
      %add3A_2179 = vector.broadcast %add3A_2178 : i32 to vector<16xi32>
      %add3A_2180 = arith.addi %get3A_2177, %add3A_2179 : vector<16xi32>
      %swap3A_2181 = arith.constant 16 : index
      %swap3A_2182 = tpu.vector_load %arg17[%swap3A_2181] {strides = array<i32>} : memref<128xi32, #tpu.memory_space<vmem>>, vector<16xi32>,
      %swap3A_2183 = vector.shape_cast %swap3A_2182 : vector<16xi32> to vector<16xi32>
      %swap3A_2184 = vector.shape_cast %add3A_2180 : vector<16xi32> to vector<16xi32>
      tpu.vector_store %arg17[%swap3A_2181], %swap3A_2184 {strides = array<i32>} : memref<128xi32, #tpu.memory_space<vmem>>, vector<16xi32>,
      %add3A_2185 = arith.constant 32 : i32
      %add3A_2186 = arith.addi %mul3A_2064, %add3A_2185 : i32
      %get3A_2187 = arith.index_cast %add3A_2186 : i32 to index
      %get3A_2188 = tpu.vector_load %arg11[%get3A_2187] {strides = array<i32>} : memref<10624xi32, #tpu.memory_space<vmem>>, vector<16xi32>,
      %get3A_2189 = vector.shape_cast %get3A_2188 : vector<16xi32> to vector<16xi32>
      %add3A_2190 = arith.constant 0 : i32
      %add3A_2191 = vector.broadcast %add3A_2190 : i32 to vector<16xi32>
      %add3A_2192 = arith.addi %get3A_2189, %add3A_2191 : vector<16xi32>
      %swap3A_2193 = arith.constant 32 : index
      %swap3A_2194 = tpu.vector_load %arg17[%swap3A_2193] {strides = array<i32>} : memref<128xi32, #tpu.memory_space<vmem>>, vector<16xi32>,
      %swap3A_2195 = vector.shape_cast %swap3A_2194 : vector<16xi32> to vector<16xi32>
      %swap3A_2196 = vector.shape_cast %add3A_2192 : vector<16xi32> to vector<16xi32>
      tpu.vector_store %arg17[%swap3A_2193], %swap3A_2196 {strides = array<i32>} : memref<128xi32, #tpu.memory_space<vmem>>, vector<16xi32>,
      %add3A_2197 = arith.constant 48 : i32
      %add3A_2198 = arith.addi %mul3A_2064, %add3A_2197 : i32
      %get3A_2199 = arith.index_cast %add3A_2198 : i32 to index
      %get3A_2200 = tpu.vector_load %arg11[%get3A_2199] {strides = array<i32>} : memref<10624xi32, #tpu.memory_space<vmem>>, vector<16xi32>,
      %get3A_2201 = vector.shape_cast %get3A_2200 : vector<16xi32> to vector<16xi32>
      %add3A_2202 = arith.constant 0 : i32
      %add3A_2203 = vector.broadcast %add3A_2202 : i32 to vector<16xi32>
      %add3A_2204 = arith.addi %get3A_2201, %add3A_2203 : vector<16xi32>
      %swap3A_2205 = arith.constant 48 : index
      %swap3A_2206 = tpu.vector_load %arg17[%swap3A_2205] {strides = array<i32>} : memref<128xi32, #tpu.memory_space<vmem>>, vector<16xi32>,
      %swap3A_2207 = vector.shape_cast %swap3A_2206 : vector<16xi32> to vector<16xi32>
      %swap3A_2208 = vector.shape_cast %add3A_2204 : vector<16xi32> to vector<16xi32>
      tpu.vector_store %arg17[%swap3A_2205], %swap3A_2208 {strides = array<i32>} : memref<128xi32, #tpu.memory_space<vmem>>, vector<16xi32>,
      %add3A_2209 = arith.constant 64 : i32
      %add3A_2210 = arith.addi %mul3A_2064, %add3A_2209 : i32
      %get3A_2211 = arith.index_cast %add3A_2210 : i32 to index
      %get3A_2212 = tpu.vector_load %arg11[%get3A_2211] {strides = array<i32>} : memref<10624xi32, #tpu.memory_space<vmem>>, vector<16xi32>,
      %get3A_2213 = vector.shape_cast %get3A_2212 : vector<16xi32> to vector<16xi32>
      %add3A_2214 = arith.constant 0 : i32
      %add3A_2215 = vector.broadcast %add3A_2214 : i32 to vector<16xi32>
      %add3A_2216 = arith.addi %get3A_2213, %add3A_2215 : vector<16xi32>
      %swap3A_2217 = arith.constant 64 : index
      %swap3A_2218 = tpu.vector_load %arg17[%swap3A_2217] {strides = array<i32>} : memref<128xi32, #tpu.memory_space<vmem>>, vector<16xi32>,
      %swap3A_2219 = vector.shape_cast %swap3A_2218 : vector<16xi32> to vector<16xi32>
      %swap3A_2220 = vector.shape_cast %add3A_2216 : vector<16xi32> to vector<16xi32>
      tpu.vector_store %arg17[%swap3A_2217], %swap3A_2220 {strides = array<i32>} : memref<128xi32, #tpu.memory_space<vmem>>, vector<16xi32>,
      %add3A_2221 = arith.constant 80 : i32
      %add3A_2222 = arith.addi %mul3A_2064, %add3A_2221 : i32
      %get3A_2223 = arith.index_cast %add3A_2222 : i32 to index
      %get3A_2224 = tpu.vector_load %arg11[%get3A_2223] {strides = array<i32>} : memref<10624xi32, #tpu.memory_space<vmem>>, vector<16xi32>,
      %get3A_2225 = vector.shape_cast %get3A_2224 : vector<16xi32> to vector<16xi32>
      %add3A_2226 = arith.constant 0 : i32
      %add3A_2227 = vector.broadcast %add3A_2226 : i32 to vector<16xi32>
      %add3A_2228 = arith.addi %get3A_2225, %add3A_2227 : vector<16xi32>
      %swap3A_2229 = arith.constant 80 : index
      %swap3A_2230 = tpu.vector_load %arg17[%swap3A_2229] {strides = array<i32>} : memref<128xi32, #tpu.memory_space<vmem>>, vector<16xi32>,
      %swap3A_2231 = vector.shape_cast %swap3A_2230 : vector<16xi32> to vector<16xi32>
      %swap3A_2232 = vector.shape_cast %add3A_2228 : vector<16xi32> to vector<16xi32>
      tpu.vector_store %arg17[%swap3A_2229], %swap3A_2232 {strides = array<i32>} : memref<128xi32, #tpu.memory_space<vmem>>, vector<16xi32>,
      %add3A_2233 = arith.constant 96 : i32
      %add3A_2234 = arith.addi %mul3A_2064, %add3A_2233 : i32
      %get3A_2235 = arith.index_cast %add3A_2234 : i32 to index
      %get3A_2236 = tpu.vector_load %arg11[%get3A_2235] {strides = array<i32>} : memref<10624xi32, #tpu.memory_space<vmem>>, vector<16xi32>,
      %get3A_2237 = vector.shape_cast %get3A_2236 : vector<16xi32> to vector<16xi32>
      %add3A_2238 = arith.constant 0 : i32
      %add3A_2239 = vector.broadcast %add3A_2238 : i32 to vector<16xi32>
      %add3A_2240 = arith.addi %get3A_2237, %add3A_2239 : vector<16xi32>
      %swap3A_2241 = arith.constant 96 : index
      %swap3A_2242 = tpu.vector_load %arg17[%swap3A_2241] {strides = array<i32>} : memref<128xi32, #tpu.memory_space<vmem>>, vector<16xi32>,
      %swap3A_2243 = vector.shape_cast %swap3A_2242 : vector<16xi32> to vector<16xi32>
      %swap3A_2244 = vector.shape_cast %add3A_2240 : vector<16xi32> to vector<16xi32>
      tpu.vector_store %arg17[%swap3A_2241], %swap3A_2244 {strides = array<i32>} : memref<128xi32, #tpu.memory_space<vmem>>, vector<16xi32>,
      %add3A_2245 = arith.constant 112 : i32
      %add3A_2246 = arith.addi %mul3A_2064, %add3A_2245 : i32
      %get3A_2247 = arith.index_cast %add3A_2246 : i32 to index
      %get3A_2248 = tpu.vector_load %arg11[%get3A_2247] {strides = array<i32>} : memref<10624xi32, #tpu.memory_space<vmem>>, vector<16xi32>,
      %get3A_2249 = vector.shape_cast %get3A_2248 : vector<16xi32> to vector<16xi32>
      %add3A_2250 = arith.constant 0 : i32
      %add3A_2251 = vector.broadcast %add3A_2250 : i32 to vector<16xi32>
      %add3A_2252 = arith.addi %get3A_2249, %add3A_2251 : vector<16xi32>
      %swap3A_2253 = arith.constant 112 : index
      %swap3A_2254 = tpu.vector_load %arg17[%swap3A_2253] {strides = array<i32>} : memref<128xi32, #tpu.memory_space<vmem>>, vector<16xi32>,
      %swap3A_2255 = vector.shape_cast %swap3A_2254 : vector<16xi32> to vector<16xi32>
      %swap3A_2256 = vector.shape_cast %add3A_2252 : vector<16xi32> to vector<16xi32>
      tpu.vector_store %arg17[%swap3A_2253], %swap3A_2256 {strides = array<i32>} : memref<128xi32, #tpu.memory_space<vmem>>, vector<16xi32>,
      %dma_start3A_2257 = arith.constant 0 : i32
      %dma_start3A_2258 = arith.constant 0 : i32
      %dma_start3A_2259 = tpu.memref_slice %arg2[%dma_start3A_2257, %dma_start3A_2258] : memref<20000x128xf32, #tpu.memory_space<hbm>> -> memref<20000x128xf32, #tpu.memory_space<hbm>>
      tpu.enqueue_indirect_dma source(%dma_start3A_2259 : memref<20000x128xf32, #tpu.memory_space<hbm>>) target(%arg20 : memref<128x128xf32, #tpu.memory_space<vmem>>) offsets(%arg14 : memref<128xi32, #tpu.memory_space<vmem>>) semaphore(%arg25 : memref<!tpu.dma_semaphore, #tpu.memory_space<semaphore_mem>>)
      %mul3A_2260 = arith.constant 3 : i32
      %mul3A_2261 = arith.muli %scan3A_2047, %mul3A_2260 : i32
      %add3A_2262 = arith.constant 1 : i32
      %add3A_2263 = arith.addi %mul3A_2261, %add3A_2262 : i32
      %dma_wait3A_2264 = arith.constant 0 : i32
      %dma_wait3A_2265 = arith.constant 0 : i32
      %dma_wait3A_2266 = tpu.memref_slice %arg2[%dma_wait3A_2264, %dma_wait3A_2265] : memref<20000x128xf32, #tpu.memory_space<hbm>> -> memref<20000x128xf32, #tpu.memory_space<hbm>>
      tpu.wait_indirect_dma semaphore(%arg24 : memref<!tpu.dma_semaphore, #tpu.memory_space<semaphore_mem>>) src(%dma_wait3A_2266 : memref<20000x128xf32, #tpu.memory_space<hbm>>) dst(%arg19 : memref<128x128xf32, #tpu.memory_space<vmem>>)
      %dma_start3A_2267 = arith.constant 0 : i32
      %dma_start3A_2268 = arith.constant 0 : i32
      %dma_start3A_2269 = tpu.memref_slice %arg22[%dma_start3A_2267, %dma_start3A_2268] : memref<5120x128xf32, #tpu.memory_space<vmem_shared>> -> memref<5120x128xf32, #tpu.memory_space<vmem_shared>>
      tpu.enqueue_indirect_dma source(%arg19 : memref<128x128xf32, #tpu.memory_space<vmem>>) target(%dma_start3A_2269 : memref<5120x128xf32, #tpu.memory_space<vmem_shared>>) offsets(%arg16 : memref<128xi32, #tpu.memory_space<vmem>>) semaphore(%arg27 : memref<!tpu.dma_semaphore, #tpu.memory_space<semaphore_mem>>) {add = true}
      %dma_wait3A_2270 = arith.constant 0 : i32
      %dma_wait3A_2271 = arith.constant 0 : i32
      %dma_wait3A_2272 = tpu.memref_slice %arg22[%dma_wait3A_2270, %dma_wait3A_2271] : memref<5120x128xf32, #tpu.memory_space<vmem_shared>> -> memref<5120x128xf32, #tpu.memory_space<vmem_shared>>
      tpu.wait_indirect_dma semaphore(%arg26 : memref<!tpu.dma_semaphore, #tpu.memory_space<semaphore_mem>>) src(%arg18 : memref<128x128xf32, #tpu.memory_space<vmem>>) dst(%dma_wait3A_2272 : memref<5120x128xf32, #tpu.memory_space<vmem_shared>>)
      %add3A_2273 = arith.constant 2 : i32
      %add3A_2274 = arith.addi %add3A_2263, %add3A_2273 : i32
      %mul3A_2275 = arith.constant 128 : i32
      %mul3A_2276 = arith.muli %add3A_2274, %mul3A_2275 : i32
      %add3A_2277 = arith.constant 0 : i32
      %add3A_2278 = arith.addi %mul3A_2276, %add3A_2277 : i32
      %get3A_2279 = arith.index_cast %add3A_2278 : i32 to index
      %get3A_2280 = tpu.vector_load %arg10[%get3A_2279] {strides = array<i32>} : memref<10624xi32, #tpu.memory_space<vmem>>, vector<16xi32>,
      %get3A_2281 = vector.shape_cast %get3A_2280 : vector<16xi32> to vector<16xi32>
      %add3A_2282 = arith.constant 1 : i32
      %add3A_2283 = vector.broadcast %add3A_2282 : i32 to vector<16xi32>
      %add3A_2284 = arith.addi %get3A_2281, %add3A_2283 : vector<16xi32>
      %swap3A_2285 = arith.constant 0 : index
      %swap3A_2286 = tpu.vector_load %arg12[%swap3A_2285] {strides = array<i32>} : memref<128xi32, #tpu.memory_space<vmem>>, vector<16xi32>,
      %swap3A_2287 = vector.shape_cast %swap3A_2286 : vector<16xi32> to vector<16xi32>
      %swap3A_2288 = vector.shape_cast %add3A_2284 : vector<16xi32> to vector<16xi32>
      tpu.vector_store %arg12[%swap3A_2285], %swap3A_2288 {strides = array<i32>} : memref<128xi32, #tpu.memory_space<vmem>>, vector<16xi32>,
      %add3A_2289 = arith.constant 16 : i32
      %add3A_2290 = arith.addi %mul3A_2276, %add3A_2289 : i32
      %get3A_2291 = arith.index_cast %add3A_2290 : i32 to index
      %get3A_2292 = tpu.vector_load %arg10[%get3A_2291] {strides = array<i32>} : memref<10624xi32, #tpu.memory_space<vmem>>, vector<16xi32>,
      %get3A_2293 = vector.shape_cast %get3A_2292 : vector<16xi32> to vector<16xi32>
      %add3A_2294 = arith.constant 1 : i32
      %add3A_2295 = vector.broadcast %add3A_2294 : i32 to vector<16xi32>
      %add3A_2296 = arith.addi %get3A_2293, %add3A_2295 : vector<16xi32>
      %swap3A_2297 = arith.constant 16 : index
      %swap3A_2298 = tpu.vector_load %arg12[%swap3A_2297] {strides = array<i32>} : memref<128xi32, #tpu.memory_space<vmem>>, vector<16xi32>,
      %swap3A_2299 = vector.shape_cast %swap3A_2298 : vector<16xi32> to vector<16xi32>
      %swap3A_2300 = vector.shape_cast %add3A_2296 : vector<16xi32> to vector<16xi32>
      tpu.vector_store %arg12[%swap3A_2297], %swap3A_2300 {strides = array<i32>} : memref<128xi32, #tpu.memory_space<vmem>>, vector<16xi32>,
      %add3A_2301 = arith.constant 32 : i32
      %add3A_2302 = arith.addi %mul3A_2276, %add3A_2301 : i32
      %get3A_2303 = arith.index_cast %add3A_2302 : i32 to index
      %get3A_2304 = tpu.vector_load %arg10[%get3A_2303] {strides = array<i32>} : memref<10624xi32, #tpu.memory_space<vmem>>, vector<16xi32>,
      %get3A_2305 = vector.shape_cast %get3A_2304 : vector<16xi32> to vector<16xi32>
      %add3A_2306 = arith.constant 1 : i32
      %add3A_2307 = vector.broadcast %add3A_2306 : i32 to vector<16xi32>
      %add3A_2308 = arith.addi %get3A_2305, %add3A_2307 : vector<16xi32>
      %swap3A_2309 = arith.constant 32 : index
      %swap3A_2310 = tpu.vector_load %arg12[%swap3A_2309] {strides = array<i32>} : memref<128xi32, #tpu.memory_space<vmem>>, vector<16xi32>,
      %swap3A_2311 = vector.shape_cast %swap3A_2310 : vector<16xi32> to vector<16xi32>
      %swap3A_2312 = vector.shape_cast %add3A_2308 : vector<16xi32> to vector<16xi32>
      tpu.vector_store %arg12[%swap3A_2309], %swap3A_2312 {strides = array<i32>} : memref<128xi32, #tpu.memory_space<vmem>>, vector<16xi32>,
      %add3A_2313 = arith.constant 48 : i32
      %add3A_2314 = arith.addi %mul3A_2276, %add3A_2313 : i32
      %get3A_2315 = arith.index_cast %add3A_2314 : i32 to index
      %get3A_2316 = tpu.vector_load %arg10[%get3A_2315] {strides = array<i32>} : memref<10624xi32, #tpu.memory_space<vmem>>, vector<16xi32>,
      %get3A_2317 = vector.shape_cast %get3A_2316 : vector<16xi32> to vector<16xi32>
      %add3A_2318 = arith.constant 1 : i32
      %add3A_2319 = vector.broadcast %add3A_2318 : i32 to vector<16xi32>
      %add3A_2320 = arith.addi %get3A_2317, %add3A_2319 : vector<16xi32>
      %swap3A_2321 = arith.constant 48 : index
      %swap3A_2322 = tpu.vector_load %arg12[%swap3A_2321] {strides = array<i32>} : memref<128xi32, #tpu.memory_space<vmem>>, vector<16xi32>,
      %swap3A_2323 = vector.shape_cast %swap3A_2322 : vector<16xi32> to vector<16xi32>
      %swap3A_2324 = vector.shape_cast %add3A_2320 : vector<16xi32> to vector<16xi32>
      tpu.vector_store %arg12[%swap3A_2321], %swap3A_2324 {strides = array<i32>} : memref<128xi32, #tpu.memory_space<vmem>>, vector<16xi32>,
      %add3A_2325 = arith.constant 64 : i32
      %add3A_2326 = arith.addi %mul3A_2276, %add3A_2325 : i32
      %get3A_2327 = arith.index_cast %add3A_2326 : i32 to index
      %get3A_2328 = tpu.vector_load %arg10[%get3A_2327] {strides = array<i32>} : memref<10624xi32, #tpu.memory_space<vmem>>, vector<16xi32>,
      %get3A_2329 = vector.shape_cast %get3A_2328 : vector<16xi32> to vector<16xi32>
      %add3A_2330 = arith.constant 1 : i32
      %add3A_2331 = vector.broadcast %add3A_2330 : i32 to vector<16xi32>
      %add3A_2332 = arith.addi %get3A_2329, %add3A_2331 : vector<16xi32>
      %swap3A_2333 = arith.constant 64 : index
      %swap3A_2334 = tpu.vector_load %arg12[%swap3A_2333] {strides = array<i32>} : memref<128xi32, #tpu.memory_space<vmem>>, vector<16xi32>,
      %swap3A_2335 = vector.shape_cast %swap3A_2334 : vector<16xi32> to vector<16xi32>
      %swap3A_2336 = vector.shape_cast %add3A_2332 : vector<16xi32> to vector<16xi32>
      tpu.vector_store %arg12[%swap3A_2333], %swap3A_2336 {strides = array<i32>} : memref<128xi32, #tpu.memory_space<vmem>>, vector<16xi32>,
      %add3A_2337 = arith.constant 80 : i32
      %add3A_2338 = arith.addi %mul3A_2276, %add3A_2337 : i32
      %get3A_2339 = arith.index_cast %add3A_2338 : i32 to index
      %get3A_2340 = tpu.vector_load %arg10[%get3A_2339] {strides = array<i32>} : memref<10624xi32, #tpu.memory_space<vmem>>, vector<16xi32>,
      %get3A_2341 = vector.shape_cast %get3A_2340 : vector<16xi32> to vector<16xi32>
      %add3A_2342 = arith.constant 1 : i32
      %add3A_2343 = vector.broadcast %add3A_2342 : i32 to vector<16xi32>
      %add3A_2344 = arith.addi %get3A_2341, %add3A_2343 : vector<16xi32>
      %swap3A_2345 = arith.constant 80 : index
      %swap3A_2346 = tpu.vector_load %arg12[%swap3A_2345] {strides = array<i32>} : memref<128xi32, #tpu.memory_space<vmem>>, vector<16xi32>,
      %swap3A_2347 = vector.shape_cast %swap3A_2346 : vector<16xi32> to vector<16xi32>
      %swap3A_2348 = vector.shape_cast %add3A_2344 : vector<16xi32> to vector<16xi32>
      tpu.vector_store %arg12[%swap3A_2345], %swap3A_2348 {strides = array<i32>} : memref<128xi32, #tpu.memory_space<vmem>>, vector<16xi32>,
      %add3A_2349 = arith.constant 96 : i32
      %add3A_2350 = arith.addi %mul3A_2276, %add3A_2349 : i32
      %get3A_2351 = arith.index_cast %add3A_2350 : i32 to index
      %get3A_2352 = tpu.vector_load %arg10[%get3A_2351] {strides = array<i32>} : memref<10624xi32, #tpu.memory_space<vmem>>, vector<16xi32>,
      %get3A_2353 = vector.shape_cast %get3A_2352 : vector<16xi32> to vector<16xi32>
      %add3A_2354 = arith.constant 1 : i32
      %add3A_2355 = vector.broadcast %add3A_2354 : i32 to vector<16xi32>
      %add3A_2356 = arith.addi %get3A_2353, %add3A_2355 : vector<16xi32>
      %swap3A_2357 = arith.constant 96 : index
      %swap3A_2358 = tpu.vector_load %arg12[%swap3A_2357] {strides = array<i32>} : memref<128xi32, #tpu.memory_space<vmem>>, vector<16xi32>,
      %swap3A_2359 = vector.shape_cast %swap3A_2358 : vector<16xi32> to vector<16xi32>
      %swap3A_2360 = vector.shape_cast %add3A_2356 : vector<16xi32> to vector<16xi32>
      tpu.vector_store %arg12[%swap3A_2357], %swap3A_2360 {strides = array<i32>} : memref<128xi32, #tpu.memory_space<vmem>>, vector<16xi32>,
      %add3A_2361 = arith.constant 112 : i32
      %add3A_2362 = arith.addi %mul3A_2276, %add3A_2361 : i32
      %get3A_2363 = arith.index_cast %add3A_2362 : i32 to index
      %get3A_2364 = tpu.vector_load %arg10[%get3A_2363] {strides = array<i32>} : memref<10624xi32, #tpu.memory_space<vmem>>, vector<16xi32>,
      %get3A_2365 = vector.shape_cast %get3A_2364 : vector<16xi32> to vector<16xi32>
      %add3A_2366 = arith.constant 1 : i32
      %add3A_2367 = vector.broadcast %add3A_2366 : i32 to vector<16xi32>
      %add3A_2368 = arith.addi %get3A_2365, %add3A_2367 : vector<16xi32>
      %swap3A_2369 = arith.constant 112 : index
      %swap3A_2370 = tpu.vector_load %arg12[%swap3A_2369] {strides = array<i32>} : memref<128xi32, #tpu.memory_space<vmem>>, vector<16xi32>,
      %swap3A_2371 = vector.shape_cast %swap3A_2370 : vector<16xi32> to vector<16xi32>
      %swap3A_2372 = vector.shape_cast %add3A_2368 : vector<16xi32> to vector<16xi32>
      tpu.vector_store %arg12[%swap3A_2369], %swap3A_2372 {strides = array<i32>} : memref<128xi32, #tpu.memory_space<vmem>>, vector<16xi32>,
      %add3A_2373 = arith.constant 0 : i32
      %add3A_2374 = arith.addi %mul3A_2276, %add3A_2373 : i32
      %get3A_2375 = arith.index_cast %add3A_2374 : i32 to index
      %get3A_2376 = tpu.vector_load %arg11[%get3A_2375] {strides = array<i32>} : memref<10624xi32, #tpu.memory_space<vmem>>, vector<16xi32>,
      %get3A_2377 = vector.shape_cast %get3A_2376 : vector<16xi32> to vector<16xi32>
      %add3A_2378 = arith.constant 0 : i32
      %add3A_2379 = vector.broadcast %add3A_2378 : i32 to vector<16xi32>
      %add3A_2380 = arith.addi %get3A_2377, %add3A_2379 : vector<16xi32>
      %swap3A_2381 = arith.constant 0 : index
      %swap3A_2382 = tpu.vector_load %arg15[%swap3A_2381] {strides = array<i32>} : memref<128xi32, #tpu.memory_space<vmem>>, vector<16xi32>,
      %swap3A_2383 = vector.shape_cast %swap3A_2382 : vector<16xi32> to vector<16xi32>
      %swap3A_2384 = vector.shape_cast %add3A_2380 : vector<16xi32> to vector<16xi32>
      tpu.vector_store %arg15[%swap3A_2381], %swap3A_2384 {strides = array<i32>} : memref<128xi32, #tpu.memory_space<vmem>>, vector<16xi32>,
      %add3A_2385 = arith.constant 16 : i32
      %add3A_2386 = arith.addi %mul3A_2276, %add3A_2385 : i32
      %get3A_2387 = arith.index_cast %add3A_2386 : i32 to index
      %get3A_2388 = tpu.vector_load %arg11[%get3A_2387] {strides = array<i32>} : memref<10624xi32, #tpu.memory_space<vmem>>, vector<16xi32>,
      %get3A_2389 = vector.shape_cast %get3A_2388 : vector<16xi32> to vector<16xi32>
      %add3A_2390 = arith.constant 0 : i32
      %add3A_2391 = vector.broadcast %add3A_2390 : i32 to vector<16xi32>
      %add3A_2392 = arith.addi %get3A_2389, %add3A_2391 : vector<16xi32>
      %swap3A_2393 = arith.constant 16 : index
      %swap3A_2394 = tpu.vector_load %arg15[%swap3A_2393] {strides = array<i32>} : memref<128xi32, #tpu.memory_space<vmem>>, vector<16xi32>,
      %swap3A_2395 = vector.shape_cast %swap3A_2394 : vector<16xi32> to vector<16xi32>
      %swap3A_2396 = vector.shape_cast %add3A_2392 : vector<16xi32> to vector<16xi32>
      tpu.vector_store %arg15[%swap3A_2393], %swap3A_2396 {strides = array<i32>} : memref<128xi32, #tpu.memory_space<vmem>>, vector<16xi32>,
      %add3A_2397 = arith.constant 32 : i32
      %add3A_2398 = arith.addi %mul3A_2276, %add3A_2397 : i32
      %get3A_2399 = arith.index_cast %add3A_2398 : i32 to index
      %get3A_2400 = tpu.vector_load %arg11[%get3A_2399] {strides = array<i32>} : memref<10624xi32, #tpu.memory_space<vmem>>, vector<16xi32>,
      %get3A_2401 = vector.shape_cast %get3A_2400 : vector<16xi32> to vector<16xi32>
      %add3A_2402 = arith.constant 0 : i32
      %add3A_2403 = vector.broadcast %add3A_2402 : i32 to vector<16xi32>
      %add3A_2404 = arith.addi %get3A_2401, %add3A_2403 : vector<16xi32>
      %swap3A_2405 = arith.constant 32 : index
      %swap3A_2406 = tpu.vector_load %arg15[%swap3A_2405] {strides = array<i32>} : memref<128xi32, #tpu.memory_space<vmem>>, vector<16xi32>,
      %swap3A_2407 = vector.shape_cast %swap3A_2406 : vector<16xi32> to vector<16xi32>
      %swap3A_2408 = vector.shape_cast %add3A_2404 : vector<16xi32> to vector<16xi32>
      tpu.vector_store %arg15[%swap3A_2405], %swap3A_2408 {strides = array<i32>} : memref<128xi32, #tpu.memory_space<vmem>>, vector<16xi32>,
      %add3A_2409 = arith.constant 48 : i32
      %add3A_2410 = arith.addi %mul3A_2276, %add3A_2409 : i32
      %get3A_2411 = arith.index_cast %add3A_2410 : i32 to index
      %get3A_2412 = tpu.vector_load %arg11[%get3A_2411] {strides = array<i32>} : memref<10624xi32, #tpu.memory_space<vmem>>, vector<16xi32>,
      %get3A_2413 = vector.shape_cast %get3A_2412 : vector<16xi32> to vector<16xi32>
      %add3A_2414 = arith.constant 0 : i32
      %add3A_2415 = vector.broadcast %add3A_2414 : i32 to vector<16xi32>
      %add3A_2416 = arith.addi %get3A_2413, %add3A_2415 : vector<16xi32>
      %swap3A_2417 = arith.constant 48 : index
      %swap3A_2418 = tpu.vector_load %arg15[%swap3A_2417] {strides = array<i32>} : memref<128xi32, #tpu.memory_space<vmem>>, vector<16xi32>,
      %swap3A_2419 = vector.shape_cast %swap3A_2418 : vector<16xi32> to vector<16xi32>
      %swap3A_2420 = vector.shape_cast %add3A_2416 : vector<16xi32> to vector<16xi32>
      tpu.vector_store %arg15[%swap3A_2417], %swap3A_2420 {strides = array<i32>} : memref<128xi32, #tpu.memory_space<vmem>>, vector<16xi32>,
      %add3A_2421 = arith.constant 64 : i32
      %add3A_2422 = arith.addi %mul3A_2276, %add3A_2421 : i32
      %get3A_2423 = arith.index_cast %add3A_2422 : i32 to index
      %get3A_2424 = tpu.vector_load %arg11[%get3A_2423] {strides = array<i32>} : memref<10624xi32, #tpu.memory_space<vmem>>, vector<16xi32>,
      %get3A_2425 = vector.shape_cast %get3A_2424 : vector<16xi32> to vector<16xi32>
      %add3A_2426 = arith.constant 0 : i32
      %add3A_2427 = vector.broadcast %add3A_2426 : i32 to vector<16xi32>
      %add3A_2428 = arith.addi %get3A_2425, %add3A_2427 : vector<16xi32>
      %swap3A_2429 = arith.constant 64 : index
      %swap3A_2430 = tpu.vector_load %arg15[%swap3A_2429] {strides = array<i32>} : memref<128xi32, #tpu.memory_space<vmem>>, vector<16xi32>,
      %swap3A_2431 = vector.shape_cast %swap3A_2430 : vector<16xi32> to vector<16xi32>
      %swap3A_2432 = vector.shape_cast %add3A_2428 : vector<16xi32> to vector<16xi32>
      tpu.vector_store %arg15[%swap3A_2429], %swap3A_2432 {strides = array<i32>} : memref<128xi32, #tpu.memory_space<vmem>>, vector<16xi32>,
      %add3A_2433 = arith.constant 80 : i32
      %add3A_2434 = arith.addi %mul3A_2276, %add3A_2433 : i32
      %get3A_2435 = arith.index_cast %add3A_2434 : i32 to index
      %get3A_2436 = tpu.vector_load %arg11[%get3A_2435] {strides = array<i32>} : memref<10624xi32, #tpu.memory_space<vmem>>, vector<16xi32>,
      %get3A_2437 = vector.shape_cast %get3A_2436 : vector<16xi32> to vector<16xi32>
      %add3A_2438 = arith.constant 0 : i32
      %add3A_2439 = vector.broadcast %add3A_2438 : i32 to vector<16xi32>
      %add3A_2440 = arith.addi %get3A_2437, %add3A_2439 : vector<16xi32>
      %swap3A_2441 = arith.constant 80 : index
      %swap3A_2442 = tpu.vector_load %arg15[%swap3A_2441] {strides = array<i32>} : memref<128xi32, #tpu.memory_space<vmem>>, vector<16xi32>,
      %swap3A_2443 = vector.shape_cast %swap3A_2442 : vector<16xi32> to vector<16xi32>
      %swap3A_2444 = vector.shape_cast %add3A_2440 : vector<16xi32> to vector<16xi32>
      tpu.vector_store %arg15[%swap3A_2441], %swap3A_2444 {strides = array<i32>} : memref<128xi32, #tpu.memory_space<vmem>>, vector<16xi32>,
      %add3A_2445 = arith.constant 96 : i32
      %add3A_2446 = arith.addi %mul3A_2276, %add3A_2445 : i32
      %get3A_2447 = arith.index_cast %add3A_2446 : i32 to index
      %get3A_2448 = tpu.vector_load %arg11[%get3A_2447] {strides = array<i32>} : memref<10624xi32, #tpu.memory_space<vmem>>, vector<16xi32>,
      %get3A_2449 = vector.shape_cast %get3A_2448 : vector<16xi32> to vector<16xi32>
      %add3A_2450 = arith.constant 0 : i32
      %add3A_2451 = vector.broadcast %add3A_2450 : i32 to vector<16xi32>
      %add3A_2452 = arith.addi %get3A_2449, %add3A_2451 : vector<16xi32>
      %swap3A_2453 = arith.constant 96 : index
      %swap3A_2454 = tpu.vector_load %arg15[%swap3A_2453] {strides = array<i32>} : memref<128xi32, #tpu.memory_space<vmem>>, vector<16xi32>,
      %swap3A_2455 = vector.shape_cast %swap3A_2454 : vector<16xi32> to vector<16xi32>
      %swap3A_2456 = vector.shape_cast %add3A_2452 : vector<16xi32> to vector<16xi32>
      tpu.vector_store %arg15[%swap3A_2453], %swap3A_2456 {strides = array<i32>} : memref<128xi32, #tpu.memory_space<vmem>>, vector<16xi32>,
      %add3A_2457 = arith.constant 112 : i32
      %add3A_2458 = arith.addi %mul3A_2276, %add3A_2457 : i32
      %get3A_2459 = arith.index_cast %add3A_2458 : i32 to index
      %get3A_2460 = tpu.vector_load %arg11[%get3A_2459] {strides = array<i32>} : memref<10624xi32, #tpu.memory_space<vmem>>, vector<16xi32>,
      %get3A_2461 = vector.shape_cast %get3A_2460 : vector<16xi32> to vector<16xi32>
      %add3A_2462 = arith.constant 0 : i32
      %add3A_2463 = vector.broadcast %add3A_2462 : i32 to vector<16xi32>
      %add3A_2464 = arith.addi %get3A_2461, %add3A_2463 : vector<16xi32>
      %swap3A_2465 = arith.constant 112 : index
      %swap3A_2466 = tpu.vector_load %arg15[%swap3A_2465] {strides = array<i32>} : memref<128xi32, #tpu.memory_space<vmem>>, vector<16xi32>,
      %swap3A_2467 = vector.shape_cast %swap3A_2466 : vector<16xi32> to vector<16xi32>
      %swap3A_2468 = vector.shape_cast %add3A_2464 : vector<16xi32> to vector<16xi32>
      tpu.vector_store %arg15[%swap3A_2465], %swap3A_2468 {strides = array<i32>} : memref<128xi32, #tpu.memory_space<vmem>>, vector<16xi32>,
      %dma_start3A_2469 = arith.constant 0 : i32
      %dma_start3A_2470 = arith.constant 0 : i32
      %dma_start3A_2471 = tpu.memref_slice %arg2[%dma_start3A_2469, %dma_start3A_2470] : memref<20000x128xf32, #tpu.memory_space<hbm>> -> memref<20000x128xf32, #tpu.memory_space<hbm>>
      tpu.enqueue_indirect_dma source(%dma_start3A_2471 : memref<20000x128xf32, #tpu.memory_space<hbm>>) target(%arg18 : memref<128x128xf32, #tpu.memory_space<vmem>>) offsets(%arg12 : memref<128xi32, #tpu.memory_space<vmem>>) semaphore(%arg23 : memref<!tpu.dma_semaphore, #tpu.memory_space<semaphore_mem>>)
      %mul3A_2472 = arith.constant 3 : i32
      %mul3A_2473 = arith.muli %scan3A_2047, %mul3A_2472 : i32
      %add3A_2474 = arith.constant 2 : i32
      %add3A_2475 = arith.addi %mul3A_2473, %add3A_2474 : i32
      %dma_wait3A_2476 = arith.constant 0 : i32
      %dma_wait3A_2477 = arith.constant 0 : i32
      %dma_wait3A_2478 = tpu.memref_slice %arg2[%dma_wait3A_2476, %dma_wait3A_2477] : memref<20000x128xf32, #tpu.memory_space<hbm>> -> memref<20000x128xf32, #tpu.memory_space<hbm>>
      tpu.wait_indirect_dma semaphore(%arg25 : memref<!tpu.dma_semaphore, #tpu.memory_space<semaphore_mem>>) src(%dma_wait3A_2478 : memref<20000x128xf32, #tpu.memory_space<hbm>>) dst(%arg20 : memref<128x128xf32, #tpu.memory_space<vmem>>)
      %dma_start3A_2479 = arith.constant 0 : i32
      %dma_start3A_2480 = arith.constant 0 : i32
      %dma_start3A_2481 = tpu.memref_slice %arg22[%dma_start3A_2479, %dma_start3A_2480] : memref<5120x128xf32, #tpu.memory_space<vmem_shared>> -> memref<5120x128xf32, #tpu.memory_space<vmem_shared>>
      tpu.enqueue_indirect_dma source(%arg20 : memref<128x128xf32, #tpu.memory_space<vmem>>) target(%dma_start3A_2481 : memref<5120x128xf32, #tpu.memory_space<vmem_shared>>) offsets(%arg17 : memref<128xi32, #tpu.memory_space<vmem>>) semaphore(%arg28 : memref<!tpu.dma_semaphore, #tpu.memory_space<semaphore_mem>>) {add = true}
      %dma_wait3A_2482 = arith.constant 0 : i32
      %dma_wait3A_2483 = arith.constant 0 : i32
      %dma_wait3A_2484 = tpu.memref_slice %arg22[%dma_wait3A_2482, %dma_wait3A_2483] : memref<5120x128xf32, #tpu.memory_space<vmem_shared>> -> memref<5120x128xf32, #tpu.memory_space<vmem_shared>>
      tpu.wait_indirect_dma semaphore(%arg27 : memref<!tpu.dma_semaphore, #tpu.memory_space<semaphore_mem>>) src(%arg19 : memref<128x128xf32, #tpu.memory_space<vmem>>) dst(%dma_wait3A_2484 : memref<5120x128xf32, #tpu.memory_space<vmem_shared>>)
      %add3A_2485 = arith.constant 2 : i32
      %add3A_2486 = arith.addi %add3A_2475, %add3A_2485 : i32
      %mul3A_2487 = arith.constant 128 : i32
      %mul3A_2488 = arith.muli %add3A_2486, %mul3A_2487 : i32
      %add3A_2489 = arith.constant 0 : i32
      %add3A_2490 = arith.addi %mul3A_2488, %add3A_2489 : i32
      %get3A_2491 = arith.index_cast %add3A_2490 : i32 to index
      %get3A_2492 = tpu.vector_load %arg10[%get3A_2491] {strides = array<i32>} : memref<10624xi32, #tpu.memory_space<vmem>>, vector<16xi32>,
      %get3A_2493 = vector.shape_cast %get3A_2492 : vector<16xi32> to vector<16xi32>
      %add3A_2494 = arith.constant 1 : i32
      %add3A_2495 = vector.broadcast %add3A_2494 : i32 to vector<16xi32>
      %add3A_2496 = arith.addi %get3A_2493, %add3A_2495 : vector<16xi32>
      %swap3A_2497 = arith.constant 0 : index
      %swap3A_2498 = tpu.vector_load %arg13[%swap3A_2497] {strides = array<i32>} : memref<128xi32, #tpu.memory_space<vmem>>, vector<16xi32>,
      %swap3A_2499 = vector.shape_cast %swap3A_2498 : vector<16xi32> to vector<16xi32>
      %swap3A_2500 = vector.shape_cast %add3A_2496 : vector<16xi32> to vector<16xi32>
      tpu.vector_store %arg13[%swap3A_2497], %swap3A_2500 {strides = array<i32>} : memref<128xi32, #tpu.memory_space<vmem>>, vector<16xi32>,
      %add3A_2501 = arith.constant 16 : i32
      %add3A_2502 = arith.addi %mul3A_2488, %add3A_2501 : i32
      %get3A_2503 = arith.index_cast %add3A_2502 : i32 to index
      %get3A_2504 = tpu.vector_load %arg10[%get3A_2503] {strides = array<i32>} : memref<10624xi32, #tpu.memory_space<vmem>>, vector<16xi32>,
      %get3A_2505 = vector.shape_cast %get3A_2504 : vector<16xi32> to vector<16xi32>
      %add3A_2506 = arith.constant 1 : i32
      %add3A_2507 = vector.broadcast %add3A_2506 : i32 to vector<16xi32>
      %add3A_2508 = arith.addi %get3A_2505, %add3A_2507 : vector<16xi32>
      %swap3A_2509 = arith.constant 16 : index
      %swap3A_2510 = tpu.vector_load %arg13[%swap3A_2509] {strides = array<i32>} : memref<128xi32, #tpu.memory_space<vmem>>, vector<16xi32>,
      %swap3A_2511 = vector.shape_cast %swap3A_2510 : vector<16xi32> to vector<16xi32>
      %swap3A_2512 = vector.shape_cast %add3A_2508 : vector<16xi32> to vector<16xi32>
      tpu.vector_store %arg13[%swap3A_2509], %swap3A_2512 {strides = array<i32>} : memref<128xi32, #tpu.memory_space<vmem>>, vector<16xi32>,
      %add3A_2513 = arith.constant 32 : i32
      %add3A_2514 = arith.addi %mul3A_2488, %add3A_2513 : i32
      %get3A_2515 = arith.index_cast %add3A_2514 : i32 to index
      %get3A_2516 = tpu.vector_load %arg10[%get3A_2515] {strides = array<i32>} : memref<10624xi32, #tpu.memory_space<vmem>>, vector<16xi32>,
      %get3A_2517 = vector.shape_cast %get3A_2516 : vector<16xi32> to vector<16xi32>
      %add3A_2518 = arith.constant 1 : i32
      %add3A_2519 = vector.broadcast %add3A_2518 : i32 to vector<16xi32>
      %add3A_2520 = arith.addi %get3A_2517, %add3A_2519 : vector<16xi32>
      %swap3A_2521 = arith.constant 32 : index
      %swap3A_2522 = tpu.vector_load %arg13[%swap3A_2521] {strides = array<i32>} : memref<128xi32, #tpu.memory_space<vmem>>, vector<16xi32>,
      %swap3A_2523 = vector.shape_cast %swap3A_2522 : vector<16xi32> to vector<16xi32>
      %swap3A_2524 = vector.shape_cast %add3A_2520 : vector<16xi32> to vector<16xi32>
      tpu.vector_store %arg13[%swap3A_2521], %swap3A_2524 {strides = array<i32>} : memref<128xi32, #tpu.memory_space<vmem>>, vector<16xi32>,
      %add3A_2525 = arith.constant 48 : i32
      %add3A_2526 = arith.addi %mul3A_2488, %add3A_2525 : i32
      %get3A_2527 = arith.index_cast %add3A_2526 : i32 to index
      %get3A_2528 = tpu.vector_load %arg10[%get3A_2527] {strides = array<i32>} : memref<10624xi32, #tpu.memory_space<vmem>>, vector<16xi32>,
      %get3A_2529 = vector.shape_cast %get3A_2528 : vector<16xi32> to vector<16xi32>
      %add3A_2530 = arith.constant 1 : i32
      %add3A_2531 = vector.broadcast %add3A_2530 : i32 to vector<16xi32>
      %add3A_2532 = arith.addi %get3A_2529, %add3A_2531 : vector<16xi32>
      %swap3A_2533 = arith.constant 48 : index
      %swap3A_2534 = tpu.vector_load %arg13[%swap3A_2533] {strides = array<i32>} : memref<128xi32, #tpu.memory_space<vmem>>, vector<16xi32>,
      %swap3A_2535 = vector.shape_cast %swap3A_2534 : vector<16xi32> to vector<16xi32>
      %swap3A_2536 = vector.shape_cast %add3A_2532 : vector<16xi32> to vector<16xi32>
      tpu.vector_store %arg13[%swap3A_2533], %swap3A_2536 {strides = array<i32>} : memref<128xi32, #tpu.memory_space<vmem>>, vector<16xi32>,
      %add3A_2537 = arith.constant 64 : i32
      %add3A_2538 = arith.addi %mul3A_2488, %add3A_2537 : i32
      %get3A_2539 = arith.index_cast %add3A_2538 : i32 to index
      %get3A_2540 = tpu.vector_load %arg10[%get3A_2539] {strides = array<i32>} : memref<10624xi32, #tpu.memory_space<vmem>>, vector<16xi32>,
      %get3A_2541 = vector.shape_cast %get3A_2540 : vector<16xi32> to vector<16xi32>
      %add3A_2542 = arith.constant 1 : i32
      %add3A_2543 = vector.broadcast %add3A_2542 : i32 to vector<16xi32>
      %add3A_2544 = arith.addi %get3A_2541, %add3A_2543 : vector<16xi32>
      %swap3A_2545 = arith.constant 64 : index
      %swap3A_2546 = tpu.vector_load %arg13[%swap3A_2545] {strides = array<i32>} : memref<128xi32, #tpu.memory_space<vmem>>, vector<16xi32>,
      %swap3A_2547 = vector.shape_cast %swap3A_2546 : vector<16xi32> to vector<16xi32>
      %swap3A_2548 = vector.shape_cast %add3A_2544 : vector<16xi32> to vector<16xi32>
      tpu.vector_store %arg13[%swap3A_2545], %swap3A_2548 {strides = array<i32>} : memref<128xi32, #tpu.memory_space<vmem>>, vector<16xi32>,
      %add3A_2549 = arith.constant 80 : i32
      %add3A_2550 = arith.addi %mul3A_2488, %add3A_2549 : i32
      %get3A_2551 = arith.index_cast %add3A_2550 : i32 to index
      %get3A_2552 = tpu.vector_load %arg10[%get3A_2551] {strides = array<i32>} : memref<10624xi32, #tpu.memory_space<vmem>>, vector<16xi32>,
      %get3A_2553 = vector.shape_cast %get3A_2552 : vector<16xi32> to vector<16xi32>
      %add3A_2554 = arith.constant 1 : i32
      %add3A_2555 = vector.broadcast %add3A_2554 : i32 to vector<16xi32>
      %add3A_2556 = arith.addi %get3A_2553, %add3A_2555 : vector<16xi32>
      %swap3A_2557 = arith.constant 80 : index
      %swap3A_2558 = tpu.vector_load %arg13[%swap3A_2557] {strides = array<i32>} : memref<128xi32, #tpu.memory_space<vmem>>, vector<16xi32>,
      %swap3A_2559 = vector.shape_cast %swap3A_2558 : vector<16xi32> to vector<16xi32>
      %swap3A_2560 = vector.shape_cast %add3A_2556 : vector<16xi32> to vector<16xi32>
      tpu.vector_store %arg13[%swap3A_2557], %swap3A_2560 {strides = array<i32>} : memref<128xi32, #tpu.memory_space<vmem>>, vector<16xi32>,
      %add3A_2561 = arith.constant 96 : i32
      %add3A_2562 = arith.addi %mul3A_2488, %add3A_2561 : i32
      %get3A_2563 = arith.index_cast %add3A_2562 : i32 to index
      %get3A_2564 = tpu.vector_load %arg10[%get3A_2563] {strides = array<i32>} : memref<10624xi32, #tpu.memory_space<vmem>>, vector<16xi32>,
      %get3A_2565 = vector.shape_cast %get3A_2564 : vector<16xi32> to vector<16xi32>
      %add3A_2566 = arith.constant 1 : i32
      %add3A_2567 = vector.broadcast %add3A_2566 : i32 to vector<16xi32>
      %add3A_2568 = arith.addi %get3A_2565, %add3A_2567 : vector<16xi32>
      %swap3A_2569 = arith.constant 96 : index
      %swap3A_2570 = tpu.vector_load %arg13[%swap3A_2569] {strides = array<i32>} : memref<128xi32, #tpu.memory_space<vmem>>, vector<16xi32>,
      %swap3A_2571 = vector.shape_cast %swap3A_2570 : vector<16xi32> to vector<16xi32>
      %swap3A_2572 = vector.shape_cast %add3A_2568 : vector<16xi32> to vector<16xi32>
      tpu.vector_store %arg13[%swap3A_2569], %swap3A_2572 {strides = array<i32>} : memref<128xi32, #tpu.memory_space<vmem>>, vector<16xi32>,
      %add3A_2573 = arith.constant 112 : i32
      %add3A_2574 = arith.addi %mul3A_2488, %add3A_2573 : i32
      %get3A_2575 = arith.index_cast %add3A_2574 : i32 to index
      %get3A_2576 = tpu.vector_load %arg10[%get3A_2575] {strides = array<i32>} : memref<10624xi32, #tpu.memory_space<vmem>>, vector<16xi32>,
      %get3A_2577 = vector.shape_cast %get3A_2576 : vector<16xi32> to vector<16xi32>
      %add3A_2578 = arith.constant 1 : i32
      %add3A_2579 = vector.broadcast %add3A_2578 : i32 to vector<16xi32>
      %add3A_2580 = arith.addi %get3A_2577, %add3A_2579 : vector<16xi32>
      %swap3A_2581 = arith.constant 112 : index
      %swap3A_2582 = tpu.vector_load %arg13[%swap3A_2581] {strides = array<i32>} : memref<128xi32, #tpu.memory_space<vmem>>, vector<16xi32>,
      %swap3A_2583 = vector.shape_cast %swap3A_2582 : vector<16xi32> to vector<16xi32>
      %swap3A_2584 = vector.shape_cast %add3A_2580 : vector<16xi32> to vector<16xi32>
      tpu.vector_store %arg13[%swap3A_2581], %swap3A_2584 {strides = array<i32>} : memref<128xi32, #tpu.memory_space<vmem>>, vector<16xi32>,
      %add3A_2585 = arith.constant 0 : i32
      %add3A_2586 = arith.addi %mul3A_2488, %add3A_2585 : i32
      %get3A_2587 = arith.index_cast %add3A_2586 : i32 to index
      %get3A_2588 = tpu.vector_load %arg11[%get3A_2587] {strides = array<i32>} : memref<10624xi32, #tpu.memory_space<vmem>>, vector<16xi32>,
      %get3A_2589 = vector.shape_cast %get3A_2588 : vector<16xi32> to vector<16xi32>
      %add3A_2590 = arith.constant 0 : i32
      %add3A_2591 = vector.broadcast %add3A_2590 : i32 to vector<16xi32>
      %add3A_2592 = arith.addi %get3A_2589, %add3A_2591 : vector<16xi32>
      %swap3A_2593 = arith.constant 0 : index
      %swap3A_2594 = tpu.vector_load %arg16[%swap3A_2593] {strides = array<i32>} : memref<128xi32, #tpu.memory_space<vmem>>, vector<16xi32>,
      %swap3A_2595 = vector.shape_cast %swap3A_2594 : vector<16xi32> to vector<16xi32>
      %swap3A_2596 = vector.shape_cast %add3A_2592 : vector<16xi32> to vector<16xi32>
      tpu.vector_store %arg16[%swap3A_2593], %swap3A_2596 {strides = array<i32>} : memref<128xi32, #tpu.memory_space<vmem>>, vector<16xi32>,
      %add3A_2597 = arith.constant 16 : i32
      %add3A_2598 = arith.addi %mul3A_2488, %add3A_2597 : i32
      %get3A_2599 = arith.index_cast %add3A_2598 : i32 to index
      %get3A_2600 = tpu.vector_load %arg11[%get3A_2599] {strides = array<i32>} : memref<10624xi32, #tpu.memory_space<vmem>>, vector<16xi32>,
      %get3A_2601 = vector.shape_cast %get3A_2600 : vector<16xi32> to vector<16xi32>
      %add3A_2602 = arith.constant 0 : i32
      %add3A_2603 = vector.broadcast %add3A_2602 : i32 to vector<16xi32>
      %add3A_2604 = arith.addi %get3A_2601, %add3A_2603 : vector<16xi32>
      %swap3A_2605 = arith.constant 16 : index
      %swap3A_2606 = tpu.vector_load %arg16[%swap3A_2605] {strides = array<i32>} : memref<128xi32, #tpu.memory_space<vmem>>, vector<16xi32>,
      %swap3A_2607 = vector.shape_cast %swap3A_2606 : vector<16xi32> to vector<16xi32>
      %swap3A_2608 = vector.shape_cast %add3A_2604 : vector<16xi32> to vector<16xi32>
      tpu.vector_store %arg16[%swap3A_2605], %swap3A_2608 {strides = array<i32>} : memref<128xi32, #tpu.memory_space<vmem>>, vector<16xi32>,
      %add3A_2609 = arith.constant 32 : i32
      %add3A_2610 = arith.addi %mul3A_2488, %add3A_2609 : i32
      %get3A_2611 = arith.index_cast %add3A_2610 : i32 to index
      %get3A_2612 = tpu.vector_load %arg11[%get3A_2611] {strides = array<i32>} : memref<10624xi32, #tpu.memory_space<vmem>>, vector<16xi32>,
      %get3A_2613 = vector.shape_cast %get3A_2612 : vector<16xi32> to vector<16xi32>
      %add3A_2614 = arith.constant 0 : i32
      %add3A_2615 = vector.broadcast %add3A_2614 : i32 to vector<16xi32>
      %add3A_2616 = arith.addi %get3A_2613, %add3A_2615 : vector<16xi32>
      %swap3A_2617 = arith.constant 32 : index
      %swap3A_2618 = tpu.vector_load %arg16[%swap3A_2617] {strides = array<i32>} : memref<128xi32, #tpu.memory_space<vmem>>, vector<16xi32>,
      %swap3A_2619 = vector.shape_cast %swap3A_2618 : vector<16xi32> to vector<16xi32>
      %swap3A_2620 = vector.shape_cast %add3A_2616 : vector<16xi32> to vector<16xi32>
      tpu.vector_store %arg16[%swap3A_2617], %swap3A_2620 {strides = array<i32>} : memref<128xi32, #tpu.memory_space<vmem>>, vector<16xi32>,
      %add3A_2621 = arith.constant 48 : i32
      %add3A_2622 = arith.addi %mul3A_2488, %add3A_2621 : i32
      %get3A_2623 = arith.index_cast %add3A_2622 : i32 to index
      %get3A_2624 = tpu.vector_load %arg11[%get3A_2623] {strides = array<i32>} : memref<10624xi32, #tpu.memory_space<vmem>>, vector<16xi32>,
      %get3A_2625 = vector.shape_cast %get3A_2624 : vector<16xi32> to vector<16xi32>
      %add3A_2626 = arith.constant 0 : i32
      %add3A_2627 = vector.broadcast %add3A_2626 : i32 to vector<16xi32>
      %add3A_2628 = arith.addi %get3A_2625, %add3A_2627 : vector<16xi32>
      %swap3A_2629 = arith.constant 48 : index
      %swap3A_2630 = tpu.vector_load %arg16[%swap3A_2629] {strides = array<i32>} : memref<128xi32, #tpu.memory_space<vmem>>, vector<16xi32>,
      %swap3A_2631 = vector.shape_cast %swap3A_2630 : vector<16xi32> to vector<16xi32>
      %swap3A_2632 = vector.shape_cast %add3A_2628 : vector<16xi32> to vector<16xi32>
      tpu.vector_store %arg16[%swap3A_2629], %swap3A_2632 {strides = array<i32>} : memref<128xi32, #tpu.memory_space<vmem>>, vector<16xi32>,
      %add3A_2633 = arith.constant 64 : i32
      %add3A_2634 = arith.addi %mul3A_2488, %add3A_2633 : i32
      %get3A_2635 = arith.index_cast %add3A_2634 : i32 to index
      %get3A_2636 = tpu.vector_load %arg11[%get3A_2635] {strides = array<i32>} : memref<10624xi32, #tpu.memory_space<vmem>>, vector<16xi32>,
      %get3A_2637 = vector.shape_cast %get3A_2636 : vector<16xi32> to vector<16xi32>
      %add3A_2638 = arith.constant 0 : i32
      %add3A_2639 = vector.broadcast %add3A_2638 : i32 to vector<16xi32>
      %add3A_2640 = arith.addi %get3A_2637, %add3A_2639 : vector<16xi32>
      %swap3A_2641 = arith.constant 64 : index
      %swap3A_2642 = tpu.vector_load %arg16[%swap3A_2641] {strides = array<i32>} : memref<128xi32, #tpu.memory_space<vmem>>, vector<16xi32>,
      %swap3A_2643 = vector.shape_cast %swap3A_2642 : vector<16xi32> to vector<16xi32>
      %swap3A_2644 = vector.shape_cast %add3A_2640 : vector<16xi32> to vector<16xi32>
      tpu.vector_store %arg16[%swap3A_2641], %swap3A_2644 {strides = array<i32>} : memref<128xi32, #tpu.memory_space<vmem>>, vector<16xi32>,
      %add3A_2645 = arith.constant 80 : i32
      %add3A_2646 = arith.addi %mul3A_2488, %add3A_2645 : i32
      %get3A_2647 = arith.index_cast %add3A_2646 : i32 to index
      %get3A_2648 = tpu.vector_load %arg11[%get3A_2647] {strides = array<i32>} : memref<10624xi32, #tpu.memory_space<vmem>>, vector<16xi32>,
      %get3A_2649 = vector.shape_cast %get3A_2648 : vector<16xi32> to vector<16xi32>
      %add3A_2650 = arith.constant 0 : i32
      %add3A_2651 = vector.broadcast %add3A_2650 : i32 to vector<16xi32>
      %add3A_2652 = arith.addi %get3A_2649, %add3A_2651 : vector<16xi32>
      %swap3A_2653 = arith.constant 80 : index
      %swap3A_2654 = tpu.vector_load %arg16[%swap3A_2653] {strides = array<i32>} : memref<128xi32, #tpu.memory_space<vmem>>, vector<16xi32>,
      %swap3A_2655 = vector.shape_cast %swap3A_2654 : vector<16xi32> to vector<16xi32>
      %swap3A_2656 = vector.shape_cast %add3A_2652 : vector<16xi32> to vector<16xi32>
      tpu.vector_store %arg16[%swap3A_2653], %swap3A_2656 {strides = array<i32>} : memref<128xi32, #tpu.memory_space<vmem>>, vector<16xi32>,
      %add3A_2657 = arith.constant 96 : i32
      %add3A_2658 = arith.addi %mul3A_2488, %add3A_2657 : i32
      %get3A_2659 = arith.index_cast %add3A_2658 : i32 to index
      %get3A_2660 = tpu.vector_load %arg11[%get3A_2659] {strides = array<i32>} : memref<10624xi32, #tpu.memory_space<vmem>>, vector<16xi32>,
      %get3A_2661 = vector.shape_cast %get3A_2660 : vector<16xi32> to vector<16xi32>
      %add3A_2662 = arith.constant 0 : i32
      %add3A_2663 = vector.broadcast %add3A_2662 : i32 to vector<16xi32>
      %add3A_2664 = arith.addi %get3A_2661, %add3A_2663 : vector<16xi32>
      %swap3A_2665 = arith.constant 96 : index
      %swap3A_2666 = tpu.vector_load %arg16[%swap3A_2665] {strides = array<i32>} : memref<128xi32, #tpu.memory_space<vmem>>, vector<16xi32>,
      %swap3A_2667 = vector.shape_cast %swap3A_2666 : vector<16xi32> to vector<16xi32>
      %swap3A_2668 = vector.shape_cast %add3A_2664 : vector<16xi32> to vector<16xi32>
      tpu.vector_store %arg16[%swap3A_2665], %swap3A_2668 {strides = array<i32>} : memref<128xi32, #tpu.memory_space<vmem>>, vector<16xi32>,
      %add3A_2669 = arith.constant 112 : i32
      %add3A_2670 = arith.addi %mul3A_2488, %add3A_2669 : i32
      %get3A_2671 = arith.index_cast %add3A_2670 : i32 to index
      %get3A_2672 = tpu.vector_load %arg11[%get3A_2671] {strides = array<i32>} : memref<10624xi32, #tpu.memory_space<vmem>>, vector<16xi32>,
      %get3A_2673 = vector.shape_cast %get3A_2672 : vector<16xi32> to vector<16xi32>
      %add3A_2674 = arith.constant 0 : i32
      %add3A_2675 = vector.broadcast %add3A_2674 : i32 to vector<16xi32>
      %add3A_2676 = arith.addi %get3A_2673, %add3A_2675 : vector<16xi32>
      %swap3A_2677 = arith.constant 112 : index
      %swap3A_2678 = tpu.vector_load %arg16[%swap3A_2677] {strides = array<i32>} : memref<128xi32, #tpu.memory_space<vmem>>, vector<16xi32>,
      %swap3A_2679 = vector.shape_cast %swap3A_2678 : vector<16xi32> to vector<16xi32>
      %swap3A_2680 = vector.shape_cast %add3A_2676 : vector<16xi32> to vector<16xi32>
      tpu.vector_store %arg16[%swap3A_2677], %swap3A_2680 {strides = array<i32>} : memref<128xi32, #tpu.memory_space<vmem>>, vector<16xi32>,
      %dma_start3A_2681 = arith.constant 0 : i32
      %dma_start3A_2682 = arith.constant 0 : i32
      %dma_start3A_2683 = tpu.memref_slice %arg2[%dma_start3A_2681, %dma_start3A_2682] : memref<20000x128xf32, #tpu.memory_space<hbm>> -> memref<20000x128xf32, #tpu.memory_space<hbm>>
      tpu.enqueue_indirect_dma source(%dma_start3A_2683 : memref<20000x128xf32, #tpu.memory_space<hbm>>) target(%arg19 : memref<128x128xf32, #tpu.memory_space<vmem>>) offsets(%arg13 : memref<128xi32, #tpu.memory_space<vmem>>) semaphore(%arg24 : memref<!tpu.dma_semaphore, #tpu.memory_space<semaphore_mem>>)
    }
    %scan3A_1746 = arith.constant 27 : i32
    %dma_wait3A_1747 = arith.constant 0 : i32
    %dma_wait3A_1748 = arith.constant 0 : i32
    %dma_wait3A_1749 = tpu.memref_slice %arg22[%dma_wait3A_1747, %dma_wait3A_1748] : memref<5120x128xf32, #tpu.memory_space<vmem_shared>> -> memref<5120x128xf32, #tpu.memory_space<vmem_shared>>
    tpu.wait_indirect_dma semaphore(%arg28 : memref<!tpu.dma_semaphore, #tpu.memory_space<semaphore_mem>>) src(%arg20 : memref<128x128xf32, #tpu.memory_space<vmem>>) dst(%dma_wait3A_1749 : memref<5120x128xf32, #tpu.memory_space<vmem_shared>>)
    %dma_wait3A_1750 = arith.constant 0 : i32
    %dma_wait3A_1751 = arith.constant 0 : i32
    %dma_wait3A_1752 = tpu.memref_slice %arg2[%dma_wait3A_1750, %dma_wait3A_1751] : memref<20000x128xf32, #tpu.memory_space<hbm>> -> memref<20000x128xf32, #tpu.memory_space<hbm>>
    tpu.wait_indirect_dma semaphore(%arg23 : memref<!tpu.dma_semaphore, #tpu.memory_space<semaphore_mem>>) src(%dma_wait3A_1752 : memref<20000x128xf32, #tpu.memory_space<hbm>>) dst(%arg18 : memref<128x128xf32, #tpu.memory_space<vmem>>)
    %dma_wait3A_1753 = arith.constant 0 : i32
    %dma_wait3A_1754 = arith.constant 0 : i32
    %dma_wait3A_1755 = tpu.memref_slice %arg2[%dma_wait3A_1753, %dma_wait3A_1754] : memref<20000x128xf32, #tpu.memory_space<hbm>> -> memref<20000x128xf32, #tpu.memory_space<hbm>>
    tpu.wait_indirect_dma semaphore(%arg24 : memref<!tpu.dma_semaphore, #tpu.memory_space<semaphore_mem>>) src(%dma_wait3A_1755 : memref<20000x128xf32, #tpu.memory_space<hbm>>) dst(%arg19 : memref<128x128xf32, #tpu.memory_space<vmem>>)
    %barrier3A_1756 = arith.constant 0 : index
    tpu.barrier barrier_id(%barrier3A_1756)
    "tpu.region"() ({
      %run_scoped3A = tpu.sem_alloc : memref<!tpu.dma_semaphore, #tpu.memory_space<semaphore_mem>>
      %dma_start3A_2047 = arith.constant 0 : i32
      %dma_start3A_2048 = tpu.memref_slice %arg8[%add3A_907, %dma_start3A_2047] : memref<10000x128xf32, #tpu.memory_space<hbm>> -> memref<320x128xf32, #tpu.memory_space<hbm>>
      %dma_start3A_2049 = arith.constant 0 : i32
      %dma_start3A_2050 = tpu.memref_slice %arg22[%select_n3A, %dma_start3A_2049] : memref<5120x128xf32, #tpu.memory_space<vmem_shared>> -> memref<320x128xf32, #tpu.memory_space<vmem_shared>>
      tpu.enqueue_dma source(%dma_start3A_2050 : memref<320x128xf32, #tpu.memory_space<vmem_shared>>) target(%dma_start3A_2048 : memref<320x128xf32, #tpu.memory_space<hbm>>) target_semaphore(%run_scoped3A : memref<!tpu.dma_semaphore, #tpu.memory_space<semaphore_mem>>)
      %dma_wait3A_2051 = arith.constant 0 : i32
      %dma_wait3A_2052 = tpu.memref_slice %arg8[%add3A_907, %dma_wait3A_2051] : memref<10000x128xf32, #tpu.memory_space<hbm>> -> memref<320x128xf32, #tpu.memory_space<hbm>>
      %dma_wait3A_2053 = arith.constant 0 : i32
      %dma_wait3A_2054 = tpu.memref_slice %arg22[%select_n3A, %dma_wait3A_2053] : memref<5120x128xf32, #tpu.memory_space<vmem_shared>> -> memref<320x128xf32, #tpu.memory_space<vmem_shared>>
      tpu.wait_dma2 semaphore(%run_scoped3A : memref<!tpu.dma_semaphore, #tpu.memory_space<semaphore_mem>>) src(%dma_wait3A_2054 : memref<320x128xf32, #tpu.memory_space<vmem_shared>>) dst(%dma_wait3A_2052 : memref<320x128xf32, #tpu.memory_space<hbm>>)
      tpu.yield
    }) : () -> ()
    %barrier3A_1757 = arith.constant 0 : index
    tpu.barrier barrier_id(%barrier3A_1757)
    "tpu.region"() ({
      %run_scoped3A = tpu.sem_alloc : memref<!tpu.dma_semaphore, #tpu.memory_space<semaphore_mem>>
      %dma_start3A_2047 = arith.constant 0 : i32
      %dma_start3A_2048 = tpu.memref_slice %arg22[%mul3A_2, %dma_start3A_2047] : memref<5120x128xf32, #tpu.memory_space<vmem_shared>> -> memref<320x128xf32, #tpu.memory_space<vmem_shared>>
      %dma_start3A_2049 = arith.constant 0 : i32
      %dma_start3A_2050 = tpu.memref_slice %arg6[%mul3A_2, %dma_start3A_2049] : memref<5120x128xf32, #tpu.memory_space<hbm>> -> memref<320x128xf32, #tpu.memory_space<hbm>>
      tpu.enqueue_dma source(%dma_start3A_2050 : memref<320x128xf32, #tpu.memory_space<hbm>>) target(%dma_start3A_2048 : memref<320x128xf32, #tpu.memory_space<vmem_shared>>) target_semaphore(%run_scoped3A : memref<!tpu.dma_semaphore, #tpu.memory_space<semaphore_mem>>)
      %dma_wait3A_2051 = arith.constant 0 : i32
      %dma_wait3A_2052 = tpu.memref_slice %arg22[%mul3A_2, %dma_wait3A_2051] : memref<5120x128xf32, #tpu.memory_space<vmem_shared>> -> memref<320x128xf32, #tpu.memory_space<vmem_shared>>
      %dma_wait3A_2053 = arith.constant 0 : i32
      %dma_wait3A_2054 = tpu.memref_slice %arg6[%mul3A_2, %dma_wait3A_2053] : memref<5120x128xf32, #tpu.memory_space<hbm>> -> memref<320x128xf32, #tpu.memory_space<hbm>>
      tpu.wait_dma2 semaphore(%run_scoped3A : memref<!tpu.dma_semaphore, #tpu.memory_space<semaphore_mem>>) src(%dma_wait3A_2054 : memref<320x128xf32, #tpu.memory_space<hbm>>) dst(%dma_wait3A_2052 : memref<320x128xf32, #tpu.memory_space<vmem_shared>>)
      tpu.yield
    }) : () -> ()
    %barrier3A_1758 = arith.constant 0 : index
    tpu.barrier barrier_id(%barrier3A_1758)
    %broadcast_in_dim3A = arith.constant 0.000000e+00 : f32
    %broadcast_in_dim3A_1759 = vector.broadcast %broadcast_in_dim3A : f32 to vector<16xf32>
    %eq3A_1760 = arith.constant 0 : i32
    %eq3A_1761 = vector.broadcast %eq3A_1760 : i32 to vector<16xi32>
    %eq3A_1762 = arith.cmpi eq, %iota3A, %eq3A_1761 : vector<16xi32>
    %jit3A_1763 = arith.constant 1.000000e+00 : f32
    %jit3A_1764 = arith.constant 0.000000e+00 : f32
    %broadcast_in_dim3A_1765 = vector.broadcast %jit3A_1763 : f32 to vector<16xf32>
    %broadcast_in_dim3A_1766 = vector.broadcast %jit3A_1764 : f32 to vector<16xf32>
    %select_n3A_1767 = arith.select %eq3A_1762, %broadcast_in_dim3A_1765, %broadcast_in_dim3A_1766 : vector<16xi1>, vector<16xf32>
    %scan3A_1768 = arith.constant 0 : i32
    %scan3A_1769 = arith.constant 0 : i32
    %scan3A_1770 = arith.constant 128 : i32
    %scan3A_1771 = arith.addi %scan3A_1769, %scan3A_1770 : i32
    %scan3A_1772 = arith.constant 1 : i32
    scf.for %scan3A_2047 = %scan3A_1769 to %scan3A_1771 step %scan3A_1772  : i32 {
      %swap3A_2048 = arith.index_cast %scan3A_2047 : i32 to index
      %swap3A_2049 = arith.constant 16 : index
      %swap3A_2050 = tpu.vector_load %arg18[%swap3A_2048, %swap3A_2049] {strides = array<i32>} : memref<128x128xf32, #tpu.memory_space<vmem>>, vector<1x16xf32>,
      %swap3A_2051 = vector.shape_cast %swap3A_2050 : vector<1x16xf32> to vector<16xf32>
      %swap3A_2052 = vector.shape_cast %select_n3A_1767 : vector<16xf32> to vector<1x16xf32>
      tpu.vector_store %arg18[%swap3A_2048, %swap3A_2049], %swap3A_2052 {strides = array<i32>} : memref<128x128xf32, #tpu.memory_space<vmem>>, vector<1x16xf32>,
      %swap3A_2053 = arith.index_cast %scan3A_2047 : i32 to index
      %swap3A_2054 = arith.constant 32 : index
      %swap3A_2055 = tpu.vector_load %arg18[%swap3A_2053, %swap3A_2054] {strides = array<i32>} : memref<128x128xf32, #tpu.memory_space<vmem>>, vector<1x16xf32>,
      %swap3A_2056 = vector.shape_cast %swap3A_2055 : vector<1x16xf32> to vector<16xf32>
      %swap3A_2057 = vector.shape_cast %broadcast_in_dim3A_1759 : vector<16xf32> to vector<1x16xf32>
      tpu.vector_store %arg18[%swap3A_2053, %swap3A_2054], %swap3A_2057 {strides = array<i32>} : memref<128x128xf32, #tpu.memory_space<vmem>>, vector<1x16xf32>,
      %swap3A_2058 = arith.index_cast %scan3A_2047 : i32 to index
      %swap3A_2059 = arith.constant 48 : index
      %swap3A_2060 = tpu.vector_load %arg18[%swap3A_2058, %swap3A_2059] {strides = array<i32>} : memref<128x128xf32, #tpu.memory_space<vmem>>, vector<1x16xf32>,
      %swap3A_2061 = vector.shape_cast %swap3A_2060 : vector<1x16xf32> to vector<16xf32>
      %swap3A_2062 = vector.shape_cast %broadcast_in_dim3A_1759 : vector<16xf32> to vector<1x16xf32>
      tpu.vector_store %arg18[%swap3A_2058, %swap3A_2059], %swap3A_2062 {strides = array<i32>} : memref<128x128xf32, #tpu.memory_space<vmem>>, vector<1x16xf32>,
      %swap3A_2063 = arith.index_cast %scan3A_2047 : i32 to index
      %swap3A_2064 = arith.constant 64 : index
      %swap3A_2065 = tpu.vector_load %arg18[%swap3A_2063, %swap3A_2064] {strides = array<i32>} : memref<128x128xf32, #tpu.memory_space<vmem>>, vector<1x16xf32>,
      %swap3A_2066 = vector.shape_cast %swap3A_2065 : vector<1x16xf32> to vector<16xf32>
      %swap3A_2067 = vector.shape_cast %broadcast_in_dim3A_1759 : vector<16xf32> to vector<1x16xf32>
      tpu.vector_store %arg18[%swap3A_2063, %swap3A_2064], %swap3A_2067 {strides = array<i32>} : memref<128x128xf32, #tpu.memory_space<vmem>>, vector<1x16xf32>,
      %swap3A_2068 = arith.index_cast %scan3A_2047 : i32 to index
      %swap3A_2069 = arith.constant 80 : index
      %swap3A_2070 = tpu.vector_load %arg18[%swap3A_2068, %swap3A_2069] {strides = array<i32>} : memref<128x128xf32, #tpu.memory_space<vmem>>, vector<1x16xf32>,
      %swap3A_2071 = vector.shape_cast %swap3A_2070 : vector<1x16xf32> to vector<16xf32>
      %swap3A_2072 = vector.shape_cast %broadcast_in_dim3A_1759 : vector<16xf32> to vector<1x16xf32>
      tpu.vector_store %arg18[%swap3A_2068, %swap3A_2069], %swap3A_2072 {strides = array<i32>} : memref<128x128xf32, #tpu.memory_space<vmem>>, vector<1x16xf32>,
      %swap3A_2073 = arith.index_cast %scan3A_2047 : i32 to index
      %swap3A_2074 = arith.constant 96 : index
      %swap3A_2075 = tpu.vector_load %arg18[%swap3A_2073, %swap3A_2074] {strides = array<i32>} : memref<128x128xf32, #tpu.memory_space<vmem>>, vector<1x16xf32>,
      %swap3A_2076 = vector.shape_cast %swap3A_2075 : vector<1x16xf32> to vector<16xf32>
      %swap3A_2077 = vector.shape_cast %broadcast_in_dim3A_1759 : vector<16xf32> to vector<1x16xf32>
      tpu.vector_store %arg18[%swap3A_2073, %swap3A_2074], %swap3A_2077 {strides = array<i32>} : memref<128x128xf32, #tpu.memory_space<vmem>>, vector<1x16xf32>,
      %swap3A_2078 = arith.index_cast %scan3A_2047 : i32 to index
      %swap3A_2079 = arith.constant 112 : index
      %swap3A_2080 = tpu.vector_load %arg18[%swap3A_2078, %swap3A_2079] {strides = array<i32>} : memref<128x128xf32, #tpu.memory_space<vmem>>, vector<1x16xf32>,
      %swap3A_2081 = vector.shape_cast %swap3A_2080 : vector<1x16xf32> to vector<16xf32>
      %swap3A_2082 = vector.shape_cast %broadcast_in_dim3A_1759 : vector<16xf32> to vector<1x16xf32>
      tpu.vector_store %arg18[%swap3A_2078, %swap3A_2079], %swap3A_2082 {strides = array<i32>} : memref<128x128xf32, #tpu.memory_space<vmem>>, vector<1x16xf32>,
      %swap3A_2083 = arith.index_cast %scan3A_2047 : i32 to index
      %swap3A_2084 = arith.constant 16 : index
      %swap3A_2085 = tpu.vector_load %arg19[%swap3A_2083, %swap3A_2084] {strides = array<i32>} : memref<128x128xf32, #tpu.memory_space<vmem>>, vector<1x16xf32>,
      %swap3A_2086 = vector.shape_cast %swap3A_2085 : vector<1x16xf32> to vector<16xf32>
      %swap3A_2087 = vector.shape_cast %select_n3A_1767 : vector<16xf32> to vector<1x16xf32>
      tpu.vector_store %arg19[%swap3A_2083, %swap3A_2084], %swap3A_2087 {strides = array<i32>} : memref<128x128xf32, #tpu.memory_space<vmem>>, vector<1x16xf32>,
      %swap3A_2088 = arith.index_cast %scan3A_2047 : i32 to index
      %swap3A_2089 = arith.constant 32 : index
      %swap3A_2090 = tpu.vector_load %arg19[%swap3A_2088, %swap3A_2089] {strides = array<i32>} : memref<128x128xf32, #tpu.memory_space<vmem>>, vector<1x16xf32>,
      %swap3A_2091 = vector.shape_cast %swap3A_2090 : vector<1x16xf32> to vector<16xf32>
      %swap3A_2092 = vector.shape_cast %broadcast_in_dim3A_1759 : vector<16xf32> to vector<1x16xf32>
      tpu.vector_store %arg19[%swap3A_2088, %swap3A_2089], %swap3A_2092 {strides = array<i32>} : memref<128x128xf32, #tpu.memory_space<vmem>>, vector<1x16xf32>,
      %swap3A_2093 = arith.index_cast %scan3A_2047 : i32 to index
      %swap3A_2094 = arith.constant 48 : index
      %swap3A_2095 = tpu.vector_load %arg19[%swap3A_2093, %swap3A_2094] {strides = array<i32>} : memref<128x128xf32, #tpu.memory_space<vmem>>, vector<1x16xf32>,
      %swap3A_2096 = vector.shape_cast %swap3A_2095 : vector<1x16xf32> to vector<16xf32>
      %swap3A_2097 = vector.shape_cast %broadcast_in_dim3A_1759 : vector<16xf32> to vector<1x16xf32>
      tpu.vector_store %arg19[%swap3A_2093, %swap3A_2094], %swap3A_2097 {strides = array<i32>} : memref<128x128xf32, #tpu.memory_space<vmem>>, vector<1x16xf32>,
      %swap3A_2098 = arith.index_cast %scan3A_2047 : i32 to index
      %swap3A_2099 = arith.constant 64 : index
      %swap3A_2100 = tpu.vector_load %arg19[%swap3A_2098, %swap3A_2099] {strides = array<i32>} : memref<128x128xf32, #tpu.memory_space<vmem>>, vector<1x16xf32>,
      %swap3A_2101 = vector.shape_cast %swap3A_2100 : vector<1x16xf32> to vector<16xf32>
      %swap3A_2102 = vector.shape_cast %broadcast_in_dim3A_1759 : vector<16xf32> to vector<1x16xf32>
      tpu.vector_store %arg19[%swap3A_2098, %swap3A_2099], %swap3A_2102 {strides = array<i32>} : memref<128x128xf32, #tpu.memory_space<vmem>>, vector<1x16xf32>,
      %swap3A_2103 = arith.index_cast %scan3A_2047 : i32 to index
      %swap3A_2104 = arith.constant 80 : index
      %swap3A_2105 = tpu.vector_load %arg19[%swap3A_2103, %swap3A_2104] {strides = array<i32>} : memref<128x128xf32, #tpu.memory_space<vmem>>, vector<1x16xf32>,
      %swap3A_2106 = vector.shape_cast %swap3A_2105 : vector<1x16xf32> to vector<16xf32>
      %swap3A_2107 = vector.shape_cast %broadcast_in_dim3A_1759 : vector<16xf32> to vector<1x16xf32>
      tpu.vector_store %arg19[%swap3A_2103, %swap3A_2104], %swap3A_2107 {strides = array<i32>} : memref<128x128xf32, #tpu.memory_space<vmem>>, vector<1x16xf32>,
      %swap3A_2108 = arith.index_cast %scan3A_2047 : i32 to index
      %swap3A_2109 = arith.constant 96 : index
      %swap3A_2110 = tpu.vector_load %arg19[%swap3A_2108, %swap3A_2109] {strides = array<i32>} : memref<128x128xf32, #tpu.memory_space<vmem>>, vector<1x16xf32>,
      %swap3A_2111 = vector.shape_cast %swap3A_2110 : vector<1x16xf32> to vector<16xf32>
      %swap3A_2112 = vector.shape_cast %broadcast_in_dim3A_1759 : vector<16xf32> to vector<1x16xf32>
      tpu.vector_store %arg19[%swap3A_2108, %swap3A_2109], %swap3A_2112 {strides = array<i32>} : memref<128x128xf32, #tpu.memory_space<vmem>>, vector<1x16xf32>,
      %swap3A_2113 = arith.index_cast %scan3A_2047 : i32 to index
      %swap3A_2114 = arith.constant 112 : index
      %swap3A_2115 = tpu.vector_load %arg19[%swap3A_2113, %swap3A_2114] {strides = array<i32>} : memref<128x128xf32, #tpu.memory_space<vmem>>, vector<1x16xf32>,
      %swap3A_2116 = vector.shape_cast %swap3A_2115 : vector<1x16xf32> to vector<16xf32>
      %swap3A_2117 = vector.shape_cast %broadcast_in_dim3A_1759 : vector<16xf32> to vector<1x16xf32>
      tpu.vector_store %arg19[%swap3A_2113, %swap3A_2114], %swap3A_2117 {strides = array<i32>} : memref<128x128xf32, #tpu.memory_space<vmem>>, vector<1x16xf32>,
    }
    %scan3A_1773 = arith.constant 128 : i32
    %get3A_1774 = arith.constant 10496 : index
    %get3A_1775 = tpu.vector_load %arg11[%get3A_1774] {strides = array<i32>} : memref<10624xi32, #tpu.memory_space<vmem>>, vector<16xi32>,
    %get3A_1776 = vector.shape_cast %get3A_1775 : vector<16xi32> to vector<16xi32>
    %add3A_1777 = arith.constant 0 : i32
    %add3A_1778 = vector.broadcast %add3A_1777 : i32 to vector<16xi32>
    %add3A_1779 = arith.addi %get3A_1776, %add3A_1778 : vector<16xi32>
    %swap3A_1780 = arith.constant 0 : index
    %swap3A_1781 = tpu.vector_load %arg15[%swap3A_1780] {strides = array<i32>} : memref<128xi32, #tpu.memory_space<vmem>>, vector<16xi32>,
    %swap3A_1782 = vector.shape_cast %swap3A_1781 : vector<16xi32> to vector<16xi32>
    %swap3A_1783 = vector.shape_cast %add3A_1779 : vector<16xi32> to vector<16xi32>
    tpu.vector_store %arg15[%swap3A_1780], %swap3A_1783 {strides = array<i32>} : memref<128xi32, #tpu.memory_space<vmem>>, vector<16xi32>,
    %get3A_1784 = arith.constant 10512 : index
    %get3A_1785 = tpu.vector_load %arg11[%get3A_1784] {strides = array<i32>} : memref<10624xi32, #tpu.memory_space<vmem>>, vector<16xi32>,
    %get3A_1786 = vector.shape_cast %get3A_1785 : vector<16xi32> to vector<16xi32>
    %add3A_1787 = arith.constant 0 : i32
    %add3A_1788 = vector.broadcast %add3A_1787 : i32 to vector<16xi32>
    %add3A_1789 = arith.addi %get3A_1786, %add3A_1788 : vector<16xi32>
    %swap3A_1790 = arith.constant 16 : index
    %swap3A_1791 = tpu.vector_load %arg15[%swap3A_1790] {strides = array<i32>} : memref<128xi32, #tpu.memory_space<vmem>>, vector<16xi32>,
    %swap3A_1792 = vector.shape_cast %swap3A_1791 : vector<16xi32> to vector<16xi32>
    %swap3A_1793 = vector.shape_cast %add3A_1789 : vector<16xi32> to vector<16xi32>
    tpu.vector_store %arg15[%swap3A_1790], %swap3A_1793 {strides = array<i32>} : memref<128xi32, #tpu.memory_space<vmem>>, vector<16xi32>,
    %get3A_1794 = arith.constant 10528 : index
    %get3A_1795 = tpu.vector_load %arg11[%get3A_1794] {strides = array<i32>} : memref<10624xi32, #tpu.memory_space<vmem>>, vector<16xi32>,
    %get3A_1796 = vector.shape_cast %get3A_1795 : vector<16xi32> to vector<16xi32>
    %add3A_1797 = arith.constant 0 : i32
    %add3A_1798 = vector.broadcast %add3A_1797 : i32 to vector<16xi32>
    %add3A_1799 = arith.addi %get3A_1796, %add3A_1798 : vector<16xi32>
    %swap3A_1800 = arith.constant 32 : index
    %swap3A_1801 = tpu.vector_load %arg15[%swap3A_1800] {strides = array<i32>} : memref<128xi32, #tpu.memory_space<vmem>>, vector<16xi32>,
    %swap3A_1802 = vector.shape_cast %swap3A_1801 : vector<16xi32> to vector<16xi32>
    %swap3A_1803 = vector.shape_cast %add3A_1799 : vector<16xi32> to vector<16xi32>
    tpu.vector_store %arg15[%swap3A_1800], %swap3A_1803 {strides = array<i32>} : memref<128xi32, #tpu.memory_space<vmem>>, vector<16xi32>,
    %get3A_1804 = arith.constant 10544 : index
    %get3A_1805 = tpu.vector_load %arg11[%get3A_1804] {strides = array<i32>} : memref<10624xi32, #tpu.memory_space<vmem>>, vector<16xi32>,
    %get3A_1806 = vector.shape_cast %get3A_1805 : vector<16xi32> to vector<16xi32>
    %add3A_1807 = arith.constant 0 : i32
    %add3A_1808 = vector.broadcast %add3A_1807 : i32 to vector<16xi32>
    %add3A_1809 = arith.addi %get3A_1806, %add3A_1808 : vector<16xi32>
    %swap3A_1810 = arith.constant 48 : index
    %swap3A_1811 = tpu.vector_load %arg15[%swap3A_1810] {strides = array<i32>} : memref<128xi32, #tpu.memory_space<vmem>>, vector<16xi32>,
    %swap3A_1812 = vector.shape_cast %swap3A_1811 : vector<16xi32> to vector<16xi32>
    %swap3A_1813 = vector.shape_cast %add3A_1809 : vector<16xi32> to vector<16xi32>
    tpu.vector_store %arg15[%swap3A_1810], %swap3A_1813 {strides = array<i32>} : memref<128xi32, #tpu.memory_space<vmem>>, vector<16xi32>,
    %get3A_1814 = arith.constant 10560 : index
    %get3A_1815 = tpu.vector_load %arg11[%get3A_1814] {strides = array<i32>} : memref<10624xi32, #tpu.memory_space<vmem>>, vector<16xi32>,
    %get3A_1816 = vector.shape_cast %get3A_1815 : vector<16xi32> to vector<16xi32>
    %add3A_1817 = arith.constant 0 : i32
    %add3A_1818 = vector.broadcast %add3A_1817 : i32 to vector<16xi32>
    %add3A_1819 = arith.addi %get3A_1816, %add3A_1818 : vector<16xi32>
    %swap3A_1820 = arith.constant 64 : index
    %swap3A_1821 = tpu.vector_load %arg15[%swap3A_1820] {strides = array<i32>} : memref<128xi32, #tpu.memory_space<vmem>>, vector<16xi32>,
    %swap3A_1822 = vector.shape_cast %swap3A_1821 : vector<16xi32> to vector<16xi32>
    %swap3A_1823 = vector.shape_cast %add3A_1819 : vector<16xi32> to vector<16xi32>
    tpu.vector_store %arg15[%swap3A_1820], %swap3A_1823 {strides = array<i32>} : memref<128xi32, #tpu.memory_space<vmem>>, vector<16xi32>,
    %get3A_1824 = arith.constant 10576 : index
    %get3A_1825 = tpu.vector_load %arg11[%get3A_1824] {strides = array<i32>} : memref<10624xi32, #tpu.memory_space<vmem>>, vector<16xi32>,
    %get3A_1826 = vector.shape_cast %get3A_1825 : vector<16xi32> to vector<16xi32>
    %add3A_1827 = arith.constant 0 : i32
    %add3A_1828 = vector.broadcast %add3A_1827 : i32 to vector<16xi32>
    %add3A_1829 = arith.addi %get3A_1826, %add3A_1828 : vector<16xi32>
    %swap3A_1830 = arith.constant 80 : index
    %swap3A_1831 = tpu.vector_load %arg15[%swap3A_1830] {strides = array<i32>} : memref<128xi32, #tpu.memory_space<vmem>>, vector<16xi32>,
    %swap3A_1832 = vector.shape_cast %swap3A_1831 : vector<16xi32> to vector<16xi32>
    %swap3A_1833 = vector.shape_cast %add3A_1829 : vector<16xi32> to vector<16xi32>
    tpu.vector_store %arg15[%swap3A_1830], %swap3A_1833 {strides = array<i32>} : memref<128xi32, #tpu.memory_space<vmem>>, vector<16xi32>,
    %get3A_1834 = arith.constant 10592 : index
    %get3A_1835 = tpu.vector_load %arg11[%get3A_1834] {strides = array<i32>} : memref<10624xi32, #tpu.memory_space<vmem>>, vector<16xi32>,
    %get3A_1836 = vector.shape_cast %get3A_1835 : vector<16xi32> to vector<16xi32>
    %add3A_1837 = arith.constant 0 : i32
    %add3A_1838 = vector.broadcast %add3A_1837 : i32 to vector<16xi32>
    %add3A_1839 = arith.addi %get3A_1836, %add3A_1838 : vector<16xi32>
    %swap3A_1840 = arith.constant 96 : index
    %swap3A_1841 = tpu.vector_load %arg15[%swap3A_1840] {strides = array<i32>} : memref<128xi32, #tpu.memory_space<vmem>>, vector<16xi32>,
    %swap3A_1842 = vector.shape_cast %swap3A_1841 : vector<16xi32> to vector<16xi32>
    %swap3A_1843 = vector.shape_cast %add3A_1839 : vector<16xi32> to vector<16xi32>
    tpu.vector_store %arg15[%swap3A_1840], %swap3A_1843 {strides = array<i32>} : memref<128xi32, #tpu.memory_space<vmem>>, vector<16xi32>,
    %get3A_1844 = arith.constant 10608 : index
    %get3A_1845 = tpu.vector_load %arg11[%get3A_1844] {strides = array<i32>} : memref<10624xi32, #tpu.memory_space<vmem>>, vector<16xi32>,
    %get3A_1846 = vector.shape_cast %get3A_1845 : vector<16xi32> to vector<16xi32>
    %add3A_1847 = arith.constant 0 : i32
    %add3A_1848 = vector.broadcast %add3A_1847 : i32 to vector<16xi32>
    %add3A_1849 = arith.addi %get3A_1846, %add3A_1848 : vector<16xi32>
    %swap3A_1850 = arith.constant 112 : index
    %swap3A_1851 = tpu.vector_load %arg15[%swap3A_1850] {strides = array<i32>} : memref<128xi32, #tpu.memory_space<vmem>>, vector<16xi32>,
    %swap3A_1852 = vector.shape_cast %swap3A_1851 : vector<16xi32> to vector<16xi32>
    %swap3A_1853 = vector.shape_cast %add3A_1849 : vector<16xi32> to vector<16xi32>
    tpu.vector_store %arg15[%swap3A_1850], %swap3A_1853 {strides = array<i32>} : memref<128xi32, #tpu.memory_space<vmem>>, vector<16xi32>,
    %dma_start3A_1854 = arith.constant 0 : i32
    %dma_start3A_1855 = arith.constant 0 : i32
    %dma_start3A_1856 = tpu.memref_slice %arg22[%dma_start3A_1854, %dma_start3A_1855] : memref<5120x128xf32, #tpu.memory_space<vmem_shared>> -> memref<5120x128xf32, #tpu.memory_space<vmem_shared>>
    tpu.enqueue_indirect_dma source(%arg18 : memref<128x128xf32, #tpu.memory_space<vmem>>) target(%dma_start3A_1856 : memref<5120x128xf32, #tpu.memory_space<vmem_shared>>) offsets(%arg15 : memref<128xi32, #tpu.memory_space<vmem>>) semaphore(%arg26 : memref<!tpu.dma_semaphore, #tpu.memory_space<semaphore_mem>>) {add = true}
    %get3A_1857 = arith.constant 10496 : index
    %get3A_1858 = tpu.vector_load %arg11[%get3A_1857] {strides = array<i32>} : memref<10624xi32, #tpu.memory_space<vmem>>, vector<16xi32>,
    %get3A_1859 = vector.shape_cast %get3A_1858 : vector<16xi32> to vector<16xi32>
    %add3A_1860 = arith.constant 0 : i32
    %add3A_1861 = vector.broadcast %add3A_1860 : i32 to vector<16xi32>
    %add3A_1862 = arith.addi %get3A_1859, %add3A_1861 : vector<16xi32>
    %swap3A_1863 = arith.constant 0 : index
    %swap3A_1864 = tpu.vector_load %arg16[%swap3A_1863] {strides = array<i32>} : memref<128xi32, #tpu.memory_space<vmem>>, vector<16xi32>,
    %swap3A_1865 = vector.shape_cast %swap3A_1864 : vector<16xi32> to vector<16xi32>
    %swap3A_1866 = vector.shape_cast %add3A_1862 : vector<16xi32> to vector<16xi32>
    tpu.vector_store %arg16[%swap3A_1863], %swap3A_1866 {strides = array<i32>} : memref<128xi32, #tpu.memory_space<vmem>>, vector<16xi32>,
    %get3A_1867 = arith.constant 10512 : index
    %get3A_1868 = tpu.vector_load %arg11[%get3A_1867] {strides = array<i32>} : memref<10624xi32, #tpu.memory_space<vmem>>, vector<16xi32>,
    %get3A_1869 = vector.shape_cast %get3A_1868 : vector<16xi32> to vector<16xi32>
    %add3A_1870 = arith.constant 0 : i32
    %add3A_1871 = vector.broadcast %add3A_1870 : i32 to vector<16xi32>
    %add3A_1872 = arith.addi %get3A_1869, %add3A_1871 : vector<16xi32>
    %swap3A_1873 = arith.constant 16 : index
    %swap3A_1874 = tpu.vector_load %arg16[%swap3A_1873] {strides = array<i32>} : memref<128xi32, #tpu.memory_space<vmem>>, vector<16xi32>,
    %swap3A_1875 = vector.shape_cast %swap3A_1874 : vector<16xi32> to vector<16xi32>
    %swap3A_1876 = vector.shape_cast %add3A_1872 : vector<16xi32> to vector<16xi32>
    tpu.vector_store %arg16[%swap3A_1873], %swap3A_1876 {strides = array<i32>} : memref<128xi32, #tpu.memory_space<vmem>>, vector<16xi32>,
    %get3A_1877 = arith.constant 10528 : index
    %get3A_1878 = tpu.vector_load %arg11[%get3A_1877] {strides = array<i32>} : memref<10624xi32, #tpu.memory_space<vmem>>, vector<16xi32>,
    %get3A_1879 = vector.shape_cast %get3A_1878 : vector<16xi32> to vector<16xi32>
    %add3A_1880 = arith.constant 0 : i32
    %add3A_1881 = vector.broadcast %add3A_1880 : i32 to vector<16xi32>
    %add3A_1882 = arith.addi %get3A_1879, %add3A_1881 : vector<16xi32>
    %swap3A_1883 = arith.constant 32 : index
    %swap3A_1884 = tpu.vector_load %arg16[%swap3A_1883] {strides = array<i32>} : memref<128xi32, #tpu.memory_space<vmem>>, vector<16xi32>,
    %swap3A_1885 = vector.shape_cast %swap3A_1884 : vector<16xi32> to vector<16xi32>
    %swap3A_1886 = vector.shape_cast %add3A_1882 : vector<16xi32> to vector<16xi32>
    tpu.vector_store %arg16[%swap3A_1883], %swap3A_1886 {strides = array<i32>} : memref<128xi32, #tpu.memory_space<vmem>>, vector<16xi32>,
    %get3A_1887 = arith.constant 10544 : index
    %get3A_1888 = tpu.vector_load %arg11[%get3A_1887] {strides = array<i32>} : memref<10624xi32, #tpu.memory_space<vmem>>, vector<16xi32>,
    %get3A_1889 = vector.shape_cast %get3A_1888 : vector<16xi32> to vector<16xi32>
    %add3A_1890 = arith.constant 0 : i32
    %add3A_1891 = vector.broadcast %add3A_1890 : i32 to vector<16xi32>
    %add3A_1892 = arith.addi %get3A_1889, %add3A_1891 : vector<16xi32>
    %swap3A_1893 = arith.constant 48 : index
    %swap3A_1894 = tpu.vector_load %arg16[%swap3A_1893] {strides = array<i32>} : memref<128xi32, #tpu.memory_space<vmem>>, vector<16xi32>,
    %swap3A_1895 = vector.shape_cast %swap3A_1894 : vector<16xi32> to vector<16xi32>
    %swap3A_1896 = vector.shape_cast %add3A_1892 : vector<16xi32> to vector<16xi32>
    tpu.vector_store %arg16[%swap3A_1893], %swap3A_1896 {strides = array<i32>} : memref<128xi32, #tpu.memory_space<vmem>>, vector<16xi32>,
    %get3A_1897 = arith.constant 10560 : index
    %get3A_1898 = tpu.vector_load %arg11[%get3A_1897] {strides = array<i32>} : memref<10624xi32, #tpu.memory_space<vmem>>, vector<16xi32>,
    %get3A_1899 = vector.shape_cast %get3A_1898 : vector<16xi32> to vector<16xi32>
    %add3A_1900 = arith.constant 0 : i32
    %add3A_1901 = vector.broadcast %add3A_1900 : i32 to vector<16xi32>
    %add3A_1902 = arith.addi %get3A_1899, %add3A_1901 : vector<16xi32>
    %swap3A_1903 = arith.constant 64 : index
    %swap3A_1904 = tpu.vector_load %arg16[%swap3A_1903] {strides = array<i32>} : memref<128xi32, #tpu.memory_space<vmem>>, vector<16xi32>,
    %swap3A_1905 = vector.shape_cast %swap3A_1904 : vector<16xi32> to vector<16xi32>
    %swap3A_1906 = vector.shape_cast %add3A_1902 : vector<16xi32> to vector<16xi32>
    tpu.vector_store %arg16[%swap3A_1903], %swap3A_1906 {strides = array<i32>} : memref<128xi32, #tpu.memory_space<vmem>>, vector<16xi32>,
    %get3A_1907 = arith.constant 10576 : index
    %get3A_1908 = tpu.vector_load %arg11[%get3A_1907] {strides = array<i32>} : memref<10624xi32, #tpu.memory_space<vmem>>, vector<16xi32>,
    %get3A_1909 = vector.shape_cast %get3A_1908 : vector<16xi32> to vector<16xi32>
    %add3A_1910 = arith.constant 0 : i32
    %add3A_1911 = vector.broadcast %add3A_1910 : i32 to vector<16xi32>
    %add3A_1912 = arith.addi %get3A_1909, %add3A_1911 : vector<16xi32>
    %swap3A_1913 = arith.constant 80 : index
    %swap3A_1914 = tpu.vector_load %arg16[%swap3A_1913] {strides = array<i32>} : memref<128xi32, #tpu.memory_space<vmem>>, vector<16xi32>,
    %swap3A_1915 = vector.shape_cast %swap3A_1914 : vector<16xi32> to vector<16xi32>
    %swap3A_1916 = vector.shape_cast %add3A_1912 : vector<16xi32> to vector<16xi32>
    tpu.vector_store %arg16[%swap3A_1913], %swap3A_1916 {strides = array<i32>} : memref<128xi32, #tpu.memory_space<vmem>>, vector<16xi32>,
    %get3A_1917 = arith.constant 10592 : index
    %get3A_1918 = tpu.vector_load %arg11[%get3A_1917] {strides = array<i32>} : memref<10624xi32, #tpu.memory_space<vmem>>, vector<16xi32>,
    %get3A_1919 = vector.shape_cast %get3A_1918 : vector<16xi32> to vector<16xi32>
    %add3A_1920 = arith.constant 0 : i32
    %add3A_1921 = vector.broadcast %add3A_1920 : i32 to vector<16xi32>
    %add3A_1922 = arith.addi %get3A_1919, %add3A_1921 : vector<16xi32>
    %swap3A_1923 = arith.constant 96 : index
    %swap3A_1924 = tpu.vector_load %arg16[%swap3A_1923] {strides = array<i32>} : memref<128xi32, #tpu.memory_space<vmem>>, vector<16xi32>,
    %swap3A_1925 = vector.shape_cast %swap3A_1924 : vector<16xi32> to vector<16xi32>
    %swap3A_1926 = vector.shape_cast %add3A_1922 : vector<16xi32> to vector<16xi32>
    tpu.vector_store %arg16[%swap3A_1923], %swap3A_1926 {strides = array<i32>} : memref<128xi32, #tpu.memory_space<vmem>>, vector<16xi32>,
    %get3A_1927 = arith.constant 10608 : index
    %get3A_1928 = tpu.vector_load %arg11[%get3A_1927] {strides = array<i32>} : memref<10624xi32, #tpu.memory_space<vmem>>, vector<16xi32>,
    %get3A_1929 = vector.shape_cast %get3A_1928 : vector<16xi32> to vector<16xi32>
    %add3A_1930 = arith.constant 0 : i32
    %add3A_1931 = vector.broadcast %add3A_1930 : i32 to vector<16xi32>
    %add3A_1932 = arith.addi %get3A_1929, %add3A_1931 : vector<16xi32>
    %swap3A_1933 = arith.constant 112 : index
    %swap3A_1934 = tpu.vector_load %arg16[%swap3A_1933] {strides = array<i32>} : memref<128xi32, #tpu.memory_space<vmem>>, vector<16xi32>,
    %swap3A_1935 = vector.shape_cast %swap3A_1934 : vector<16xi32> to vector<16xi32>
    %swap3A_1936 = vector.shape_cast %add3A_1932 : vector<16xi32> to vector<16xi32>
    tpu.vector_store %arg16[%swap3A_1933], %swap3A_1936 {strides = array<i32>} : memref<128xi32, #tpu.memory_space<vmem>>, vector<16xi32>,
    %dma_start3A_1937 = arith.constant 0 : i32
    %dma_start3A_1938 = arith.constant 0 : i32
    %dma_start3A_1939 = tpu.memref_slice %arg22[%dma_start3A_1937, %dma_start3A_1938] : memref<5120x128xf32, #tpu.memory_space<vmem_shared>> -> memref<5120x128xf32, #tpu.memory_space<vmem_shared>>
    tpu.enqueue_indirect_dma source(%arg19 : memref<128x128xf32, #tpu.memory_space<vmem>>) target(%dma_start3A_1939 : memref<5120x128xf32, #tpu.memory_space<vmem_shared>>) offsets(%arg16 : memref<128xi32, #tpu.memory_space<vmem>>) semaphore(%arg27 : memref<!tpu.dma_semaphore, #tpu.memory_space<semaphore_mem>>) {add = true}
    %scan3A_1940 = arith.constant 0 : i32
    %scan3A_1941 = arith.constant 0 : i32
    %scan3A_1942 = arith.constant 39 : i32
    %scan3A_1943 = arith.addi %scan3A_1941, %scan3A_1942 : i32
    %scan3A_1944 = arith.constant 1 : i32
    scf.for %scan3A_2047 = %scan3A_1941 to %scan3A_1943 step %scan3A_1944  : i32 {
      %mul3A_2048 = arith.constant 2 : i32
      %mul3A_2049 = arith.muli %scan3A_2047, %mul3A_2048 : i32
      %add3A_2050 = arith.constant 0 : i32
      %add3A_2051 = arith.addi %mul3A_2049, %add3A_2050 : i32
      %mul3A_2052 = arith.constant 128 : i32
      %mul3A_2053 = arith.muli %add3A_2051, %mul3A_2052 : i32
      %add3A_2054 = arith.addi %mul3A_0, %mul3A_2053 : i32
      "tpu.region"() ({
        %run_scoped3A = tpu.sem_alloc : memref<!tpu.dma_semaphore, #tpu.memory_space<semaphore_mem>>
        %dma_start3A_2282 = arith.constant 0 : i32
        %dma_start3A_2283 = tpu.memref_slice %arg5[%add3A_2054, %dma_start3A_2282] : memref<160000x16xf32, #tpu.memory_space<hbm>> -> memref<128x16xf32, #tpu.memory_space<hbm>>
        %dma_start3A_2284 = arith.constant 0 : i32
        %dma_start3A_2285 = tpu.memref_slice %arg5[%add3A_2054, %dma_start3A_2284] : memref<160000x16xf32, #tpu.memory_space<hbm>> -> memref<128x16xf32, #tpu.memory_space<hbm>>
        tpu.enqueue_dma source(%dma_start3A_2285 : memref<128x16xf32, #tpu.memory_space<hbm>>) target(%arg21 : memref<128x16xf32, #tpu.memory_space<vmem>>) target_semaphore(%run_scoped3A : memref<!tpu.dma_semaphore, #tpu.memory_space<semaphore_mem>>)
        %dma_wait3A_2286 = arith.constant 0 : i32
        %dma_wait3A_2287 = tpu.memref_slice %arg5[%add3A_2054, %dma_wait3A_2286] : memref<160000x16xf32, #tpu.memory_space<hbm>> -> memref<128x16xf32, #tpu.memory_space<hbm>>
        %dma_wait3A_2288 = arith.constant 0 : i32
        %dma_wait3A_2289 = tpu.memref_slice %arg5[%add3A_2054, %dma_wait3A_2288] : memref<160000x16xf32, #tpu.memory_space<hbm>> -> memref<128x16xf32, #tpu.memory_space<hbm>>
        tpu.wait_dma2 semaphore(%run_scoped3A : memref<!tpu.dma_semaphore, #tpu.memory_space<semaphore_mem>>) src(%dma_wait3A_2289 : memref<128x16xf32, #tpu.memory_space<hbm>>) dst(%arg21 : memref<128x16xf32, #tpu.memory_space<vmem>>)
        tpu.yield
      }) : () -> ()
      %dma_wait3A_2055 = arith.constant 0 : i32
      %dma_wait3A_2056 = arith.constant 0 : i32
      %dma_wait3A_2057 = tpu.memref_slice %arg22[%dma_wait3A_2055, %dma_wait3A_2056] : memref<5120x128xf32, #tpu.memory_space<vmem_shared>> -> memref<5120x128xf32, #tpu.memory_space<vmem_shared>>
      tpu.wait_indirect_dma semaphore(%arg26 : memref<!tpu.dma_semaphore, #tpu.memory_space<semaphore_mem>>) src(%arg18 : memref<128x128xf32, #tpu.memory_space<vmem>>) dst(%dma_wait3A_2057 : memref<5120x128xf32, #tpu.memory_space<vmem_shared>>)
      %mul3A_2058 = arith.constant 128 : i32
      %mul3A_2059 = arith.muli %add3A_2051, %mul3A_2058 : i32
      %add3A_2060 = arith.constant 0 : i32
      %add3A_2061 = arith.addi %mul3A_2059, %add3A_2060 : i32
      %get3A_2062 = arith.index_cast %add3A_2061 : i32 to index
      %get3A_2063 = tpu.vector_load %arg11[%get3A_2062] {strides = array<i32>} : memref<10624xi32, #tpu.memory_space<vmem>>, vector<16xi32>,
      %get3A_2064 = vector.shape_cast %get3A_2063 : vector<16xi32> to vector<16xi32>
      %add3A_2065 = arith.constant 0 : i32
      %add3A_2066 = vector.broadcast %add3A_2065 : i32 to vector<16xi32>
      %add3A_2067 = arith.addi %get3A_2064, %add3A_2066 : vector<16xi32>
      %swap3A_2068 = arith.constant 0 : index
      %swap3A_2069 = tpu.vector_load %arg15[%swap3A_2068] {strides = array<i32>} : memref<128xi32, #tpu.memory_space<vmem>>, vector<16xi32>,
      %swap3A_2070 = vector.shape_cast %swap3A_2069 : vector<16xi32> to vector<16xi32>
      %swap3A_2071 = vector.shape_cast %add3A_2067 : vector<16xi32> to vector<16xi32>
      tpu.vector_store %arg15[%swap3A_2068], %swap3A_2071 {strides = array<i32>} : memref<128xi32, #tpu.memory_space<vmem>>, vector<16xi32>,
      %add3A_2072 = arith.constant 16 : i32
      %add3A_2073 = arith.addi %mul3A_2059, %add3A_2072 : i32
      %get3A_2074 = arith.index_cast %add3A_2073 : i32 to index
      %get3A_2075 = tpu.vector_load %arg11[%get3A_2074] {strides = array<i32>} : memref<10624xi32, #tpu.memory_space<vmem>>, vector<16xi32>,
      %get3A_2076 = vector.shape_cast %get3A_2075 : vector<16xi32> to vector<16xi32>
      %add3A_2077 = arith.constant 0 : i32
      %add3A_2078 = vector.broadcast %add3A_2077 : i32 to vector<16xi32>
      %add3A_2079 = arith.addi %get3A_2076, %add3A_2078 : vector<16xi32>
      %swap3A_2080 = arith.constant 16 : index
      %swap3A_2081 = tpu.vector_load %arg15[%swap3A_2080] {strides = array<i32>} : memref<128xi32, #tpu.memory_space<vmem>>, vector<16xi32>,
      %swap3A_2082 = vector.shape_cast %swap3A_2081 : vector<16xi32> to vector<16xi32>
      %swap3A_2083 = vector.shape_cast %add3A_2079 : vector<16xi32> to vector<16xi32>
      tpu.vector_store %arg15[%swap3A_2080], %swap3A_2083 {strides = array<i32>} : memref<128xi32, #tpu.memory_space<vmem>>, vector<16xi32>,
      %add3A_2084 = arith.constant 32 : i32
      %add3A_2085 = arith.addi %mul3A_2059, %add3A_2084 : i32
      %get3A_2086 = arith.index_cast %add3A_2085 : i32 to index
      %get3A_2087 = tpu.vector_load %arg11[%get3A_2086] {strides = array<i32>} : memref<10624xi32, #tpu.memory_space<vmem>>, vector<16xi32>,
      %get3A_2088 = vector.shape_cast %get3A_2087 : vector<16xi32> to vector<16xi32>
      %add3A_2089 = arith.constant 0 : i32
      %add3A_2090 = vector.broadcast %add3A_2089 : i32 to vector<16xi32>
      %add3A_2091 = arith.addi %get3A_2088, %add3A_2090 : vector<16xi32>
      %swap3A_2092 = arith.constant 32 : index
      %swap3A_2093 = tpu.vector_load %arg15[%swap3A_2092] {strides = array<i32>} : memref<128xi32, #tpu.memory_space<vmem>>, vector<16xi32>,
      %swap3A_2094 = vector.shape_cast %swap3A_2093 : vector<16xi32> to vector<16xi32>
      %swap3A_2095 = vector.shape_cast %add3A_2091 : vector<16xi32> to vector<16xi32>
      tpu.vector_store %arg15[%swap3A_2092], %swap3A_2095 {strides = array<i32>} : memref<128xi32, #tpu.memory_space<vmem>>, vector<16xi32>,
      %add3A_2096 = arith.constant 48 : i32
      %add3A_2097 = arith.addi %mul3A_2059, %add3A_2096 : i32
      %get3A_2098 = arith.index_cast %add3A_2097 : i32 to index
      %get3A_2099 = tpu.vector_load %arg11[%get3A_2098] {strides = array<i32>} : memref<10624xi32, #tpu.memory_space<vmem>>, vector<16xi32>,
      %get3A_2100 = vector.shape_cast %get3A_2099 : vector<16xi32> to vector<16xi32>
      %add3A_2101 = arith.constant 0 : i32
      %add3A_2102 = vector.broadcast %add3A_2101 : i32 to vector<16xi32>
      %add3A_2103 = arith.addi %get3A_2100, %add3A_2102 : vector<16xi32>
      %swap3A_2104 = arith.constant 48 : index
      %swap3A_2105 = tpu.vector_load %arg15[%swap3A_2104] {strides = array<i32>} : memref<128xi32, #tpu.memory_space<vmem>>, vector<16xi32>,
      %swap3A_2106 = vector.shape_cast %swap3A_2105 : vector<16xi32> to vector<16xi32>
      %swap3A_2107 = vector.shape_cast %add3A_2103 : vector<16xi32> to vector<16xi32>
      tpu.vector_store %arg15[%swap3A_2104], %swap3A_2107 {strides = array<i32>} : memref<128xi32, #tpu.memory_space<vmem>>, vector<16xi32>,
      %add3A_2108 = arith.constant 64 : i32
      %add3A_2109 = arith.addi %mul3A_2059, %add3A_2108 : i32
      %get3A_2110 = arith.index_cast %add3A_2109 : i32 to index
      %get3A_2111 = tpu.vector_load %arg11[%get3A_2110] {strides = array<i32>} : memref<10624xi32, #tpu.memory_space<vmem>>, vector<16xi32>,
      %get3A_2112 = vector.shape_cast %get3A_2111 : vector<16xi32> to vector<16xi32>
      %add3A_2113 = arith.constant 0 : i32
      %add3A_2114 = vector.broadcast %add3A_2113 : i32 to vector<16xi32>
      %add3A_2115 = arith.addi %get3A_2112, %add3A_2114 : vector<16xi32>
      %swap3A_2116 = arith.constant 64 : index
      %swap3A_2117 = tpu.vector_load %arg15[%swap3A_2116] {strides = array<i32>} : memref<128xi32, #tpu.memory_space<vmem>>, vector<16xi32>,
      %swap3A_2118 = vector.shape_cast %swap3A_2117 : vector<16xi32> to vector<16xi32>
      %swap3A_2119 = vector.shape_cast %add3A_2115 : vector<16xi32> to vector<16xi32>
      tpu.vector_store %arg15[%swap3A_2116], %swap3A_2119 {strides = array<i32>} : memref<128xi32, #tpu.memory_space<vmem>>, vector<16xi32>,
      %add3A_2120 = arith.constant 80 : i32
      %add3A_2121 = arith.addi %mul3A_2059, %add3A_2120 : i32
      %get3A_2122 = arith.index_cast %add3A_2121 : i32 to index
      %get3A_2123 = tpu.vector_load %arg11[%get3A_2122] {strides = array<i32>} : memref<10624xi32, #tpu.memory_space<vmem>>, vector<16xi32>,
      %get3A_2124 = vector.shape_cast %get3A_2123 : vector<16xi32> to vector<16xi32>
      %add3A_2125 = arith.constant 0 : i32
      %add3A_2126 = vector.broadcast %add3A_2125 : i32 to vector<16xi32>
      %add3A_2127 = arith.addi %get3A_2124, %add3A_2126 : vector<16xi32>
      %swap3A_2128 = arith.constant 80 : index
      %swap3A_2129 = tpu.vector_load %arg15[%swap3A_2128] {strides = array<i32>} : memref<128xi32, #tpu.memory_space<vmem>>, vector<16xi32>,
      %swap3A_2130 = vector.shape_cast %swap3A_2129 : vector<16xi32> to vector<16xi32>
      %swap3A_2131 = vector.shape_cast %add3A_2127 : vector<16xi32> to vector<16xi32>
      tpu.vector_store %arg15[%swap3A_2128], %swap3A_2131 {strides = array<i32>} : memref<128xi32, #tpu.memory_space<vmem>>, vector<16xi32>,
      %add3A_2132 = arith.constant 96 : i32
      %add3A_2133 = arith.addi %mul3A_2059, %add3A_2132 : i32
      %get3A_2134 = arith.index_cast %add3A_2133 : i32 to index
      %get3A_2135 = tpu.vector_load %arg11[%get3A_2134] {strides = array<i32>} : memref<10624xi32, #tpu.memory_space<vmem>>, vector<16xi32>,
      %get3A_2136 = vector.shape_cast %get3A_2135 : vector<16xi32> to vector<16xi32>
      %add3A_2137 = arith.constant 0 : i32
      %add3A_2138 = vector.broadcast %add3A_2137 : i32 to vector<16xi32>
      %add3A_2139 = arith.addi %get3A_2136, %add3A_2138 : vector<16xi32>
      %swap3A_2140 = arith.constant 96 : index
      %swap3A_2141 = tpu.vector_load %arg15[%swap3A_2140] {strides = array<i32>} : memref<128xi32, #tpu.memory_space<vmem>>, vector<16xi32>,
      %swap3A_2142 = vector.shape_cast %swap3A_2141 : vector<16xi32> to vector<16xi32>
      %swap3A_2143 = vector.shape_cast %add3A_2139 : vector<16xi32> to vector<16xi32>
      tpu.vector_store %arg15[%swap3A_2140], %swap3A_2143 {strides = array<i32>} : memref<128xi32, #tpu.memory_space<vmem>>, vector<16xi32>,
      %add3A_2144 = arith.constant 112 : i32
      %add3A_2145 = arith.addi %mul3A_2059, %add3A_2144 : i32
      %get3A_2146 = arith.index_cast %add3A_2145 : i32 to index
      %get3A_2147 = tpu.vector_load %arg11[%get3A_2146] {strides = array<i32>} : memref<10624xi32, #tpu.memory_space<vmem>>, vector<16xi32>,
      %get3A_2148 = vector.shape_cast %get3A_2147 : vector<16xi32> to vector<16xi32>
      %add3A_2149 = arith.constant 0 : i32
      %add3A_2150 = vector.broadcast %add3A_2149 : i32 to vector<16xi32>
      %add3A_2151 = arith.addi %get3A_2148, %add3A_2150 : vector<16xi32>
      %swap3A_2152 = arith.constant 112 : index
      %swap3A_2153 = tpu.vector_load %arg15[%swap3A_2152] {strides = array<i32>} : memref<128xi32, #tpu.memory_space<vmem>>, vector<16xi32>,
      %swap3A_2154 = vector.shape_cast %swap3A_2153 : vector<16xi32> to vector<16xi32>
      %swap3A_2155 = vector.shape_cast %add3A_2151 : vector<16xi32> to vector<16xi32>
      tpu.vector_store %arg15[%swap3A_2152], %swap3A_2155 {strides = array<i32>} : memref<128xi32, #tpu.memory_space<vmem>>, vector<16xi32>,
      %scan3A_2156 = arith.constant 0 : i32
      %scan3A_2157 = arith.constant 0 : i32
      %scan3A_2158 = arith.constant 64 : i32
      %scan3A_2159 = arith.addi %scan3A_2157, %scan3A_2158 : i32
      %scan3A_2160 = arith.constant 1 : i32
      scf.for %scan3A_2282 = %scan3A_2157 to %scan3A_2159 step %scan3A_2160  : i32 {
        %mul3A_2283 = arith.constant 2 : i32
        %mul3A_2284 = arith.muli %mul3A_2283, %scan3A_2282 : i32
        %get3A_2285 = arith.index_cast %mul3A_2284 : i32 to index
        %get3A_2286 = arith.constant 0 : index
        %get3A_2287 = tpu.vector_load %arg21[%get3A_2285, %get3A_2286] {strides = array<i32>} : memref<128x16xf32, #tpu.memory_space<vmem>>, vector<1x16xf32>,
        %get3A_2288 = vector.shape_cast %get3A_2287 : vector<1x16xf32> to vector<16xf32>
        %mul3A_2289 = arith.constant 2 : i32
        %mul3A_2290 = arith.muli %mul3A_2289, %scan3A_2282 : i32
        %swap3A_2291 = arith.index_cast %mul3A_2290 : i32 to index
        %swap3A_2292 = arith.constant 0 : index
        %swap3A_2293 = tpu.vector_load %arg18[%swap3A_2291, %swap3A_2292] {strides = array<i32>} : memref<128x128xf32, #tpu.memory_space<vmem>>, vector<1x16xf32>,
        %swap3A_2294 = vector.shape_cast %swap3A_2293 : vector<1x16xf32> to vector<16xf32>
        %swap3A_2295 = vector.shape_cast %get3A_2288 : vector<16xf32> to vector<1x16xf32>
        tpu.vector_store %arg18[%swap3A_2291, %swap3A_2292], %swap3A_2295 {strides = array<i32>} : memref<128x128xf32, #tpu.memory_space<vmem>>, vector<1x16xf32>,
        %mul3A_2296 = arith.constant 2 : i32
        %mul3A_2297 = arith.muli %mul3A_2296, %scan3A_2282 : i32
        %add3A_2298 = arith.constant 1 : i32
        %add3A_2299 = arith.addi %mul3A_2297, %add3A_2298 : i32
        %get3A_2300 = arith.index_cast %add3A_2299 : i32 to index
        %get3A_2301 = arith.constant 0 : index
        %get3A_2302 = tpu.vector_load %arg21[%get3A_2300, %get3A_2301] {strides = array<i32>} : memref<128x16xf32, #tpu.memory_space<vmem>>, vector<1x16xf32>,
        %get3A_2303 = vector.shape_cast %get3A_2302 : vector<1x16xf32> to vector<16xf32>
        %mul3A_2304 = arith.constant 2 : i32
        %mul3A_2305 = arith.muli %mul3A_2304, %scan3A_2282 : i32
        %add3A_2306 = arith.constant 1 : i32
        %add3A_2307 = arith.addi %mul3A_2305, %add3A_2306 : i32
        %swap3A_2308 = arith.index_cast %add3A_2307 : i32 to index
        %swap3A_2309 = arith.constant 0 : index
        %swap3A_2310 = tpu.vector_load %arg18[%swap3A_2308, %swap3A_2309] {strides = array<i32>} : memref<128x128xf32, #tpu.memory_space<vmem>>, vector<1x16xf32>,
        %swap3A_2311 = vector.shape_cast %swap3A_2310 : vector<1x16xf32> to vector<16xf32>
        %swap3A_2312 = vector.shape_cast %get3A_2303 : vector<16xf32> to vector<1x16xf32>
        tpu.vector_store %arg18[%swap3A_2308, %swap3A_2309], %swap3A_2312 {strides = array<i32>} : memref<128x128xf32, #tpu.memory_space<vmem>>, vector<1x16xf32>,
      }
      %scan3A_2161 = arith.constant 64 : i32
      %dma_start3A_2162 = arith.constant 0 : i32
      %dma_start3A_2163 = arith.constant 0 : i32
      %dma_start3A_2164 = tpu.memref_slice %arg22[%dma_start3A_2162, %dma_start3A_2163] : memref<5120x128xf32, #tpu.memory_space<vmem_shared>> -> memref<5120x128xf32, #tpu.memory_space<vmem_shared>>
      tpu.enqueue_indirect_dma source(%arg18 : memref<128x128xf32, #tpu.memory_space<vmem>>) target(%dma_start3A_2164 : memref<5120x128xf32, #tpu.memory_space<vmem_shared>>) offsets(%arg15 : memref<128xi32, #tpu.memory_space<vmem>>) semaphore(%arg26 : memref<!tpu.dma_semaphore, #tpu.memory_space<semaphore_mem>>) {add = true}
      %mul3A_2165 = arith.constant 2 : i32
      %mul3A_2166 = arith.muli %scan3A_2047, %mul3A_2165 : i32
      %add3A_2167 = arith.constant 1 : i32
      %add3A_2168 = arith.addi %mul3A_2166, %add3A_2167 : i32
      %mul3A_2169 = arith.constant 128 : i32
      %mul3A_2170 = arith.muli %add3A_2168, %mul3A_2169 : i32
      %add3A_2171 = arith.addi %mul3A_0, %mul3A_2170 : i32
      "tpu.region"() ({
        %run_scoped3A = tpu.sem_alloc : memref<!tpu.dma_semaphore, #tpu.memory_space<semaphore_mem>>
        %dma_start3A_2282 = arith.constant 0 : i32
        %dma_start3A_2283 = tpu.memref_slice %arg5[%add3A_2171, %dma_start3A_2282] : memref<160000x16xf32, #tpu.memory_space<hbm>> -> memref<128x16xf32, #tpu.memory_space<hbm>>
        %dma_start3A_2284 = arith.constant 0 : i32
        %dma_start3A_2285 = tpu.memref_slice %arg5[%add3A_2171, %dma_start3A_2284] : memref<160000x16xf32, #tpu.memory_space<hbm>> -> memref<128x16xf32, #tpu.memory_space<hbm>>
        tpu.enqueue_dma source(%dma_start3A_2285 : memref<128x16xf32, #tpu.memory_space<hbm>>) target(%arg21 : memref<128x16xf32, #tpu.memory_space<vmem>>) target_semaphore(%run_scoped3A : memref<!tpu.dma_semaphore, #tpu.memory_space<semaphore_mem>>)
        %dma_wait3A_2286 = arith.constant 0 : i32
        %dma_wait3A_2287 = tpu.memref_slice %arg5[%add3A_2171, %dma_wait3A_2286] : memref<160000x16xf32, #tpu.memory_space<hbm>> -> memref<128x16xf32, #tpu.memory_space<hbm>>
        %dma_wait3A_2288 = arith.constant 0 : i32
        %dma_wait3A_2289 = tpu.memref_slice %arg5[%add3A_2171, %dma_wait3A_2288] : memref<160000x16xf32, #tpu.memory_space<hbm>> -> memref<128x16xf32, #tpu.memory_space<hbm>>
        tpu.wait_dma2 semaphore(%run_scoped3A : memref<!tpu.dma_semaphore, #tpu.memory_space<semaphore_mem>>) src(%dma_wait3A_2289 : memref<128x16xf32, #tpu.memory_space<hbm>>) dst(%arg21 : memref<128x16xf32, #tpu.memory_space<vmem>>)
        tpu.yield
      }) : () -> ()
      %dma_wait3A_2172 = arith.constant 0 : i32
      %dma_wait3A_2173 = arith.constant 0 : i32
      %dma_wait3A_2174 = tpu.memref_slice %arg22[%dma_wait3A_2172, %dma_wait3A_2173] : memref<5120x128xf32, #tpu.memory_space<vmem_shared>> -> memref<5120x128xf32, #tpu.memory_space<vmem_shared>>
      tpu.wait_indirect_dma semaphore(%arg27 : memref<!tpu.dma_semaphore, #tpu.memory_space<semaphore_mem>>) src(%arg19 : memref<128x128xf32, #tpu.memory_space<vmem>>) dst(%dma_wait3A_2174 : memref<5120x128xf32, #tpu.memory_space<vmem_shared>>)
      %mul3A_2175 = arith.constant 128 : i32
      %mul3A_2176 = arith.muli %add3A_2168, %mul3A_2175 : i32
      %add3A_2177 = arith.constant 0 : i32
      %add3A_2178 = arith.addi %mul3A_2176, %add3A_2177 : i32
      %get3A_2179 = arith.index_cast %add3A_2178 : i32 to index
      %get3A_2180 = tpu.vector_load %arg11[%get3A_2179] {strides = array<i32>} : memref<10624xi32, #tpu.memory_space<vmem>>, vector<16xi32>,
      %get3A_2181 = vector.shape_cast %get3A_2180 : vector<16xi32> to vector<16xi32>
      %add3A_2182 = arith.constant 0 : i32
      %add3A_2183 = vector.broadcast %add3A_2182 : i32 to vector<16xi32>
      %add3A_2184 = arith.addi %get3A_2181, %add3A_2183 : vector<16xi32>
      %swap3A_2185 = arith.constant 0 : index
      %swap3A_2186 = tpu.vector_load %arg16[%swap3A_2185] {strides = array<i32>} : memref<128xi32, #tpu.memory_space<vmem>>, vector<16xi32>,
      %swap3A_2187 = vector.shape_cast %swap3A_2186 : vector<16xi32> to vector<16xi32>
      %swap3A_2188 = vector.shape_cast %add3A_2184 : vector<16xi32> to vector<16xi32>
      tpu.vector_store %arg16[%swap3A_2185], %swap3A_2188 {strides = array<i32>} : memref<128xi32, #tpu.memory_space<vmem>>, vector<16xi32>,
      %add3A_2189 = arith.constant 16 : i32
      %add3A_2190 = arith.addi %mul3A_2176, %add3A_2189 : i32
      %get3A_2191 = arith.index_cast %add3A_2190 : i32 to index
      %get3A_2192 = tpu.vector_load %arg11[%get3A_2191] {strides = array<i32>} : memref<10624xi32, #tpu.memory_space<vmem>>, vector<16xi32>,
      %get3A_2193 = vector.shape_cast %get3A_2192 : vector<16xi32> to vector<16xi32>
      %add3A_2194 = arith.constant 0 : i32
      %add3A_2195 = vector.broadcast %add3A_2194 : i32 to vector<16xi32>
      %add3A_2196 = arith.addi %get3A_2193, %add3A_2195 : vector<16xi32>
      %swap3A_2197 = arith.constant 16 : index
      %swap3A_2198 = tpu.vector_load %arg16[%swap3A_2197] {strides = array<i32>} : memref<128xi32, #tpu.memory_space<vmem>>, vector<16xi32>,
      %swap3A_2199 = vector.shape_cast %swap3A_2198 : vector<16xi32> to vector<16xi32>
      %swap3A_2200 = vector.shape_cast %add3A_2196 : vector<16xi32> to vector<16xi32>
      tpu.vector_store %arg16[%swap3A_2197], %swap3A_2200 {strides = array<i32>} : memref<128xi32, #tpu.memory_space<vmem>>, vector<16xi32>,
      %add3A_2201 = arith.constant 32 : i32
      %add3A_2202 = arith.addi %mul3A_2176, %add3A_2201 : i32
      %get3A_2203 = arith.index_cast %add3A_2202 : i32 to index
      %get3A_2204 = tpu.vector_load %arg11[%get3A_2203] {strides = array<i32>} : memref<10624xi32, #tpu.memory_space<vmem>>, vector<16xi32>,
      %get3A_2205 = vector.shape_cast %get3A_2204 : vector<16xi32> to vector<16xi32>
      %add3A_2206 = arith.constant 0 : i32
      %add3A_2207 = vector.broadcast %add3A_2206 : i32 to vector<16xi32>
      %add3A_2208 = arith.addi %get3A_2205, %add3A_2207 : vector<16xi32>
      %swap3A_2209 = arith.constant 32 : index
      %swap3A_2210 = tpu.vector_load %arg16[%swap3A_2209] {strides = array<i32>} : memref<128xi32, #tpu.memory_space<vmem>>, vector<16xi32>,
      %swap3A_2211 = vector.shape_cast %swap3A_2210 : vector<16xi32> to vector<16xi32>
      %swap3A_2212 = vector.shape_cast %add3A_2208 : vector<16xi32> to vector<16xi32>
      tpu.vector_store %arg16[%swap3A_2209], %swap3A_2212 {strides = array<i32>} : memref<128xi32, #tpu.memory_space<vmem>>, vector<16xi32>,
      %add3A_2213 = arith.constant 48 : i32
      %add3A_2214 = arith.addi %mul3A_2176, %add3A_2213 : i32
      %get3A_2215 = arith.index_cast %add3A_2214 : i32 to index
      %get3A_2216 = tpu.vector_load %arg11[%get3A_2215] {strides = array<i32>} : memref<10624xi32, #tpu.memory_space<vmem>>, vector<16xi32>,
      %get3A_2217 = vector.shape_cast %get3A_2216 : vector<16xi32> to vector<16xi32>
      %add3A_2218 = arith.constant 0 : i32
      %add3A_2219 = vector.broadcast %add3A_2218 : i32 to vector<16xi32>
      %add3A_2220 = arith.addi %get3A_2217, %add3A_2219 : vector<16xi32>
      %swap3A_2221 = arith.constant 48 : index
      %swap3A_2222 = tpu.vector_load %arg16[%swap3A_2221] {strides = array<i32>} : memref<128xi32, #tpu.memory_space<vmem>>, vector<16xi32>,
      %swap3A_2223 = vector.shape_cast %swap3A_2222 : vector<16xi32> to vector<16xi32>
      %swap3A_2224 = vector.shape_cast %add3A_2220 : vector<16xi32> to vector<16xi32>
      tpu.vector_store %arg16[%swap3A_2221], %swap3A_2224 {strides = array<i32>} : memref<128xi32, #tpu.memory_space<vmem>>, vector<16xi32>,
      %add3A_2225 = arith.constant 64 : i32
      %add3A_2226 = arith.addi %mul3A_2176, %add3A_2225 : i32
      %get3A_2227 = arith.index_cast %add3A_2226 : i32 to index
      %get3A_2228 = tpu.vector_load %arg11[%get3A_2227] {strides = array<i32>} : memref<10624xi32, #tpu.memory_space<vmem>>, vector<16xi32>,
      %get3A_2229 = vector.shape_cast %get3A_2228 : vector<16xi32> to vector<16xi32>
      %add3A_2230 = arith.constant 0 : i32
      %add3A_2231 = vector.broadcast %add3A_2230 : i32 to vector<16xi32>
      %add3A_2232 = arith.addi %get3A_2229, %add3A_2231 : vector<16xi32>
      %swap3A_2233 = arith.constant 64 : index
      %swap3A_2234 = tpu.vector_load %arg16[%swap3A_2233] {strides = array<i32>} : memref<128xi32, #tpu.memory_space<vmem>>, vector<16xi32>,
      %swap3A_2235 = vector.shape_cast %swap3A_2234 : vector<16xi32> to vector<16xi32>
      %swap3A_2236 = vector.shape_cast %add3A_2232 : vector<16xi32> to vector<16xi32>
      tpu.vector_store %arg16[%swap3A_2233], %swap3A_2236 {strides = array<i32>} : memref<128xi32, #tpu.memory_space<vmem>>, vector<16xi32>,
      %add3A_2237 = arith.constant 80 : i32
      %add3A_2238 = arith.addi %mul3A_2176, %add3A_2237 : i32
      %get3A_2239 = arith.index_cast %add3A_2238 : i32 to index
      %get3A_2240 = tpu.vector_load %arg11[%get3A_2239] {strides = array<i32>} : memref<10624xi32, #tpu.memory_space<vmem>>, vector<16xi32>,
      %get3A_2241 = vector.shape_cast %get3A_2240 : vector<16xi32> to vector<16xi32>
      %add3A_2242 = arith.constant 0 : i32
      %add3A_2243 = vector.broadcast %add3A_2242 : i32 to vector<16xi32>
      %add3A_2244 = arith.addi %get3A_2241, %add3A_2243 : vector<16xi32>
      %swap3A_2245 = arith.constant 80 : index
      %swap3A_2246 = tpu.vector_load %arg16[%swap3A_2245] {strides = array<i32>} : memref<128xi32, #tpu.memory_space<vmem>>, vector<16xi32>,
      %swap3A_2247 = vector.shape_cast %swap3A_2246 : vector<16xi32> to vector<16xi32>
      %swap3A_2248 = vector.shape_cast %add3A_2244 : vector<16xi32> to vector<16xi32>
      tpu.vector_store %arg16[%swap3A_2245], %swap3A_2248 {strides = array<i32>} : memref<128xi32, #tpu.memory_space<vmem>>, vector<16xi32>,
      %add3A_2249 = arith.constant 96 : i32
      %add3A_2250 = arith.addi %mul3A_2176, %add3A_2249 : i32
      %get3A_2251 = arith.index_cast %add3A_2250 : i32 to index
      %get3A_2252 = tpu.vector_load %arg11[%get3A_2251] {strides = array<i32>} : memref<10624xi32, #tpu.memory_space<vmem>>, vector<16xi32>,
      %get3A_2253 = vector.shape_cast %get3A_2252 : vector<16xi32> to vector<16xi32>
      %add3A_2254 = arith.constant 0 : i32
      %add3A_2255 = vector.broadcast %add3A_2254 : i32 to vector<16xi32>
      %add3A_2256 = arith.addi %get3A_2253, %add3A_2255 : vector<16xi32>
      %swap3A_2257 = arith.constant 96 : index
      %swap3A_2258 = tpu.vector_load %arg16[%swap3A_2257] {strides = array<i32>} : memref<128xi32, #tpu.memory_space<vmem>>, vector<16xi32>,
      %swap3A_2259 = vector.shape_cast %swap3A_2258 : vector<16xi32> to vector<16xi32>
      %swap3A_2260 = vector.shape_cast %add3A_2256 : vector<16xi32> to vector<16xi32>
      tpu.vector_store %arg16[%swap3A_2257], %swap3A_2260 {strides = array<i32>} : memref<128xi32, #tpu.memory_space<vmem>>, vector<16xi32>,
      %add3A_2261 = arith.constant 112 : i32
      %add3A_2262 = arith.addi %mul3A_2176, %add3A_2261 : i32
      %get3A_2263 = arith.index_cast %add3A_2262 : i32 to index
      %get3A_2264 = tpu.vector_load %arg11[%get3A_2263] {strides = array<i32>} : memref<10624xi32, #tpu.memory_space<vmem>>, vector<16xi32>,
      %get3A_2265 = vector.shape_cast %get3A_2264 : vector<16xi32> to vector<16xi32>
      %add3A_2266 = arith.constant 0 : i32
      %add3A_2267 = vector.broadcast %add3A_2266 : i32 to vector<16xi32>
      %add3A_2268 = arith.addi %get3A_2265, %add3A_2267 : vector<16xi32>
      %swap3A_2269 = arith.constant 112 : index
      %swap3A_2270 = tpu.vector_load %arg16[%swap3A_2269] {strides = array<i32>} : memref<128xi32, #tpu.memory_space<vmem>>, vector<16xi32>,
      %swap3A_2271 = vector.shape_cast %swap3A_2270 : vector<16xi32> to vector<16xi32>
      %swap3A_2272 = vector.shape_cast %add3A_2268 : vector<16xi32> to vector<16xi32>
      tpu.vector_store %arg16[%swap3A_2269], %swap3A_2272 {strides = array<i32>} : memref<128xi32, #tpu.memory_space<vmem>>, vector<16xi32>,
      %scan3A_2273 = arith.constant 0 : i32
      %scan3A_2274 = arith.constant 0 : i32
      %scan3A_2275 = arith.constant 64 : i32
      %scan3A_2276 = arith.addi %scan3A_2274, %scan3A_2275 : i32
      %scan3A_2277 = arith.constant 1 : i32
      scf.for %scan3A_2282 = %scan3A_2274 to %scan3A_2276 step %scan3A_2277  : i32 {
        %mul3A_2283 = arith.constant 2 : i32
        %mul3A_2284 = arith.muli %mul3A_2283, %scan3A_2282 : i32
        %get3A_2285 = arith.index_cast %mul3A_2284 : i32 to index
        %get3A_2286 = arith.constant 0 : index
        %get3A_2287 = tpu.vector_load %arg21[%get3A_2285, %get3A_2286] {strides = array<i32>} : memref<128x16xf32, #tpu.memory_space<vmem>>, vector<1x16xf32>,
        %get3A_2288 = vector.shape_cast %get3A_2287 : vector<1x16xf32> to vector<16xf32>
        %mul3A_2289 = arith.constant 2 : i32
        %mul3A_2290 = arith.muli %mul3A_2289, %scan3A_2282 : i32
        %swap3A_2291 = arith.index_cast %mul3A_2290 : i32 to index
        %swap3A_2292 = arith.constant 0 : index
        %swap3A_2293 = tpu.vector_load %arg19[%swap3A_2291, %swap3A_2292] {strides = array<i32>} : memref<128x128xf32, #tpu.memory_space<vmem>>, vector<1x16xf32>,
        %swap3A_2294 = vector.shape_cast %swap3A_2293 : vector<1x16xf32> to vector<16xf32>
        %swap3A_2295 = vector.shape_cast %get3A_2288 : vector<16xf32> to vector<1x16xf32>
        tpu.vector_store %arg19[%swap3A_2291, %swap3A_2292], %swap3A_2295 {strides = array<i32>} : memref<128x128xf32, #tpu.memory_space<vmem>>, vector<1x16xf32>,
        %mul3A_2296 = arith.constant 2 : i32
        %mul3A_2297 = arith.muli %mul3A_2296, %scan3A_2282 : i32
        %add3A_2298 = arith.constant 1 : i32
        %add3A_2299 = arith.addi %mul3A_2297, %add3A_2298 : i32
        %get3A_2300 = arith.index_cast %add3A_2299 : i32 to index
        %get3A_2301 = arith.constant 0 : index
        %get3A_2302 = tpu.vector_load %arg21[%get3A_2300, %get3A_2301] {strides = array<i32>} : memref<128x16xf32, #tpu.memory_space<vmem>>, vector<1x16xf32>,
        %get3A_2303 = vector.shape_cast %get3A_2302 : vector<1x16xf32> to vector<16xf32>
        %mul3A_2304 = arith.constant 2 : i32
        %mul3A_2305 = arith.muli %mul3A_2304, %scan3A_2282 : i32
        %add3A_2306 = arith.constant 1 : i32
        %add3A_2307 = arith.addi %mul3A_2305, %add3A_2306 : i32
        %swap3A_2308 = arith.index_cast %add3A_2307 : i32 to index
        %swap3A_2309 = arith.constant 0 : index
        %swap3A_2310 = tpu.vector_load %arg19[%swap3A_2308, %swap3A_2309] {strides = array<i32>} : memref<128x128xf32, #tpu.memory_space<vmem>>, vector<1x16xf32>,
        %swap3A_2311 = vector.shape_cast %swap3A_2310 : vector<1x16xf32> to vector<16xf32>
        %swap3A_2312 = vector.shape_cast %get3A_2303 : vector<16xf32> to vector<1x16xf32>
        tpu.vector_store %arg19[%swap3A_2308, %swap3A_2309], %swap3A_2312 {strides = array<i32>} : memref<128x128xf32, #tpu.memory_space<vmem>>, vector<1x16xf32>,
      }
      %scan3A_2278 = arith.constant 64 : i32
      %dma_start3A_2279 = arith.constant 0 : i32
      %dma_start3A_2280 = arith.constant 0 : i32
      %dma_start3A_2281 = tpu.memref_slice %arg22[%dma_start3A_2279, %dma_start3A_2280] : memref<5120x128xf32, #tpu.memory_space<vmem_shared>> -> memref<5120x128xf32, #tpu.memory_space<vmem_shared>>
      tpu.enqueue_indirect_dma source(%arg19 : memref<128x128xf32, #tpu.memory_space<vmem>>) target(%dma_start3A_2281 : memref<5120x128xf32, #tpu.memory_space<vmem_shared>>) offsets(%arg16 : memref<128xi32, #tpu.memory_space<vmem>>) semaphore(%arg27 : memref<!tpu.dma_semaphore, #tpu.memory_space<semaphore_mem>>) {add = true}
    }
    %scan3A_1945 = arith.constant 39 : i32
    %add3A_1946 = arith.constant 9984 : i32
    %add3A_1947 = arith.addi %mul3A_0, %add3A_1946 : i32
    "tpu.region"() ({
      %run_scoped3A = tpu.sem_alloc : memref<!tpu.dma_semaphore, #tpu.memory_space<semaphore_mem>>
      %dma_start3A_2047 = arith.constant 0 : i32
      %dma_start3A_2048 = arith.constant 0 : i32
      %dma_start3A_2049 = tpu.memref_slice %arg21[%dma_start3A_2047, %dma_start3A_2048] : memref<128x16xf32, #tpu.memory_space<vmem>> -> memref<16x16xf32, #tpu.memory_space<vmem>>
      %dma_start3A_2050 = arith.constant 0 : i32
      %dma_start3A_2051 = tpu.memref_slice %arg5[%add3A_1947, %dma_start3A_2050] : memref<160000x16xf32, #tpu.memory_space<hbm>> -> memref<16x16xf32, #tpu.memory_space<hbm>>
      %dma_start3A_2052 = arith.constant 0 : i32
      %dma_start3A_2053 = arith.constant 0 : i32
      %dma_start3A_2054 = tpu.memref_slice %arg21[%dma_start3A_2052, %dma_start3A_2053] : memref<128x16xf32, #tpu.memory_space<vmem>> -> memref<16x16xf32, #tpu.memory_space<vmem>>
      %dma_start3A_2055 = arith.constant 0 : i32
      %dma_start3A_2056 = tpu.memref_slice %arg5[%add3A_1947, %dma_start3A_2055] : memref<160000x16xf32, #tpu.memory_space<hbm>> -> memref<16x16xf32, #tpu.memory_space<hbm>>
      tpu.enqueue_dma source(%dma_start3A_2056 : memref<16x16xf32, #tpu.memory_space<hbm>>) target(%dma_start3A_2054 : memref<16x16xf32, #tpu.memory_space<vmem>>) target_semaphore(%run_scoped3A : memref<!tpu.dma_semaphore, #tpu.memory_space<semaphore_mem>>)
      %dma_wait3A_2057 = arith.constant 0 : i32
      %dma_wait3A_2058 = arith.constant 0 : i32
      %dma_wait3A_2059 = tpu.memref_slice %arg21[%dma_wait3A_2057, %dma_wait3A_2058] : memref<128x16xf32, #tpu.memory_space<vmem>> -> memref<16x16xf32, #tpu.memory_space<vmem>>
      %dma_wait3A_2060 = arith.constant 0 : i32
      %dma_wait3A_2061 = tpu.memref_slice %arg5[%add3A_1947, %dma_wait3A_2060] : memref<160000x16xf32, #tpu.memory_space<hbm>> -> memref<16x16xf32, #tpu.memory_space<hbm>>
      %dma_wait3A_2062 = arith.constant 0 : i32
      %dma_wait3A_2063 = arith.constant 0 : i32
      %dma_wait3A_2064 = tpu.memref_slice %arg21[%dma_wait3A_2062, %dma_wait3A_2063] : memref<128x16xf32, #tpu.memory_space<vmem>> -> memref<16x16xf32, #tpu.memory_space<vmem>>
      %dma_wait3A_2065 = arith.constant 0 : i32
      %dma_wait3A_2066 = tpu.memref_slice %arg5[%add3A_1947, %dma_wait3A_2065] : memref<160000x16xf32, #tpu.memory_space<hbm>> -> memref<16x16xf32, #tpu.memory_space<hbm>>
      tpu.wait_dma2 semaphore(%run_scoped3A : memref<!tpu.dma_semaphore, #tpu.memory_space<semaphore_mem>>) src(%dma_wait3A_2066 : memref<16x16xf32, #tpu.memory_space<hbm>>) dst(%dma_wait3A_2064 : memref<16x16xf32, #tpu.memory_space<vmem>>)
      tpu.yield
    }) : () -> ()
    %dma_wait3A_1948 = arith.constant 0 : i32
    %dma_wait3A_1949 = arith.constant 0 : i32
    %dma_wait3A_1950 = tpu.memref_slice %arg22[%dma_wait3A_1948, %dma_wait3A_1949] : memref<5120x128xf32, #tpu.memory_space<vmem_shared>> -> memref<5120x128xf32, #tpu.memory_space<vmem_shared>>
    tpu.wait_indirect_dma semaphore(%arg26 : memref<!tpu.dma_semaphore, #tpu.memory_space<semaphore_mem>>) src(%arg18 : memref<128x128xf32, #tpu.memory_space<vmem>>) dst(%dma_wait3A_1950 : memref<5120x128xf32, #tpu.memory_space<vmem_shared>>)
    %get3A_1951 = arith.constant 9984 : index
    %get3A_1952 = tpu.vector_load %arg11[%get3A_1951] {strides = array<i32>} : memref<10624xi32, #tpu.memory_space<vmem>>, vector<16xi32>,
    %get3A_1953 = vector.shape_cast %get3A_1952 : vector<16xi32> to vector<16xi32>
    %add3A_1954 = arith.constant 0 : i32
    %add3A_1955 = vector.broadcast %add3A_1954 : i32 to vector<16xi32>
    %add3A_1956 = arith.addi %get3A_1953, %add3A_1955 : vector<16xi32>
    %swap3A_1957 = arith.constant 0 : index
    %swap3A_1958 = tpu.vector_load %arg15[%swap3A_1957] {strides = array<i32>} : memref<128xi32, #tpu.memory_space<vmem>>, vector<16xi32>,
    %swap3A_1959 = vector.shape_cast %swap3A_1958 : vector<16xi32> to vector<16xi32>
    %swap3A_1960 = vector.shape_cast %add3A_1956 : vector<16xi32> to vector<16xi32>
    tpu.vector_store %arg15[%swap3A_1957], %swap3A_1960 {strides = array<i32>} : memref<128xi32, #tpu.memory_space<vmem>>, vector<16xi32>,
    %get3A_1961 = arith.constant 10000 : index
    %get3A_1962 = tpu.vector_load %arg11[%get3A_1961] {strides = array<i32>} : memref<10624xi32, #tpu.memory_space<vmem>>, vector<16xi32>,
    %get3A_1963 = vector.shape_cast %get3A_1962 : vector<16xi32> to vector<16xi32>
    %add3A_1964 = arith.constant 0 : i32
    %add3A_1965 = vector.broadcast %add3A_1964 : i32 to vector<16xi32>
    %add3A_1966 = arith.addi %get3A_1963, %add3A_1965 : vector<16xi32>
    %swap3A_1967 = arith.constant 16 : index
    %swap3A_1968 = tpu.vector_load %arg15[%swap3A_1967] {strides = array<i32>} : memref<128xi32, #tpu.memory_space<vmem>>, vector<16xi32>,
    %swap3A_1969 = vector.shape_cast %swap3A_1968 : vector<16xi32> to vector<16xi32>
    %swap3A_1970 = vector.shape_cast %add3A_1966 : vector<16xi32> to vector<16xi32>
    tpu.vector_store %arg15[%swap3A_1967], %swap3A_1970 {strides = array<i32>} : memref<128xi32, #tpu.memory_space<vmem>>, vector<16xi32>,
    %get3A_1971 = arith.constant 10016 : index
    %get3A_1972 = tpu.vector_load %arg11[%get3A_1971] {strides = array<i32>} : memref<10624xi32, #tpu.memory_space<vmem>>, vector<16xi32>,
    %get3A_1973 = vector.shape_cast %get3A_1972 : vector<16xi32> to vector<16xi32>
    %add3A_1974 = arith.constant 0 : i32
    %add3A_1975 = vector.broadcast %add3A_1974 : i32 to vector<16xi32>
    %add3A_1976 = arith.addi %get3A_1973, %add3A_1975 : vector<16xi32>
    %swap3A_1977 = arith.constant 32 : index
    %swap3A_1978 = tpu.vector_load %arg15[%swap3A_1977] {strides = array<i32>} : memref<128xi32, #tpu.memory_space<vmem>>, vector<16xi32>,
    %swap3A_1979 = vector.shape_cast %swap3A_1978 : vector<16xi32> to vector<16xi32>
    %swap3A_1980 = vector.shape_cast %add3A_1976 : vector<16xi32> to vector<16xi32>
    tpu.vector_store %arg15[%swap3A_1977], %swap3A_1980 {strides = array<i32>} : memref<128xi32, #tpu.memory_space<vmem>>, vector<16xi32>,
    %get3A_1981 = arith.constant 10032 : index
    %get3A_1982 = tpu.vector_load %arg11[%get3A_1981] {strides = array<i32>} : memref<10624xi32, #tpu.memory_space<vmem>>, vector<16xi32>,
    %get3A_1983 = vector.shape_cast %get3A_1982 : vector<16xi32> to vector<16xi32>
    %add3A_1984 = arith.constant 0 : i32
    %add3A_1985 = vector.broadcast %add3A_1984 : i32 to vector<16xi32>
    %add3A_1986 = arith.addi %get3A_1983, %add3A_1985 : vector<16xi32>
    %swap3A_1987 = arith.constant 48 : index
    %swap3A_1988 = tpu.vector_load %arg15[%swap3A_1987] {strides = array<i32>} : memref<128xi32, #tpu.memory_space<vmem>>, vector<16xi32>,
    %swap3A_1989 = vector.shape_cast %swap3A_1988 : vector<16xi32> to vector<16xi32>
    %swap3A_1990 = vector.shape_cast %add3A_1986 : vector<16xi32> to vector<16xi32>
    tpu.vector_store %arg15[%swap3A_1987], %swap3A_1990 {strides = array<i32>} : memref<128xi32, #tpu.memory_space<vmem>>, vector<16xi32>,
    %get3A_1991 = arith.constant 10048 : index
    %get3A_1992 = tpu.vector_load %arg11[%get3A_1991] {strides = array<i32>} : memref<10624xi32, #tpu.memory_space<vmem>>, vector<16xi32>,
    %get3A_1993 = vector.shape_cast %get3A_1992 : vector<16xi32> to vector<16xi32>
    %add3A_1994 = arith.constant 0 : i32
    %add3A_1995 = vector.broadcast %add3A_1994 : i32 to vector<16xi32>
    %add3A_1996 = arith.addi %get3A_1993, %add3A_1995 : vector<16xi32>
    %swap3A_1997 = arith.constant 64 : index
    %swap3A_1998 = tpu.vector_load %arg15[%swap3A_1997] {strides = array<i32>} : memref<128xi32, #tpu.memory_space<vmem>>, vector<16xi32>,
    %swap3A_1999 = vector.shape_cast %swap3A_1998 : vector<16xi32> to vector<16xi32>
    %swap3A_2000 = vector.shape_cast %add3A_1996 : vector<16xi32> to vector<16xi32>
    tpu.vector_store %arg15[%swap3A_1997], %swap3A_2000 {strides = array<i32>} : memref<128xi32, #tpu.memory_space<vmem>>, vector<16xi32>,
    %get3A_2001 = arith.constant 10064 : index
    %get3A_2002 = tpu.vector_load %arg11[%get3A_2001] {strides = array<i32>} : memref<10624xi32, #tpu.memory_space<vmem>>, vector<16xi32>,
    %get3A_2003 = vector.shape_cast %get3A_2002 : vector<16xi32> to vector<16xi32>
    %add3A_2004 = arith.constant 0 : i32
    %add3A_2005 = vector.broadcast %add3A_2004 : i32 to vector<16xi32>
    %add3A_2006 = arith.addi %get3A_2003, %add3A_2005 : vector<16xi32>
    %swap3A_2007 = arith.constant 80 : index
    %swap3A_2008 = tpu.vector_load %arg15[%swap3A_2007] {strides = array<i32>} : memref<128xi32, #tpu.memory_space<vmem>>, vector<16xi32>,
    %swap3A_2009 = vector.shape_cast %swap3A_2008 : vector<16xi32> to vector<16xi32>
    %swap3A_2010 = vector.shape_cast %add3A_2006 : vector<16xi32> to vector<16xi32>
    tpu.vector_store %arg15[%swap3A_2007], %swap3A_2010 {strides = array<i32>} : memref<128xi32, #tpu.memory_space<vmem>>, vector<16xi32>,
    %get3A_2011 = arith.constant 10080 : index
    %get3A_2012 = tpu.vector_load %arg11[%get3A_2011] {strides = array<i32>} : memref<10624xi32, #tpu.memory_space<vmem>>, vector<16xi32>,
    %get3A_2013 = vector.shape_cast %get3A_2012 : vector<16xi32> to vector<16xi32>
    %add3A_2014 = arith.constant 0 : i32
    %add3A_2015 = vector.broadcast %add3A_2014 : i32 to vector<16xi32>
    %add3A_2016 = arith.addi %get3A_2013, %add3A_2015 : vector<16xi32>
    %swap3A_2017 = arith.constant 96 : index
    %swap3A_2018 = tpu.vector_load %arg15[%swap3A_2017] {strides = array<i32>} : memref<128xi32, #tpu.memory_space<vmem>>, vector<16xi32>,
    %swap3A_2019 = vector.shape_cast %swap3A_2018 : vector<16xi32> to vector<16xi32>
    %swap3A_2020 = vector.shape_cast %add3A_2016 : vector<16xi32> to vector<16xi32>
    tpu.vector_store %arg15[%swap3A_2017], %swap3A_2020 {strides = array<i32>} : memref<128xi32, #tpu.memory_space<vmem>>, vector<16xi32>,
    %get3A_2021 = arith.constant 10096 : index
    %get3A_2022 = tpu.vector_load %arg11[%get3A_2021] {strides = array<i32>} : memref<10624xi32, #tpu.memory_space<vmem>>, vector<16xi32>,
    %get3A_2023 = vector.shape_cast %get3A_2022 : vector<16xi32> to vector<16xi32>
    %add3A_2024 = arith.constant 0 : i32
    %add3A_2025 = vector.broadcast %add3A_2024 : i32 to vector<16xi32>
    %add3A_2026 = arith.addi %get3A_2023, %add3A_2025 : vector<16xi32>
    %swap3A_2027 = arith.constant 112 : index
    %swap3A_2028 = tpu.vector_load %arg15[%swap3A_2027] {strides = array<i32>} : memref<128xi32, #tpu.memory_space<vmem>>, vector<16xi32>,
    %swap3A_2029 = vector.shape_cast %swap3A_2028 : vector<16xi32> to vector<16xi32>
    %swap3A_2030 = vector.shape_cast %add3A_2026 : vector<16xi32> to vector<16xi32>
    tpu.vector_store %arg15[%swap3A_2027], %swap3A_2030 {strides = array<i32>} : memref<128xi32, #tpu.memory_space<vmem>>, vector<16xi32>,
    %scan3A_2031 = arith.constant 0 : i32
    %scan3A_2032 = arith.constant 0 : i32
    %scan3A_2033 = arith.constant 64 : i32
    %scan3A_2034 = arith.addi %scan3A_2032, %scan3A_2033 : i32
    %scan3A_2035 = arith.constant 1 : i32
    scf.for %scan3A_2047 = %scan3A_2032 to %scan3A_2034 step %scan3A_2035  : i32 {
      %mul3A_2048 = arith.constant 2 : i32
      %mul3A_2049 = arith.muli %mul3A_2048, %scan3A_2047 : i32
      %get3A_2050 = arith.index_cast %mul3A_2049 : i32 to index
      %get3A_2051 = arith.constant 0 : index
      %get3A_2052 = tpu.vector_load %arg21[%get3A_2050, %get3A_2051] {strides = array<i32>} : memref<128x16xf32, #tpu.memory_space<vmem>>, vector<1x16xf32>,
      %get3A_2053 = vector.shape_cast %get3A_2052 : vector<1x16xf32> to vector<16xf32>
      %mul3A_2054 = arith.constant 2 : i32
      %mul3A_2055 = arith.muli %mul3A_2054, %scan3A_2047 : i32
      %swap3A_2056 = arith.index_cast %mul3A_2055 : i32 to index
      %swap3A_2057 = arith.constant 0 : index
      %swap3A_2058 = tpu.vector_load %arg18[%swap3A_2056, %swap3A_2057] {strides = array<i32>} : memref<128x128xf32, #tpu.memory_space<vmem>>, vector<1x16xf32>,
      %swap3A_2059 = vector.shape_cast %swap3A_2058 : vector<1x16xf32> to vector<16xf32>
      %swap3A_2060 = vector.shape_cast %get3A_2053 : vector<16xf32> to vector<1x16xf32>
      tpu.vector_store %arg18[%swap3A_2056, %swap3A_2057], %swap3A_2060 {strides = array<i32>} : memref<128x128xf32, #tpu.memory_space<vmem>>, vector<1x16xf32>,
      %mul3A_2061 = arith.constant 2 : i32
      %mul3A_2062 = arith.muli %mul3A_2061, %scan3A_2047 : i32
      %add3A_2063 = arith.constant 1 : i32
      %add3A_2064 = arith.addi %mul3A_2062, %add3A_2063 : i32
      %get3A_2065 = arith.index_cast %add3A_2064 : i32 to index
      %get3A_2066 = arith.constant 0 : index
      %get3A_2067 = tpu.vector_load %arg21[%get3A_2065, %get3A_2066] {strides = array<i32>} : memref<128x16xf32, #tpu.memory_space<vmem>>, vector<1x16xf32>,
      %get3A_2068 = vector.shape_cast %get3A_2067 : vector<1x16xf32> to vector<16xf32>
      %mul3A_2069 = arith.constant 2 : i32
      %mul3A_2070 = arith.muli %mul3A_2069, %scan3A_2047 : i32
      %add3A_2071 = arith.constant 1 : i32
      %add3A_2072 = arith.addi %mul3A_2070, %add3A_2071 : i32
      %swap3A_2073 = arith.index_cast %add3A_2072 : i32 to index
      %swap3A_2074 = arith.constant 0 : index
      %swap3A_2075 = tpu.vector_load %arg18[%swap3A_2073, %swap3A_2074] {strides = array<i32>} : memref<128x128xf32, #tpu.memory_space<vmem>>, vector<1x16xf32>,
      %swap3A_2076 = vector.shape_cast %swap3A_2075 : vector<1x16xf32> to vector<16xf32>
      %swap3A_2077 = vector.shape_cast %get3A_2068 : vector<16xf32> to vector<1x16xf32>
      tpu.vector_store %arg18[%swap3A_2073, %swap3A_2074], %swap3A_2077 {strides = array<i32>} : memref<128x128xf32, #tpu.memory_space<vmem>>, vector<1x16xf32>,
    }
    %scan3A_2036 = arith.constant 64 : i32
    %dma_start3A_2037 = arith.constant 0 : i32
    %dma_start3A_2038 = arith.constant 0 : i32
    %dma_start3A_2039 = tpu.memref_slice %arg22[%dma_start3A_2037, %dma_start3A_2038] : memref<5120x128xf32, #tpu.memory_space<vmem_shared>> -> memref<5120x128xf32, #tpu.memory_space<vmem_shared>>
    tpu.enqueue_indirect_dma source(%arg18 : memref<128x128xf32, #tpu.memory_space<vmem>>) target(%dma_start3A_2039 : memref<5120x128xf32, #tpu.memory_space<vmem_shared>>) offsets(%arg15 : memref<128xi32, #tpu.memory_space<vmem>>) semaphore(%arg26 : memref<!tpu.dma_semaphore, #tpu.memory_space<semaphore_mem>>) {add = true}
    %dma_wait3A_2040 = arith.constant 0 : i32
    %dma_wait3A_2041 = arith.constant 0 : i32
    %dma_wait3A_2042 = tpu.memref_slice %arg22[%dma_wait3A_2040, %dma_wait3A_2041] : memref<5120x128xf32, #tpu.memory_space<vmem_shared>> -> memref<5120x128xf32, #tpu.memory_space<vmem_shared>>
    tpu.wait_indirect_dma semaphore(%arg26 : memref<!tpu.dma_semaphore, #tpu.memory_space<semaphore_mem>>) src(%arg18 : memref<128x128xf32, #tpu.memory_space<vmem>>) dst(%dma_wait3A_2042 : memref<5120x128xf32, #tpu.memory_space<vmem_shared>>)
    %dma_wait3A_2043 = arith.constant 0 : i32
    %dma_wait3A_2044 = arith.constant 0 : i32
    %dma_wait3A_2045 = tpu.memref_slice %arg22[%dma_wait3A_2043, %dma_wait3A_2044] : memref<5120x128xf32, #tpu.memory_space<vmem_shared>> -> memref<5120x128xf32, #tpu.memory_space<vmem_shared>>
    tpu.wait_indirect_dma semaphore(%arg27 : memref<!tpu.dma_semaphore, #tpu.memory_space<semaphore_mem>>) src(%arg19 : memref<128x128xf32, #tpu.memory_space<vmem>>) dst(%dma_wait3A_2045 : memref<5120x128xf32, #tpu.memory_space<vmem_shared>>)
    %barrier3A_2046 = arith.constant 0 : index
    tpu.barrier barrier_id(%barrier3A_2046)
    "tpu.region"() ({
      %run_scoped3A = tpu.sem_alloc : memref<!tpu.dma_semaphore, #tpu.memory_space<semaphore_mem>>
      %dma_start3A_2047 = arith.constant 0 : i32
      %dma_start3A_2048 = tpu.memref_slice %arg9[%add3A_907, %dma_start3A_2047] : memref<10000x128xf32, #tpu.memory_space<hbm>> -> memref<320x128xf32, #tpu.memory_space<hbm>>
      %dma_start3A_2049 = arith.constant 0 : i32
      %dma_start3A_2050 = tpu.memref_slice %arg22[%select_n3A, %dma_start3A_2049] : memref<5120x128xf32, #tpu.memory_space<vmem_shared>> -> memref<320x128xf32, #tpu.memory_space<vmem_shared>>
      tpu.enqueue_dma source(%dma_start3A_2050 : memref<320x128xf32, #tpu.memory_space<vmem_shared>>) target(%dma_start3A_2048 : memref<320x128xf32, #tpu.memory_space<hbm>>) target_semaphore(%run_scoped3A : memref<!tpu.dma_semaphore, #tpu.memory_space<semaphore_mem>>)
      %dma_wait3A_2051 = arith.constant 0 : i32
      %dma_wait3A_2052 = tpu.memref_slice %arg9[%add3A_907, %dma_wait3A_2051] : memref<10000x128xf32, #tpu.memory_space<hbm>> -> memref<320x128xf32, #tpu.memory_space<hbm>>
      %dma_wait3A_2053 = arith.constant 0 : i32
      %dma_wait3A_2054 = tpu.memref_slice %arg22[%select_n3A, %dma_wait3A_2053] : memref<5120x128xf32, #tpu.memory_space<vmem_shared>> -> memref<320x128xf32, #tpu.memory_space<vmem_shared>>
      tpu.wait_dma2 semaphore(%run_scoped3A : memref<!tpu.dma_semaphore, #tpu.memory_space<semaphore_mem>>) src(%dma_wait3A_2054 : memref<320x128xf32, #tpu.memory_space<vmem_shared>>) dst(%dma_wait3A_2052 : memref<320x128xf32, #tpu.memory_space<hbm>>)
      tpu.yield
    }) : () -> ()
    return
  }
}

module attributes {stable_mosaic.version = 14 : i64} {
  func.func @_tc_body(%arg0: i32, %arg1: memref<2000x128xf32, #tpu.memory_space<vmem>>, %arg2: memref<2000x128xf32, #tpu.memory_space<vmem>>, %arg3: memref<2000x128xf32, #tpu.memory_space<vmem>>, %arg4: memref<256x256xf32, #tpu.memory_space<vmem>>, %arg5: memref<16x256xf32, #tpu.memory_space<vmem>>, %arg6: memref<1x256xf32, #tpu.memory_space<vmem>>, %arg7: memref<2000x256xf32, #tpu.memory_space<vmem>>) attributes {dimension_semantics = [#tpu.dimension_semantics<arbitrary>], iteration_bounds = array<i64: 5>, scalar_prefetch = 0 : i64, scratch_operands = 0 : i64, tpu.core_type = #tpu.core_type<tc>, window_params = [{transform_indices = @transform_0, window_bounds = array<i64: 2000, 128>}, {transform_indices = @transform_1, window_bounds = array<i64: 2000, 128>}, {transform_indices = @transform_2, window_bounds = array<i64: 2000, 128>}, {pipeline_mode = #tpu.pipeline_mode<synchronous>, transform_indices = @transform_3, window_bounds = array<i64: 256, 256>}, {pipeline_mode = #tpu.pipeline_mode<synchronous>, transform_indices = @transform_4, window_bounds = array<i64: 16, 256>}, {pipeline_mode = #tpu.pipeline_mode<synchronous>, transform_indices = @transform_5, window_bounds = array<i64: 1, 256>}, {transform_indices = @transform_6, window_bounds = array<i64: 2000, 256>}]} {
    %get3A = arith.constant 0 : index
    %get3A_0 = arith.constant 0 : index
    %get3A_1 = vector.load %arg3[%get3A, %get3A_0] : memref<2000x128xf32, #tpu.memory_space<vmem>>, vector<2000x128xf32>
    %slice3A = vector.extract_strided_slice %get3A_1 {offsets = [0, 0], sizes = [2000, 16], strides = [1, 1]} : vector<2000x128xf32> to vector<2000x16xf32>
    %get3A_2 = arith.constant 0 : index
    %get3A_3 = arith.constant 0 : index
    %get3A_4 = vector.load %arg5[%get3A_2, %get3A_3] : memref<16x256xf32, #tpu.memory_space<vmem>>, vector<16x256xf32>
    %dot_general3A = arith.constant dense<0.000000e+00> : vector<2000x256xf32>
    %dot_general3A_5 = tpu.matmul %slice3A, %get3A_4, %dot_general3A {dimension_numbers = #tpu.dot_dimension_numbers<[1], [0], [0], [1], [0, 0, 1, 1], [], []>, transpose_lhs_hint = false} : vector<2000x16xf32>, vector<16x256xf32>, vector<2000x256xf32> -> vector<2000x256xf32>
    %slice3A_6 = vector.extract_strided_slice %get3A_1 {offsets = [0, 16], sizes = [2000, 1], strides = [1, 1]} : vector<2000x128xf32> to vector<2000x1xf32>
    %max3A = arith.constant 1.000000e+00 : f32
    %max3A_7 = vector.broadcast %max3A : f32 to vector<2000x1xf32>
    %max3A_8 = arith.maximumf %slice3A_6, %max3A_7 : vector<2000x1xf32>
    %rsqrt3A = math.rsqrt %max3A_8 : vector<2000x1xf32>
    %get3A_9 = arith.constant 0 : index
    %get3A_10 = arith.constant 0 : index
    %get3A_11 = vector.load %arg1[%get3A_9, %get3A_10] : memref<2000x128xf32, #tpu.memory_space<vmem>>, vector<2000x128xf32>
    %slice3A_12 = vector.extract_strided_slice %dot_general3A_5 {offsets = [0, 0], sizes = [2000, 128], strides = [1, 1]} : vector<2000x256xf32> to vector<2000x128xf32>
    %add3A = arith.addf %get3A_11, %slice3A_12 : vector<2000x128xf32>
    %mul3A = vector.broadcast %rsqrt3A : vector<2000x1xf32> to vector<2000x128xf32>
    %mul3A_13 = arith.mulf %add3A, %mul3A : vector<2000x128xf32>
    %get3A_14 = arith.constant 0 : index
    %get3A_15 = arith.constant 0 : index
    %get3A_16 = vector.load %arg2[%get3A_14, %get3A_15] : memref<2000x128xf32, #tpu.memory_space<vmem>>, vector<2000x128xf32>
    %slice3A_17 = vector.extract_strided_slice %dot_general3A_5 {offsets = [0, 128], sizes = [2000, 128], strides = [1, 1]} : vector<2000x256xf32> to vector<2000x128xf32>
    %add3A_18 = arith.addf %get3A_16, %slice3A_17 : vector<2000x128xf32>
    %mul3A_19 = vector.broadcast %rsqrt3A : vector<2000x1xf32> to vector<2000x128xf32>
    %mul3A_20 = arith.mulf %add3A_18, %mul3A_19 : vector<2000x128xf32>
    %get3A_21 = arith.constant 0 : index
    %get3A_22 = arith.constant 0 : index
    %get3A_23 = vector.load %arg4[%get3A_21, %get3A_22] : memref<256x256xf32, #tpu.memory_space<vmem>>, vector<128x256xf32>
    %dot_general3A_24 = arith.constant dense<0.000000e+00> : vector<2000x256xf32>
    %dot_general3A_25 = tpu.matmul %mul3A_13, %get3A_23, %dot_general3A_24 {dimension_numbers = #tpu.dot_dimension_numbers<[1], [0], [0], [1], [0, 0, 1, 1], [], []>, transpose_lhs_hint = false} : vector<2000x128xf32>, vector<128x256xf32>, vector<2000x256xf32> -> vector<2000x256xf32>
    %get3A_26 = arith.constant 128 : index
    %get3A_27 = arith.constant 0 : index
    %get3A_28 = vector.load %arg4[%get3A_26, %get3A_27] : memref<256x256xf32, #tpu.memory_space<vmem>>, vector<128x256xf32>
    %dot_general3A_29 = arith.constant dense<0.000000e+00> : vector<2000x256xf32>
    %dot_general3A_30 = tpu.matmul %mul3A_20, %get3A_28, %dot_general3A_29 {dimension_numbers = #tpu.dot_dimension_numbers<[1], [0], [0], [1], [0, 0, 1, 1], [], []>, transpose_lhs_hint = false} : vector<2000x128xf32>, vector<128x256xf32>, vector<2000x256xf32> -> vector<2000x256xf32>
    %add3A_31 = arith.addf %dot_general3A_25, %dot_general3A_30 : vector<2000x256xf32>
    %get3A_32 = arith.constant 0 : index
    %get3A_33 = arith.constant 0 : index
    %get3A_34 = vector.load %arg6[%get3A_32, %get3A_33] : memref<1x256xf32, #tpu.memory_space<vmem>>, vector<1x256xf32>
    %add3A_35 = vector.broadcast %get3A_34 : vector<1x256xf32> to vector<2000x256xf32>
    %add3A_36 = arith.addf %add3A_31, %add3A_35 : vector<2000x256xf32>
    %max3A_37 = arith.constant 0.000000e+00 : f32
    %max3A_38 = vector.broadcast %max3A_37 : f32 to vector<2000x256xf32>
    %max3A_39 = arith.maximumf %add3A_36, %max3A_38 : vector<2000x256xf32>
    %swap3A = arith.constant 0 : index
    %swap3A_40 = arith.constant 0 : index
    %swap3A_41 = vector.load %arg7[%swap3A, %swap3A_40] : memref<2000x256xf32, #tpu.memory_space<vmem>>, vector<2000x256xf32>
    tpu.vector_store %arg7[%swap3A, %swap3A_40], %max3A_39 {strides = array<i32>} : memref<2000x256xf32, #tpu.memory_space<vmem>>, vector<2000x256xf32>,
    return
  }
  func.func @transform_0(%arg0: i32) -> (i32, i32) {
    %c0_i32 = arith.constant 0 : i32
    %c0_i32_0 = arith.constant 0 : i32
    return %arg0, %c0_i32 : i32, i32
  }
  func.func @transform_1(%arg0: i32) -> (i32, i32) {
    %c0_i32 = arith.constant 0 : i32
    %c0_i32_0 = arith.constant 0 : i32
    return %arg0, %c0_i32 : i32, i32
  }
  func.func @transform_2(%arg0: i32) -> (i32, i32) {
    %c0_i32 = arith.constant 0 : i32
    %c0_i32_0 = arith.constant 0 : i32
    return %arg0, %c0_i32 : i32, i32
  }
  func.func @transform_3(%arg0: i32) -> (i32, i32) {
    %c0_i32 = arith.constant 0 : i32
    %c0_i32_0 = arith.constant 0 : i32
    %c0_i32_1 = arith.constant 0 : i32
    return %c0_i32, %c0_i32_0 : i32, i32
  }
  func.func @transform_4(%arg0: i32) -> (i32, i32) {
    %c0_i32 = arith.constant 0 : i32
    %c0_i32_0 = arith.constant 0 : i32
    %c0_i32_1 = arith.constant 0 : i32
    return %c0_i32, %c0_i32_0 : i32, i32
  }
  func.func @transform_5(%arg0: i32) -> (i32, i32) {
    %c0_i32 = arith.constant 0 : i32
    %c0_i32_0 = arith.constant 0 : i32
    %c0_i32_1 = arith.constant 0 : i32
    return %c0_i32, %c0_i32_0 : i32, i32
  }
  func.func @transform_6(%arg0: i32) -> (i32, i32) {
    %c0_i32 = arith.constant 0 : i32
    %c0_i32_0 = arith.constant 0 : i32
    return %arg0, %c0_i32 : i32, i32
  }
}

</mosaic_0001>

<sc_bundles>
// kernel: kernel.4.cloned.1.call-start
scs
__scs_entry_jumppad:
0x0: {  	(pc) =	sbr.rel $0x88, $3  }
0x1: {  	(tag) =	ssettag $0x0;
	lr =	simm.s32 $0x1  }
0x2: {  	[smem:$0x3F9B] =	sst lr;
	_ =	strace $0xD0000000  }
0x3: {  	_ = 	snop  }
0x4: {  	_ = 	snop  }
0x5: {  	_ = 	snop  }
0x6: {  	_ = 	snop  }
0x7: {  	_ = 	snop  }
__scs_overlays_trampoline_lowered:
0x8: {  	[smem:$0x3FAA] =	sst s0  }
0x9: {  	[smem:$0x3FAB] =	sst s1  }
0xa: {  	[smem:$0x3FAC] =	sst s2  }
0xb: {  	[smem:$0x3FAD] =	sst s3  }
0xc: {  	[smem:$0x3FAE] =	sst s4  }
0xd: {  	[smem:$0x3FAF] =	sst s5  }
0xe: {  	[smem:$0x3FB0] =	sst s6  }
0xf: {  	[smem:$0x3FB1] =	sst s7  }
0x10: {  	[smem:$0x3FB2] =	sst s8  }
0x11: {  	[smem:$0x3FB3] =	sst s9;
	s0 =	simm.s32 @!p0 $0x0  }
0x12: {  	s1 =	sld [smem:$0x3F99];
	s0 =	simm.s32 @p0 $0x1  }
0x13: {  	[smem:$0x3FB4] =	sst s0;
	s0 =	simm.s32 @!p1 $0x0  }
0x14: {  	s2 =	sld [smem:$0x3F98];
	s0 =	simm.s32 @p1 $0x1  }
0x15: {  	[smem:$0x3FB5] =	sst s0;
	s0 =	simm.s32 @!p2 $0x0  }
0x16: {  	s3 =	sld [smem:$0x3FDB];
	s0 =	simm.s32 @p2 $0x1  }
0x17: {  	s4 =	simm.s32 $0x1BF5;
	[smem:$0x3FB7] =	sst s0  }
0x18: {  	s0 =	sld [smem:$0x3F9A];
	_ =	swait.ge [sflag:s4], $0x0  }
0x19: {  	s7 =	sld [smem:$0x3F9B]  }
0x1a: {  	s8 =	sadd.s32 $0xFFFFE003, lr  }
0x1b: {  	s9 =	sadd.s32 $0xFFFFFEF7, lr;
	s5 =	simm.s32 $0xFFFFFFFF;
	p2 =	slt.u32 s8, $0xFFFFF086  }
0x1c: {  	p1 =	slt.u32 s9, $0xF7A;
	s5 =	simm.s32 @!p2 $0x0  }
0x1d: {  	s5 =	simm.s32 @p1 $0x1;
	p0 =	seq.s32 s7, s2  }
0x1e: {  	s7 =	smul.u32 @!p0 $0xF7A, s2;
	p2 =	seq.s32 @!p0 s5, $0x0  }
0x1f: {  	s9 =	smul.u32 $0xF7A, s1;
	s8 =	simm.s32 @!p0 $0x1BF5;
	p2 =	por !p2, p0  }
0x20: {  	[sflag:s8] =	ssyncset.s32 @!p0 $0xFFFFF086;
	s6 =	sadd.s32 @!p0 s3, s7;
	s7 =	simm.s32 @!p0 $0x108  }
0x21: {  	s3 =	sadd.s32 s3, s9;
	s6 =	sadd.s32 @!p0 $0x88, s6;
	s7 =	simm.s32 @p2 $0x1082  }
0x22: {  	[simem:s7], [sflag:s8] =	dma.local @!p0 [hbm:s6], $0xF7A  }
0x23: {  	s9 =	sor.u32 $0xD0000000, s2;
	s6 =	simm.s32 $0x108;
	_ =	swait.ge @!p0 [sflag:s8], $0x0  }
0x24: {  	s3 =	sadd.s32 $0x88, s3;
	s6 =	simm.s32 @!p1 $0x1082;
	[sflag:s4] =	ssyncset.s32 $0xFFFFF086  }
0x25: {  	[simem:s6], [sflag:s4] =	dma.local [hbm:s3], $0xF7A  }
0x26: {  	[smem:$0x3F9B] =	sst s1;
	(tag) =	ssettag s2;
	_ =	strace s9  }
0x27: {  	s1 =	sld [smem:$0x3FAB]  }
0x28: {  	s2 =	sld [smem:$0x3FAC]  }
0x29: {  	s4 =	sld [smem:$0x3FAE]  }
0x2a: {  	p0 =	seq.s32 s5, $0x0;
	s5 =	sld [smem:$0x3FAF]  }
0x2b: {  	s6 =	sld [smem:$0x3FB0]  }
0x2c: {  	s7 =	sld [smem:$0x3FB1]  }
0x2d: {  	s3 =	simm.s32 $0x108;
	s8 =	sld [smem:$0x3FB2]  }
0x2e: {  	s3 =	simm.s32 @!p0 $0x1082;
	s9 =	sld [smem:$0x3FB3]  }
0x2f: {  	lr =	sadd.s32 s0, s3;
	s0 =	sld [smem:$0x3FAA]  }
0x30: {  	s3 =	sld [smem:$0x3FAD]  }
0x31: {  	[smem:$0x3FB6] =	sst s10  }
0x32: {  	s10 =	sld [smem:$0x3FB4];
	_ =	sdelay $0x3  }
0x33: {  	p0 =	seq.s32 s10, $0x1;
	s10 =	sld [smem:$0x3FB6];
	_ =	sdelay $0x3  }
0x34: {  	[smem:$0x3FB6] =	sst s10  }
0x35: {  	s10 =	sld [smem:$0x3FB5];
	_ =	sdelay $0x3  }
0x36: {  	p1 =	seq.s32 s10, $0x1;
	s10 =	sld [smem:$0x3FB6];
	_ =	sdelay $0x3  }
0x37: {  	[smem:$0x3FB6] =	sst s10  }
0x38: {  	s10 =	sld [smem:$0x3FB7]  }
0x39: {  	_ = 	snop;
	(pc) =	sbr.ind lr, $3  }
0x3a: {  	_ = 	snop  }
0x3b: {  	_ = 	snop  }
0x3c: {  	p2 =	seq.s32 s10, $0x1;
	s10 =	sld [smem:$0x3FB6]  }
0x3d: {  	_ =	shalt  }
0x3e: {  	_ =	shalt  }
0x3f: {  	_ =	shalt  }
0x40: {  	_ =	shalt  }
0x41: {  	_ =	shalt  }
0x42: {  	_ =	shalt  }
0x43: {  	_ =	shalt  }
0x44: {  	_ =	shalt  }
0x45: {  	_ =	shalt  }
0x46: {  	_ =	shalt  }
0x47: {  	_ =	shalt  }
0x48: {  	_ =	shalt  }
0x49: {  	_ =	shalt  }
0x4a: {  	_ =	shalt  }
0x4b: {  	_ =	shalt  }
0x4c: {  	_ =	shalt  }
0x4d: {  	_ =	shalt  }
0x4e: {  	_ =	shalt  }
0x4f: {  	_ =	shalt  }
0x50: {  	_ =	shalt  }
0x51: {  	_ =	shalt  }
0x52: {  	_ =	shalt  }
0x53: {  	_ =	shalt  }
0x54: {  	_ =	shalt  }
0x55: {  	_ =	shalt  }
0x56: {  	_ =	shalt  }
0x57: {  	_ =	shalt  }
0x58: {  	_ =	shalt  }
0x59: {  	_ =	shalt  }
0x5a: {  	_ =	shalt  }
0x5b: {  	_ =	shalt  }
0x5c: {  	_ =	shalt  }
0x5d: {  	_ =	shalt  }
0x5e: {  	_ =	shalt  }
0x5f: {  	_ =	shalt  }
0x60: {  	_ =	shalt  }
0x61: {  	_ =	shalt  }
0x62: {  	_ =	shalt  }
0x63: {  	_ =	shalt  }
0x64: {  	_ =	shalt  }
0x65: {  	_ =	shalt  }
0x66: {  	_ =	shalt  }
0x67: {  	_ =	shalt  }
0x68: {  	_ =	shalt  }
0x69: {  	_ =	shalt  }
0x6a: {  	_ =	shalt  }
0x6b: {  	_ =	shalt  }
0x6c: {  	_ =	shalt  }
0x6d: {  	_ =	shalt  }
0x6e: {  	_ =	shalt  }
0x6f: {  	_ =	shalt  }
0x70: {  	_ =	shalt  }
0x71: {  	_ =	shalt  }
0x72: {  	_ =	shalt  }
0x73: {  	_ =	shalt  }
0x74: {  	_ =	shalt  }
0x75: {  	_ =	shalt  }
0x76: {  	_ =	shalt  }
0x77: {  	_ =	shalt  }
0x78: {  	_ =	shalt  }
0x79: {  	_ =	shalt  }
0x7a: {  	_ =	shalt  }
0x7b: {  	_ =	shalt  }
0x7c: {  	_ =	shalt  }
0x7d: {  	_ =	shalt  }
0x7e: {  	_ =	shalt  }
0x7f: {  	_ =	shalt  }
0x80: {  	_ =	shalt  }
0x81: {  	_ =	shalt  }
0x82: {  	_ =	shalt  }
0x83: {  	_ =	shalt  }
0x84: {  	_ =	shalt  }
0x85: {  	_ =	shalt  }
0x86: {  	_ =	shalt  }
0x87: {  	_ =	shalt  }
.Lfunc_end0:
.L_simem_size_0:
called_computation_lowered:
.L_overlay_start_0:
0x88: {  	s2 =	sld [smem:$0x3FD9]  }
0x89: {  	s3 =	sld [smem:$0x3FFE];
	_ =	sdelay $0x1  }
0x8a: {  	s1 =	srdreg.scid  }
0x8b: {  	s0 =	sand.u32 $0x1, s1  }
0x8c: {  	s17 =	sshll.u32 s0, $0xA;
	s2 =	sadd.s32 s3, s2  }
0x8d: {  	s2 =	sadd.s32 s2, s17  }
0x8e: {  	[smem:$0x3FC2] =	sst s2  }
0x8f: {  	_ = 	snop  }
0x90: {  	s2 =	sld [smem:$0x3FD0];
	(tm) =	ssettm $0x1  }
0x91: {  	s18 =	sld [smem:$0x3FFB];
	_ =	sdelay $0x3  }
0x92: {  	_ =	strace s18  }
0x93: {  	s3 =	sld [smem:$0x3FFC];
	_ =	sdelay $0x3  }
0x94: {  	_ =	strace s3  }
0x95: {  	s3 =	sld [smem:$0x3FFD];
	_ =	sdelay $0x3  }
0x96: {  	_ =	strace s3  }
0x97: {  	_ =	strace $0x8FFFFFFF  }
0x98: {  	s19 =	sld [smem:$0x3FDB];
	_ =	sdelay $0x1  }
0x99: {  	s4 =	simm.s32 $_scs_section_size  }
0x9a: {  	s5 =	simm.s32 $_size__tile_overlayer_lowered;
	s6 =	simm.s32 $_tile_overlayer_lowered  }
0x9b: {  	s22 =	simm.s32 $0x1BFF;
	s21 =	sshll.u32 s6, $0x1;
	s3 =	sadd.s32 s4, s19  }
0x9c: {  	s7 =	simm.s32 $0x0;
	s20 =	sshll.u32 s5, $0x1;
	s5 =	sadd.s32 s21, s3  }
0x9d: {  	[timem:s7], [sflag:s22] =	dma.local [hbm:s5], s20  }
0x9e: {  	_ =	swait.ge [sflag:s22], s20  }
0x9f: {  	s4 =	ssub.s32 $0x0, s20;
	[sflag:s22] =	ssyncset.done $0x0  }
0xa0: {  	[sflag:s22] =	ssyncadd.s32 s4;
	_ =	sdelay $0x1  }
0xa1: {  	s23 =	simm.s32 $0x1B8B  }
0xa2: {  	_ =	swait.ge [sflag:s23], $0x1  }
0xa3: {  	[sflag:s23] =	ssyncset.done $0x0  }
0xa4: {  	s25 =	simm.s32 $0x1B8E;
	s24 =	sld [smem:$0x3FFE];
	[sflag:s23] =	ssyncadd.s32 $0xFFFFFFFF  }
0xa5: {  	s26 =	simm.s32 $execute0_lowered;
	[smem:$0x3FD2] =	sst s25  }
0xa6: {  	s5 =	sshll.u32 s26, $0x1;
	_ =	strace $0x80000046;
	[dreg:$0x1] =	wrdreg $0xFFFFFFFF  }
0xa7: {  	s28 =	simm.s32 $_size_execute0_lowered;
	s3 =	sadd.s32 s3, s5;
	[dreg:$0x0] =	wrdreg $0x0  }
0xa8: {  	s5 =	sshll.u32 s28, $0x1;
	[dreg:$0x2] =	wrdreg s3  }
0xa9: {  	[dreg:$0x3] =	wrdreg s5  }
0xaa: {  	[dreg:$0x4] =	wrdreg $0xC0  }
0xab: {  	_ =	task [dreg:s7], $0x5FFFF  }
0xac: {  	[dreg:$0x1] =	wrdreg $0xFFFFFFFF  }
0xad: {  	[dreg:$0x0] =	wrdreg $0x60  }
0xae: {  	[dreg:$0x2] =	wrdreg s2  }
0xaf: {  	[dreg:$0x3] =	wrdreg s24  }
0xb0: {  	[dreg:$0x4] =	wrdreg $0x156000  }
0xb1: {  	[dreg:$0x5] =	wrdreg $0x9  }
0xb2: {  	_ =	task.clear_ibuf [dreg:s7], $0x6FFFF;
	_ =	strace $0x90000046  }
0xb3: {  	s29 =	simm.s32 $0x9;
	_ =	strace $0x80000048  }
0xb4: {  	_ =	swait.ge [sflag:s29], $0x1  }
0xb5: {  	[sflag:s29] =	ssyncadd.s32 $0xFFFFFFFF  }
0xb6: {  	_ =	strace $0x90000048  }
0xb7: {  	_ =	sfence  }
0xb8: {  	s30 =	sld [smem:$0x0];
	_ =	sdelay $0x2  }
0xb9: {  	s31 =	sshll.u32 s1, $0xD;
	s1 =	sshrl.u32 s1, $0x2  }
0xba: {  	s3 =	sand.u32 $0x4000, s31;
	s1 =	sadd.s32 s1, s30  }
0xbb: {  	s0 =	sor.u32 s3, s0;
	s1 =	sshll.u32 s1, $0x11  }
0xbc: {  	s0 =	sor.u32 s1, s0  }
0xbd: {  	s0 =	sadd.s32 $0x8F2B, s0  }
0xbe: {  	[sflag:s0] =	ssyncadd.remote.s32 $0x1  }
0xbf: {  	_ =	sfence.sel $0xFFFF  }
0xc0: {  	[dreg:$0x0] =	wrdreg $0xFFFFFFFF;
	(pc) =	sbr.abs _section_cstart, $3  }
0xc1: {  	[dreg:$0x1] =	wrdreg $0xFFFFFFFF  }
0xc2: {  	_ =	task.clear_ibuf [dreg:s7], $0x2FFFF;
	_ =	strace $0x9FFFFFFF  }
0xc3: {  	(tm) =	ssettm $0x7FFFFFFF  }
tec
execute0_lowered:
.L_overlay_start_1:
0x0: {  	(tag) =	ssettag $0x1  }
0x1: {  	s2 =	rddreg [dreg:$0x0]  }
0x2: {  	s0 =	rddreg [dreg:$0x1]  }
0x3: {  	s3 =	rddreg [dreg:$0x2];
	s11 =	stileid.u32  }
0x4: {  	s4 =	simm.s32 $0x0;
	s1 =	srdreg.scid;
	s5 =	smul.u32 $0x2710, s11  }
0x5: {  	s28 =	simm.s32 $0x1;
	[smem:$0x7FF] =	sst s4;
	s4 =	smul.u32 $0x140, s11  }
0x6: {  	s29 =	simm.s32 $0x5480;
	s30 =	simm.s32 $0x6;
	s8 =	smul.u32 $0x1400, s11  }
0x7: {  	s31 =	simm.s32 $0x5400;
	s1 =	sand.u32 $0x1, s1;
	s15 =	smul.u32 $0x28000, s11  }
0x8: {  	p0 =	seq.s32 s11, $0xF;
	s18 =	sshll.u32 s11, $0x6;
	s19 =	smul.u32 $0x138800, s11  }
0x9: {  	s11 =	simm.s32 $0x0;
	s7 =	smul.u32 $0x1388, s1;
	_ =	strace $0x80000047  }
0xa: {  	s1 =	ssub.s32 $0x2, s1;
	s6 =	sshrl.u32 s5, $0x3;
	s4 =	simm.s32 @p0 $0x1248  }
0xb: {  	v8 =	vlaneseq.u32;
	vm0 =	vcmask $0x300;
	v42 =	vimm.f32 $0.0e+00;
	s8 =	sadd.s32 s8, s0;
	s16 =	sshrl.u32 s1, $0x1;
	s17 =	sshrl.u32 s15, $0x2  }
0xc: {  	v0 =	vmul.u32 $0x2, v8;
	v2 =	vadd.s32 $0x1398, v8;
	v4 =	vadd.s32 $0x13A8, v8;
	s23 =	sshrl.u32 s19, $0x3;
	s19 =	simm.s32 $0x4;
	s9 =	sadd.s32 s6, s0  }
0xd: {  	v6 =	vadd.s32 $0x13B8, v8;
	v8 =	vadd.s32 $0x1388, v8;
	v45 =	vsel vm0, $0x3F800000, v42;
	s6 =	sadd.s32 $0xB800, s0;
	s10 =	sadd.s32 s7, s4;
	s1 =	ssub.s32 s1, s16  }
0xe: {  	v3 =	vor.u32 $0x20, v0;
	v5 =	vor.u32 $0x40, v0;
	v1 =	vmov s7;
	s15 =	sadd.s32 $0x27C800, s8;
	s7 =	sadd.s32 s17, s3;
	s16 =	sor.u32 $0x1C07, s18  }
0xf: {  	v7 =	vor.u32 $0x60, v0;
	v9 =	vor.u32 $0x80, v0;
	v10 =	vor.u32 $0xA0, v0;
	s4 =	sshll.u32 s4, $0x7;
	s18 =	simm.s32 $0x7;
	s14 =	sshll.u32 s10, $0x4  }
0x10: {  	v11 =	vor.u32 $0xC0, v0;
	v12 =	vor.u32 $0xE0, v0;
	v13 =	vor.u32 $0x100, v0;
	s20 =	sadd.s32 $0x6800, s9;
	s21 =	sadd.s32 $0x1800, s9;
	[dreg:$0x4] =	wrdreg s15  }
0x11: {  	v14 =	vor.u32 $0x120, v0;
	v15 =	vor.u32 $0x140, v0;
	v16 =	vor.u32 $0x160, v0;
	s4 =	sadd.s32 s4, s3;
	s25 =	sadd.s32 s6, s23;
	[dreg:$0x5] =	wrdreg s20  }
0x12: {  	v17 =	vor.u32 $0x180, v0;
	v18 =	vor.u32 $0x1A0, v0;
	v19 =	vor.u32 $0x1C0, v0;
	s26 =	smax.u32 s1, $0x1;
	s17 =	sshrl.u32 s7, $0x3;
	[dreg:$0x6] =	wrdreg s21  }
0x13: {  	v20 =	vor.u32 $0x1E0, v0;
	v21 =	vor.u32 $0x200, v0;
	v22 =	vor.u32 $0x220, v0;
	s23 =	simm.s32 $0x5300;
	s1 =	simm.s32 $0x5500;
	[dreg:$0x8] =	wrdreg s4  }
0x14: {  	v23 =	vor.u32 $0x240, v0;
	v24 =	vor.u32 $0x260, v0;
	v25 =	vor.u32 $0x280, v0;
	s9 =	simm.s32 $0x5;
	s10 =	simm.s32 $0x11600;
	[dreg:$0xc] =	wrdreg s26  }
0x15: {  	v26 =	vor.u32 $0x2A0, v0;
	v27 =	vor.u32 $0x2C0, v0;
	v28 =	vor.u32 $0x2E0, v0;
	s0 =	sadd.s32 s14, s0;
	s4 =	sadd.s32 $0x27000, s25;
	[dreg:$0xd] =	wrdreg s17  }
0x16: {  	v29 =	vor.u32 $0x300, v0;
	v30 =	vor.u32 $0x320, v0;
	v31 =	vor.u32 $0x340, v0;
	s20 =	simm.s32 $0x80;
	s22 =	sadd.s32 $0x290800, s0;
	[dreg:$0xa] =	wrdreg s4  }
0x17: {  	v32 =	vor.u32 $0x360, v0;
	v33 =	vor.u32 $0x380, v0;
	v34 =	vor.u32 $0x3A0, v0;
	s21 =	simm.s32 $0x5580;
	s24 =	sadd.s32 $0x2B7A00, s0;
	[dreg:$0x7] =	wrdreg s22  }
0x18: {  	v35 =	vor.u32 $0x3C0, v0;
	v36 =	vor.u32 $0x3E0, v0;
	v37 =	vor.u32 $0x400, v0;
	s25 =	simm.s32 $0x5380;
	s0 =	sadd.s32 $0x2DEC00, s0;
	[dreg:$0x9] =	wrdreg s24  }
0x19: {  	v38 =	vor.u32 $0x420, v0;
	v39 =	vor.u32 $0x440, v0;
	v40 =	vor.u32 $0x460, v0;
	s26 =	simm.s32 $0x9600;
	s4 =	simm.s32 $0x3;
	[dreg:$0xb] =	wrdreg s0  }
0x1a: {  	v41 =	vor.u32 $0x480, v0;
	v43 =	vor.u32 $0x4A0, v0;
	v44 =	vor.u32 $0x4C0, v0;
	s22 =	simm.s32 $0xD600;
	s24 =	simm.s32 $0x5600;
	s0 =	simm.s32 $0x2  }
.LBB2_1:
0x1b: {  	[spmem:s17], [sflag:s16] =	dma.local [hbm:s15], $0x1400  }
0x1c: {  	_ =	swait.ge [sflag:s18], $0x1400  }
0x1d: {  	[sflag:s18] =	ssyncset.done $0x0  }
0x1e: {  	s7 =	simm.s32 $0x0;
	s8 =	rddreg [dreg:$0x5];
	[sflag:s18] =	ssyncadd.s32 $0xFFFFEC00  }
0x1f: {  	[tilespmem:s7], [sflag:$0x7] =	stream.linear.gather [hbm4b:s8+s7], $0x2710, $0x38;
	[tilespmem:$0x1F600] =	vst v63  }
0x20: {  	_ =	swait.ge [sflag:s18], $0x2710  }
0x21: {  	[sflag:s18] =	ssyncset.done $0x0  }
0x22: {  	s12 =	simm.s32 $0x2980;
	s14 =	rddreg [dreg:$0x6];
	[sflag:s18] =	ssyncadd.s32 $0xFFFFD8F0  }
0x23: {  	[tilespmem:s12], [sflag:$0x7] =	stream.linear.gather [hbm4b:s14+s7], $0x2710, $0x38;
	[tilespmem:$0x1F600] =	vst v63  }
0x24: {  	_ =	swait.ge [sflag:s18], $0x2710  }
0x25: {  	[sflag:s18] =	ssyncset.done $0x0  }
0x26: {  	[sflag:s18] =	ssyncadd.s32 $0xFFFFD8F0  }
0x27: {  	[tilespmem:$0x2710] =	vst v0  }
0x28: {  	[tilespmem:$0x5090] =	vst v2  }
0x29: {  	[tilespmem:$0x2720] =	vst v3  }
0x2a: {  	[tilespmem:$0x50A0] =	vst v4  }
0x2b: {  	[tilespmem:$0x2730] =	vst v5  }
0x2c: {  	[tilespmem:$0x50B0] =	vst v6  }
0x2d: {  	[tilespmem:$0x2740] =	vst v7  }
0x2e: {  	[tilespmem:$0x50C0] =	vst v8  }
0x2f: {  	[tilespmem:$0x2750] =	vst v9  }
0x30: {  	[tilespmem:$0x50D0] =	vst v2  }
0x31: {  	[tilespmem:$0x2760] =	vst v10  }
0x32: {  	[tilespmem:$0x50E0] =	vst v4  }
0x33: {  	[tilespmem:$0x2770] =	vst v11  }
0x34: {  	[tilespmem:$0x50F0] =	vst v6  }
0x35: {  	[tilespmem:$0x2780] =	vst v12  }
0x36: {  	[tilespmem:$0x5100] =	vst v8  }
0x37: {  	[tilespmem:$0x2790] =	vst v13  }
0x38: {  	[tilespmem:$0x5110] =	vst v2  }
0x39: {  	[tilespmem:$0x27A0] =	vst v14  }
0x3a: {  	[tilespmem:$0x5120] =	vst v4  }
0x3b: {  	[tilespmem:$0x27B0] =	vst v15  }
0x3c: {  	[tilespmem:$0x5130] =	vst v6  }
0x3d: {  	[tilespmem:$0x27C0] =	vst v16  }
0x3e: {  	[tilespmem:$0x5140] =	vst v8  }
0x3f: {  	[tilespmem:$0x27D0] =	vst v17  }
0x40: {  	[tilespmem:$0x5150] =	vst v2  }
0x41: {  	[tilespmem:$0x27E0] =	vst v18  }
0x42: {  	[tilespmem:$0x5160] =	vst v4  }
0x43: {  	[tilespmem:$0x27F0] =	vst v19  }
0x44: {  	[tilespmem:$0x5170] =	vst v6  }
0x45: {  	[tilespmem:$0x2800] =	vst v20  }
0x46: {  	[tilespmem:$0x5180] =	vst v8  }
0x47: {  	[tilespmem:$0x2810] =	vst v21  }
0x48: {  	[tilespmem:$0x5190] =	vst v2  }
0x49: {  	[tilespmem:$0x2820] =	vst v22  }
0x4a: {  	[tilespmem:$0x51A0] =	vst v4  }
0x4b: {  	[tilespmem:$0x2830] =	vst v23  }
0x4c: {  	[tilespmem:$0x51B0] =	vst v6  }
0x4d: {  	[tilespmem:$0x2840] =	vst v24  }
0x4e: {  	[tilespmem:$0x51C0] =	vst v8  }
0x4f: {  	[tilespmem:$0x2850] =	vst v25  }
0x50: {  	[tilespmem:$0x51D0] =	vst v2  }
0x51: {  	[tilespmem:$0x2860] =	vst v26  }
0x52: {  	[tilespmem:$0x51E0] =	vst v4  }
0x53: {  	[tilespmem:$0x2870] =	vst v27  }
0x54: {  	[tilespmem:$0x51F0] =	vst v6  }
0x55: {  	[tilespmem:$0x2880] =	vst v28  }
0x56: {  	[tilespmem:$0x5200] =	vst v8  }
0x57: {  	[tilespmem:$0x2890] =	vst v29  }
0x58: {  	[tilespmem:$0x5210] =	vst v2  }
0x59: {  	[tilespmem:$0x28A0] =	vst v30  }
0x5a: {  	[tilespmem:$0x5220] =	vst v4  }
0x5b: {  	[tilespmem:$0x28B0] =	vst v31  }
0x5c: {  	[tilespmem:$0x5230] =	vst v6  }
0x5d: {  	[tilespmem:$0x28C0] =	vst v32  }
0x5e: {  	[tilespmem:$0x5240] =	vst v8  }
0x5f: {  	[tilespmem:$0x28D0] =	vst v33  }
0x60: {  	[tilespmem:$0x5250] =	vst v2  }
0x61: {  	[tilespmem:$0x28E0] =	vst v34  }
0x62: {  	[tilespmem:$0x5260] =	vst v4  }
0x63: {  	[tilespmem:$0x28F0] =	vst v35  }
0x64: {  	[tilespmem:$0x5270] =	vst v6  }
0x65: {  	[tilespmem:$0x2900] =	vst v36  }
0x66: {  	[tilespmem:$0x5280] =	vst v8  }
0x67: {  	[tilespmem:$0x2910] =	vst v37  }
0x68: {  	[tilespmem:$0x5290] =	vst v2  }
0x69: {  	[tilespmem:$0x2920] =	vst v38  }
0x6a: {  	[tilespmem:$0x52A0] =	vst v4  }
0x6b: {  	[tilespmem:$0x2930] =	vst v39  }
0x6c: {  	[tilespmem:$0x52B0] =	vst v6  }
0x6d: {  	[tilespmem:$0x2940] =	vst v40  }
0x6e: {  	[tilespmem:$0x52C0] =	vst v8  }
0x6f: {  	[tilespmem:$0x2950] =	vst v41  }
0x70: {  	[tilespmem:$0x52D0] =	vst v2  }
0x71: {  	[tilespmem:$0x2960] =	vst v43  }
0x72: {  	[tilespmem:$0x52E0] =	vst v4  }
0x73: {  	[tilespmem:$0x2970] =	vst v44  }
0x74: {  	s13 =	simm.s32 $0x40;
	s12 =	simm.s32 $0x0;
	[tilespmem:$0x52F0] =	vst v6  }
.LBB2_2:
0x75: {  	p0 =	sne.s32 s13, $0x9C00;
	v46 =	vld [tilespmem:s12+$0x2980]  }
0x76: {  	v47 =	vld [tilespmem:s12+$0x0];
	_ =	sdelay $0x2  }
.Ltmp0:
0x77: {  	(pc) =	sbr.rel @p0 .LBB2_2-.Ltmp0, $4  }
0x78: {  	v48 =	vsub.s32 v46, v1;
	v46 =	vand.u32 $0x3F, v46  }
0x79: {  	vm0 =	vlt.u32 v48, $0x1388;
	v47 =	vshll.u32 v47, $0x1;
	v46 =	vadd.s32 $0x1388, v46  }
0x7a: {  	[tilespmem:s12+$0x0] =	vst v47;
	v46 =	vsel vm0, v48, v46  }
0x7b: {  	[tilespmem:s12+$0x2980] =	vst v46;
	s12 =	sshra.s32 s13, $0x2;
	s13 =	sadd.s32 $0x40, s13  }
0x7c: {  	v46 =	vld [tilespmem:s12+$0x2980]  }
0x7d: {  	v47 =	vld [tilespmem:s12+$0x0];
	_ =	sdelay $0x3  }
0x7e: {  	v48 =	vsub.s32 v46, v1;
	v46 =	vand.u32 $0x3F, v46  }
0x7f: {  	v47 =	vshll.u32 v47, $0x1;
	vm0 =	vlt.u32 v48, $0x1388;
	v46 =	vadd.s32 $0x1388, v46  }
0x80: {  	[tilespmem:s12+$0x0] =	vst v47;
	v46 =	vsel vm0, v48, v46  }
0x81: {  	[tilespmem:s12+$0x2980] =	vst v46  }
0x82: {  	[bflag:$0x0] =	sbarrier.arrive $0xFFFF  }
0x83: {  	v62 =	vld [tilespmem:$0x5280]  }
0x84: {  	v63 =	vld [tilespmem:$0x5290]  }
0x85: {  	v52 =	vld [tilespmem:$0x52A0]  }
0x86: {  	v49 =	vld [tilespmem:$0x52B0]  }
0x87: {  	v50 =	vld [tilespmem:$0x52C0]  }
0x88: {  	v53 =	vld [tilespmem:$0x52D0];
	[tilespmem:$0x5580] =	vst v62  }
0x89: {  	v54 =	vld [tilespmem:$0x52E0];
	[tilespmem:$0x5590] =	vst v63  }
0x8a: {  	v55 =	vld [tilespmem:$0x52F0];
	[tilespmem:$0x55A0] =	vst v52  }
0x8b: {  	[tilespmem:$0x55B0] =	vst v49  }
0x8c: {  	[tilespmem:$0x55C0] =	vst v50  }
0x8d: {  	[tilespmem:$0x55D0] =	vst v53  }
0x8e: {  	[tilespmem:$0x55E0] =	vst v54  }
0x8f: {  	[tilespmem:$0x55F0] =	vst v55  }
0x90: {  	[spmem:s3] =	stream.indirect.scatter.add.f32 [tilespmem:s22], [sflag:$0x6], $0x80, s21, s20, $0xb8;
	[tilespmem:$0x1F600] =	vst v63  }
0x91: {  	v56 =	vld [tilespmem:$0x0]  }
0x92: {  	v57 =	vld [tilespmem:$0x10]  }
0x93: {  	v58 =	vld [tilespmem:$0x20]  }
0x94: {  	v59 =	vld [tilespmem:$0x30]  }
0x95: {  	v60 =	vld [tilespmem:$0x40]  }
0x96: {  	v61 =	vld [tilespmem:$0x50];
	[tilespmem:$0x5300] =	vst v56  }
0x97: {  	v62 =	vld [tilespmem:$0x60];
	[tilespmem:$0x5310] =	vst v57  }
0x98: {  	v63 =	vld [tilespmem:$0x70];
	[tilespmem:$0x5320] =	vst v58  }
0x99: {  	v52 =	vld [tilespmem:$0x2980];
	[tilespmem:$0x5330] =	vst v59  }
0x9a: {  	v53 =	vld [tilespmem:$0x2990];
	[tilespmem:$0x5340] =	vst v60  }
0x9b: {  	v54 =	vld [tilespmem:$0x29A0];
	[tilespmem:$0x5350] =	vst v61  }
0x9c: {  	v55 =	vld [tilespmem:$0x29B0];
	[tilespmem:$0x5360] =	vst v62  }
0x9d: {  	[tilespmem:$0x5370] =	vst v63;
	v56 =	vld [tilespmem:$0x29C0]  }
0x9e: {  	[tilespmem:$0x5480] =	vst v52;
	v57 =	vld [tilespmem:$0x29D0]  }
0x9f: {  	[tilespmem:$0x5490] =	vst v53;
	v58 =	vld [tilespmem:$0x29E0]  }
0xa0: {  	[tilespmem:$0x54A0] =	vst v54;
	v59 =	vld [tilespmem:$0x29F0]  }
0xa1: {  	[tilespmem:$0x54B0] =	vst v55  }
0xa2: {  	[tilespmem:$0x54C0] =	vst v56  }
0xa3: {  	[tilespmem:$0x54D0] =	vst v57  }
0xa4: {  	[tilespmem:$0x54E0] =	vst v58  }
0xa5: {  	[tilespmem:$0x54F0] =	vst v59  }
0xa6: {  	[tilespmem:s24], [sflag:$0x1] =	stream.indirect.gather [hbm4b:s2+s20], $0x80, s23, s20, $0xb8;
	[tilespmem:$0x1F600] =	vst v63  }
0xa7: {  	v60 =	vld [tilespmem:$0x80]  }
0xa8: {  	v61 =	vld [tilespmem:$0x90]  }
0xa9: {  	v62 =	vld [tilespmem:$0xA0]  }
0xaa: {  	v63 =	vld [tilespmem:$0xB0]  }
0xab: {  	v52 =	vld [tilespmem:$0xC0]  }
0xac: {  	v53 =	vld [tilespmem:$0xD0];
	[tilespmem:$0x5380] =	vst v60  }
0xad: {  	v54 =	vld [tilespmem:$0xE0];
	[tilespmem:$0x5390] =	vst v61  }
0xae: {  	v55 =	vld [tilespmem:$0xF0];
	[tilespmem:$0x53A0] =	vst v62  }
0xaf: {  	v56 =	vld [tilespmem:$0x2A00];
	[tilespmem:$0x53B0] =	vst v63  }
0xb0: {  	v57 =	vld [tilespmem:$0x2A10];
	[tilespmem:$0x53C0] =	vst v52  }
0xb1: {  	v58 =	vld [tilespmem:$0x2A20];
	[tilespmem:$0x53D0] =	vst v53  }
0xb2: {  	v59 =	vld [tilespmem:$0x2A30];
	[tilespmem:$0x53E0] =	vst v54  }
0xb3: {  	[tilespmem:$0x53F0] =	vst v55;
	v60 =	vld [tilespmem:$0x2A40]  }
0xb4: {  	[tilespmem:$0x5500] =	vst v56;
	v61 =	vld [tilespmem:$0x2A50]  }
0xb5: {  	[tilespmem:$0x5510] =	vst v57;
	v62 =	vld [tilespmem:$0x2A60]  }
0xb6: {  	[tilespmem:$0x5520] =	vst v58;
	v63 =	vld [tilespmem:$0x2A70]  }
0xb7: {  	[tilespmem:$0x5530] =	vst v59  }
0xb8: {  	[tilespmem:$0x5540] =	vst v60  }
0xb9: {  	[tilespmem:$0x5550] =	vst v61  }
0xba: {  	[tilespmem:$0x5560] =	vst v62  }
0xbb: {  	s12 =	simm.s32 $0x9C0;
	[tilespmem:$0x5570] =	vst v63  }
0xbc: {  	[tilespmem:s26], [sflag:$0x2] =	stream.indirect.gather [hbm4b:s2+s20], $0x80, s25, s20, $0xb8;
	[tilespmem:$0x1F600] =	vst v63  }
.LBB2_4:
0xbd: {  	_ =	swait.ge [sflag:s28], $0x4000  }
0xbe: {  	[sflag:s28] =	ssyncset.done $0x0  }
0xbf: {  	[sflag:s28] =	ssyncadd.s32 $0xFFFFC000  }
0xc0: {  	[spmem:s3] =	stream.indirect.scatter.add.f32 [tilespmem:s24], [sflag:$0x4], $0x80, s29, s20, $0xb8;
	[tilespmem:$0x1F600] =	vst v63  }
0xc1: {  	_ =	swait.ge [sflag:s30], $0x4000  }
0xc2: {  	[sflag:s30] =	ssyncset.done $0x0  }
0xc3: {  	s13 =	sshra.s32 s12, $0x2;
	[sflag:s30] =	ssyncadd.s32 $0xFFFFC000  }
0xc4: {  	v46 =	vld [tilespmem:s13+$0xFFFFFE90];
	_ =	sdelay $0x4  }
0xc5: {  	[tilespmem:$0x5400] =	vst v46  }
0xc6: {  	v46 =	vld [tilespmem:s13+$0xFFFFFEA0];
	_ =	sdelay $0x4  }
0xc7: {  	[tilespmem:$0x5410] =	vst v46  }
0xc8: {  	v46 =	vld [tilespmem:s13+$0xFFFFFEB0];
	_ =	sdelay $0x4  }
0xc9: {  	[tilespmem:$0x5420] =	vst v46  }
0xca: {  	v46 =	vld [tilespmem:s13+$0xFFFFFEC0];
	_ =	sdelay $0x4  }
0xcb: {  	[tilespmem:$0x5430] =	vst v46  }
0xcc: {  	v46 =	vld [tilespmem:s13+$0xFFFFFED0];
	_ =	sdelay $0x4  }
0xcd: {  	[tilespmem:$0x5440] =	vst v46  }
0xce: {  	v46 =	vld [tilespmem:s13+$0xFFFFFEE0];
	_ =	sdelay $0x4  }
0xcf: {  	[tilespmem:$0x5450] =	vst v46  }
0xd0: {  	v46 =	vld [tilespmem:s13+$0xFFFFFEF0];
	_ =	sdelay $0x4  }
0xd1: {  	[tilespmem:$0x5460] =	vst v46  }
0xd2: {  	v46 =	vld [tilespmem:s13+$0xFFFFFF00];
	_ =	sdelay $0x4  }
0xd3: {  	[tilespmem:$0x5470] =	vst v46  }
0xd4: {  	v46 =	vld [tilespmem:s13+$0x2810];
	_ =	sdelay $0x4  }
0xd5: {  	[tilespmem:$0x5580] =	vst v46  }
0xd6: {  	v46 =	vld [tilespmem:s13+$0x2820];
	_ =	sdelay $0x4  }
0xd7: {  	[tilespmem:$0x5590] =	vst v46  }
0xd8: {  	v46 =	vld [tilespmem:s13+$0x2830];
	_ =	sdelay $0x4  }
0xd9: {  	[tilespmem:$0x55A0] =	vst v46  }
0xda: {  	v46 =	vld [tilespmem:s13+$0x2840];
	_ =	sdelay $0x4  }
0xdb: {  	[tilespmem:$0x55B0] =	vst v46  }
0xdc: {  	v46 =	vld [tilespmem:s13+$0x2850];
	_ =	sdelay $0x4  }
0xdd: {  	[tilespmem:$0x55C0] =	vst v46  }
0xde: {  	v46 =	vld [tilespmem:s13+$0x2860];
	_ =	sdelay $0x4  }
0xdf: {  	[tilespmem:$0x55D0] =	vst v46  }
0xe0: {  	v46 =	vld [tilespmem:s13+$0x2870];
	_ =	sdelay $0x4  }
0xe1: {  	[tilespmem:$0x55E0] =	vst v46  }
0xe2: {  	v46 =	vld [tilespmem:s13+$0x2880];
	_ =	sdelay $0x4  }
0xe3: {  	[tilespmem:$0x55F0] =	vst v46  }
0xe4: {  	[tilespmem:s22], [sflag:$0x3] =	stream.indirect.gather [hbm4b:s2+s20], $0x80, s31, s20, $0xb8;
	[tilespmem:$0x1F600] =	vst v63  }
0xe5: {  	_ =	swait.ge [sflag:s0], $0x4000  }
0xe6: {  	[sflag:s0] =	ssyncset.done $0x0  }
0xe7: {  	[sflag:s0] =	ssyncadd.s32 $0xFFFFC000  }
0xe8: {  	[spmem:s3] =	stream.indirect.scatter.add.f32 [tilespmem:s26], [sflag:$0x5], $0x80, s1, s20, $0xb8;
	[tilespmem:$0x1F600] =	vst v63  }
0xe9: {  	_ =	swait.ge [sflag:s19], $0x4000  }
0xea: {  	[sflag:s19] =	ssyncset.done $0x0  }
0xeb: {  	[sflag:s19] =	ssyncadd.s32 $0xFFFFC000  }
0xec: {  	v62 =	vld [tilespmem:s13+$0xFFFFFF10];
	_ =	sdelay $0x4  }
0xed: {  	[tilespmem:$0x5300] =	vst v62  }
0xee: {  	v46 =	vld [tilespmem:s13+$0xFFFFFF20];
	_ =	sdelay $0x4  }
0xef: {  	[tilespmem:$0x5310] =	vst v46  }
0xf0: {  	v46 =	vld [tilespmem:s13+$0xFFFFFF30];
	_ =	sdelay $0x4  }
0xf1: {  	[tilespmem:$0x5320] =	vst v46  }
0xf2: {  	v46 =	vld [tilespmem:s13+$0xFFFFFF40];
	_ =	sdelay $0x4  }
0xf3: {  	[tilespmem:$0x5330] =	vst v46  }
0xf4: {  	v46 =	vld [tilespmem:s13+$0xFFFFFF50];
	_ =	sdelay $0x4  }
0xf5: {  	[tilespmem:$0x5340] =	vst v46  }
0xf6: {  	v46 =	vld [tilespmem:s13+$0xFFFFFF60];
	_ =	sdelay $0x4  }
0xf7: {  	[tilespmem:$0x5350] =	vst v46  }
0xf8: {  	v46 =	vld [tilespmem:s13+$0xFFFFFF70];
	_ =	sdelay $0x4  }
0xf9: {  	[tilespmem:$0x5360] =	vst v46  }
0xfa: {  	v46 =	vld [tilespmem:s13+$0xFFFFFF80];
	_ =	sdelay $0x4  }
0xfb: {  	[tilespmem:$0x5370] =	vst v46  }
0xfc: {  	v46 =	vld [tilespmem:s13+$0x2890];
	_ =	sdelay $0x4  }
0xfd: {  	[tilespmem:$0x5480] =	vst v46  }
0xfe: {  	v46 =	vld [tilespmem:s13+$0x28A0];
	_ =	sdelay $0x4  }
0xff: {  	[tilespmem:$0x5490] =	vst v46  }
0x100: {  	v46 =	vld [tilespmem:s13+$0x28B0];
	_ =	sdelay $0x4  }
0x101: {  	[tilespmem:$0x54A0] =	vst v46  }
0x102: {  	v46 =	vld [tilespmem:s13+$0x28C0];
	_ =	sdelay $0x4  }
0x103: {  	[tilespmem:$0x54B0] =	vst v46  }
0x104: {  	v46 =	vld [tilespmem:s13+$0x28D0];
	_ =	sdelay $0x4  }
0x105: {  	[tilespmem:$0x54C0] =	vst v46  }
0x106: {  	v46 =	vld [tilespmem:s13+$0x28E0];
	_ =	sdelay $0x4  }
0x107: {  	[tilespmem:$0x54D0] =	vst v46  }
0x108: {  	v46 =	vld [tilespmem:s13+$0x28F0];
	_ =	sdelay $0x4  }
0x109: {  	[tilespmem:$0x54E0] =	vst v46  }
0x10a: {  	v46 =	vld [tilespmem:s13+$0x2900];
	_ =	sdelay $0x4  }
0x10b: {  	[tilespmem:$0x54F0] =	vst v46  }
0x10c: {  	[tilespmem:s24], [sflag:$0x1] =	stream.indirect.gather [hbm4b:s2+s20], $0x80, s23, s20, $0xb8;
	[tilespmem:$0x1F600] =	vst v63  }
0x10d: {  	_ =	swait.ge [sflag:s4], $0x4000  }
0x10e: {  	[sflag:s4] =	ssyncset.done $0x0  }
0x10f: {  	[sflag:s4] =	ssyncadd.s32 $0xFFFFC000  }
0x110: {  	[spmem:s3] =	stream.indirect.scatter.add.f32 [tilespmem:s22], [sflag:$0x6], $0x80, s21, s20, $0xb8;
	[tilespmem:$0x1F600] =	vst v63  }
0x111: {  	_ =	swait.ge [sflag:s9], $0x4000  }
0x112: {  	[sflag:s9] =	ssyncset.done $0x0  }
0x113: {  	[sflag:s9] =	ssyncadd.s32 $0xFFFFC000  }
0x114: {  	v63 =	vld [tilespmem:s13+$0xFFFFFF90];
	_ =	sdelay $0x4  }
0x115: {  	[tilespmem:$0x5380] =	vst v63  }
0x116: {  	v46 =	vld [tilespmem:s13+$0xFFFFFFA0];
	_ =	sdelay $0x4  }
0x117: {  	[tilespmem:$0x5390] =	vst v46  }
0x118: {  	v46 =	vld [tilespmem:s13+$0xFFFFFFB0];
	_ =	sdelay $0x4  }
0x119: {  	[tilespmem:$0x53A0] =	vst v46  }
0x11a: {  	v46 =	vld [tilespmem:s13+$0xFFFFFFC0];
	_ =	sdelay $0x4  }
0x11b: {  	[tilespmem:$0x53B0] =	vst v46  }
0x11c: {  	v46 =	vld [tilespmem:s13+$0xFFFFFFD0];
	_ =	sdelay $0x4  }
0x11d: {  	[tilespmem:$0x53C0] =	vst v46  }
0x11e: {  	v46 =	vld [tilespmem:s13+$0xFFFFFFE0];
	_ =	sdelay $0x4  }
0x11f: {  	[tilespmem:$0x53D0] =	vst v46  }
0x120: {  	v46 =	vld [tilespmem:s13+$0xFFFFFFF0];
	_ =	sdelay $0x4  }
0x121: {  	[tilespmem:$0x53E0] =	vst v46  }
0x122: {  	v46 =	vld [tilespmem:s13+$0x0];
	_ =	sdelay $0x4  }
0x123: {  	[tilespmem:$0x53F0] =	vst v46  }
0x124: {  	v46 =	vld [tilespmem:s13+$0x2910];
	_ =	sdelay $0x4  }
0x125: {  	[tilespmem:$0x5500] =	vst v46  }
0x126: {  	v46 =	vld [tilespmem:s13+$0x2920];
	_ =	sdelay $0x4  }
0x127: {  	[tilespmem:$0x5510] =	vst v46  }
0x128: {  	v46 =	vld [tilespmem:s13+$0x2930];
	_ =	sdelay $0x4  }
0x129: {  	[tilespmem:$0x5520] =	vst v46  }
0x12a: {  	v46 =	vld [tilespmem:s13+$0x2940];
	_ =	sdelay $0x4  }
0x12b: {  	[tilespmem:$0x5530] =	vst v46  }
0x12c: {  	v46 =	vld [tilespmem:s13+$0x2950];
	_ =	sdelay $0x4  }
0x12d: {  	[tilespmem:$0x5540] =	vst v46  }
0x12e: {  	v46 =	vld [tilespmem:s13+$0x2960];
	_ =	sdelay $0x4  }
0x12f: {  	[tilespmem:$0x5550] =	vst v46  }
0x130: {  	v46 =	vld [tilespmem:s13+$0x2970];
	_ =	sdelay $0x4  }
0x131: {  	[tilespmem:$0x5560] =	vst v46  }
0x132: {  	v46 =	vld [tilespmem:s13+$0x2980]  }
0x133: {  	p0 =	sne.s32 s12, $0xA5C0  }
.Ltmp1:
0x134: {  	_ = 	snop;
	(pc) =	sbr.rel @p0 .LBB2_4-.Ltmp1, $3  }
0x135: {  	_ =	sdelay $0x1  }
0x136: {  	s12 =	sadd.s32 $0x600, s12;
	[tilespmem:$0x5570] =	vst v46  }
0x137: {  	[tilespmem:s26], [sflag:$0x2] =	stream.indirect.gather [hbm4b:s2+s20], $0x80, s25, s20, $0xb8;
	[tilespmem:$0x1F600] =	vst v63  }
0x138: {  	_ =	swait.ge [sflag:s30], $0x4000  }
0x139: {  	[sflag:s30] =	ssyncset.done $0x0  }
0x13a: {  	[sflag:s30] =	ssyncadd.s32 $0xFFFFC000  }
0x13b: {  	_ =	swait.ge [sflag:s28], $0x4000  }
0x13c: {  	[sflag:s28] =	ssyncset.done $0x0  }
0x13d: {  	[sflag:s28] =	ssyncadd.s32 $0xFFFFC000  }
0x13e: {  	_ =	swait.ge [sflag:s0], $0x4000  }
0x13f: {  	[sflag:s0] =	ssyncset.done $0x0  }
0x140: {  	[sflag:s0] =	ssyncadd.s32 $0xFFFFC000  }
0x141: {  	[bflag:$0x0] =	sbarrier.arrive $0xFFFF  }
0x142: {  	s7 =	rddreg [dreg:$0x8]  }
0x143: {  	s14 =	rddreg [dreg:$0x7];
	s12 =	sshrl.u32 s7, $0x3  }
0x144: {  	[hbm:s14], [sflag:s16] =	dma.local [spmem:s12], $0x1400  }
0x145: {  	_ =	swait.ge [sflag:s18], $0x1400  }
0x146: {  	[sflag:s18] =	ssyncset.done $0x0  }
0x147: {  	[sflag:s18] =	ssyncadd.s32 $0xFFFFEC00  }
0x148: {  	[bflag:$0x0] =	sbarrier.arrive $0xFFFF  }
0x149: {  	[spmem:s17], [sflag:s16] =	dma.local [hbm:s15], $0x1400  }
0x14a: {  	_ =	swait.ge [sflag:s18], $0x1400  }
0x14b: {  	[sflag:s18] =	ssyncset.done $0x0  }
0x14c: {  	[sflag:s18] =	ssyncadd.s32 $0xFFFFEC00  }
0x14d: {  	[bflag:$0x0] =	sbarrier.arrive $0xFFFF  }
0x14e: {  	v46 =	vld [tilespmem:$0x5280]  }
0x14f: {  	v47 =	vld [tilespmem:$0x5290]  }
0x150: {  	v48 =	vld [tilespmem:$0x52A0]  }
0x151: {  	v49 =	vld [tilespmem:$0x52B0]  }
0x152: {  	v50 =	vld [tilespmem:$0x52C0]  }
0x153: {  	v53 =	vld [tilespmem:$0x52D0];
	[tilespmem:$0x5580] =	vst v46  }
0x154: {  	v54 =	vld [tilespmem:$0x52E0];
	[tilespmem:$0x5590] =	vst v47  }
0x155: {  	v55 =	vld [tilespmem:$0x52F0];
	[tilespmem:$0x55A0] =	vst v48  }
0x156: {  	[tilespmem:$0x55B0] =	vst v49  }
0x157: {  	[tilespmem:$0x55C0] =	vst v50  }
0x158: {  	[tilespmem:$0x55D0] =	vst v53  }
0x159: {  	[tilespmem:$0x55E0] =	vst v54  }
0x15a: {  	[tilespmem:$0x55F0] =	vst v55  }
0x15b: {  	[spmem:s3] =	stream.indirect.scatter.add.f32 [tilespmem:s22], [sflag:$0x6], $0x80, s21, s20, $0xb8;
	[tilespmem:$0x1F600] =	vst v63  }
0x15c: {  	v56 =	vld [tilespmem:$0x0]  }
0x15d: {  	v55 =	vld [tilespmem:$0x2980]  }
0x15e: {  	v57 =	vld [tilespmem:$0x10]  }
0x15f: {  	v58 =	vld [tilespmem:$0x20]  }
0x160: {  	v59 =	vld [tilespmem:$0x30]  }
0x161: {  	v60 =	vld [tilespmem:$0x40]  }
0x162: {  	v51 =	vld [tilespmem:$0x50];
	v46 =	vadd.s32 $0x1, v56;
	[tilespmem:$0x5480] =	vst v55  }
0x163: {  	v62 =	vld [tilespmem:$0x60];
	v61 =	vadd.s32 $0x1, v57;
	[tilespmem:$0x5300] =	vst v46  }
0x164: {  	v52 =	vld [tilespmem:$0x70];
	v63 =	vadd.s32 $0x1, v58;
	[tilespmem:$0x5310] =	vst v61  }
0x165: {  	v53 =	vadd.s32 $0x1, v59;
	[tilespmem:$0x5320] =	vst v63  }
0x166: {  	v54 =	vadd.s32 $0x1, v60;
	v57 =	vld [tilespmem:$0x2990];
	[tilespmem:$0x5330] =	vst v53  }
0x167: {  	v56 =	vadd.s32 $0x1, v51;
	v59 =	vld [tilespmem:$0x29A0];
	[tilespmem:$0x5340] =	vst v54  }
0x168: {  	v58 =	vadd.s32 $0x1, v62;
	v62 =	vld [tilespmem:$0x29C0];
	[tilespmem:$0x5350] =	vst v56  }
0x169: {  	v60 =	vadd.s32 $0x1, v52;
	v52 =	vld [tilespmem:$0x29E0];
	[tilespmem:$0x5360] =	vst v58  }
0x16a: {  	v61 =	vld [tilespmem:$0x29B0];
	[tilespmem:$0x5370] =	vst v60  }
0x16b: {  	v63 =	vld [tilespmem:$0x29D0];
	[tilespmem:$0x5490] =	vst v57  }
0x16c: {  	v53 =	vld [tilespmem:$0x29F0];
	[tilespmem:$0x54A0] =	vst v59  }
0x16d: {  	[tilespmem:$0x54C0] =	vst v62  }
0x16e: {  	[tilespmem:$0x54E0] =	vst v52  }
0x16f: {  	[tilespmem:$0x54B0] =	vst v61  }
0x170: {  	[tilespmem:$0x54D0] =	vst v63  }
0x171: {  	[tilespmem:$0x54F0] =	vst v53  }
0x172: {  	[tilespmem:s24], [sflag:$0x1] =	stream.indirect.gather [hbm4b:s2+s20], $0x80, s23, s20, $0xb8;
	[tilespmem:$0x1F600] =	vst v63  }
0x173: {  	v54 =	vld [tilespmem:$0x80]  }
0x174: {  	v53 =	vld [tilespmem:$0x2A00]  }
0x175: {  	v55 =	vld [tilespmem:$0x90]  }
0x176: {  	v56 =	vld [tilespmem:$0xA0]  }
0x177: {  	v57 =	vld [tilespmem:$0xB0]  }
0x178: {  	v58 =	vld [tilespmem:$0xC0]  }
0x179: {  	v59 =	vld [tilespmem:$0xD0];
	v46 =	vadd.s32 $0x1, v54;
	[tilespmem:$0x5500] =	vst v53  }
0x17a: {  	v61 =	vld [tilespmem:$0xE0];
	v60 =	vadd.s32 $0x1, v55;
	[tilespmem:$0x5380] =	vst v46  }
0x17b: {  	v63 =	vld [tilespmem:$0xF0];
	v62 =	vadd.s32 $0x1, v56;
	[tilespmem:$0x5390] =	vst v60  }
0x17c: {  	v49 =	vadd.s32 $0x1, v57;
	[tilespmem:$0x53A0] =	vst v62  }
0x17d: {  	v52 =	vadd.s32 $0x1, v58;
	v55 =	vld [tilespmem:$0x2A10];
	[tilespmem:$0x53B0] =	vst v49  }
0x17e: {  	v54 =	vadd.s32 $0x1, v59;
	v57 =	vld [tilespmem:$0x2A20];
	[tilespmem:$0x53C0] =	vst v52  }
0x17f: {  	v56 =	vadd.s32 $0x1, v61;
	v59 =	vld [tilespmem:$0x2A30];
	[tilespmem:$0x53D0] =	vst v54  }
0x180: {  	v58 =	vadd.s32 $0x1, v63;
	v61 =	vld [tilespmem:$0x2A50];
	[tilespmem:$0x53E0] =	vst v56  }
0x181: {  	v63 =	vld [tilespmem:$0x2A70];
	[tilespmem:$0x53F0] =	vst v58  }
0x182: {  	v60 =	vld [tilespmem:$0x2A40];
	[tilespmem:$0x5510] =	vst v55  }
0x183: {  	v62 =	vld [tilespmem:$0x2A60];
	[tilespmem:$0x5520] =	vst v57  }
0x184: {  	[tilespmem:$0x5530] =	vst v59  }
0x185: {  	[tilespmem:$0x5550] =	vst v61  }
0x186: {  	[tilespmem:$0x5570] =	vst v63  }
0x187: {  	[tilespmem:$0x5540] =	vst v60  }
0x188: {  	s13 =	simm.s32 $0x9C0;
	[tilespmem:$0x5560] =	vst v62  }
0x189: {  	[tilespmem:s26], [sflag:$0x2] =	stream.indirect.gather [hbm4b:s2+s20], $0x80, s25, s20, $0xb8;
	[tilespmem:$0x1F600] =	vst v63  }
.LBB2_6:
0x18a: {  	_ =	swait.ge [sflag:s28], $0x4000  }
0x18b: {  	[sflag:s28] =	ssyncset.done $0x0  }
0x18c: {  	[sflag:s28] =	ssyncadd.s32 $0xFFFFC000  }
0x18d: {  	[spmem:s3] =	stream.indirect.scatter.add.f32 [tilespmem:s24], [sflag:$0x4], $0x80, s29, s20, $0xb8;
	[tilespmem:$0x1F600] =	vst v63  }
0x18e: {  	_ =	swait.ge [sflag:s30], $0x4000  }
0x18f: {  	[sflag:s30] =	ssyncset.done $0x0  }
0x190: {  	s14 =	sshra.s32 s13, $0x2;
	[sflag:s30] =	ssyncadd.s32 $0xFFFFC000  }
0x191: {  	v46 =	vld [tilespmem:s14+$0xFFFFFE90];
	_ =	sdelay $0x4  }
0x192: {  	v46 =	vadd.s32 $0x1, v46  }
0x193: {  	[tilespmem:$0x5400] =	vst v46  }
0x194: {  	v46 =	vld [tilespmem:s14+$0xFFFFFEA0];
	_ =	sdelay $0x4  }
0x195: {  	v46 =	vadd.s32 $0x1, v46  }
0x196: {  	[tilespmem:$0x5410] =	vst v46  }
0x197: {  	v46 =	vld [tilespmem:s14+$0xFFFFFEB0];
	_ =	sdelay $0x4  }
0x198: {  	v46 =	vadd.s32 $0x1, v46  }
0x199: {  	[tilespmem:$0x5420] =	vst v46  }
0x19a: {  	v46 =	vld [tilespmem:s14+$0xFFFFFEC0];
	_ =	sdelay $0x4  }
0x19b: {  	v46 =	vadd.s32 $0x1, v46  }
0x19c: {  	[tilespmem:$0x5430] =	vst v46  }
0x19d: {  	v46 =	vld [tilespmem:s14+$0xFFFFFED0];
	_ =	sdelay $0x4  }
0x19e: {  	v46 =	vadd.s32 $0x1, v46  }
0x19f: {  	[tilespmem:$0x5440] =	vst v46  }
0x1a0: {  	v46 =	vld [tilespmem:s14+$0xFFFFFEE0];
	_ =	sdelay $0x4  }
0x1a1: {  	v46 =	vadd.s32 $0x1, v46  }
0x1a2: {  	[tilespmem:$0x5450] =	vst v46  }
0x1a3: {  	v46 =	vld [tilespmem:s14+$0xFFFFFEF0];
	_ =	sdelay $0x4  }
0x1a4: {  	v46 =	vadd.s32 $0x1, v46  }
0x1a5: {  	[tilespmem:$0x5460] =	vst v46  }
0x1a6: {  	v46 =	vld [tilespmem:s14+$0xFFFFFF00];
	_ =	sdelay $0x4  }
0x1a7: {  	v46 =	vadd.s32 $0x1, v46  }
0x1a8: {  	[tilespmem:$0x5470] =	vst v46  }
0x1a9: {  	v46 =	vld [tilespmem:s14+$0x2810];
	_ =	sdelay $0x4  }
0x1aa: {  	[tilespmem:$0x5580] =	vst v46  }
0x1ab: {  	v46 =	vld [tilespmem:s14+$0x2820];
	_ =	sdelay $0x4  }
0x1ac: {  	[tilespmem:$0x5590] =	vst v46  }
0x1ad: {  	v46 =	vld [tilespmem:s14+$0x2830];
	_ =	sdelay $0x4  }
0x1ae: {  	[tilespmem:$0x55A0] =	vst v46  }
0x1af: {  	v46 =	vld [tilespmem:s14+$0x2840];
	_ =	sdelay $0x4  }
0x1b0: {  	[tilespmem:$0x55B0] =	vst v46  }
0x1b1: {  	v46 =	vld [tilespmem:s14+$0x2850];
	_ =	sdelay $0x4  }
0x1b2: {  	[tilespmem:$0x55C0] =	vst v46  }
0x1b3: {  	v46 =	vld [tilespmem:s14+$0x2860];
	_ =	sdelay $0x4  }
0x1b4: {  	[tilespmem:$0x55D0] =	vst v46  }
0x1b5: {  	v46 =	vld [tilespmem:s14+$0x2870];
	_ =	sdelay $0x4  }
0x1b6: {  	[tilespmem:$0x55E0] =	vst v46  }
0x1b7: {  	v46 =	vld [tilespmem:s14+$0x2880];
	_ =	sdelay $0x4  }
0x1b8: {  	[tilespmem:$0x55F0] =	vst v46  }
0x1b9: {  	[tilespmem:s22], [sflag:$0x3] =	stream.indirect.gather [hbm4b:s2+s20], $0x80, s31, s20, $0xb8;
	[tilespmem:$0x1F600] =	vst v63  }
0x1ba: {  	_ =	swait.ge [sflag:s0], $0x4000  }
0x1bb: {  	[sflag:s0] =	ssyncset.done $0x0  }
0x1bc: {  	[sflag:s0] =	ssyncadd.s32 $0xFFFFC000  }
0x1bd: {  	[spmem:s3] =	stream.indirect.scatter.add.f32 [tilespmem:s26], [sflag:$0x5], $0x80, s1, s20, $0xb8;
	[tilespmem:$0x1F600] =	vst v63  }
0x1be: {  	_ =	swait.ge [sflag:s19], $0x4000  }
0x1bf: {  	[sflag:s19] =	ssyncset.done $0x0  }
0x1c0: {  	[sflag:s19] =	ssyncadd.s32 $0xFFFFC000  }
0x1c1: {  	v62 =	vld [tilespmem:s14+$0xFFFFFF10];
	_ =	sdelay $0x4  }
0x1c2: {  	v46 =	vadd.s32 $0x1, v62  }
0x1c3: {  	[tilespmem:$0x5300] =	vst v46  }
0x1c4: {  	v46 =	vld [tilespmem:s14+$0xFFFFFF20];
	_ =	sdelay $0x4  }
0x1c5: {  	v46 =	vadd.s32 $0x1, v46  }
0x1c6: {  	[tilespmem:$0x5310] =	vst v46  }
0x1c7: {  	v46 =	vld [tilespmem:s14+$0xFFFFFF30];
	_ =	sdelay $0x4  }
0x1c8: {  	v46 =	vadd.s32 $0x1, v46  }
0x1c9: {  	[tilespmem:$0x5320] =	vst v46  }
0x1ca: {  	v46 =	vld [tilespmem:s14+$0xFFFFFF40];
	_ =	sdelay $0x4  }
0x1cb: {  	v46 =	vadd.s32 $0x1, v46  }
0x1cc: {  	[tilespmem:$0x5330] =	vst v46  }
0x1cd: {  	v46 =	vld [tilespmem:s14+$0xFFFFFF50];
	_ =	sdelay $0x4  }
0x1ce: {  	v46 =	vadd.s32 $0x1, v46  }
0x1cf: {  	[tilespmem:$0x5340] =	vst v46  }
0x1d0: {  	v46 =	vld [tilespmem:s14+$0xFFFFFF60];
	_ =	sdelay $0x4  }
0x1d1: {  	v46 =	vadd.s32 $0x1, v46  }
0x1d2: {  	[tilespmem:$0x5350] =	vst v46  }
0x1d3: {  	v46 =	vld [tilespmem:s14+$0xFFFFFF70];
	_ =	sdelay $0x4  }
0x1d4: {  	v46 =	vadd.s32 $0x1, v46  }
0x1d5: {  	[tilespmem:$0x5360] =	vst v46  }
0x1d6: {  	v46 =	vld [tilespmem:s14+$0xFFFFFF80];
	_ =	sdelay $0x4  }
0x1d7: {  	v46 =	vadd.s32 $0x1, v46  }
0x1d8: {  	[tilespmem:$0x5370] =	vst v46  }
0x1d9: {  	v46 =	vld [tilespmem:s14+$0x2890];
	_ =	sdelay $0x4  }
0x1da: {  	[tilespmem:$0x5480] =	vst v46  }
0x1db: {  	v46 =	vld [tilespmem:s14+$0x28A0];
	_ =	sdelay $0x4  }
0x1dc: {  	[tilespmem:$0x5490] =	vst v46  }
0x1dd: {  	v46 =	vld [tilespmem:s14+$0x28B0];
	_ =	sdelay $0x4  }
0x1de: {  	[tilespmem:$0x54A0] =	vst v46  }
0x1df: {  	v46 =	vld [tilespmem:s14+$0x28C0];
	_ =	sdelay $0x4  }
0x1e0: {  	[tilespmem:$0x54B0] =	vst v46  }
0x1e1: {  	v46 =	vld [tilespmem:s14+$0x28D0];
	_ =	sdelay $0x4  }
0x1e2: {  	[tilespmem:$0x54C0] =	vst v46  }
0x1e3: {  	v46 =	vld [tilespmem:s14+$0x28E0];
	_ =	sdelay $0x4  }
0x1e4: {  	[tilespmem:$0x54D0] =	vst v46  }
0x1e5: {  	v46 =	vld [tilespmem:s14+$0x28F0];
	_ =	sdelay $0x4  }
0x1e6: {  	[tilespmem:$0x54E0] =	vst v46  }
0x1e7: {  	v46 =	vld [tilespmem:s14+$0x2900];
	_ =	sdelay $0x4  }
0x1e8: {  	[tilespmem:$0x54F0] =	vst v46  }
0x1e9: {  	[tilespmem:s24], [sflag:$0x1] =	stream.indirect.gather [hbm4b:s2+s20], $0x80, s23, s20, $0xb8;
	[tilespmem:$0x1F600] =	vst v63  }
0x1ea: {  	_ =	swait.ge [sflag:s4], $0x4000  }
0x1eb: {  	[sflag:s4] =	ssyncset.done $0x0  }
0x1ec: {  	[sflag:s4] =	ssyncadd.s32 $0xFFFFC000  }
0x1ed: {  	[spmem:s3] =	stream.indirect.scatter.add.f32 [tilespmem:s22], [sflag:$0x6], $0x80, s21, s20, $0xb8;
	[tilespmem:$0x1F600] =	vst v63  }
0x1ee: {  	_ =	swait.ge [sflag:s9], $0x4000  }
0x1ef: {  	[sflag:s9] =	ssyncset.done $0x0  }
0x1f0: {  	[sflag:s9] =	ssyncadd.s32 $0xFFFFC000  }
0x1f1: {  	v63 =	vld [tilespmem:s14+$0xFFFFFF90];
	_ =	sdelay $0x4  }
0x1f2: {  	v46 =	vadd.s32 $0x1, v63  }
0x1f3: {  	[tilespmem:$0x5380] =	vst v46  }
0x1f4: {  	v46 =	vld [tilespmem:s14+$0xFFFFFFA0];
	_ =	sdelay $0x4  }
0x1f5: {  	v46 =	vadd.s32 $0x1, v46  }
0x1f6: {  	[tilespmem:$0x5390] =	vst v46  }
0x1f7: {  	v46 =	vld [tilespmem:s14+$0xFFFFFFB0];
	_ =	sdelay $0x4  }
0x1f8: {  	v46 =	vadd.s32 $0x1, v46  }
0x1f9: {  	[tilespmem:$0x53A0] =	vst v46  }
0x1fa: {  	v46 =	vld [tilespmem:s14+$0xFFFFFFC0];
	_ =	sdelay $0x4  }
0x1fb: {  	v46 =	vadd.s32 $0x1, v46  }
0x1fc: {  	[tilespmem:$0x53B0] =	vst v46  }
0x1fd: {  	v46 =	vld [tilespmem:s14+$0xFFFFFFD0];
	_ =	sdelay $0x4  }
0x1fe: {  	v46 =	vadd.s32 $0x1, v46  }
0x1ff: {  	[tilespmem:$0x53C0] =	vst v46  }
0x200: {  	v46 =	vld [tilespmem:s14+$0xFFFFFFE0];
	_ =	sdelay $0x4  }
0x201: {  	v46 =	vadd.s32 $0x1, v46  }
0x202: {  	[tilespmem:$0x53D0] =	vst v46  }
0x203: {  	v46 =	vld [tilespmem:s14+$0xFFFFFFF0];
	_ =	sdelay $0x4  }
0x204: {  	v46 =	vadd.s32 $0x1, v46  }
0x205: {  	[tilespmem:$0x53E0] =	vst v46  }
0x206: {  	v46 =	vld [tilespmem:s14+$0x0];
	_ =	sdelay $0x4  }
0x207: {  	v46 =	vadd.s32 $0x1, v46  }
0x208: {  	[tilespmem:$0x53F0] =	vst v46  }
0x209: {  	v46 =	vld [tilespmem:s14+$0x2910];
	_ =	sdelay $0x4  }
0x20a: {  	[tilespmem:$0x5500] =	vst v46  }
0x20b: {  	v46 =	vld [tilespmem:s14+$0x2920];
	_ =	sdelay $0x4  }
0x20c: {  	[tilespmem:$0x5510] =	vst v46  }
0x20d: {  	v46 =	vld [tilespmem:s14+$0x2930];
	_ =	sdelay $0x4  }
0x20e: {  	[tilespmem:$0x5520] =	vst v46  }
0x20f: {  	v46 =	vld [tilespmem:s14+$0x2940];
	_ =	sdelay $0x4  }
0x210: {  	[tilespmem:$0x5530] =	vst v46  }
0x211: {  	v46 =	vld [tilespmem:s14+$0x2950];
	_ =	sdelay $0x4  }
0x212: {  	[tilespmem:$0x5540] =	vst v46  }
0x213: {  	v46 =	vld [tilespmem:s14+$0x2960];
	_ =	sdelay $0x4  }
0x214: {  	[tilespmem:$0x5550] =	vst v46  }
0x215: {  	v46 =	vld [tilespmem:s14+$0x2970];
	_ =	sdelay $0x4  }
0x216: {  	[tilespmem:$0x5560] =	vst v46  }
0x217: {  	v46 =	vld [tilespmem:s14+$0x2980]  }
0x218: {  	p0 =	sne.s32 s13, $0xA5C0  }
.Ltmp2:
0x219: {  	_ = 	snop;
	(pc) =	sbr.rel @p0 .LBB2_6-.Ltmp2, $3  }
0x21a: {  	_ =	sdelay $0x1  }
0x21b: {  	s13 =	sadd.s32 $0x600, s13;
	[tilespmem:$0x5570] =	vst v46  }
0x21c: {  	[tilespmem:s26], [sflag:$0x2] =	stream.indirect.gather [hbm4b:s2+s20], $0x80, s25, s20, $0xb8;
	[tilespmem:$0x1F600] =	vst v63  }
0x21d: {  	_ =	swait.ge [sflag:s30], $0x4000  }
0x21e: {  	[sflag:s30] =	ssyncset.done $0x0  }
0x21f: {  	[sflag:s30] =	ssyncadd.s32 $0xFFFFC000  }
0x220: {  	_ =	swait.ge [sflag:s28], $0x4000  }
0x221: {  	[sflag:s28] =	ssyncset.done $0x0  }
0x222: {  	[sflag:s28] =	ssyncadd.s32 $0xFFFFC000  }
0x223: {  	_ =	swait.ge [sflag:s0], $0x4000  }
0x224: {  	[sflag:s0] =	ssyncset.done $0x0  }
0x225: {  	[sflag:s0] =	ssyncadd.s32 $0xFFFFC000  }
0x226: {  	[bflag:$0x0] =	sbarrier.arrive $0xFFFF  }
0x227: {  	s7 =	rddreg [dreg:$0x9]  }
0x228: {  	[hbm:s7], [sflag:s16] =	dma.local [spmem:s12], $0x1400  }
0x229: {  	_ =	swait.ge [sflag:s18], $0x1400  }
0x22a: {  	[sflag:s18] =	ssyncset.done $0x0  }
0x22b: {  	[sflag:s18] =	ssyncadd.s32 $0xFFFFEC00  }
0x22c: {  	[bflag:$0x0] =	sbarrier.arrive $0xFFFF  }
0x22d: {  	[spmem:s17], [sflag:s16] =	dma.local [hbm:s15], $0x1400  }
0x22e: {  	_ =	swait.ge [sflag:s18], $0x1400  }
0x22f: {  	[sflag:s18] =	ssyncset.done $0x0  }
0x230: {  	s8 =	smov.u32 s16;
	[sflag:s18] =	ssyncadd.s32 $0xFFFFEC00  }
0x231: {  	s13 =	simm.s32 $0x0;
	s14 =	simm.s32 $0x200;
	[bflag:$0x0] =	sbarrier.arrive $0xFFFF  }
.LBB2_8:
0x232: {  	p0 =	sne.s32 s14, $0xFE00;
	[tilespmem:s13+$0x9670] =	vst v42  }
0x233: {  	[tilespmem:s13+$0x5610] =	vst v45  }
0x234: {  	[tilespmem:s13+$0x5620] =	vst v42  }
0x235: {  	[tilespmem:s13+$0x5630] =	vst v42  }
0x236: {  	[tilespmem:s13+$0x5640] =	vst v42  }
0x237: {  	[tilespmem:s13+$0x5650] =	vst v42  }
0x238: {  	[tilespmem:s13+$0x5660] =	vst v42  }
0x239: {  	[tilespmem:s13+$0x5670] =	vst v42  }
0x23a: {  	[tilespmem:s13+$0x9610] =	vst v45  }
.Ltmp3:
0x23b: {  	[tilespmem:s13+$0x9620] =	vst v42;
	(pc) =	sbr.rel @p0 .LBB2_8-.Ltmp3, $4  }
0x23c: {  	[tilespmem:s13+$0x9630] =	vst v42  }
0x23d: {  	[tilespmem:s13+$0x9640] =	vst v42  }
0x23e: {  	[tilespmem:s13+$0x9650] =	vst v42  }
0x23f: {  	[tilespmem:s13+$0x9660] =	vst v42;
	s13 =	sshra.s32 s14, $0x2;
	s14 =	sadd.s32 $0x200, s14  }
0x240: {  	[tilespmem:s13+$0x9670] =	vst v42  }
0x241: {  	[tilespmem:s13+$0x5610] =	vst v45  }
0x242: {  	[tilespmem:s13+$0x5620] =	vst v42  }
0x243: {  	[tilespmem:s13+$0x5630] =	vst v42  }
0x244: {  	[tilespmem:s13+$0x5640] =	vst v42  }
0x245: {  	[tilespmem:s13+$0x5650] =	vst v42  }
0x246: {  	[tilespmem:s13+$0x5660] =	vst v42  }
0x247: {  	[tilespmem:s13+$0x5670] =	vst v42  }
0x248: {  	[tilespmem:s13+$0x9610] =	vst v45  }
0x249: {  	[tilespmem:s13+$0x9620] =	vst v42  }
0x24a: {  	[tilespmem:s13+$0x9630] =	vst v42  }
0x24b: {  	[tilespmem:s13+$0x9640] =	vst v42  }
0x24c: {  	[tilespmem:s13+$0x9650] =	vst v42  }
0x24d: {  	[tilespmem:s13+$0x9660] =	vst v42  }
0x24e: {  	v46 =	vld [tilespmem:$0x5280]  }
0x24f: {  	v47 =	vld [tilespmem:$0x5290]  }
0x250: {  	v48 =	vld [tilespmem:$0x52A0]  }
0x251: {  	v49 =	vld [tilespmem:$0x52B0]  }
0x252: {  	v50 =	vld [tilespmem:$0x52C0]  }
0x253: {  	v53 =	vld [tilespmem:$0x52D0];
	[tilespmem:$0x5480] =	vst v46  }
0x254: {  	v54 =	vld [tilespmem:$0x52E0];
	[tilespmem:$0x5490] =	vst v47  }
0x255: {  	v55 =	vld [tilespmem:$0x52F0];
	[tilespmem:$0x54A0] =	vst v48  }
0x256: {  	[tilespmem:$0x54B0] =	vst v49  }
0x257: {  	[tilespmem:$0x54C0] =	vst v50  }
0x258: {  	[tilespmem:$0x54D0] =	vst v53  }
0x259: {  	[tilespmem:$0x54E0] =	vst v54  }
0x25a: {  	[tilespmem:$0x54F0] =	vst v55  }
0x25b: {  	[spmem:s3] =	stream.indirect.scatter.add.f32 [tilespmem:s24], [sflag:$0x4], $0x80, s29, s20, $0xb8;
	[tilespmem:$0x1F600] =	vst v63  }
0x25c: {  	v56 =	vld [tilespmem:$0x5280]  }
0x25d: {  	v57 =	vld [tilespmem:$0x5290]  }
0x25e: {  	v58 =	vld [tilespmem:$0x52A0]  }
0x25f: {  	v59 =	vld [tilespmem:$0x52B0]  }
0x260: {  	v60 =	vld [tilespmem:$0x52C0]  }
0x261: {  	v61 =	vld [tilespmem:$0x52D0];
	[tilespmem:$0x5500] =	vst v56  }
0x262: {  	v62 =	vld [tilespmem:$0x52E0];
	[tilespmem:$0x5510] =	vst v57  }
0x263: {  	v63 =	vld [tilespmem:$0x52F0];
	[tilespmem:$0x5520] =	vst v58  }
0x264: {  	[tilespmem:$0x5530] =	vst v59  }
0x265: {  	[tilespmem:$0x5540] =	vst v60  }
0x266: {  	[tilespmem:$0x5550] =	vst v61  }
0x267: {  	[tilespmem:$0x5560] =	vst v62  }
0x268: {  	s13 =	simm.s32 $0x0;
	s14 =	simm.s32 $0x0;
	[tilespmem:$0x5570] =	vst v63  }
0x269: {  	[spmem:s3] =	stream.indirect.scatter.add.f32 [tilespmem:s26], [sflag:$0x5], $0x80, s1, s20, $0xb8;
	[tilespmem:$0x1F600] =	vst v63  }
.LBB2_10:
0x26a: {  	s15 =	sshll.u32 s14, $0x8  }
0x26b: {  	s7 =	sadd.s32 s5, s15  }
0x26c: {  	s7 =	sshll.u32 s7, $0x4  }
0x26d: {  	s7 =	sadd.s32 s6, s7  }
0x26e: {  	[tilespmem:s10], [sflag:$0x7] =	stream.linear.gather [hbm4b:s7+s13], $0x4000, $0x38;
	[tilespmem:$0x1F600] =	vst v63  }
0x26f: {  	_ =	swait.ge [sflag:s18], $0x4000  }
0x270: {  	[sflag:s18] =	ssyncset.done $0x0  }
0x271: {  	[sflag:s18] =	ssyncadd.s32 $0xFFFFC000  }
0x272: {  	_ =	swait.ge [sflag:s19], $0x4000  }
0x273: {  	[sflag:s19] =	ssyncset.done $0x0  }
0x274: {  	[sflag:s19] =	ssyncadd.s32 $0xFFFFC000  }
0x275: {  	v46 =	vld [tilespmem:s15+$0x2980];
	_ =	sdelay $0x4  }
0x276: {  	[tilespmem:$0x5480] =	vst v46  }
0x277: {  	v46 =	vld [tilespmem:s15+$0x2990];
	_ =	sdelay $0x4  }
0x278: {  	[tilespmem:$0x5490] =	vst v46  }
0x279: {  	v46 =	vld [tilespmem:s15+$0x29A0];
	_ =	sdelay $0x4  }
0x27a: {  	[tilespmem:$0x54A0] =	vst v46  }
0x27b: {  	v46 =	vld [tilespmem:s15+$0x29B0];
	_ =	sdelay $0x4  }
0x27c: {  	[tilespmem:$0x54B0] =	vst v46  }
0x27d: {  	v46 =	vld [tilespmem:s15+$0x29C0];
	_ =	sdelay $0x4  }
0x27e: {  	[tilespmem:$0x54C0] =	vst v46  }
0x27f: {  	v46 =	vld [tilespmem:s15+$0x29D0];
	_ =	sdelay $0x4  }
0x280: {  	[tilespmem:$0x54D0] =	vst v46  }
0x281: {  	v46 =	vld [tilespmem:s15+$0x29E0];
	_ =	sdelay $0x4  }
0x282: {  	[tilespmem:$0x54E0] =	vst v46  }
0x283: {  	v46 =	vld [tilespmem:s15+$0x29F0];
	_ =	sdelay $0x4  }
0x284: {  	s16 =	simm.s32 $0x0;
	[tilespmem:$0x54F0] =	vst v46  }
0x285: {  	v46 =	vld [tilespmem:s16+$0x11680]  }
0x286: {  	s7 =	simm.s32 $0x400;
	v47 =	vld [tilespmem:s16+$0x11600]  }
.LBB2_11:
0x287: {  	p0 =	sne.s32 s7, $0xFC00  }
.Ltmp4:
0x288: {  	_ = 	snop;
	(pc) =	sbr.rel @p0 .LBB2_11-.Ltmp4, $4  }
0x289: {  	_ = 	snop  }
0x28a: {  	s17 =	sshra.s32 s7, $0x2;
	s7 =	sadd.s32 $0x400, s7;
	[tilespmem:s16+$0x5680] =	vst v46  }
0x28b: {  	v46 =	vld [tilespmem:s17+$0x11680];
	[tilespmem:s16+$0x5600] =	vst v47;
	s16 =	smov.u32 s17  }
0x28c: {  	v47 =	vld [tilespmem:s16+$0x11600]  }
0x28d: {  	_ =	sdelay $0x1  }
0x28e: {  	s7 =	sadd.s32 s15, s5  }
0x28f: {  	s7 =	sshll.u32 s7, $0x4;
	[tilespmem:s16+$0x5680] =	vst v46  }
0x290: {  	s7 =	sadd.s32 s6, s7;
	[tilespmem:s16+$0x5600] =	vst v47  }
0x291: {  	[spmem:s3] =	stream.indirect.scatter.add.f32 [tilespmem:s24], [sflag:$0x4], $0x80, s29, s20, $0xb8;
	[tilespmem:$0x1F600] =	vst v63  }
0x292: {  	s17 =	simm.s32 $0x0;
	s7 =	sadd.s32 $0x800, s7  }
0x293: {  	[tilespmem:s10], [sflag:$0x7] =	stream.linear.gather [hbm4b:s7+s17], $0x4000, $0x38;
	[tilespmem:$0x1F600] =	vst v63  }
0x294: {  	_ =	swait.ge [sflag:s18], $0x4000  }
0x295: {  	[sflag:s18] =	ssyncset.done $0x0  }
0x296: {  	[sflag:s18] =	ssyncadd.s32 $0xFFFFC000  }
0x297: {  	_ =	swait.ge [sflag:s9], $0x4000  }
0x298: {  	[sflag:s9] =	ssyncset.done $0x0  }
0x299: {  	[sflag:s9] =	ssyncadd.s32 $0xFFFFC000  }
0x29a: {  	v63 =	vld [tilespmem:s15+$0x2A00];
	_ =	sdelay $0x4  }
0x29b: {  	[tilespmem:$0x5500] =	vst v63  }
0x29c: {  	v46 =	vld [tilespmem:s15+$0x2A10];
	_ =	sdelay $0x4  }
0x29d: {  	[tilespmem:$0x5510] =	vst v46  }
0x29e: {  	v46 =	vld [tilespmem:s15+$0x2A20];
	_ =	sdelay $0x4  }
0x29f: {  	[tilespmem:$0x5520] =	vst v46  }
0x2a0: {  	v46 =	vld [tilespmem:s15+$0x2A30];
	_ =	sdelay $0x4  }
0x2a1: {  	[tilespmem:$0x5530] =	vst v46  }
0x2a2: {  	v46 =	vld [tilespmem:s15+$0x2A40];
	_ =	sdelay $0x4  }
0x2a3: {  	[tilespmem:$0x5540] =	vst v46  }
0x2a4: {  	v46 =	vld [tilespmem:s15+$0x2A50];
	_ =	sdelay $0x4  }
0x2a5: {  	[tilespmem:$0x5550] =	vst v46  }
0x2a6: {  	v46 =	vld [tilespmem:s15+$0x2A60];
	_ =	sdelay $0x4  }
0x2a7: {  	[tilespmem:$0x5560] =	vst v46  }
0x2a8: {  	v46 =	vld [tilespmem:s15+$0x2A70];
	_ =	sdelay $0x4  }
0x2a9: {  	s15 =	simm.s32 $0x0;
	[tilespmem:$0x5570] =	vst v46  }
0x2aa: {  	v46 =	vld [tilespmem:s15+$0x11680]  }
0x2ab: {  	s7 =	simm.s32 $0x400;
	v47 =	vld [tilespmem:s15+$0x11600]  }
.LBB2_13:
0x2ac: {  	p0 =	sne.s32 s7, $0xFC00  }
.Ltmp5:
0x2ad: {  	_ = 	snop;
	(pc) =	sbr.rel @p0 .LBB2_13-.Ltmp5, $4  }
0x2ae: {  	_ = 	snop  }
0x2af: {  	s16 =	sshra.s32 s7, $0x2;
	s7 =	sadd.s32 $0x400, s7;
	[tilespmem:s15+$0x9680] =	vst v46  }
0x2b0: {  	v46 =	vld [tilespmem:s16+$0x11680];
	[tilespmem:s15+$0x9600] =	vst v47;
	s15 =	smov.u32 s16  }
0x2b1: {  	v47 =	vld [tilespmem:s15+$0x11600]  }
0x2b2: {  	s14 =	sadd.s32 $0x1, s14  }
0x2b3: {  	p0 =	sne.s32 s14, $0x27  }
.Ltmp6:
0x2b4: {  	_ = 	snop;
	(pc) =	sbr.rel @p0 .LBB2_10-.Ltmp6, $4  }
0x2b5: {  	_ = 	snop  }
0x2b6: {  	[tilespmem:s15+$0x9680] =	vst v46  }
0x2b7: {  	[tilespmem:s15+$0x9600] =	vst v47  }
0x2b8: {  	[spmem:s3] =	stream.indirect.scatter.add.f32 [tilespmem:s26], [sflag:$0x5], $0x80, s1, s20, $0xb8;
	[tilespmem:$0x1F600] =	vst v63  }
0x2b9: {  	s7 =	simm.s32 $0x0;
	s13 =	rddreg [dreg:$0xa]  }
0x2ba: {  	[tilespmem:s10], [sflag:$0x7] =	stream.linear.gather [hbm4b:s13+s7], $0x800, $0x38;
	[tilespmem:$0x1F600] =	vst v63  }
0x2bb: {  	_ =	swait.ge [sflag:s18], $0x800  }
0x2bc: {  	[sflag:s18] =	ssyncset.done $0x0  }
0x2bd: {  	[sflag:s18] =	ssyncadd.s32 $0xFFFFF800  }
0x2be: {  	_ =	swait.ge [sflag:s19], $0x4000  }
0x2bf: {  	[sflag:s19] =	ssyncset.done $0x0  }
0x2c0: {  	[sflag:s19] =	ssyncadd.s32 $0xFFFFC000  }
0x2c1: {  	v46 =	vld [tilespmem:$0x5080]  }
0x2c2: {  	v47 =	vld [tilespmem:$0x5090]  }
0x2c3: {  	v48 =	vld [tilespmem:$0x50A0]  }
0x2c4: {  	v49 =	vld [tilespmem:$0x50B0]  }
0x2c5: {  	v50 =	vld [tilespmem:$0x50C0]  }
0x2c6: {  	v61 =	vld [tilespmem:$0x50D0];
	[tilespmem:$0x5480] =	vst v46  }
0x2c7: {  	v62 =	vld [tilespmem:$0x50E0];
	[tilespmem:$0x5490] =	vst v47  }
0x2c8: {  	v63 =	vld [tilespmem:$0x50F0];
	[tilespmem:$0x54A0] =	vst v48  }
0x2c9: {  	[tilespmem:$0x54B0] =	vst v49  }
0x2ca: {  	[tilespmem:$0x54C0] =	vst v50  }
0x2cb: {  	[tilespmem:$0x54D0] =	vst v61  }
0x2cc: {  	[tilespmem:$0x54E0] =	vst v62  }
0x2cd: {  	s13 =	simm.s32 $0x0;
	[tilespmem:$0x54F0] =	vst v63  }
0x2ce: {  	v46 =	vld [tilespmem:s13+$0x11680]  }
0x2cf: {  	s7 =	simm.s32 $0x400;
	v47 =	vld [tilespmem:s13+$0x11600]  }
.LBB2_16:
0x2d0: {  	p0 =	sne.s32 s7, $0xFC00  }
.Ltmp7:
0x2d1: {  	_ = 	snop;
	(pc) =	sbr.rel @p0 .LBB2_16-.Ltmp7, $4  }
0x2d2: {  	_ = 	snop  }
0x2d3: {  	s14 =	sshra.s32 s7, $0x2;
	s7 =	sadd.s32 $0x400, s7;
	[tilespmem:s13+$0x5680] =	vst v46  }
0x2d4: {  	v46 =	vld [tilespmem:s14+$0x11680];
	[tilespmem:s13+$0x5600] =	vst v47;
	s13 =	smov.u32 s14  }
0x2d5: {  	v47 =	vld [tilespmem:s13+$0x11600]  }
0x2d6: {  	_ =	sdelay $0x2  }
0x2d7: {  	[tilespmem:s13+$0x5680] =	vst v46  }
0x2d8: {  	[tilespmem:s13+$0x5600] =	vst v47  }
0x2d9: {  	[spmem:s3] =	stream.indirect.scatter.add.f32 [tilespmem:s24], [sflag:$0x4], $0x80, s29, s20, $0xb8;
	[tilespmem:$0x1F600] =	vst v63  }
0x2da: {  	_ =	swait.ge [sflag:s19], $0x4000  }
0x2db: {  	[sflag:s19] =	ssyncset.done $0x0  }
0x2dc: {  	[sflag:s19] =	ssyncadd.s32 $0xFFFFC000  }
0x2dd: {  	_ =	swait.ge [sflag:s9], $0x4000  }
0x2de: {  	[sflag:s9] =	ssyncset.done $0x0  }
0x2df: {  	[sflag:s9] =	ssyncadd.s32 $0xFFFFC000  }
0x2e0: {  	[bflag:$0x0] =	sbarrier.arrive $0xFFFF  }
0x2e1: {  	s7 =	rddreg [dreg:$0xb]  }
0x2e2: {  	[hbm:s7], [sflag:s8] =	dma.local [spmem:s12], $0x1400  }
0x2e3: {  	_ =	swait.ge [sflag:s18], $0x1400  }
0x2e4: {  	s11 =	sadd.s32 $0x1, s11;
	s17 =	rddreg [dreg:$0xc]  }
0x2e5: {  	p0 =	sne.s32 s11, s17  }
.Ltmp8:
0x2e6: {  	_ = 	snop;
	(pc) =	sbr.rel @p0 .LBB2_1-.Ltmp8, $3  }
0x2e7: {  	_ =	sdelay $0x1  }
0x2e8: {  	[sflag:s18] =	ssyncset.done $0x0;
	s15 =	rddreg [dreg:$0x4]  }
0x2e9: {  	s16 =	smov.u32 s8;
	[sflag:s18] =	ssyncadd.s32 $0xFFFFEC00;
	s17 =	rddreg [dreg:$0xd]  }
0x2ea: {  	_ =	sfence.sel $0x180000  }
0x2eb: {  	[bflag:$0x0] =	sbarrier.arrive $0xFFFF  }
0x2ec: {  	_ =	strace $0x90000047  }
0x2ed: {  	s0 =	stileid.u32;
	[bflag:$0x2] =	sbarrier.arrive $0xFFFF  }
0x2ee: {  	p0 =	sne.s32 s0, $0x0;
	s0 =	rddreg [dreg:$0x3]  }
0x2ef: {  	s0 =	sadd.s32 @!p0 $0x100000, s0  }
0x2f0: {  	[sflag:s0] =	ssyncadd.tile.s32 @!p0 $0x1;
	_ =	shalt  }
.Lfunc_end2:
_tile_overlayer_lowered:
.L_overlay_start_2:
0x2f1: {  	(tag) =	ssettag $0x2  }
0x2f2: {  	s0 =	rddreg [dreg:$0x0];
	s2 =	stileid.u32  }
0x2f3: {  	s1 =	rddreg [dreg:$0x1];
	p0 =	sne.s32 s2, $0x0  }
0x2f4: {  	s3 =	rddreg [dreg:$0x2];
	[bflag:$0x3] =	sbarrier.arrive $0xFFFF;
	s2 =	simm.s32 @!p0 $0x1C07  }
0x2f5: {  	[timem:s3], [sflag:s2] =	dma.local @!p0 [hbm:s0], s1  }
0x2f6: {  	s0 =	simm.s32 @!p0 $0x7  }
0x2f7: {  	_ =	swait.ge @!p0 [sflag:s0], s1  }
0x2f8: {  	s1 =	ssub.s32 @!p0 $0x0, s1;
	[sflag:s0] =	ssyncset.done @!p0 $0x0  }
0x2f9: {  	[sflag:s0] =	ssyncadd.s32 @!p0 s1  }
0x2fa: {  	[bflag:$0x3] =	sbarrier.arrive $0xFFFF  }
0x2fb: {  	_ =	shalt  }

</sc_bundles>
